<compile_context>
chip_gen: v7x
topology: tpu7x:2x2x1
jax: 0.10.2.dev20260603
libtpu: 0.0.44.dev20260713+nightly
codegen_flags: <defaults>
</compile_context>

<pallas_src>
import dataclasses
import functools

import jax
import jax.numpy as jnp
from jax import lax
from jax.experimental import pallas as pl
from jax.experimental.pallas import tpu as pltpu
from jax.experimental.pallas import tpu_sc as plsc

N = 10000
E = 320000
D = 128
H = 128

NC = 2
NS = 16
NW = NC * NS
E_PAD = 327680
IDX_ROWS = E_PAD // 128
SPLIT0 = 144
SPLIT1 = (IDX_ROWS // NS) - SPLIT0
N_ACC = 10240
ROWS_PER_TILE = N_ACC // NS


def _mesh():
    return plsc.VectorSubcoreMesh(core_axis_name="c", subcore_axis_name="s",
                                  num_cores=2)


def _sc_params():
    cp = pltpu.CompilerParams()
    if "needs_layout_passes" in pltpu.CompilerParams.__dataclass_fields__:
        cp = dataclasses.replace(cp, needs_layout_passes=False)
    return cp


def _zero_fill(buf, nrows, ncol16):
    @pl.loop(0, nrows)
    def _(r):
        for j in range(ncol16):
            buf[r, pl.ds(j * 16, 16)] = jnp.zeros((16,), jnp.float32)


def _sc_agg(with_deg):
    out_types = [jax.ShapeDtypeStruct((NC, N_ACC, D), jnp.float32)]
    scratch = [
        pltpu.VMEM((1, 128), jnp.int32),
        pltpu.VMEM((1, 128), jnp.int32),
        pltpu.VMEM((1, 128), jnp.int32),
        pltpu.VMEM((1, 128), jnp.int32),
        pltpu.VMEM((128, D), jnp.float32),
        pltpu.VMEM((128, D), jnp.float32),
        pltpu.VMEM((16, 128), jnp.float32),
        pltpu.VMEM_SHARED((N_ACC, D), jnp.float32),
        pltpu.SemaphoreType.DMA,
        pltpu.SemaphoreType.DMA,
        pltpu.SemaphoreType.DMA,
        pltpu.SemaphoreType.DMA,
    ]
    if with_deg:
        out_types.append(
            jax.ShapeDtypeStruct((NW, N_ACC // 128, 128), jnp.float32))
        scratch.append(pltpu.VMEM((N_ACC // 128, 128), jnp.float32))

    def body(h_hbm, src_hbm, dst_hbm, *refs):
        if with_deg:
            (agg_hbm, deg_hbm, si0, si1, di0, di1, rw0, rw1, zbuf, acc,
             smi0, smi1, smg0, smg1, degloc) = refs
        else:
            (agg_hbm, si0, si1, di0, di1, rw0, rw1, zbuf, acc,
             smi0, smi1, smg0, smg1) = refs
        c = lax.axis_index("c")
        s = lax.axis_index("s")
        sidx = [si0, si1]
        didx = [di0, di1]
        rows = [rw0, rw1]
        semi = [smi0, smi1]
        semg = [smg0, smg1]

        _zero_fill(zbuf, 16, 8)
        base = s * ROWS_PER_TILE
        @pl.loop(0, ROWS_PER_TILE // 16)
        def _(i):
            pltpu.sync_copy(zbuf, acc.at[pl.ds(base + i * 16, 16)])
        if with_deg:
            _zero_fill(degloc, N_ACC // 128, 8)
        plsc.subcore_barrier()

        ones16 = jnp.ones((16,), jnp.float32)

        def fire_idx(r, p):
            pltpu.async_copy(src_hbm.at[pl.ds(r, 1)], sidx[p], semi[p])
            pltpu.async_copy(dst_hbm.at[pl.ds(r, 1)], didx[p], semi[p])

        def wait_idx(r, p):
            pltpu.make_async_copy(src_hbm.at[pl.ds(r, 1)], sidx[p],
                                  semi[p]).wait()
            pltpu.make_async_copy(dst_hbm.at[pl.ds(r, 1)], didx[p],
                                  semi[p]).wait()

        def fire_gather(p):
            pltpu.async_copy(h_hbm.at[sidx[p].at[0]], rows[p], semg[p])

        def wait_gather(p):
            pltpu.make_async_copy(h_hbm.at[sidx[p].at[0]], rows[p],
                                  semg[p]).wait()

        def scatter(p):
            pltpu.sync_copy(rows[p], acc.at[didx[p].at[0]], add=True)
            if with_deg:
                for g in range(8):
                    dv = didx[p][0, pl.ds(g * 16, 16)]
                    plsc.addupdate_scatter(
                        degloc,
                        [lax.shift_right_logical(dv, 7),
                         lax.bitwise_and(dv, 127)],
                        ones16)

        def pipeline(nrows, wbase):
            fire_idx(wbase, 0)
            fire_idx(wbase + 1, 1)

            def chunk(u, p):
                wait_idx(wbase + u, p)
                fire_gather(p)
                @pl.when(u > 0)
                def _():
                    wait_gather(1 - p)
                    scatter(1 - p)
                    @pl.when(u < nrows - 1)
                    def _():
                        fire_idx(wbase + u + 1, 1 - p)

            @pl.loop(0, nrows, step=2)
            def _(t):
                chunk(t, 0)
                chunk(t + 1, 1)

            wait_gather(1)
            scatter(1)

        @pl.when(c == 0)
        def _():
            pipeline(SPLIT0, s * SPLIT0)

        @pl.when(c == 1)
        def _():
            pipeline(SPLIT1, NS * SPLIT0 + s * SPLIT1)

        plsc.subcore_barrier()
        pltpu.sync_copy(acc.at[pl.ds(base, ROWS_PER_TILE)],
                        agg_hbm.at[c].at[pl.ds(base, ROWS_PER_TILE)])
        if with_deg:
            pltpu.sync_copy(degloc, deg_hbm.at[c * NS + s])

    return pl.kernel(body, out_type=out_types, mesh=_mesh(),
                     scratch_types=scratch, compiler_params=_sc_params())


def _sc_gather2(tab_a, tab_b, idx_a, idx_b):
    def body(ta_hbm, tb_hbm, ia_hbm, ib_hbm, oa_hbm, ob_hbm,
             ba0, ba1, bb0, bb1, ra0, ra1, rb0, rb1,
             smi0, smi1, sma0, sma1, smb0, smb1, swa0, swa1, swb0, swb1):
        c = lax.axis_index("c")
        s = lax.axis_index("s")
        bia = [ba0, ba1]
        bib = [bb0, bb1]
        rowsa = [ra0, ra1]
        rowsb = [rb0, rb1]
        semi = [smi0, smi1]
        sema = [sma0, sma1]
        semb = [smb0, smb1]
        semwa = [swa0, swa1]
        semwb = [swb0, swb1]

        def fire_idx(r, p):
            pltpu.async_copy(ia_hbm.at[pl.ds(r, 1)], bia[p], semi[p])
            pltpu.async_copy(ib_hbm.at[pl.ds(r, 1)], bib[p], semi[p])

        def wait_idx(r, p):
            pltpu.make_async_copy(ia_hbm.at[pl.ds(r, 1)], bia[p],
                                  semi[p]).wait()
            pltpu.make_async_copy(ib_hbm.at[pl.ds(r, 1)], bib[p],
                                  semi[p]).wait()

        def fire_gather(p):
            pltpu.async_copy(ta_hbm.at[bia[p].at[0]], rowsa[p], sema[p])
            pltpu.async_copy(tb_hbm.at[bib[p].at[0]], rowsb[p], semb[p])

        def wait_gather(p):
            pltpu.make_async_copy(ta_hbm.at[bia[p].at[0]], rowsa[p],
                                  sema[p]).wait()
            pltpu.make_async_copy(tb_hbm.at[bib[p].at[0]], rowsb[p],
                                  semb[p]).wait()

        def fire_write(r, p):
            pltpu.async_copy(rowsa[p], oa_hbm.at[pl.ds(r * 128, 128)],
                             semwa[p])
            pltpu.async_copy(rowsb[p], ob_hbm.at[pl.ds(r * 128, 128)],
                             semwb[p])

        def wait_write(r, p):
            pltpu.make_async_copy(rowsa[p], oa_hbm.at[pl.ds(r * 128, 128)],
                                  semwa[p]).wait()
            pltpu.make_async_copy(rowsb[p], ob_hbm.at[pl.ds(r * 128, 128)],
                                  semwb[p]).wait()

        def pipeline(nrows, wbase):
            fire_idx(wbase, 0)
            fire_idx(wbase + 1, 1)

            def chunk(u, p):
                wait_idx(wbase + u, p)
                @pl.when(u > 1)
                def _():
                    wait_write(wbase + u - 2, p)
                fire_gather(p)
                @pl.when(u > 0)
                def _():
                    wait_gather(1 - p)
                    fire_write(wbase + u - 1, 1 - p)
                    @pl.when(u < nrows - 1)
                    def _():
                        fire_idx(wbase + u + 1, 1 - p)

            @pl.loop(0, nrows, step=2)
            def _(t):
                chunk(t, 0)
                chunk(t + 1, 1)

            wait_gather(1)
            fire_write(wbase + nrows - 1, 1)
            wait_write(wbase + nrows - 2, 0)
            wait_write(wbase + nrows - 1, 1)

        @pl.when(c == 0)
        def _():
            pipeline(SPLIT0, s * SPLIT0)

        @pl.when(c == 1)
        def _():
            pipeline(SPLIT1, NS * SPLIT0 + s * SPLIT1)

    k = pl.kernel(
        body,
        out_type=[jax.ShapeDtypeStruct((E_PAD, D), jnp.float32),
                  jax.ShapeDtypeStruct((E_PAD, D), jnp.float32)],
        mesh=_mesh(),
        scratch_types=(
            [pltpu.VMEM((1, 128), jnp.int32) for _ in range(4)]
            + [pltpu.VMEM((128, D), jnp.float32) for _ in range(4)]
            + [pltpu.SemaphoreType.DMA for _ in range(10)]
        ),
        compiler_params=_sc_params(),
    )
    return k(tab_a, tab_b, idx_a, idx_b)



def _tc_prelude(x, g, b, w1, b1, w2, b2):
    def body(x_ref, g_ref, b_ref, w1_ref, b1_ref, w2_ref, b2_ref, o_ref):
        xv = x_ref[...]
        mu = jnp.mean(xv, axis=0, keepdims=True)
        var = jnp.mean((xv - mu) ** 2, axis=0, keepdims=True)
        h = (xv - mu) / jnp.sqrt(var + 1e-5) * g_ref[...] + b_ref[...]
        h = jax.nn.gelu(jnp.dot(h, w1_ref[...],
                                preferred_element_type=jnp.float32)
                        + b1_ref[...])
        h = jnp.tanh(jnp.dot(h, w2_ref[...],
                             preferred_element_type=jnp.float32) + b2_ref[...])
        o_ref[...] = h
    return pl.pallas_call(
        body, out_shape=jax.ShapeDtypeStruct((N, D), jnp.float32),
    )(x, g, b, w1, b1, w2, b2)


def _tc_layer(h, agg, degp, ws, wn, bb, gw, gb, ga):
    def body(h_ref, a_ref, d_ref, ws_ref, wn_ref, bb_ref, gw_ref, gb_ref,
             ga_ref, o_ref):
        deg = lax.dot_general(
            d_ref[...], jnp.ones((NW, 1), jnp.float32),
            (((0,), (0,)), ((), ())),
            preferred_element_type=jnp.float32)[:N]
        deg = jnp.maximum(deg, 1.0)
        agg_v = (a_ref[0, :N, :] + a_ref[1, :N, :]) / deg
        hv = h_ref[...]
        h_new = (jnp.dot(hv, ws_ref[...], preferred_element_type=jnp.float32)
                 + jnp.dot(agg_v, wn_ref[...],
                           preferred_element_type=jnp.float32)
                 + bb_ref[...])
        m = jnp.mean(h_new, axis=0, keepdims=True)
        xc = h_new - ga_ref[0, 0] * m
        v = jnp.mean(xc ** 2, axis=0, keepdims=True)
        o_ref[...] = gw_ref[...] * xc / jnp.sqrt(v + 1e-5) + gb_ref[...]
    return pl.pallas_call(
        body, out_shape=jax.ShapeDtypeStruct((N, H), jnp.float32),
    )(h, agg, degp, ws, wn, bb, gw, gb, ga)


def _tc_final(xs0, xs1, xs2, x, dw, db, da, lw1, lb1, lw2, lb2, lw3, lb3):
    NB = 5
    BR = N // NB

    def body(x0_ref, x1_ref, x2_ref, x_ref, dw_ref, db_ref, da_ref,
             w1_ref, b1_ref, w2_ref, b2_ref, w3_ref, b3_ref, o_ref):
        hcat = jnp.concatenate(
            [x0_ref[...], x1_ref[...], x2_ref[...]], axis=1)
        t = dw_ref[...] * jnp.tanh(da_ref[0, 0] * hcat) + db_ref[...]
        t = jax.nn.gelu(jnp.dot(t, w1_ref[...],
                                preferred_element_type=jnp.float32)
                        + b1_ref[...])
        t = jax.nn.gelu(jnp.dot(t, w2_ref[...],
                                preferred_element_type=jnp.float32)
                        + b2_ref[...])
        t = jnp.dot(t, w3_ref[...],
                    preferred_element_type=jnp.float32) + b3_ref[...]
        o_ref[...] = t + x_ref[...]

    row_spec = pl.BlockSpec((BR, H), lambda i: (i, 0))
    full = lambda r, c: pl.BlockSpec((r, c), lambda i: (0, 0))
    return pl.pallas_call(
        body,
        grid=(NB,),
        in_specs=[row_spec, row_spec, row_spec, row_spec,
                  full(1, 3 * H), full(1, 3 * H), full(1, 1),
                  full(3 * H, 256), full(1, 256),
                  full(256, 256), full(1, 256),
                  full(256, D), full(1, D)],
        out_specs=pl.BlockSpec((BR, D), lambda i: (i, 0)),
        out_shape=jax.ShapeDtypeStruct((N, D), jnp.float32),
    )(xs0, xs1, xs2, x, dw, db, da, lw1, lb1, lw2, lb2, lw3, lb3)


def _tc_ab_jvec(z, w1a, w1b, jw1, jb1, jw2, jb2):
    def body(z_ref, wa_ref, wb_ref, jw1_ref, jb1_ref, jw2_ref, jb2_ref,
             a_ref, b_ref, jv_ref):
        zv = z_ref[...]
        a_ref[...] = jnp.dot(zv, wa_ref[...],
                             preferred_element_type=jnp.float32)
        b_ref[...] = jnp.dot(zv, wb_ref[...],
                             preferred_element_type=jnp.float32)
        gv = jnp.mean(zv, axis=0, keepdims=True)
        jv = jax.nn.gelu(jnp.dot(gv, jw1_ref[...],
                                 preferred_element_type=jnp.float32)
                         + jb1_ref[...])
        jv_ref[...] = jnp.dot(jv, jw2_ref[...],
                              preferred_element_type=jnp.float32) + jb2_ref[...]
    return pl.pallas_call(
        body,
        out_shape=[jax.ShapeDtypeStruct((N, D), jnp.float32),
                   jax.ShapeDtypeStruct((N, D), jnp.float32),
                   jax.ShapeDtypeStruct((1, D), jnp.float32)],
    )(z, w1a, w1b, jw1, jb1, jw2, jb2)


def _tc_contact(ga, gb, b1, w2, b2, w3r, b3):
    BE = 2000
    NBLK = E // BE

    def body(ga_ref, gb_ref, b1_ref, w2_ref, b2_ref, w3_ref, b3_ref, o_ref):
        p1 = (ga_ref[...] + gb_ref[...] + b1_ref[...]).astype(jnp.bfloat16)
        c1 = jax.nn.gelu(p1)
        p2 = (jnp.dot(c1, w2_ref[...].astype(jnp.bfloat16),
                      preferred_element_type=jnp.float32)
              + b2_ref[...]).astype(jnp.bfloat16)
        c2 = jax.nn.gelu(p2).astype(jnp.float32)
        o = jnp.sum(c2 * w3_ref[...], axis=1, keepdims=True) + b3_ref[0, 0]
        o_ref[...] = jax.nn.sigmoid(o)

    blk = pl.BlockSpec((BE, D), lambda i: (i, 0))
    full = lambda r, c: pl.BlockSpec((r, c), lambda i: (0, 0))
    return pl.pallas_call(
        body,
        grid=(NBLK,),
        in_specs=[blk, blk, full(1, D), full(D, D), full(1, D),
                  full(1, D), full(1, 1)],
        out_specs=pl.BlockSpec((BE, 1), lambda i: (i, 0)),
        out_shape=jax.ShapeDtypeStruct((E, 1), jnp.float32),
    )(ga, gb, b1, w2, b2, w3r, b3)


def _row(v):
    return v.reshape(1, -1)


def kernel(x, edge_index, contact_pred_index, params):
    src, dst = edge_index[0], edge_index[1]
    cs, cd = contact_pred_index[0], contact_pred_index[1]
    pad = E_PAD - E
    zpad = jnp.zeros((pad,), jnp.int32)
    src_rows = jnp.concatenate([src, zpad]).reshape(IDX_ROWS, 128)
    dst_rows = jnp.concatenate(
        [dst, jnp.full((pad,), N, jnp.int32)]).reshape(IDX_ROWS, 128)
    cs_rows = jnp.concatenate([cs, zpad]).reshape(IDX_ROWS, 128)
    cd_rows = jnp.concatenate([cd, zpad]).reshape(IDX_ROWS, 128)

    g, b = params['bn']
    (w1, b1), (w2, b2) = params['in2model']
    h = _tc_prelude(x, _row(g), _row(b), w1, _row(b1), w2, _row(b2))

    agg_deg = _sc_agg(True)
    agg_only = _sc_agg(False)
    degp = None
    for i in range(3):
        ws, wn, bb = params['conv'][i]
        gw, gb_, ga = params['gn'][i]
        if i == 0:
            aggp, degp3 = agg_deg(h, src_rows, dst_rows)
            degp = degp3.reshape(NW, N_ACC)
        else:
            (aggp,) = agg_only(h, src_rows, dst_rows)
        h = _tc_layer(h, aggp, degp, ws, wn, _row(bb), _row(gw), _row(gb_),
                      ga.reshape(1, 1))
        if i == 0:
            xs0 = h
        elif i == 1:
            xs1 = h
        else:
            xs2 = h

    dw, db_, da = params['dyt']
    (lw1, lb1), (lw2, lb2), (lw3, lb3) = params['lin']
    z = _tc_final(xs0, xs1, xs2, x, _row(dw), _row(db_), da.reshape(1, 1),
                  lw1, _row(lb1), lw2, _row(lb2), lw3, _row(lb3))

    (cw1, cb1), (cw2, cb2), (cw3, cb3) = params['contact']
    (jw1, jb1), (jw2, jb2) = params['jproj']
    a_tab, b_tab, jv = _tc_ab_jvec(z, cw1[:D], cw1[D:], jw1, _row(jb1),
                                   jw2, _row(jb2))

    ga_rows, gb_rows = _sc_gather2(a_tab, b_tab, cs_rows, cd_rows)
    contact = _tc_contact(ga_rows, gb_rows, _row(cb1), cw2, _row(cb2),
                          cw3.reshape(1, D), cb3.reshape(1, 1))
    return z, contact, jv.reshape(D)

# --- scband reference (transcript-rebuilt; emitter-appended) ---
"""Pipeline reference for scband-hetero-gae-geo-decoder-pairwise-7112465842500 (READ-ONLY COPY).

The authoritative reference and input builder live on the scoring server;
editing this copy changes nothing except your own understanding.
"""

import jax, jax.numpy as jnp
import numpy as np

N = 10000
E = 320000
D = 128
H = 128
LAYERS = 3
XH = [256, 256]
CH = [128, 128]
JD = 128

def _p(k, shape):
    return jax.random.normal(k, shape, dtype=jnp.float32) * 0.05

def setup_inputs(seed: int = 0):
    key = jax.random.key(seed)
    ks = jax.random.split(key, 40)
    x = jax.random.normal(ks[0], (N, D), dtype=jnp.float32)
    edge_index = jax.random.randint(ks[1], (2, E), 0, N, dtype=jnp.int32)
    contact_pred_index = jax.random.randint(ks[2], (2, E), 0, N, dtype=jnp.int32)
    params = {
        'bn': (jnp.ones((D,), jnp.float32), jnp.zeros((D,), jnp.float32)),
        'in2model': [(_p(ks[3], (D, H)), jnp.zeros((H,), jnp.float32)),
                     (_p(ks[4], (H, H)), jnp.zeros((H,), jnp.float32))],
        'conv': [(_p(ks[5 + i], (H, H)), _p(ks[8 + i], (H, H)), jnp.zeros((H,), jnp.float32)) for i in range(LAYERS)],
        'gn': [(jnp.ones((H,), jnp.float32), jnp.zeros((H,), jnp.float32), jnp.asarray(1.0, jnp.float32)) for _ in range(LAYERS)],
        'dyt': (jnp.ones((H * LAYERS,), jnp.float32), jnp.zeros((H * LAYERS,), jnp.float32), jnp.asarray(0.5, jnp.float32)),
        'lin': [(_p(ks[11], (H * LAYERS, XH[0])), jnp.zeros((XH[0],), jnp.float32)),
                (_p(ks[12], (XH[0], XH[1])), jnp.zeros((XH[1],), jnp.float32)),
                (_p(ks[13], (XH[1], D)), jnp.zeros((D,), jnp.float32))],
        'contact': [(_p(ks[14], (2 * D, CH[0])), jnp.zeros((CH[0],), jnp.float32)),
                    (_p(ks[15], (CH[0], CH[1])), jnp.zeros((CH[1],), jnp.float32)),
                    (_p(ks[16], (CH[1], 1)), jnp.zeros((1,), jnp.float32))],
        'jproj': [(_p(ks[17], (D, JD)), jnp.zeros((JD,), jnp.float32)),
                  (_p(ks[18], (JD, JD)), jnp.zeros((JD,), jnp.float32))],
    }
    return {'x': x, 'edge_index': edge_index, 'contact_pred_index': contact_pred_index, 'params': params}

def _forward(x, edge_index, contact_pred_index, params):
    src, dst = edge_index[0], edge_index[1]
    # BatchNorm1d on res features (training-mode batch stats)
    g, b = params['bn']
    mu = x.mean(axis=0)
    var = x.var(axis=0)
    h = (x - mu) / jnp.sqrt(var + 1e-5) * g + b
    # in2model: Linear -> GELU -> Linear -> Tanh
    (W1, b1), (W2, b2) = params['in2model']
    h = jnp.tanh(jax.nn.gelu(h @ W1 + b1) @ W2 + b2)
    # mean-aggregation degree (SAGEConv default aggr)
    deg = jnp.zeros((N,), jnp.float32).at[dst].add(1.0)
    deg = jnp.clip(deg, 1.0, None)
    xs = []
    for i in range(LAYERS):
        Ws, Wn, bb = params['conv'][i]
        msg = h[src]  # gather (memory-bound)
        agg = jnp.zeros((N, H), jnp.float32).at[dst].add(msg) / deg[:, None]  # scatter-add
        h_new = h @ Ws + agg @ Wn + bb
        # GraphNorm (single graph)
        gw, gb, ga = params['gn'][i]
        m = h_new.mean(axis=0)
        xc = h_new - ga * m
        v = (xc ** 2).mean(axis=0)
        h = gw * xc / jnp.sqrt(v + 1e-5) + gb
        xs.append(h)
    # JumpingKnowledge cat
    hcat = jnp.concatenate(xs, axis=1)
    # DynamicTanh
    dw, db, da = params['dyt']
    t = dw * jnp.tanh(da * hcat) + db
    # lin MLP: Linear GELU Linear GELU Linear
    for j, (W, bj) in enumerate(params['lin']):
        t = t @ W + bj
        if j < 2:
            t = jax.nn.gelu(t)
    z = t + x  # residual back to input features (residual=True, lastlin=in_channels['res'])
    # pairwise contact MLP on contact_pred_index
    cs, cd = contact_pred_index[0], contact_pred_index[1]
    pair = jnp.concatenate([z[cs], z[cd]], axis=1)  # pairwise gathers
    c = pair
    for j, (W, bj) in enumerate(params['contact']):
        c = c @ W + bj
        if j < 2:
            c = jax.nn.gelu(c)
    contact = jax.nn.sigmoid(c)
    # jaccard vector: mean aggregation + projection
    gv = z.mean(axis=0)
    (JW1, Jb1), (JW2, Jb2) = params['jproj']
    jvec = jax.nn.gelu(gv @ JW1 + Jb1) @ JW2 + Jb2
    return z, contact, jvec

def reference(x, edge_index, contact_pred_index, params):
    return _forward(x, edge_index, contact_pred_index, params)

if __name__ == "__main__":
    import jax
    _d = setup_inputs()
    print(jax.jit(kernel)(*tuple(_d.values())))

</pallas_src>

<mosaic_0001>
#map = affine_map<(d0, d1) -> (0, 0)>
#map1 = affine_map<(d0, d1) -> (0, 0, 0)>
module attributes {stable_mosaic.version = 14 : i64} {
  func.func @body(%arg0: i32, %arg1: i32, %arg2: memref<10000x128xf32, #tpu.memory_space<hbm>>, %arg3: memref<2560x128xi32, #tpu.memory_space<hbm>>, %arg4: memref<2560x128xi32, #tpu.memory_space<hbm>>, %arg5: memref<2x10240x128xf32, #tpu.memory_space<hbm>>, %arg6: memref<32x80x128xf32, #tpu.memory_space<hbm>>, %arg7: memref<1x128xi32, #tpu.memory_space<vmem>>, %arg8: memref<1x128xi32, #tpu.memory_space<vmem>>, %arg9: memref<1x128xi32, #tpu.memory_space<vmem>>, %arg10: memref<1x128xi32, #tpu.memory_space<vmem>>, %arg11: memref<128x128xf32, #tpu.memory_space<vmem>>, %arg12: memref<128x128xf32, #tpu.memory_space<vmem>>, %arg13: memref<16x128xf32, #tpu.memory_space<vmem>>, %arg14: memref<10240x128xf32, #tpu.memory_space<vmem_shared>>, %arg15: memref<!tpu.dma_semaphore, #tpu.memory_space<semaphore_mem>>, %arg16: memref<!tpu.dma_semaphore, #tpu.memory_space<semaphore_mem>>, %arg17: memref<!tpu.dma_semaphore, #tpu.memory_space<semaphore_mem>>, %arg18: memref<!tpu.dma_semaphore, #tpu.memory_space<semaphore_mem>>, %arg19: memref<80x128xf32, #tpu.memory_space<vmem>>) attributes {dimension_semantics = [#tpu.dimension_semantics<core_parallel>, #tpu.dimension_semantics<subcore_parallel>], iteration_bounds = array<i64: 2, 16>, scalar_prefetch = 0 : i64, scratch_operands = 13 : i64, tpu.core_type = #tpu.core_type<sc_vector_subcore>, window_params = [{transform_indices = #map}, {transform_indices = #map}, {transform_indices = #map}, {transform_indices = #map1}, {transform_indices = #map1}]} {
    %scan3A = arith.constant 0 : i32
    %scan3A_0 = arith.constant 16 : i32
    %scan3A_1 = arith.addi %scan3A, %scan3A_0 : i32
    %scan3A_2 = arith.constant 1 : i32
    scf.for %scan3A_26 = %scan3A to %scan3A_1 step %scan3A_2  : i32 {
      %mul3A_27 = arith.constant 1 : i32
      %mul3A_28 = arith.muli %scan3A_26, %mul3A_27 : i32
      %add3A_29 = arith.constant 0 : i32
      %add3A_30 = arith.addi %add3A_29, %mul3A_28 : i32
      %broadcast_in_dim3A_31 = arith.constant 0.000000e+00 : f32
      %broadcast_in_dim3A_32 = vector.broadcast %broadcast_in_dim3A_31 : f32 to vector<16xf32>
      %swap3A = arith.index_cast %add3A_30 : i32 to index
      %swap3A_33 = arith.constant 0 : index
      %swap3A_34 = tpu.vector_load %arg13[%swap3A, %swap3A_33] {strides = array<i32>} : memref<16x128xf32, #tpu.memory_space<vmem>>, vector<16xf32>,
      tpu.vector_store %arg13[%swap3A, %swap3A_33], %broadcast_in_dim3A_32 {strides = array<i32>} : memref<16x128xf32, #tpu.memory_space<vmem>>, vector<16xf32>,
      %broadcast_in_dim3A_35 = arith.constant 0.000000e+00 : f32
      %broadcast_in_dim3A_36 = vector.broadcast %broadcast_in_dim3A_35 : f32 to vector<16xf32>
      %swap3A_37 = arith.index_cast %add3A_30 : i32 to index
      %swap3A_38 = arith.constant 16 : index
      %swap3A_39 = tpu.vector_load %arg13[%swap3A_37, %swap3A_38] {strides = array<i32>} : memref<16x128xf32, #tpu.memory_space<vmem>>, vector<16xf32>,
      tpu.vector_store %arg13[%swap3A_37, %swap3A_38], %broadcast_in_dim3A_36 {strides = array<i32>} : memref<16x128xf32, #tpu.memory_space<vmem>>, vector<16xf32>,
      %broadcast_in_dim3A_40 = arith.constant 0.000000e+00 : f32
      %broadcast_in_dim3A_41 = vector.broadcast %broadcast_in_dim3A_40 : f32 to vector<16xf32>
      %swap3A_42 = arith.index_cast %add3A_30 : i32 to index
      %swap3A_43 = arith.constant 32 : index
      %swap3A_44 = tpu.vector_load %arg13[%swap3A_42, %swap3A_43] {strides = array<i32>} : memref<16x128xf32, #tpu.memory_space<vmem>>, vector<16xf32>,
      tpu.vector_store %arg13[%swap3A_42, %swap3A_43], %broadcast_in_dim3A_41 {strides = array<i32>} : memref<16x128xf32, #tpu.memory_space<vmem>>, vector<16xf32>,
      %broadcast_in_dim3A_45 = arith.constant 0.000000e+00 : f32
      %broadcast_in_dim3A_46 = vector.broadcast %broadcast_in_dim3A_45 : f32 to vector<16xf32>
      %swap3A_47 = arith.index_cast %add3A_30 : i32 to index
      %swap3A_48 = arith.constant 48 : index
      %swap3A_49 = tpu.vector_load %arg13[%swap3A_47, %swap3A_48] {strides = array<i32>} : memref<16x128xf32, #tpu.memory_space<vmem>>, vector<16xf32>,
      tpu.vector_store %arg13[%swap3A_47, %swap3A_48], %broadcast_in_dim3A_46 {strides = array<i32>} : memref<16x128xf32, #tpu.memory_space<vmem>>, vector<16xf32>,
      %broadcast_in_dim3A_50 = arith.constant 0.000000e+00 : f32
      %broadcast_in_dim3A_51 = vector.broadcast %broadcast_in_dim3A_50 : f32 to vector<16xf32>
      %swap3A_52 = arith.index_cast %add3A_30 : i32 to index
      %swap3A_53 = arith.constant 64 : index
      %swap3A_54 = tpu.vector_load %arg13[%swap3A_52, %swap3A_53] {strides = array<i32>} : memref<16x128xf32, #tpu.memory_space<vmem>>, vector<16xf32>,
      tpu.vector_store %arg13[%swap3A_52, %swap3A_53], %broadcast_in_dim3A_51 {strides = array<i32>} : memref<16x128xf32, #tpu.memory_space<vmem>>, vector<16xf32>,
      %broadcast_in_dim3A_55 = arith.constant 0.000000e+00 : f32
      %broadcast_in_dim3A_56 = vector.broadcast %broadcast_in_dim3A_55 : f32 to vector<16xf32>
      %swap3A_57 = arith.index_cast %add3A_30 : i32 to index
      %swap3A_58 = arith.constant 80 : index
      %swap3A_59 = tpu.vector_load %arg13[%swap3A_57, %swap3A_58] {strides = array<i32>} : memref<16x128xf32, #tpu.memory_space<vmem>>, vector<16xf32>,
      tpu.vector_store %arg13[%swap3A_57, %swap3A_58], %broadcast_in_dim3A_56 {strides = array<i32>} : memref<16x128xf32, #tpu.memory_space<vmem>>, vector<16xf32>,
      %broadcast_in_dim3A_60 = arith.constant 0.000000e+00 : f32
      %broadcast_in_dim3A_61 = vector.broadcast %broadcast_in_dim3A_60 : f32 to vector<16xf32>
      %swap3A_62 = arith.index_cast %add3A_30 : i32 to index
      %swap3A_63 = arith.constant 96 : index
      %swap3A_64 = tpu.vector_load %arg13[%swap3A_62, %swap3A_63] {strides = array<i32>} : memref<16x128xf32, #tpu.memory_space<vmem>>, vector<16xf32>,
      tpu.vector_store %arg13[%swap3A_62, %swap3A_63], %broadcast_in_dim3A_61 {strides = array<i32>} : memref<16x128xf32, #tpu.memory_space<vmem>>, vector<16xf32>,
      %broadcast_in_dim3A_65 = arith.constant 0.000000e+00 : f32
      %broadcast_in_dim3A_66 = vector.broadcast %broadcast_in_dim3A_65 : f32 to vector<16xf32>
      %swap3A_67 = arith.index_cast %add3A_30 : i32 to index
      %swap3A_68 = arith.constant 112 : index
      %swap3A_69 = tpu.vector_load %arg13[%swap3A_67, %swap3A_68] {strides = array<i32>} : memref<16x128xf32, #tpu.memory_space<vmem>>, vector<16xf32>,
      tpu.vector_store %arg13[%swap3A_67, %swap3A_68], %broadcast_in_dim3A_66 {strides = array<i32>} : memref<16x128xf32, #tpu.memory_space<vmem>>, vector<16xf32>,
    }
    %scan3A_3 = arith.constant 16 : i32
    %mul3A = arith.constant 640 : i32
    %mul3A_4 = arith.muli %arg1, %mul3A : i32
    %scan3A_5 = arith.constant 0 : i32
    %scan3A_6 = arith.constant 40 : i32
    %scan3A_7 = arith.addi %scan3A_5, %scan3A_6 : i32
    %scan3A_8 = arith.constant 1 : i32
    scf.for %scan3A_26 = %scan3A_5 to %scan3A_7 step %scan3A_8  : i32 {
      %mul3A_27 = arith.constant 1 : i32
      %mul3A_28 = arith.muli %scan3A_26, %mul3A_27 : i32
      %add3A_29 = arith.constant 0 : i32
      %add3A_30 = arith.addi %add3A_29, %mul3A_28 : i32
      %mul3A_31 = arith.constant 16 : i32
      %mul3A_32 = arith.muli %add3A_30, %mul3A_31 : i32
      %add3A_33 = arith.addi %mul3A_4, %mul3A_32 : i32
      "tpu.region"() ({
        %run_scoped3A = tpu.sem_alloc : memref<!tpu.dma_semaphore, #tpu.memory_space<semaphore_mem>>
        %dma_start3A = arith.constant 0 : i32
        %dma_start3A_34 = tpu.memref_slice %arg14[%add3A_33, %dma_start3A] : memref<10240x128xf32, #tpu.memory_space<vmem_shared>> -> memref<16x128xf32, #tpu.memory_space<vmem_shared>>
        %dma_start3A_35 = arith.constant 0 : i32
        %dma_start3A_36 = tpu.memref_slice %arg14[%add3A_33, %dma_start3A_35] : memref<10240x128xf32, #tpu.memory_space<vmem_shared>> -> memref<16x128xf32, #tpu.memory_space<vmem_shared>>
        tpu.enqueue_dma source(%arg13 : memref<16x128xf32, #tpu.memory_space<vmem>>) target(%dma_start3A_36 : memref<16x128xf32, #tpu.memory_space<vmem_shared>>) target_semaphore(%run_scoped3A : memref<!tpu.dma_semaphore, #tpu.memory_space<semaphore_mem>>)
        %dma_wait3A = arith.constant 0 : i32
        %dma_wait3A_37 = tpu.memref_slice %arg14[%add3A_33, %dma_wait3A] : memref<10240x128xf32, #tpu.memory_space<vmem_shared>> -> memref<16x128xf32, #tpu.memory_space<vmem_shared>>
        %dma_wait3A_38 = arith.constant 0 : i32
        %dma_wait3A_39 = tpu.memref_slice %arg14[%add3A_33, %dma_wait3A_38] : memref<10240x128xf32, #tpu.memory_space<vmem_shared>> -> memref<16x128xf32, #tpu.memory_space<vmem_shared>>
        tpu.wait_dma2 semaphore(%run_scoped3A : memref<!tpu.dma_semaphore, #tpu.memory_space<semaphore_mem>>) src(%arg13 : memref<16x128xf32, #tpu.memory_space<vmem>>) dst(%dma_wait3A_39 : memref<16x128xf32, #tpu.memory_space<vmem_shared>>)
        tpu.yield
      }) : () -> ()
    }
    %scan3A_9 = arith.constant 40 : i32
    %scan3A_10 = arith.constant 0 : i32
    %scan3A_11 = arith.constant 80 : i32
    %scan3A_12 = arith.addi %scan3A_10, %scan3A_11 : i32
    %scan3A_13 = arith.constant 1 : i32
    scf.for %scan3A_26 = %scan3A_10 to %scan3A_12 step %scan3A_13  : i32 {
      %mul3A_27 = arith.constant 1 : i32
      %mul3A_28 = arith.muli %scan3A_26, %mul3A_27 : i32
      %add3A_29 = arith.constant 0 : i32
      %add3A_30 = arith.addi %add3A_29, %mul3A_28 : i32
      %broadcast_in_dim3A_31 = arith.constant 0.000000e+00 : f32
      %broadcast_in_dim3A_32 = vector.broadcast %broadcast_in_dim3A_31 : f32 to vector<16xf32>
      %swap3A = arith.index_cast %add3A_30 : i32 to index
      %swap3A_33 = arith.constant 0 : index
      %swap3A_34 = tpu.vector_load %arg19[%swap3A, %swap3A_33] {strides = array<i32>} : memref<80x128xf32, #tpu.memory_space<vmem>>, vector<16xf32>,
      tpu.vector_store %arg19[%swap3A, %swap3A_33], %broadcast_in_dim3A_32 {strides = array<i32>} : memref<80x128xf32, #tpu.memory_space<vmem>>, vector<16xf32>,
      %broadcast_in_dim3A_35 = arith.constant 0.000000e+00 : f32
      %broadcast_in_dim3A_36 = vector.broadcast %broadcast_in_dim3A_35 : f32 to vector<16xf32>
      %swap3A_37 = arith.index_cast %add3A_30 : i32 to index
      %swap3A_38 = arith.constant 16 : index
      %swap3A_39 = tpu.vector_load %arg19[%swap3A_37, %swap3A_38] {strides = array<i32>} : memref<80x128xf32, #tpu.memory_space<vmem>>, vector<16xf32>,
      tpu.vector_store %arg19[%swap3A_37, %swap3A_38], %broadcast_in_dim3A_36 {strides = array<i32>} : memref<80x128xf32, #tpu.memory_space<vmem>>, vector<16xf32>,
      %broadcast_in_dim3A_40 = arith.constant 0.000000e+00 : f32
      %broadcast_in_dim3A_41 = vector.broadcast %broadcast_in_dim3A_40 : f32 to vector<16xf32>
      %swap3A_42 = arith.index_cast %add3A_30 : i32 to index
      %swap3A_43 = arith.constant 32 : index
      %swap3A_44 = tpu.vector_load %arg19[%swap3A_42, %swap3A_43] {strides = array<i32>} : memref<80x128xf32, #tpu.memory_space<vmem>>, vector<16xf32>,
      tpu.vector_store %arg19[%swap3A_42, %swap3A_43], %broadcast_in_dim3A_41 {strides = array<i32>} : memref<80x128xf32, #tpu.memory_space<vmem>>, vector<16xf32>,
      %broadcast_in_dim3A_45 = arith.constant 0.000000e+00 : f32
      %broadcast_in_dim3A_46 = vector.broadcast %broadcast_in_dim3A_45 : f32 to vector<16xf32>
      %swap3A_47 = arith.index_cast %add3A_30 : i32 to index
      %swap3A_48 = arith.constant 48 : index
      %swap3A_49 = tpu.vector_load %arg19[%swap3A_47, %swap3A_48] {strides = array<i32>} : memref<80x128xf32, #tpu.memory_space<vmem>>, vector<16xf32>,
      tpu.vector_store %arg19[%swap3A_47, %swap3A_48], %broadcast_in_dim3A_46 {strides = array<i32>} : memref<80x128xf32, #tpu.memory_space<vmem>>, vector<16xf32>,
      %broadcast_in_dim3A_50 = arith.constant 0.000000e+00 : f32
      %broadcast_in_dim3A_51 = vector.broadcast %broadcast_in_dim3A_50 : f32 to vector<16xf32>
      %swap3A_52 = arith.index_cast %add3A_30 : i32 to index
      %swap3A_53 = arith.constant 64 : index
      %swap3A_54 = tpu.vector_load %arg19[%swap3A_52, %swap3A_53] {strides = array<i32>} : memref<80x128xf32, #tpu.memory_space<vmem>>, vector<16xf32>,
      tpu.vector_store %arg19[%swap3A_52, %swap3A_53], %broadcast_in_dim3A_51 {strides = array<i32>} : memref<80x128xf32, #tpu.memory_space<vmem>>, vector<16xf32>,
      %broadcast_in_dim3A_55 = arith.constant 0.000000e+00 : f32
      %broadcast_in_dim3A_56 = vector.broadcast %broadcast_in_dim3A_55 : f32 to vector<16xf32>
      %swap3A_57 = arith.index_cast %add3A_30 : i32 to index
      %swap3A_58 = arith.constant 80 : index
      %swap3A_59 = tpu.vector_load %arg19[%swap3A_57, %swap3A_58] {strides = array<i32>} : memref<80x128xf32, #tpu.memory_space<vmem>>, vector<16xf32>,
      tpu.vector_store %arg19[%swap3A_57, %swap3A_58], %broadcast_in_dim3A_56 {strides = array<i32>} : memref<80x128xf32, #tpu.memory_space<vmem>>, vector<16xf32>,
      %broadcast_in_dim3A_60 = arith.constant 0.000000e+00 : f32
      %broadcast_in_dim3A_61 = vector.broadcast %broadcast_in_dim3A_60 : f32 to vector<16xf32>
      %swap3A_62 = arith.index_cast %add3A_30 : i32 to index
      %swap3A_63 = arith.constant 96 : index
      %swap3A_64 = tpu.vector_load %arg19[%swap3A_62, %swap3A_63] {strides = array<i32>} : memref<80x128xf32, #tpu.memory_space<vmem>>, vector<16xf32>,
      tpu.vector_store %arg19[%swap3A_62, %swap3A_63], %broadcast_in_dim3A_61 {strides = array<i32>} : memref<80x128xf32, #tpu.memory_space<vmem>>, vector<16xf32>,
      %broadcast_in_dim3A_65 = arith.constant 0.000000e+00 : f32
      %broadcast_in_dim3A_66 = vector.broadcast %broadcast_in_dim3A_65 : f32 to vector<16xf32>
      %swap3A_67 = arith.index_cast %add3A_30 : i32 to index
      %swap3A_68 = arith.constant 112 : index
      %swap3A_69 = tpu.vector_load %arg19[%swap3A_67, %swap3A_68] {strides = array<i32>} : memref<80x128xf32, #tpu.memory_space<vmem>>, vector<16xf32>,
      tpu.vector_store %arg19[%swap3A_67, %swap3A_68], %broadcast_in_dim3A_66 {strides = array<i32>} : memref<80x128xf32, #tpu.memory_space<vmem>>, vector<16xf32>,
    }
    %scan3A_14 = arith.constant 80 : i32
    %barrier3A = arith.constant 0 : index
    tpu.barrier barrier_id(%barrier3A)
    %broadcast_in_dim3A = arith.constant 1.000000e+00 : f32
    %broadcast_in_dim3A_15 = vector.broadcast %broadcast_in_dim3A : f32 to vector<16xf32>
    %eq3A = arith.constant 0 : i32
    %eq3A_16 = arith.cmpi eq, %arg0, %eq3A : i32
    %convert_element_type3A = arith.extui %eq3A_16 : i1 to i32
    %cond3A = arith.constant 0 : i32
    %cond3A_17 = arith.cmpi ne, %convert_element_type3A, %cond3A : i32
    scf.if %cond3A_17 {
      %mul3A_26 = arith.constant 144 : i32
      %mul3A_27 = arith.muli %arg1, %mul3A_26 : i32
      %dma_start3A = arith.constant 0 : i32
      %dma_start3A_28 = tpu.memref_slice %arg3[%mul3A_27, %dma_start3A] : memref<2560x128xi32, #tpu.memory_space<hbm>> -> memref<1x128xi32, #tpu.memory_space<hbm>>
      %dma_start3A_29 = arith.constant 0 : i32
      %dma_start3A_30 = tpu.memref_slice %arg3[%mul3A_27, %dma_start3A_29] : memref<2560x128xi32, #tpu.memory_space<hbm>> -> memref<1x128xi32, #tpu.memory_space<hbm>>
      tpu.enqueue_dma source(%dma_start3A_30 : memref<1x128xi32, #tpu.memory_space<hbm>>) target(%arg7 : memref<1x128xi32, #tpu.memory_space<vmem>>) target_semaphore(%arg15 : memref<!tpu.dma_semaphore, #tpu.memory_space<semaphore_mem>>)
      %dma_start3A_31 = arith.constant 0 : i32
      %dma_start3A_32 = tpu.memref_slice %arg4[%mul3A_27, %dma_start3A_31] : memref<2560x128xi32, #tpu.memory_space<hbm>> -> memref<1x128xi32, #tpu.memory_space<hbm>>
      %dma_start3A_33 = arith.constant 0 : i32
      %dma_start3A_34 = tpu.memref_slice %arg4[%mul3A_27, %dma_start3A_33] : memref<2560x128xi32, #tpu.memory_space<hbm>> -> memref<1x128xi32, #tpu.memory_space<hbm>>
      tpu.enqueue_dma source(%dma_start3A_34 : memref<1x128xi32, #tpu.memory_space<hbm>>) target(%arg9 : memref<1x128xi32, #tpu.memory_space<vmem>>) target_semaphore(%arg15 : memref<!tpu.dma_semaphore, #tpu.memory_space<semaphore_mem>>)
      %add3A_35 = arith.constant 1 : i32
      %add3A_36 = arith.addi %mul3A_27, %add3A_35 : i32
      %dma_start3A_37 = arith.constant 0 : i32
      %dma_start3A_38 = tpu.memref_slice %arg3[%add3A_36, %dma_start3A_37] : memref<2560x128xi32, #tpu.memory_space<hbm>> -> memref<1x128xi32, #tpu.memory_space<hbm>>
      %dma_start3A_39 = arith.constant 0 : i32
      %dma_start3A_40 = tpu.memref_slice %arg3[%add3A_36, %dma_start3A_39] : memref<2560x128xi32, #tpu.memory_space<hbm>> -> memref<1x128xi32, #tpu.memory_space<hbm>>
      tpu.enqueue_dma source(%dma_start3A_40 : memref<1x128xi32, #tpu.memory_space<hbm>>) target(%arg8 : memref<1x128xi32, #tpu.memory_space<vmem>>) target_semaphore(%arg16 : memref<!tpu.dma_semaphore, #tpu.memory_space<semaphore_mem>>)
      %dma_start3A_41 = arith.constant 0 : i32
      %dma_start3A_42 = tpu.memref_slice %arg4[%add3A_36, %dma_start3A_41] : memref<2560x128xi32, #tpu.memory_space<hbm>> -> memref<1x128xi32, #tpu.memory_space<hbm>>
      %dma_start3A_43 = arith.constant 0 : i32
      %dma_start3A_44 = tpu.memref_slice %arg4[%add3A_36, %dma_start3A_43] : memref<2560x128xi32, #tpu.memory_space<hbm>> -> memref<1x128xi32, #tpu.memory_space<hbm>>
      tpu.enqueue_dma source(%dma_start3A_44 : memref<1x128xi32, #tpu.memory_space<hbm>>) target(%arg10 : memref<1x128xi32, #tpu.memory_space<vmem>>) target_semaphore(%arg16 : memref<!tpu.dma_semaphore, #tpu.memory_space<semaphore_mem>>)
      %scan3A_45 = arith.constant 0 : i32
      %scan3A_46 = arith.constant 72 : i32
      %scan3A_47 = arith.addi %scan3A_45, %scan3A_46 : i32
      %scan3A_48 = arith.constant 1 : i32
      scf.for %scan3A_133 = %scan3A_45 to %scan3A_47 step %scan3A_48  : i32 {
        %mul3A_134 = arith.constant 2 : i32
        %mul3A_135 = arith.muli %scan3A_133, %mul3A_134 : i32
        %add3A_136 = arith.constant 0 : i32
        %add3A_137 = arith.addi %add3A_136, %mul3A_135 : i32
        %add3A_138 = arith.addi %mul3A_27, %add3A_137 : i32
        %dma_wait3A_139 = arith.constant 0 : i32
        %dma_wait3A_140 = tpu.memref_slice %arg3[%add3A_138, %dma_wait3A_139] : memref<2560x128xi32, #tpu.memory_space<hbm>> -> memref<1x128xi32, #tpu.memory_space<hbm>>
        %dma_wait3A_141 = arith.constant 0 : i32
        %dma_wait3A_142 = tpu.memref_slice %arg3[%add3A_138, %dma_wait3A_141] : memref<2560x128xi32, #tpu.memory_space<hbm>> -> memref<1x128xi32, #tpu.memory_space<hbm>>
        tpu.wait_dma2 semaphore(%arg15 : memref<!tpu.dma_semaphore, #tpu.memory_space<semaphore_mem>>) src(%dma_wait3A_142 : memref<1x128xi32, #tpu.memory_space<hbm>>) dst(%arg7 : memref<1x128xi32, #tpu.memory_space<vmem>>)
        %dma_wait3A_143 = arith.constant 0 : i32
        %dma_wait3A_144 = tpu.memref_slice %arg4[%add3A_138, %dma_wait3A_143] : memref<2560x128xi32, #tpu.memory_space<hbm>> -> memref<1x128xi32, #tpu.memory_space<hbm>>
        %dma_wait3A_145 = arith.constant 0 : i32
        %dma_wait3A_146 = tpu.memref_slice %arg4[%add3A_138, %dma_wait3A_145] : memref<2560x128xi32, #tpu.memory_space<hbm>> -> memref<1x128xi32, #tpu.memory_space<hbm>>
        tpu.wait_dma2 semaphore(%arg15 : memref<!tpu.dma_semaphore, #tpu.memory_space<semaphore_mem>>) src(%dma_wait3A_146 : memref<1x128xi32, #tpu.memory_space<hbm>>) dst(%arg9 : memref<1x128xi32, #tpu.memory_space<vmem>>)
        %dma_start3A_147 = arith.constant 0 : i32
        %dma_start3A_148 = arith.constant 0 : i32
        %dma_start3A_149 = tpu.memref_slice %arg7[%dma_start3A_147, %dma_start3A_148] : memref<1x128xi32, #tpu.memory_space<vmem>> -> memref<1x128xi32, #tpu.memory_space<vmem>>
        %dma_start3A_150 = tpu.memref_squeeze %dma_start3A_149 : memref<1x128xi32, #tpu.memory_space<vmem>> -> memref<128xi32, #tpu.memory_space<vmem>>
        %dma_start3A_151 = arith.constant 0 : i32
        %dma_start3A_152 = arith.constant 0 : i32
        %dma_start3A_153 = tpu.memref_slice %arg2[%dma_start3A_151, %dma_start3A_152] : memref<10000x128xf32, #tpu.memory_space<hbm>> -> memref<10000x128xf32, #tpu.memory_space<hbm>>
        tpu.enqueue_indirect_dma source(%dma_start3A_153 : memref<10000x128xf32, #tpu.memory_space<hbm>>) target(%arg11 : memref<128x128xf32, #tpu.memory_space<vmem>>) offsets(%dma_start3A_150 : memref<128xi32, #tpu.memory_space<vmem>>) semaphore(%arg17 : memref<!tpu.dma_semaphore, #tpu.memory_space<semaphore_mem>>)
        %gt3A = arith.constant 0 : i32
        %gt3A_154 = arith.cmpi sgt, %add3A_137, %gt3A : i32
        %convert_element_type3A_155 = arith.extui %gt3A_154 : i1 to i32
        %cond3A_156 = arith.constant 0 : i32
        %cond3A_157 = arith.cmpi ne, %convert_element_type3A_155, %cond3A_156 : i32
        scf.if %cond3A_157 {
          %dma_wait3A_181 = arith.constant 0 : i32
          %dma_wait3A_182 = arith.constant 0 : i32
          %dma_wait3A_183 = tpu.memref_slice %arg8[%dma_wait3A_181, %dma_wait3A_182] : memref<1x128xi32, #tpu.memory_space<vmem>> -> memref<1x128xi32, #tpu.memory_space<vmem>>
          %dma_wait3A_184 = tpu.memref_squeeze %dma_wait3A_183 : memref<1x128xi32, #tpu.memory_space<vmem>> -> memref<128xi32, #tpu.memory_space<vmem>>
          %dma_wait3A_185 = arith.constant 0 : i32
          %dma_wait3A_186 = arith.constant 0 : i32
          %dma_wait3A_187 = tpu.memref_slice %arg2[%dma_wait3A_185, %dma_wait3A_186] : memref<10000x128xf32, #tpu.memory_space<hbm>> -> memref<10000x128xf32, #tpu.memory_space<hbm>>
          tpu.wait_indirect_dma semaphore(%arg18 : memref<!tpu.dma_semaphore, #tpu.memory_space<semaphore_mem>>) src(%dma_wait3A_187 : memref<10000x128xf32, #tpu.memory_space<hbm>>) dst(%arg12 : memref<128x128xf32, #tpu.memory_space<vmem>>)
          %run_scoped3A_188 = arith.constant 0 : i32
          "tpu.region"() ({
            %run_scoped3A_273 = tpu.sem_alloc : memref<!tpu.dma_semaphore, #tpu.memory_space<semaphore_mem>>
            %dma_start3A_274 = arith.constant 0 : i32
            %dma_start3A_275 = tpu.memref_slice %arg10[%run_scoped3A_188, %dma_start3A_274] : memref<1x128xi32, #tpu.memory_space<vmem>> -> memref<1x128xi32, #tpu.memory_space<vmem>>
            %dma_start3A_276 = tpu.memref_squeeze %dma_start3A_275 : memref<1x128xi32, #tpu.memory_space<vmem>> -> memref<128xi32, #tpu.memory_space<vmem>>
            %dma_start3A_277 = arith.constant 0 : i32
            %dma_start3A_278 = arith.constant 0 : i32
            %dma_start3A_279 = tpu.memref_slice %arg14[%dma_start3A_277, %dma_start3A_278] : memref<10240x128xf32, #tpu.memory_space<vmem_shared>> -> memref<10240x128xf32, #tpu.memory_space<vmem_shared>>
            tpu.enqueue_indirect_dma source(%arg12 : memref<128x128xf32, #tpu.memory_space<vmem>>) target(%dma_start3A_279 : memref<10240x128xf32, #tpu.memory_space<vmem_shared>>) offsets(%dma_start3A_276 : memref<128xi32, #tpu.memory_space<vmem>>) semaphore(%run_scoped3A_273 : memref<!tpu.dma_semaphore, #tpu.memory_space<semaphore_mem>>) {add = true}
            %dma_wait3A_280 = arith.constant 0 : i32
            %dma_wait3A_281 = tpu.memref_slice %arg10[%run_scoped3A_188, %dma_wait3A_280] : memref<1x128xi32, #tpu.memory_space<vmem>> -> memref<1x128xi32, #tpu.memory_space<vmem>>
            %dma_wait3A_282 = tpu.memref_squeeze %dma_wait3A_281 : memref<1x128xi32, #tpu.memory_space<vmem>> -> memref<128xi32, #tpu.memory_space<vmem>>
            %dma_wait3A_283 = arith.constant 0 : i32
            %dma_wait3A_284 = arith.constant 0 : i32
            %dma_wait3A_285 = tpu.memref_slice %arg14[%dma_wait3A_283, %dma_wait3A_284] : memref<10240x128xf32, #tpu.memory_space<vmem_shared>> -> memref<10240x128xf32, #tpu.memory_space<vmem_shared>>
            tpu.wait_indirect_dma semaphore(%run_scoped3A_273 : memref<!tpu.dma_semaphore, #tpu.memory_space<semaphore_mem>>) src(%arg12 : memref<128x128xf32, #tpu.memory_space<vmem>>) dst(%dma_wait3A_285 : memref<10240x128xf32, #tpu.memory_space<vmem_shared>>)
            tpu.yield
          }) : () -> ()
          %get3A_189 = arith.constant 0 : i32
          %get3A_190 = arith.index_cast %get3A_189 : i32 to index
          %get3A_191 = arith.constant 0 : index
          %get3A_192 = tpu.vector_load %arg10[%get3A_190, %get3A_191] {strides = array<i32>} : memref<1x128xi32, #tpu.memory_space<vmem>>, vector<16xi32>,
          %shift_right_logical3A_193 = arith.constant 7 : i32
          %shift_right_logical3A_194 = vector.broadcast %shift_right_logical3A_193 : i32 to vector<16xi32>
          %shift_right_logical3A_195 = arith.shrui %get3A_192, %shift_right_logical3A_194 : vector<16xi32>
          %and3A_196 = arith.constant 127 : i32
          %and3A_197 = vector.broadcast %and3A_196 : i32 to vector<16xi32>
          %and3A_198 = arith.andi %get3A_192, %and3A_197 : vector<16xi32>
          tpu.vector_store_idx %arg19[%shift_right_logical3A_195, %and3A_198], %broadcast_in_dim3A_15 {add = true} : memref<80x128xf32, #tpu.memory_space<vmem>>[vector<16xi32>, vector<16xi32>], vector<16xf32>,
          %get3A_199 = arith.constant 0 : i32
          %get3A_200 = arith.index_cast %get3A_199 : i32 to index
          %get3A_201 = arith.constant 16 : index
          %get3A_202 = tpu.vector_load %arg10[%get3A_200, %get3A_201] {strides = array<i32>} : memref<1x128xi32, #tpu.memory_space<vmem>>, vector<16xi32>,
          %shift_right_logical3A_203 = arith.constant 7 : i32
          %shift_right_logical3A_204 = vector.broadcast %shift_right_logical3A_203 : i32 to vector<16xi32>
          %shift_right_logical3A_205 = arith.shrui %get3A_202, %shift_right_logical3A_204 : vector<16xi32>
          %and3A_206 = arith.constant 127 : i32
          %and3A_207 = vector.broadcast %and3A_206 : i32 to vector<16xi32>
          %and3A_208 = arith.andi %get3A_202, %and3A_207 : vector<16xi32>
          tpu.vector_store_idx %arg19[%shift_right_logical3A_205, %and3A_208], %broadcast_in_dim3A_15 {add = true} : memref<80x128xf32, #tpu.memory_space<vmem>>[vector<16xi32>, vector<16xi32>], vector<16xf32>,
          %get3A_209 = arith.constant 0 : i32
          %get3A_210 = arith.index_cast %get3A_209 : i32 to index
          %get3A_211 = arith.constant 32 : index
          %get3A_212 = tpu.vector_load %arg10[%get3A_210, %get3A_211] {strides = array<i32>} : memref<1x128xi32, #tpu.memory_space<vmem>>, vector<16xi32>,
          %shift_right_logical3A_213 = arith.constant 7 : i32
          %shift_right_logical3A_214 = vector.broadcast %shift_right_logical3A_213 : i32 to vector<16xi32>
          %shift_right_logical3A_215 = arith.shrui %get3A_212, %shift_right_logical3A_214 : vector<16xi32>
          %and3A_216 = arith.constant 127 : i32
          %and3A_217 = vector.broadcast %and3A_216 : i32 to vector<16xi32>
          %and3A_218 = arith.andi %get3A_212, %and3A_217 : vector<16xi32>
          tpu.vector_store_idx %arg19[%shift_right_logical3A_215, %and3A_218], %broadcast_in_dim3A_15 {add = true} : memref<80x128xf32, #tpu.memory_space<vmem>>[vector<16xi32>, vector<16xi32>], vector<16xf32>,
          %get3A_219 = arith.constant 0 : i32
          %get3A_220 = arith.index_cast %get3A_219 : i32 to index
          %get3A_221 = arith.constant 48 : index
          %get3A_222 = tpu.vector_load %arg10[%get3A_220, %get3A_221] {strides = array<i32>} : memref<1x128xi32, #tpu.memory_space<vmem>>, vector<16xi32>,
          %shift_right_logical3A_223 = arith.constant 7 : i32
          %shift_right_logical3A_224 = vector.broadcast %shift_right_logical3A_223 : i32 to vector<16xi32>
          %shift_right_logical3A_225 = arith.shrui %get3A_222, %shift_right_logical3A_224 : vector<16xi32>
          %and3A_226 = arith.constant 127 : i32
          %and3A_227 = vector.broadcast %and3A_226 : i32 to vector<16xi32>
          %and3A_228 = arith.andi %get3A_222, %and3A_227 : vector<16xi32>
          tpu.vector_store_idx %arg19[%shift_right_logical3A_225, %and3A_228], %broadcast_in_dim3A_15 {add = true} : memref<80x128xf32, #tpu.memory_space<vmem>>[vector<16xi32>, vector<16xi32>], vector<16xf32>,
          %get3A_229 = arith.constant 0 : i32
          %get3A_230 = arith.index_cast %get3A_229 : i32 to index
          %get3A_231 = arith.constant 64 : index
          %get3A_232 = tpu.vector_load %arg10[%get3A_230, %get3A_231] {strides = array<i32>} : memref<1x128xi32, #tpu.memory_space<vmem>>, vector<16xi32>,
          %shift_right_logical3A_233 = arith.constant 7 : i32
          %shift_right_logical3A_234 = vector.broadcast %shift_right_logical3A_233 : i32 to vector<16xi32>
          %shift_right_logical3A_235 = arith.shrui %get3A_232, %shift_right_logical3A_234 : vector<16xi32>
          %and3A_236 = arith.constant 127 : i32
          %and3A_237 = vector.broadcast %and3A_236 : i32 to vector<16xi32>
          %and3A_238 = arith.andi %get3A_232, %and3A_237 : vector<16xi32>
          tpu.vector_store_idx %arg19[%shift_right_logical3A_235, %and3A_238], %broadcast_in_dim3A_15 {add = true} : memref<80x128xf32, #tpu.memory_space<vmem>>[vector<16xi32>, vector<16xi32>], vector<16xf32>,
          %get3A_239 = arith.constant 0 : i32
          %get3A_240 = arith.index_cast %get3A_239 : i32 to index
          %get3A_241 = arith.constant 80 : index
          %get3A_242 = tpu.vector_load %arg10[%get3A_240, %get3A_241] {strides = array<i32>} : memref<1x128xi32, #tpu.memory_space<vmem>>, vector<16xi32>,
          %shift_right_logical3A_243 = arith.constant 7 : i32
          %shift_right_logical3A_244 = vector.broadcast %shift_right_logical3A_243 : i32 to vector<16xi32>
          %shift_right_logical3A_245 = arith.shrui %get3A_242, %shift_right_logical3A_244 : vector<16xi32>
          %and3A_246 = arith.constant 127 : i32
          %and3A_247 = vector.broadcast %and3A_246 : i32 to vector<16xi32>
          %and3A_248 = arith.andi %get3A_242, %and3A_247 : vector<16xi32>
          tpu.vector_store_idx %arg19[%shift_right_logical3A_245, %and3A_248], %broadcast_in_dim3A_15 {add = true} : memref<80x128xf32, #tpu.memory_space<vmem>>[vector<16xi32>, vector<16xi32>], vector<16xf32>,
          %get3A_249 = arith.constant 0 : i32
          %get3A_250 = arith.index_cast %get3A_249 : i32 to index
          %get3A_251 = arith.constant 96 : index
          %get3A_252 = tpu.vector_load %arg10[%get3A_250, %get3A_251] {strides = array<i32>} : memref<1x128xi32, #tpu.memory_space<vmem>>, vector<16xi32>,
          %shift_right_logical3A_253 = arith.constant 7 : i32
          %shift_right_logical3A_254 = vector.broadcast %shift_right_logical3A_253 : i32 to vector<16xi32>
          %shift_right_logical3A_255 = arith.shrui %get3A_252, %shift_right_logical3A_254 : vector<16xi32>
          %and3A_256 = arith.constant 127 : i32
          %and3A_257 = vector.broadcast %and3A_256 : i32 to vector<16xi32>
          %and3A_258 = arith.andi %get3A_252, %and3A_257 : vector<16xi32>
          tpu.vector_store_idx %arg19[%shift_right_logical3A_255, %and3A_258], %broadcast_in_dim3A_15 {add = true} : memref<80x128xf32, #tpu.memory_space<vmem>>[vector<16xi32>, vector<16xi32>], vector<16xf32>,
          %get3A_259 = arith.constant 0 : i32
          %get3A_260 = arith.index_cast %get3A_259 : i32 to index
          %get3A_261 = arith.constant 112 : index
          %get3A_262 = tpu.vector_load %arg10[%get3A_260, %get3A_261] {strides = array<i32>} : memref<1x128xi32, #tpu.memory_space<vmem>>, vector<16xi32>,
          %shift_right_logical3A_263 = arith.constant 7 : i32
          %shift_right_logical3A_264 = vector.broadcast %shift_right_logical3A_263 : i32 to vector<16xi32>
          %shift_right_logical3A_265 = arith.shrui %get3A_262, %shift_right_logical3A_264 : vector<16xi32>
          %and3A_266 = arith.constant 127 : i32
          %and3A_267 = vector.broadcast %and3A_266 : i32 to vector<16xi32>
          %and3A_268 = arith.andi %get3A_262, %and3A_267 : vector<16xi32>
          tpu.vector_store_idx %arg19[%shift_right_logical3A_265, %and3A_268], %broadcast_in_dim3A_15 {add = true} : memref<80x128xf32, #tpu.memory_space<vmem>>[vector<16xi32>, vector<16xi32>], vector<16xf32>,
          %lt3A = arith.constant 143 : i32
          %lt3A_269 = arith.cmpi slt, %add3A_137, %lt3A : i32
          %convert_element_type3A_270 = arith.extui %lt3A_269 : i1 to i32
          %cond3A_271 = arith.constant 0 : i32
          %cond3A_272 = arith.cmpi ne, %convert_element_type3A_270, %cond3A_271 : i32
          scf.if %cond3A_272 {
            %add3A_273 = arith.addi %mul3A_27, %add3A_137 : i32
            %add3A_274 = arith.constant 1 : i32
            %add3A_275 = arith.addi %add3A_273, %add3A_274 : i32
            %dma_start3A_276 = arith.constant 0 : i32
            %dma_start3A_277 = tpu.memref_slice %arg3[%add3A_275, %dma_start3A_276] : memref<2560x128xi32, #tpu.memory_space<hbm>> -> memref<1x128xi32, #tpu.memory_space<hbm>>
            %dma_start3A_278 = arith.constant 0 : i32
            %dma_start3A_279 = tpu.memref_slice %arg3[%add3A_275, %dma_start3A_278] : memref<2560x128xi32, #tpu.memory_space<hbm>> -> memref<1x128xi32, #tpu.memory_space<hbm>>
            tpu.enqueue_dma source(%dma_start3A_279 : memref<1x128xi32, #tpu.memory_space<hbm>>) target(%arg8 : memref<1x128xi32, #tpu.memory_space<vmem>>) target_semaphore(%arg16 : memref<!tpu.dma_semaphore, #tpu.memory_space<semaphore_mem>>)
            %dma_start3A_280 = arith.constant 0 : i32
            %dma_start3A_281 = tpu.memref_slice %arg4[%add3A_275, %dma_start3A_280] : memref<2560x128xi32, #tpu.memory_space<hbm>> -> memref<1x128xi32, #tpu.memory_space<hbm>>
            %dma_start3A_282 = arith.constant 0 : i32
            %dma_start3A_283 = tpu.memref_slice %arg4[%add3A_275, %dma_start3A_282] : memref<2560x128xi32, #tpu.memory_space<hbm>> -> memref<1x128xi32, #tpu.memory_space<hbm>>
            tpu.enqueue_dma source(%dma_start3A_283 : memref<1x128xi32, #tpu.memory_space<hbm>>) target(%arg10 : memref<1x128xi32, #tpu.memory_space<vmem>>) target_semaphore(%arg16 : memref<!tpu.dma_semaphore, #tpu.memory_space<semaphore_mem>>)
          } else {
          }
        } else {
        }
        %add3A_158 = arith.constant 1 : i32
        %add3A_159 = arith.addi %add3A_137, %add3A_158 : i32
        %add3A_160 = arith.addi %mul3A_27, %add3A_159 : i32
        %dma_wait3A_161 = arith.constant 0 : i32
        %dma_wait3A_162 = tpu.memref_slice %arg3[%add3A_160, %dma_wait3A_161] : memref<2560x128xi32, #tpu.memory_space<hbm>> -> memref<1x128xi32, #tpu.memory_space<hbm>>
        %dma_wait3A_163 = arith.constant 0 : i32
        %dma_wait3A_164 = tpu.memref_slice %arg3[%add3A_160, %dma_wait3A_163] : memref<2560x128xi32, #tpu.memory_space<hbm>> -> memref<1x128xi32, #tpu.memory_space<hbm>>
        tpu.wait_dma2 semaphore(%arg16 : memref<!tpu.dma_semaphore, #tpu.memory_space<semaphore_mem>>) src(%dma_wait3A_164 : memref<1x128xi32, #tpu.memory_space<hbm>>) dst(%arg8 : memref<1x128xi32, #tpu.memory_space<vmem>>)
        %dma_wait3A_165 = arith.constant 0 : i32
        %dma_wait3A_166 = tpu.memref_slice %arg4[%add3A_160, %dma_wait3A_165] : memref<2560x128xi32, #tpu.memory_space<hbm>> -> memref<1x128xi32, #tpu.memory_space<hbm>>
        %dma_wait3A_167 = arith.constant 0 : i32
        %dma_wait3A_168 = tpu.memref_slice %arg4[%add3A_160, %dma_wait3A_167] : memref<2560x128xi32, #tpu.memory_space<hbm>> -> memref<1x128xi32, #tpu.memory_space<hbm>>
        tpu.wait_dma2 semaphore(%arg16 : memref<!tpu.dma_semaphore, #tpu.memory_space<semaphore_mem>>) src(%dma_wait3A_168 : memref<1x128xi32, #tpu.memory_space<hbm>>) dst(%arg10 : memref<1x128xi32, #tpu.memory_space<vmem>>)
        %dma_start3A_169 = arith.constant 0 : i32
        %dma_start3A_170 = arith.constant 0 : i32
        %dma_start3A_171 = tpu.memref_slice %arg8[%dma_start3A_169, %dma_start3A_170] : memref<1x128xi32, #tpu.memory_space<vmem>> -> memref<1x128xi32, #tpu.memory_space<vmem>>
        %dma_start3A_172 = tpu.memref_squeeze %dma_start3A_171 : memref<1x128xi32, #tpu.memory_space<vmem>> -> memref<128xi32, #tpu.memory_space<vmem>>
        %dma_start3A_173 = arith.constant 0 : i32
        %dma_start3A_174 = arith.constant 0 : i32
        %dma_start3A_175 = tpu.memref_slice %arg2[%dma_start3A_173, %dma_start3A_174] : memref<10000x128xf32, #tpu.memory_space<hbm>> -> memref<10000x128xf32, #tpu.memory_space<hbm>>
        tpu.enqueue_indirect_dma source(%dma_start3A_175 : memref<10000x128xf32, #tpu.memory_space<hbm>>) target(%arg12 : memref<128x128xf32, #tpu.memory_space<vmem>>) offsets(%dma_start3A_172 : memref<128xi32, #tpu.memory_space<vmem>>) semaphore(%arg18 : memref<!tpu.dma_semaphore, #tpu.memory_space<semaphore_mem>>)
        %gt3A_176 = arith.constant 0 : i32
        %gt3A_177 = arith.cmpi sgt, %add3A_159, %gt3A_176 : i32
        %convert_element_type3A_178 = arith.extui %gt3A_177 : i1 to i32
        %cond3A_179 = arith.constant 0 : i32
        %cond3A_180 = arith.cmpi ne, %convert_element_type3A_178, %cond3A_179 : i32
        scf.if %cond3A_180 {
          %dma_wait3A_181 = arith.constant 0 : i32
          %dma_wait3A_182 = arith.constant 0 : i32
          %dma_wait3A_183 = tpu.memref_slice %arg7[%dma_wait3A_181, %dma_wait3A_182] : memref<1x128xi32, #tpu.memory_space<vmem>> -> memref<1x128xi32, #tpu.memory_space<vmem>>
          %dma_wait3A_184 = tpu.memref_squeeze %dma_wait3A_183 : memref<1x128xi32, #tpu.memory_space<vmem>> -> memref<128xi32, #tpu.memory_space<vmem>>
          %dma_wait3A_185 = arith.constant 0 : i32
          %dma_wait3A_186 = arith.constant 0 : i32
          %dma_wait3A_187 = tpu.memref_slice %arg2[%dma_wait3A_185, %dma_wait3A_186] : memref<10000x128xf32, #tpu.memory_space<hbm>> -> memref<10000x128xf32, #tpu.memory_space<hbm>>
          tpu.wait_indirect_dma semaphore(%arg17 : memref<!tpu.dma_semaphore, #tpu.memory_space<semaphore_mem>>) src(%dma_wait3A_187 : memref<10000x128xf32, #tpu.memory_space<hbm>>) dst(%arg11 : memref<128x128xf32, #tpu.memory_space<vmem>>)
          %run_scoped3A_188 = arith.constant 0 : i32
          "tpu.region"() ({
            %run_scoped3A_273 = tpu.sem_alloc : memref<!tpu.dma_semaphore, #tpu.memory_space<semaphore_mem>>
            %dma_start3A_274 = arith.constant 0 : i32
            %dma_start3A_275 = tpu.memref_slice %arg9[%run_scoped3A_188, %dma_start3A_274] : memref<1x128xi32, #tpu.memory_space<vmem>> -> memref<1x128xi32, #tpu.memory_space<vmem>>
            %dma_start3A_276 = tpu.memref_squeeze %dma_start3A_275 : memref<1x128xi32, #tpu.memory_space<vmem>> -> memref<128xi32, #tpu.memory_space<vmem>>
            %dma_start3A_277 = arith.constant 0 : i32
            %dma_start3A_278 = arith.constant 0 : i32
            %dma_start3A_279 = tpu.memref_slice %arg14[%dma_start3A_277, %dma_start3A_278] : memref<10240x128xf32, #tpu.memory_space<vmem_shared>> -> memref<10240x128xf32, #tpu.memory_space<vmem_shared>>
            tpu.enqueue_indirect_dma source(%arg11 : memref<128x128xf32, #tpu.memory_space<vmem>>) target(%dma_start3A_279 : memref<10240x128xf32, #tpu.memory_space<vmem_shared>>) offsets(%dma_start3A_276 : memref<128xi32, #tpu.memory_space<vmem>>) semaphore(%run_scoped3A_273 : memref<!tpu.dma_semaphore, #tpu.memory_space<semaphore_mem>>) {add = true}
            %dma_wait3A_280 = arith.constant 0 : i32
            %dma_wait3A_281 = tpu.memref_slice %arg9[%run_scoped3A_188, %dma_wait3A_280] : memref<1x128xi32, #tpu.memory_space<vmem>> -> memref<1x128xi32, #tpu.memory_space<vmem>>
            %dma_wait3A_282 = tpu.memref_squeeze %dma_wait3A_281 : memref<1x128xi32, #tpu.memory_space<vmem>> -> memref<128xi32, #tpu.memory_space<vmem>>
            %dma_wait3A_283 = arith.constant 0 : i32
            %dma_wait3A_284 = arith.constant 0 : i32
            %dma_wait3A_285 = tpu.memref_slice %arg14[%dma_wait3A_283, %dma_wait3A_284] : memref<10240x128xf32, #tpu.memory_space<vmem_shared>> -> memref<10240x128xf32, #tpu.memory_space<vmem_shared>>
            tpu.wait_indirect_dma semaphore(%run_scoped3A_273 : memref<!tpu.dma_semaphore, #tpu.memory_space<semaphore_mem>>) src(%arg11 : memref<128x128xf32, #tpu.memory_space<vmem>>) dst(%dma_wait3A_285 : memref<10240x128xf32, #tpu.memory_space<vmem_shared>>)
            tpu.yield
          }) : () -> ()
          %get3A_189 = arith.constant 0 : i32
          %get3A_190 = arith.index_cast %get3A_189 : i32 to index
          %get3A_191 = arith.constant 0 : index
          %get3A_192 = tpu.vector_load %arg9[%get3A_190, %get3A_191] {strides = array<i32>} : memref<1x128xi32, #tpu.memory_space<vmem>>, vector<16xi32>,
          %shift_right_logical3A_193 = arith.constant 7 : i32
          %shift_right_logical3A_194 = vector.broadcast %shift_right_logical3A_193 : i32 to vector<16xi32>
          %shift_right_logical3A_195 = arith.shrui %get3A_192, %shift_right_logical3A_194 : vector<16xi32>
          %and3A_196 = arith.constant 127 : i32
          %and3A_197 = vector.broadcast %and3A_196 : i32 to vector<16xi32>
          %and3A_198 = arith.andi %get3A_192, %and3A_197 : vector<16xi32>
          tpu.vector_store_idx %arg19[%shift_right_logical3A_195, %and3A_198], %broadcast_in_dim3A_15 {add = true} : memref<80x128xf32, #tpu.memory_space<vmem>>[vector<16xi32>, vector<16xi32>], vector<16xf32>,
          %get3A_199 = arith.constant 0 : i32
          %get3A_200 = arith.index_cast %get3A_199 : i32 to index
          %get3A_201 = arith.constant 16 : index
          %get3A_202 = tpu.vector_load %arg9[%get3A_200, %get3A_201] {strides = array<i32>} : memref<1x128xi32, #tpu.memory_space<vmem>>, vector<16xi32>,
          %shift_right_logical3A_203 = arith.constant 7 : i32
          %shift_right_logical3A_204 = vector.broadcast %shift_right_logical3A_203 : i32 to vector<16xi32>
          %shift_right_logical3A_205 = arith.shrui %get3A_202, %shift_right_logical3A_204 : vector<16xi32>
          %and3A_206 = arith.constant 127 : i32
          %and3A_207 = vector.broadcast %and3A_206 : i32 to vector<16xi32>
          %and3A_208 = arith.andi %get3A_202, %and3A_207 : vector<16xi32>
          tpu.vector_store_idx %arg19[%shift_right_logical3A_205, %and3A_208], %broadcast_in_dim3A_15 {add = true} : memref<80x128xf32, #tpu.memory_space<vmem>>[vector<16xi32>, vector<16xi32>], vector<16xf32>,
          %get3A_209 = arith.constant 0 : i32
          %get3A_210 = arith.index_cast %get3A_209 : i32 to index
          %get3A_211 = arith.constant 32 : index
          %get3A_212 = tpu.vector_load %arg9[%get3A_210, %get3A_211] {strides = array<i32>} : memref<1x128xi32, #tpu.memory_space<vmem>>, vector<16xi32>,
          %shift_right_logical3A_213 = arith.constant 7 : i32
          %shift_right_logical3A_214 = vector.broadcast %shift_right_logical3A_213 : i32 to vector<16xi32>
          %shift_right_logical3A_215 = arith.shrui %get3A_212, %shift_right_logical3A_214 : vector<16xi32>
          %and3A_216 = arith.constant 127 : i32
          %and3A_217 = vector.broadcast %and3A_216 : i32 to vector<16xi32>
          %and3A_218 = arith.andi %get3A_212, %and3A_217 : vector<16xi32>
          tpu.vector_store_idx %arg19[%shift_right_logical3A_215, %and3A_218], %broadcast_in_dim3A_15 {add = true} : memref<80x128xf32, #tpu.memory_space<vmem>>[vector<16xi32>, vector<16xi32>], vector<16xf32>,
          %get3A_219 = arith.constant 0 : i32
          %get3A_220 = arith.index_cast %get3A_219 : i32 to index
          %get3A_221 = arith.constant 48 : index
          %get3A_222 = tpu.vector_load %arg9[%get3A_220, %get3A_221] {strides = array<i32>} : memref<1x128xi32, #tpu.memory_space<vmem>>, vector<16xi32>,
          %shift_right_logical3A_223 = arith.constant 7 : i32
          %shift_right_logical3A_224 = vector.broadcast %shift_right_logical3A_223 : i32 to vector<16xi32>
          %shift_right_logical3A_225 = arith.shrui %get3A_222, %shift_right_logical3A_224 : vector<16xi32>
          %and3A_226 = arith.constant 127 : i32
          %and3A_227 = vector.broadcast %and3A_226 : i32 to vector<16xi32>
          %and3A_228 = arith.andi %get3A_222, %and3A_227 : vector<16xi32>
          tpu.vector_store_idx %arg19[%shift_right_logical3A_225, %and3A_228], %broadcast_in_dim3A_15 {add = true} : memref<80x128xf32, #tpu.memory_space<vmem>>[vector<16xi32>, vector<16xi32>], vector<16xf32>,
          %get3A_229 = arith.constant 0 : i32
          %get3A_230 = arith.index_cast %get3A_229 : i32 to index
          %get3A_231 = arith.constant 64 : index
          %get3A_232 = tpu.vector_load %arg9[%get3A_230, %get3A_231] {strides = array<i32>} : memref<1x128xi32, #tpu.memory_space<vmem>>, vector<16xi32>,
          %shift_right_logical3A_233 = arith.constant 7 : i32
          %shift_right_logical3A_234 = vector.broadcast %shift_right_logical3A_233 : i32 to vector<16xi32>
          %shift_right_logical3A_235 = arith.shrui %get3A_232, %shift_right_logical3A_234 : vector<16xi32>
          %and3A_236 = arith.constant 127 : i32
          %and3A_237 = vector.broadcast %and3A_236 : i32 to vector<16xi32>
          %and3A_238 = arith.andi %get3A_232, %and3A_237 : vector<16xi32>
          tpu.vector_store_idx %arg19[%shift_right_logical3A_235, %and3A_238], %broadcast_in_dim3A_15 {add = true} : memref<80x128xf32, #tpu.memory_space<vmem>>[vector<16xi32>, vector<16xi32>], vector<16xf32>,
          %get3A_239 = arith.constant 0 : i32
          %get3A_240 = arith.index_cast %get3A_239 : i32 to index
          %get3A_241 = arith.constant 80 : index
          %get3A_242 = tpu.vector_load %arg9[%get3A_240, %get3A_241] {strides = array<i32>} : memref<1x128xi32, #tpu.memory_space<vmem>>, vector<16xi32>,
          %shift_right_logical3A_243 = arith.constant 7 : i32
          %shift_right_logical3A_244 = vector.broadcast %shift_right_logical3A_243 : i32 to vector<16xi32>
          %shift_right_logical3A_245 = arith.shrui %get3A_242, %shift_right_logical3A_244 : vector<16xi32>
          %and3A_246 = arith.constant 127 : i32
          %and3A_247 = vector.broadcast %and3A_246 : i32 to vector<16xi32>
          %and3A_248 = arith.andi %get3A_242, %and3A_247 : vector<16xi32>
          tpu.vector_store_idx %arg19[%shift_right_logical3A_245, %and3A_248], %broadcast_in_dim3A_15 {add = true} : memref<80x128xf32, #tpu.memory_space<vmem>>[vector<16xi32>, vector<16xi32>], vector<16xf32>,
          %get3A_249 = arith.constant 0 : i32
          %get3A_250 = arith.index_cast %get3A_249 : i32 to index
          %get3A_251 = arith.constant 96 : index
          %get3A_252 = tpu.vector_load %arg9[%get3A_250, %get3A_251] {strides = array<i32>} : memref<1x128xi32, #tpu.memory_space<vmem>>, vector<16xi32>,
          %shift_right_logical3A_253 = arith.constant 7 : i32
          %shift_right_logical3A_254 = vector.broadcast %shift_right_logical3A_253 : i32 to vector<16xi32>
          %shift_right_logical3A_255 = arith.shrui %get3A_252, %shift_right_logical3A_254 : vector<16xi32>
          %and3A_256 = arith.constant 127 : i32
          %and3A_257 = vector.broadcast %and3A_256 : i32 to vector<16xi32>
          %and3A_258 = arith.andi %get3A_252, %and3A_257 : vector<16xi32>
          tpu.vector_store_idx %arg19[%shift_right_logical3A_255, %and3A_258], %broadcast_in_dim3A_15 {add = true} : memref<80x128xf32, #tpu.memory_space<vmem>>[vector<16xi32>, vector<16xi32>], vector<16xf32>,
          %get3A_259 = arith.constant 0 : i32
          %get3A_260 = arith.index_cast %get3A_259 : i32 to index
          %get3A_261 = arith.constant 112 : index
          %get3A_262 = tpu.vector_load %arg9[%get3A_260, %get3A_261] {strides = array<i32>} : memref<1x128xi32, #tpu.memory_space<vmem>>, vector<16xi32>,
          %shift_right_logical3A_263 = arith.constant 7 : i32
          %shift_right_logical3A_264 = vector.broadcast %shift_right_logical3A_263 : i32 to vector<16xi32>
          %shift_right_logical3A_265 = arith.shrui %get3A_262, %shift_right_logical3A_264 : vector<16xi32>
          %and3A_266 = arith.constant 127 : i32
          %and3A_267 = vector.broadcast %and3A_266 : i32 to vector<16xi32>
          %and3A_268 = arith.andi %get3A_262, %and3A_267 : vector<16xi32>
          tpu.vector_store_idx %arg19[%shift_right_logical3A_265, %and3A_268], %broadcast_in_dim3A_15 {add = true} : memref<80x128xf32, #tpu.memory_space<vmem>>[vector<16xi32>, vector<16xi32>], vector<16xf32>,
          %lt3A = arith.constant 143 : i32
          %lt3A_269 = arith.cmpi slt, %add3A_159, %lt3A : i32
          %convert_element_type3A_270 = arith.extui %lt3A_269 : i1 to i32
          %cond3A_271 = arith.constant 0 : i32
          %cond3A_272 = arith.cmpi ne, %convert_element_type3A_270, %cond3A_271 : i32
          scf.if %cond3A_272 {
            %add3A_273 = arith.addi %mul3A_27, %add3A_159 : i32
            %add3A_274 = arith.constant 1 : i32
            %add3A_275 = arith.addi %add3A_273, %add3A_274 : i32
            %dma_start3A_276 = arith.constant 0 : i32
            %dma_start3A_277 = tpu.memref_slice %arg3[%add3A_275, %dma_start3A_276] : memref<2560x128xi32, #tpu.memory_space<hbm>> -> memref<1x128xi32, #tpu.memory_space<hbm>>
            %dma_start3A_278 = arith.constant 0 : i32
            %dma_start3A_279 = tpu.memref_slice %arg3[%add3A_275, %dma_start3A_278] : memref<2560x128xi32, #tpu.memory_space<hbm>> -> memref<1x128xi32, #tpu.memory_space<hbm>>
            tpu.enqueue_dma source(%dma_start3A_279 : memref<1x128xi32, #tpu.memory_space<hbm>>) target(%arg7 : memref<1x128xi32, #tpu.memory_space<vmem>>) target_semaphore(%arg15 : memref<!tpu.dma_semaphore, #tpu.memory_space<semaphore_mem>>)
            %dma_start3A_280 = arith.constant 0 : i32
            %dma_start3A_281 = tpu.memref_slice %arg4[%add3A_275, %dma_start3A_280] : memref<2560x128xi32, #tpu.memory_space<hbm>> -> memref<1x128xi32, #tpu.memory_space<hbm>>
            %dma_start3A_282 = arith.constant 0 : i32
            %dma_start3A_283 = tpu.memref_slice %arg4[%add3A_275, %dma_start3A_282] : memref<2560x128xi32, #tpu.memory_space<hbm>> -> memref<1x128xi32, #tpu.memory_space<hbm>>
            tpu.enqueue_dma source(%dma_start3A_283 : memref<1x128xi32, #tpu.memory_space<hbm>>) target(%arg9 : memref<1x128xi32, #tpu.memory_space<vmem>>) target_semaphore(%arg15 : memref<!tpu.dma_semaphore, #tpu.memory_space<semaphore_mem>>)
          } else {
          }
        } else {
        }
      }
      %scan3A_49 = arith.constant 72 : i32
      %dma_wait3A = arith.constant 0 : i32
      %dma_wait3A_50 = arith.constant 0 : i32
      %dma_wait3A_51 = tpu.memref_slice %arg8[%dma_wait3A, %dma_wait3A_50] : memref<1x128xi32, #tpu.memory_space<vmem>> -> memref<1x128xi32, #tpu.memory_space<vmem>>
      %dma_wait3A_52 = tpu.memref_squeeze %dma_wait3A_51 : memref<1x128xi32, #tpu.memory_space<vmem>> -> memref<128xi32, #tpu.memory_space<vmem>>
      %dma_wait3A_53 = arith.constant 0 : i32
      %dma_wait3A_54 = arith.constant 0 : i32
      %dma_wait3A_55 = tpu.memref_slice %arg2[%dma_wait3A_53, %dma_wait3A_54] : memref<10000x128xf32, #tpu.memory_space<hbm>> -> memref<10000x128xf32, #tpu.memory_space<hbm>>
      tpu.wait_indirect_dma semaphore(%arg18 : memref<!tpu.dma_semaphore, #tpu.memory_space<semaphore_mem>>) src(%dma_wait3A_55 : memref<10000x128xf32, #tpu.memory_space<hbm>>) dst(%arg12 : memref<128x128xf32, #tpu.memory_space<vmem>>)
      %run_scoped3A = arith.constant 0 : i32
      "tpu.region"() ({
        %run_scoped3A_133 = tpu.sem_alloc : memref<!tpu.dma_semaphore, #tpu.memory_space<semaphore_mem>>
        %dma_start3A_134 = arith.constant 0 : i32
        %dma_start3A_135 = tpu.memref_slice %arg10[%run_scoped3A, %dma_start3A_134] : memref<1x128xi32, #tpu.memory_space<vmem>> -> memref<1x128xi32, #tpu.memory_space<vmem>>
        %dma_start3A_136 = tpu.memref_squeeze %dma_start3A_135 : memref<1x128xi32, #tpu.memory_space<vmem>> -> memref<128xi32, #tpu.memory_space<vmem>>
        %dma_start3A_137 = arith.constant 0 : i32
        %dma_start3A_138 = arith.constant 0 : i32
        %dma_start3A_139 = tpu.memref_slice %arg14[%dma_start3A_137, %dma_start3A_138] : memref<10240x128xf32, #tpu.memory_space<vmem_shared>> -> memref<10240x128xf32, #tpu.memory_space<vmem_shared>>
        tpu.enqueue_indirect_dma source(%arg12 : memref<128x128xf32, #tpu.memory_space<vmem>>) target(%dma_start3A_139 : memref<10240x128xf32, #tpu.memory_space<vmem_shared>>) offsets(%dma_start3A_136 : memref<128xi32, #tpu.memory_space<vmem>>) semaphore(%run_scoped3A_133 : memref<!tpu.dma_semaphore, #tpu.memory_space<semaphore_mem>>) {add = true}
        %dma_wait3A_140 = arith.constant 0 : i32
        %dma_wait3A_141 = tpu.memref_slice %arg10[%run_scoped3A, %dma_wait3A_140] : memref<1x128xi32, #tpu.memory_space<vmem>> -> memref<1x128xi32, #tpu.memory_space<vmem>>
        %dma_wait3A_142 = tpu.memref_squeeze %dma_wait3A_141 : memref<1x128xi32, #tpu.memory_space<vmem>> -> memref<128xi32, #tpu.memory_space<vmem>>
        %dma_wait3A_143 = arith.constant 0 : i32
        %dma_wait3A_144 = arith.constant 0 : i32
        %dma_wait3A_145 = tpu.memref_slice %arg14[%dma_wait3A_143, %dma_wait3A_144] : memref<10240x128xf32, #tpu.memory_space<vmem_shared>> -> memref<10240x128xf32, #tpu.memory_space<vmem_shared>>
        tpu.wait_indirect_dma semaphore(%run_scoped3A_133 : memref<!tpu.dma_semaphore, #tpu.memory_space<semaphore_mem>>) src(%arg12 : memref<128x128xf32, #tpu.memory_space<vmem>>) dst(%dma_wait3A_145 : memref<10240x128xf32, #tpu.memory_space<vmem_shared>>)
        tpu.yield
      }) : () -> ()
      %get3A = arith.constant 0 : i32
      %get3A_56 = arith.index_cast %get3A : i32 to index
      %get3A_57 = arith.constant 0 : index
      %get3A_58 = tpu.vector_load %arg10[%get3A_56, %get3A_57] {strides = array<i32>} : memref<1x128xi32, #tpu.memory_space<vmem>>, vector<16xi32>,
      %shift_right_logical3A = arith.constant 7 : i32
      %shift_right_logical3A_59 = vector.broadcast %shift_right_logical3A : i32 to vector<16xi32>
      %shift_right_logical3A_60 = arith.shrui %get3A_58, %shift_right_logical3A_59 : vector<16xi32>
      %and3A = arith.constant 127 : i32
      %and3A_61 = vector.broadcast %and3A : i32 to vector<16xi32>
      %and3A_62 = arith.andi %get3A_58, %and3A_61 : vector<16xi32>
      tpu.vector_store_idx %arg19[%shift_right_logical3A_60, %and3A_62], %broadcast_in_dim3A_15 {add = true} : memref<80x128xf32, #tpu.memory_space<vmem>>[vector<16xi32>, vector<16xi32>], vector<16xf32>,
      %get3A_63 = arith.constant 0 : i32
      %get3A_64 = arith.index_cast %get3A_63 : i32 to index
      %get3A_65 = arith.constant 16 : index
      %get3A_66 = tpu.vector_load %arg10[%get3A_64, %get3A_65] {strides = array<i32>} : memref<1x128xi32, #tpu.memory_space<vmem>>, vector<16xi32>,
      %shift_right_logical3A_67 = arith.constant 7 : i32
      %shift_right_logical3A_68 = vector.broadcast %shift_right_logical3A_67 : i32 to vector<16xi32>
      %shift_right_logical3A_69 = arith.shrui %get3A_66, %shift_right_logical3A_68 : vector<16xi32>
      %and3A_70 = arith.constant 127 : i32
      %and3A_71 = vector.broadcast %and3A_70 : i32 to vector<16xi32>
      %and3A_72 = arith.andi %get3A_66, %and3A_71 : vector<16xi32>
      tpu.vector_store_idx %arg19[%shift_right_logical3A_69, %and3A_72], %broadcast_in_dim3A_15 {add = true} : memref<80x128xf32, #tpu.memory_space<vmem>>[vector<16xi32>, vector<16xi32>], vector<16xf32>,
      %get3A_73 = arith.constant 0 : i32
      %get3A_74 = arith.index_cast %get3A_73 : i32 to index
      %get3A_75 = arith.constant 32 : index
      %get3A_76 = tpu.vector_load %arg10[%get3A_74, %get3A_75] {strides = array<i32>} : memref<1x128xi32, #tpu.memory_space<vmem>>, vector<16xi32>,
      %shift_right_logical3A_77 = arith.constant 7 : i32
      %shift_right_logical3A_78 = vector.broadcast %shift_right_logical3A_77 : i32 to vector<16xi32>
      %shift_right_logical3A_79 = arith.shrui %get3A_76, %shift_right_logical3A_78 : vector<16xi32>
      %and3A_80 = arith.constant 127 : i32
      %and3A_81 = vector.broadcast %and3A_80 : i32 to vector<16xi32>
      %and3A_82 = arith.andi %get3A_76, %and3A_81 : vector<16xi32>
      tpu.vector_store_idx %arg19[%shift_right_logical3A_79, %and3A_82], %broadcast_in_dim3A_15 {add = true} : memref<80x128xf32, #tpu.memory_space<vmem>>[vector<16xi32>, vector<16xi32>], vector<16xf32>,
      %get3A_83 = arith.constant 0 : i32
      %get3A_84 = arith.index_cast %get3A_83 : i32 to index
      %get3A_85 = arith.constant 48 : index
      %get3A_86 = tpu.vector_load %arg10[%get3A_84, %get3A_85] {strides = array<i32>} : memref<1x128xi32, #tpu.memory_space<vmem>>, vector<16xi32>,
      %shift_right_logical3A_87 = arith.constant 7 : i32
      %shift_right_logical3A_88 = vector.broadcast %shift_right_logical3A_87 : i32 to vector<16xi32>
      %shift_right_logical3A_89 = arith.shrui %get3A_86, %shift_right_logical3A_88 : vector<16xi32>
      %and3A_90 = arith.constant 127 : i32
      %and3A_91 = vector.broadcast %and3A_90 : i32 to vector<16xi32>
      %and3A_92 = arith.andi %get3A_86, %and3A_91 : vector<16xi32>
      tpu.vector_store_idx %arg19[%shift_right_logical3A_89, %and3A_92], %broadcast_in_dim3A_15 {add = true} : memref<80x128xf32, #tpu.memory_space<vmem>>[vector<16xi32>, vector<16xi32>], vector<16xf32>,
      %get3A_93 = arith.constant 0 : i32
      %get3A_94 = arith.index_cast %get3A_93 : i32 to index
      %get3A_95 = arith.constant 64 : index
      %get3A_96 = tpu.vector_load %arg10[%get3A_94, %get3A_95] {strides = array<i32>} : memref<1x128xi32, #tpu.memory_space<vmem>>, vector<16xi32>,
      %shift_right_logical3A_97 = arith.constant 7 : i32
      %shift_right_logical3A_98 = vector.broadcast %shift_right_logical3A_97 : i32 to vector<16xi32>
      %shift_right_logical3A_99 = arith.shrui %get3A_96, %shift_right_logical3A_98 : vector<16xi32>
      %and3A_100 = arith.constant 127 : i32
      %and3A_101 = vector.broadcast %and3A_100 : i32 to vector<16xi32>
      %and3A_102 = arith.andi %get3A_96, %and3A_101 : vector<16xi32>
      tpu.vector_store_idx %arg19[%shift_right_logical3A_99, %and3A_102], %broadcast_in_dim3A_15 {add = true} : memref<80x128xf32, #tpu.memory_space<vmem>>[vector<16xi32>, vector<16xi32>], vector<16xf32>,
      %get3A_103 = arith.constant 0 : i32
      %get3A_104 = arith.index_cast %get3A_103 : i32 to index
      %get3A_105 = arith.constant 80 : index
      %get3A_106 = tpu.vector_load %arg10[%get3A_104, %get3A_105] {strides = array<i32>} : memref<1x128xi32, #tpu.memory_space<vmem>>, vector<16xi32>,
      %shift_right_logical3A_107 = arith.constant 7 : i32
      %shift_right_logical3A_108 = vector.broadcast %shift_right_logical3A_107 : i32 to vector<16xi32>
      %shift_right_logical3A_109 = arith.shrui %get3A_106, %shift_right_logical3A_108 : vector<16xi32>
      %and3A_110 = arith.constant 127 : i32
      %and3A_111 = vector.broadcast %and3A_110 : i32 to vector<16xi32>
      %and3A_112 = arith.andi %get3A_106, %and3A_111 : vector<16xi32>
      tpu.vector_store_idx %arg19[%shift_right_logical3A_109, %and3A_112], %broadcast_in_dim3A_15 {add = true} : memref<80x128xf32, #tpu.memory_space<vmem>>[vector<16xi32>, vector<16xi32>], vector<16xf32>,
      %get3A_113 = arith.constant 0 : i32
      %get3A_114 = arith.index_cast %get3A_113 : i32 to index
      %get3A_115 = arith.constant 96 : index
      %get3A_116 = tpu.vector_load %arg10[%get3A_114, %get3A_115] {strides = array<i32>} : memref<1x128xi32, #tpu.memory_space<vmem>>, vector<16xi32>,
      %shift_right_logical3A_117 = arith.constant 7 : i32
      %shift_right_logical3A_118 = vector.broadcast %shift_right_logical3A_117 : i32 to vector<16xi32>
      %shift_right_logical3A_119 = arith.shrui %get3A_116, %shift_right_logical3A_118 : vector<16xi32>
      %and3A_120 = arith.constant 127 : i32
      %and3A_121 = vector.broadcast %and3A_120 : i32 to vector<16xi32>
      %and3A_122 = arith.andi %get3A_116, %and3A_121 : vector<16xi32>
      tpu.vector_store_idx %arg19[%shift_right_logical3A_119, %and3A_122], %broadcast_in_dim3A_15 {add = true} : memref<80x128xf32, #tpu.memory_space<vmem>>[vector<16xi32>, vector<16xi32>], vector<16xf32>,
      %get3A_123 = arith.constant 0 : i32
      %get3A_124 = arith.index_cast %get3A_123 : i32 to index
      %get3A_125 = arith.constant 112 : index
      %get3A_126 = tpu.vector_load %arg10[%get3A_124, %get3A_125] {strides = array<i32>} : memref<1x128xi32, #tpu.memory_space<vmem>>, vector<16xi32>,
      %shift_right_logical3A_127 = arith.constant 7 : i32
      %shift_right_logical3A_128 = vector.broadcast %shift_right_logical3A_127 : i32 to vector<16xi32>
      %shift_right_logical3A_129 = arith.shrui %get3A_126, %shift_right_logical3A_128 : vector<16xi32>
      %and3A_130 = arith.constant 127 : i32
      %and3A_131 = vector.broadcast %and3A_130 : i32 to vector<16xi32>
      %and3A_132 = arith.andi %get3A_126, %and3A_131 : vector<16xi32>
      tpu.vector_store_idx %arg19[%shift_right_logical3A_129, %and3A_132], %broadcast_in_dim3A_15 {add = true} : memref<80x128xf32, #tpu.memory_space<vmem>>[vector<16xi32>, vector<16xi32>], vector<16xf32>,
    } else {
    }
    %eq3A_18 = arith.constant 1 : i32
    %eq3A_19 = arith.cmpi eq, %arg0, %eq3A_18 : i32
    %convert_element_type3A_20 = arith.extui %eq3A_19 : i1 to i32
    %cond3A_21 = arith.constant 0 : i32
    %cond3A_22 = arith.cmpi ne, %convert_element_type3A_20, %cond3A_21 : i32
    scf.if %cond3A_22 {
      %mul3A_26 = arith.constant 16 : i32
      %mul3A_27 = arith.muli %arg1, %mul3A_26 : i32
      %add3A_28 = arith.constant 2304 : i32
      %add3A_29 = arith.addi %add3A_28, %mul3A_27 : i32
      %dma_start3A = arith.constant 0 : i32
      %dma_start3A_30 = tpu.memref_slice %arg3[%add3A_29, %dma_start3A] : memref<2560x128xi32, #tpu.memory_space<hbm>> -> memref<1x128xi32, #tpu.memory_space<hbm>>
      %dma_start3A_31 = arith.constant 0 : i32
      %dma_start3A_32 = tpu.memref_slice %arg3[%add3A_29, %dma_start3A_31] : memref<2560x128xi32, #tpu.memory_space<hbm>> -> memref<1x128xi32, #tpu.memory_space<hbm>>
      tpu.enqueue_dma source(%dma_start3A_32 : memref<1x128xi32, #tpu.memory_space<hbm>>) target(%arg7 : memref<1x128xi32, #tpu.memory_space<vmem>>) target_semaphore(%arg15 : memref<!tpu.dma_semaphore, #tpu.memory_space<semaphore_mem>>)
      %dma_start3A_33 = arith.constant 0 : i32
      %dma_start3A_34 = tpu.memref_slice %arg4[%add3A_29, %dma_start3A_33] : memref<2560x128xi32, #tpu.memory_space<hbm>> -> memref<1x128xi32, #tpu.memory_space<hbm>>
      %dma_start3A_35 = arith.constant 0 : i32
      %dma_start3A_36 = tpu.memref_slice %arg4[%add3A_29, %dma_start3A_35] : memref<2560x128xi32, #tpu.memory_space<hbm>> -> memref<1x128xi32, #tpu.memory_space<hbm>>
      tpu.enqueue_dma source(%dma_start3A_36 : memref<1x128xi32, #tpu.memory_space<hbm>>) target(%arg9 : memref<1x128xi32, #tpu.memory_space<vmem>>) target_semaphore(%arg15 : memref<!tpu.dma_semaphore, #tpu.memory_space<semaphore_mem>>)
      %add3A_37 = arith.constant 1 : i32
      %add3A_38 = arith.addi %add3A_29, %add3A_37 : i32
      %dma_start3A_39 = arith.constant 0 : i32
      %dma_start3A_40 = tpu.memref_slice %arg3[%add3A_38, %dma_start3A_39] : memref<2560x128xi32, #tpu.memory_space<hbm>> -> memref<1x128xi32, #tpu.memory_space<hbm>>
      %dma_start3A_41 = arith.constant 0 : i32
      %dma_start3A_42 = tpu.memref_slice %arg3[%add3A_38, %dma_start3A_41] : memref<2560x128xi32, #tpu.memory_space<hbm>> -> memref<1x128xi32, #tpu.memory_space<hbm>>
      tpu.enqueue_dma source(%dma_start3A_42 : memref<1x128xi32, #tpu.memory_space<hbm>>) target(%arg8 : memref<1x128xi32, #tpu.memory_space<vmem>>) target_semaphore(%arg16 : memref<!tpu.dma_semaphore, #tpu.memory_space<semaphore_mem>>)
      %dma_start3A_43 = arith.constant 0 : i32
      %dma_start3A_44 = tpu.memref_slice %arg4[%add3A_38, %dma_start3A_43] : memref<2560x128xi32, #tpu.memory_space<hbm>> -> memref<1x128xi32, #tpu.memory_space<hbm>>
      %dma_start3A_45 = arith.constant 0 : i32
      %dma_start3A_46 = tpu.memref_slice %arg4[%add3A_38, %dma_start3A_45] : memref<2560x128xi32, #tpu.memory_space<hbm>> -> memref<1x128xi32, #tpu.memory_space<hbm>>
      tpu.enqueue_dma source(%dma_start3A_46 : memref<1x128xi32, #tpu.memory_space<hbm>>) target(%arg10 : memref<1x128xi32, #tpu.memory_space<vmem>>) target_semaphore(%arg16 : memref<!tpu.dma_semaphore, #tpu.memory_space<semaphore_mem>>)
      %scan3A_47 = arith.constant 0 : i32
      %scan3A_48 = arith.constant 8 : i32
      %scan3A_49 = arith.addi %scan3A_47, %scan3A_48 : i32
      %scan3A_50 = arith.constant 1 : i32
      scf.for %scan3A_135 = %scan3A_47 to %scan3A_49 step %scan3A_50  : i32 {
        %mul3A_136 = arith.constant 2 : i32
        %mul3A_137 = arith.muli %scan3A_135, %mul3A_136 : i32
        %add3A_138 = arith.constant 0 : i32
        %add3A_139 = arith.addi %add3A_138, %mul3A_137 : i32
        %add3A_140 = arith.addi %add3A_29, %add3A_139 : i32
        %dma_wait3A_141 = arith.constant 0 : i32
        %dma_wait3A_142 = tpu.memref_slice %arg3[%add3A_140, %dma_wait3A_141] : memref<2560x128xi32, #tpu.memory_space<hbm>> -> memref<1x128xi32, #tpu.memory_space<hbm>>
        %dma_wait3A_143 = arith.constant 0 : i32
        %dma_wait3A_144 = tpu.memref_slice %arg3[%add3A_140, %dma_wait3A_143] : memref<2560x128xi32, #tpu.memory_space<hbm>> -> memref<1x128xi32, #tpu.memory_space<hbm>>
        tpu.wait_dma2 semaphore(%arg15 : memref<!tpu.dma_semaphore, #tpu.memory_space<semaphore_mem>>) src(%dma_wait3A_144 : memref<1x128xi32, #tpu.memory_space<hbm>>) dst(%arg7 : memref<1x128xi32, #tpu.memory_space<vmem>>)
        %dma_wait3A_145 = arith.constant 0 : i32
        %dma_wait3A_146 = tpu.memref_slice %arg4[%add3A_140, %dma_wait3A_145] : memref<2560x128xi32, #tpu.memory_space<hbm>> -> memref<1x128xi32, #tpu.memory_space<hbm>>
        %dma_wait3A_147 = arith.constant 0 : i32
        %dma_wait3A_148 = tpu.memref_slice %arg4[%add3A_140, %dma_wait3A_147] : memref<2560x128xi32, #tpu.memory_space<hbm>> -> memref<1x128xi32, #tpu.memory_space<hbm>>
        tpu.wait_dma2 semaphore(%arg15 : memref<!tpu.dma_semaphore, #tpu.memory_space<semaphore_mem>>) src(%dma_wait3A_148 : memref<1x128xi32, #tpu.memory_space<hbm>>) dst(%arg9 : memref<1x128xi32, #tpu.memory_space<vmem>>)
        %dma_start3A_149 = arith.constant 0 : i32
        %dma_start3A_150 = arith.constant 0 : i32
        %dma_start3A_151 = tpu.memref_slice %arg7[%dma_start3A_149, %dma_start3A_150] : memref<1x128xi32, #tpu.memory_space<vmem>> -> memref<1x128xi32, #tpu.memory_space<vmem>>
        %dma_start3A_152 = tpu.memref_squeeze %dma_start3A_151 : memref<1x128xi32, #tpu.memory_space<vmem>> -> memref<128xi32, #tpu.memory_space<vmem>>
        %dma_start3A_153 = arith.constant 0 : i32
        %dma_start3A_154 = arith.constant 0 : i32
        %dma_start3A_155 = tpu.memref_slice %arg2[%dma_start3A_153, %dma_start3A_154] : memref<10000x128xf32, #tpu.memory_space<hbm>> -> memref<10000x128xf32, #tpu.memory_space<hbm>>
        tpu.enqueue_indirect_dma source(%dma_start3A_155 : memref<10000x128xf32, #tpu.memory_space<hbm>>) target(%arg11 : memref<128x128xf32, #tpu.memory_space<vmem>>) offsets(%dma_start3A_152 : memref<128xi32, #tpu.memory_space<vmem>>) semaphore(%arg17 : memref<!tpu.dma_semaphore, #tpu.memory_space<semaphore_mem>>)
        %gt3A = arith.constant 0 : i32
        %gt3A_156 = arith.cmpi sgt, %add3A_139, %gt3A : i32
        %convert_element_type3A_157 = arith.extui %gt3A_156 : i1 to i32
        %cond3A_158 = arith.constant 0 : i32
        %cond3A_159 = arith.cmpi ne, %convert_element_type3A_157, %cond3A_158 : i32
        scf.if %cond3A_159 {
          %dma_wait3A_183 = arith.constant 0 : i32
          %dma_wait3A_184 = arith.constant 0 : i32
          %dma_wait3A_185 = tpu.memref_slice %arg8[%dma_wait3A_183, %dma_wait3A_184] : memref<1x128xi32, #tpu.memory_space<vmem>> -> memref<1x128xi32, #tpu.memory_space<vmem>>
          %dma_wait3A_186 = tpu.memref_squeeze %dma_wait3A_185 : memref<1x128xi32, #tpu.memory_space<vmem>> -> memref<128xi32, #tpu.memory_space<vmem>>
          %dma_wait3A_187 = arith.constant 0 : i32
          %dma_wait3A_188 = arith.constant 0 : i32
          %dma_wait3A_189 = tpu.memref_slice %arg2[%dma_wait3A_187, %dma_wait3A_188] : memref<10000x128xf32, #tpu.memory_space<hbm>> -> memref<10000x128xf32, #tpu.memory_space<hbm>>
          tpu.wait_indirect_dma semaphore(%arg18 : memref<!tpu.dma_semaphore, #tpu.memory_space<semaphore_mem>>) src(%dma_wait3A_189 : memref<10000x128xf32, #tpu.memory_space<hbm>>) dst(%arg12 : memref<128x128xf32, #tpu.memory_space<vmem>>)
          %run_scoped3A_190 = arith.constant 0 : i32
          "tpu.region"() ({
            %run_scoped3A_275 = tpu.sem_alloc : memref<!tpu.dma_semaphore, #tpu.memory_space<semaphore_mem>>
            %dma_start3A_276 = arith.constant 0 : i32
            %dma_start3A_277 = tpu.memref_slice %arg10[%run_scoped3A_190, %dma_start3A_276] : memref<1x128xi32, #tpu.memory_space<vmem>> -> memref<1x128xi32, #tpu.memory_space<vmem>>
            %dma_start3A_278 = tpu.memref_squeeze %dma_start3A_277 : memref<1x128xi32, #tpu.memory_space<vmem>> -> memref<128xi32, #tpu.memory_space<vmem>>
            %dma_start3A_279 = arith.constant 0 : i32
            %dma_start3A_280 = arith.constant 0 : i32
            %dma_start3A_281 = tpu.memref_slice %arg14[%dma_start3A_279, %dma_start3A_280] : memref<10240x128xf32, #tpu.memory_space<vmem_shared>> -> memref<10240x128xf32, #tpu.memory_space<vmem_shared>>
            tpu.enqueue_indirect_dma source(%arg12 : memref<128x128xf32, #tpu.memory_space<vmem>>) target(%dma_start3A_281 : memref<10240x128xf32, #tpu.memory_space<vmem_shared>>) offsets(%dma_start3A_278 : memref<128xi32, #tpu.memory_space<vmem>>) semaphore(%run_scoped3A_275 : memref<!tpu.dma_semaphore, #tpu.memory_space<semaphore_mem>>) {add = true}
            %dma_wait3A_282 = arith.constant 0 : i32
            %dma_wait3A_283 = tpu.memref_slice %arg10[%run_scoped3A_190, %dma_wait3A_282] : memref<1x128xi32, #tpu.memory_space<vmem>> -> memref<1x128xi32, #tpu.memory_space<vmem>>
            %dma_wait3A_284 = tpu.memref_squeeze %dma_wait3A_283 : memref<1x128xi32, #tpu.memory_space<vmem>> -> memref<128xi32, #tpu.memory_space<vmem>>
            %dma_wait3A_285 = arith.constant 0 : i32
            %dma_wait3A_286 = arith.constant 0 : i32
            %dma_wait3A_287 = tpu.memref_slice %arg14[%dma_wait3A_285, %dma_wait3A_286] : memref<10240x128xf32, #tpu.memory_space<vmem_shared>> -> memref<10240x128xf32, #tpu.memory_space<vmem_shared>>
            tpu.wait_indirect_dma semaphore(%run_scoped3A_275 : memref<!tpu.dma_semaphore, #tpu.memory_space<semaphore_mem>>) src(%arg12 : memref<128x128xf32, #tpu.memory_space<vmem>>) dst(%dma_wait3A_287 : memref<10240x128xf32, #tpu.memory_space<vmem_shared>>)
            tpu.yield
          }) : () -> ()
          %get3A_191 = arith.constant 0 : i32
          %get3A_192 = arith.index_cast %get3A_191 : i32 to index
          %get3A_193 = arith.constant 0 : index
          %get3A_194 = tpu.vector_load %arg10[%get3A_192, %get3A_193] {strides = array<i32>} : memref<1x128xi32, #tpu.memory_space<vmem>>, vector<16xi32>,
          %shift_right_logical3A_195 = arith.constant 7 : i32
          %shift_right_logical3A_196 = vector.broadcast %shift_right_logical3A_195 : i32 to vector<16xi32>
          %shift_right_logical3A_197 = arith.shrui %get3A_194, %shift_right_logical3A_196 : vector<16xi32>
          %and3A_198 = arith.constant 127 : i32
          %and3A_199 = vector.broadcast %and3A_198 : i32 to vector<16xi32>
          %and3A_200 = arith.andi %get3A_194, %and3A_199 : vector<16xi32>
          tpu.vector_store_idx %arg19[%shift_right_logical3A_197, %and3A_200], %broadcast_in_dim3A_15 {add = true} : memref<80x128xf32, #tpu.memory_space<vmem>>[vector<16xi32>, vector<16xi32>], vector<16xf32>,
          %get3A_201 = arith.constant 0 : i32
          %get3A_202 = arith.index_cast %get3A_201 : i32 to index
          %get3A_203 = arith.constant 16 : index
          %get3A_204 = tpu.vector_load %arg10[%get3A_202, %get3A_203] {strides = array<i32>} : memref<1x128xi32, #tpu.memory_space<vmem>>, vector<16xi32>,
          %shift_right_logical3A_205 = arith.constant 7 : i32
          %shift_right_logical3A_206 = vector.broadcast %shift_right_logical3A_205 : i32 to vector<16xi32>
          %shift_right_logical3A_207 = arith.shrui %get3A_204, %shift_right_logical3A_206 : vector<16xi32>
          %and3A_208 = arith.constant 127 : i32
          %and3A_209 = vector.broadcast %and3A_208 : i32 to vector<16xi32>
          %and3A_210 = arith.andi %get3A_204, %and3A_209 : vector<16xi32>
          tpu.vector_store_idx %arg19[%shift_right_logical3A_207, %and3A_210], %broadcast_in_dim3A_15 {add = true} : memref<80x128xf32, #tpu.memory_space<vmem>>[vector<16xi32>, vector<16xi32>], vector<16xf32>,
          %get3A_211 = arith.constant 0 : i32
          %get3A_212 = arith.index_cast %get3A_211 : i32 to index
          %get3A_213 = arith.constant 32 : index
          %get3A_214 = tpu.vector_load %arg10[%get3A_212, %get3A_213] {strides = array<i32>} : memref<1x128xi32, #tpu.memory_space<vmem>>, vector<16xi32>,
          %shift_right_logical3A_215 = arith.constant 7 : i32
          %shift_right_logical3A_216 = vector.broadcast %shift_right_logical3A_215 : i32 to vector<16xi32>
          %shift_right_logical3A_217 = arith.shrui %get3A_214, %shift_right_logical3A_216 : vector<16xi32>
          %and3A_218 = arith.constant 127 : i32
          %and3A_219 = vector.broadcast %and3A_218 : i32 to vector<16xi32>
          %and3A_220 = arith.andi %get3A_214, %and3A_219 : vector<16xi32>
          tpu.vector_store_idx %arg19[%shift_right_logical3A_217, %and3A_220], %broadcast_in_dim3A_15 {add = true} : memref<80x128xf32, #tpu.memory_space<vmem>>[vector<16xi32>, vector<16xi32>], vector<16xf32>,
          %get3A_221 = arith.constant 0 : i32
          %get3A_222 = arith.index_cast %get3A_221 : i32 to index
          %get3A_223 = arith.constant 48 : index
          %get3A_224 = tpu.vector_load %arg10[%get3A_222, %get3A_223] {strides = array<i32>} : memref<1x128xi32, #tpu.memory_space<vmem>>, vector<16xi32>,
          %shift_right_logical3A_225 = arith.constant 7 : i32
          %shift_right_logical3A_226 = vector.broadcast %shift_right_logical3A_225 : i32 to vector<16xi32>
          %shift_right_logical3A_227 = arith.shrui %get3A_224, %shift_right_logical3A_226 : vector<16xi32>
          %and3A_228 = arith.constant 127 : i32
          %and3A_229 = vector.broadcast %and3A_228 : i32 to vector<16xi32>
          %and3A_230 = arith.andi %get3A_224, %and3A_229 : vector<16xi32>
          tpu.vector_store_idx %arg19[%shift_right_logical3A_227, %and3A_230], %broadcast_in_dim3A_15 {add = true} : memref<80x128xf32, #tpu.memory_space<vmem>>[vector<16xi32>, vector<16xi32>], vector<16xf32>,
          %get3A_231 = arith.constant 0 : i32
          %get3A_232 = arith.index_cast %get3A_231 : i32 to index
          %get3A_233 = arith.constant 64 : index
          %get3A_234 = tpu.vector_load %arg10[%get3A_232, %get3A_233] {strides = array<i32>} : memref<1x128xi32, #tpu.memory_space<vmem>>, vector<16xi32>,
          %shift_right_logical3A_235 = arith.constant 7 : i32
          %shift_right_logical3A_236 = vector.broadcast %shift_right_logical3A_235 : i32 to vector<16xi32>
          %shift_right_logical3A_237 = arith.shrui %get3A_234, %shift_right_logical3A_236 : vector<16xi32>
          %and3A_238 = arith.constant 127 : i32
          %and3A_239 = vector.broadcast %and3A_238 : i32 to vector<16xi32>
          %and3A_240 = arith.andi %get3A_234, %and3A_239 : vector<16xi32>
          tpu.vector_store_idx %arg19[%shift_right_logical3A_237, %and3A_240], %broadcast_in_dim3A_15 {add = true} : memref<80x128xf32, #tpu.memory_space<vmem>>[vector<16xi32>, vector<16xi32>], vector<16xf32>,
          %get3A_241 = arith.constant 0 : i32
          %get3A_242 = arith.index_cast %get3A_241 : i32 to index
          %get3A_243 = arith.constant 80 : index
          %get3A_244 = tpu.vector_load %arg10[%get3A_242, %get3A_243] {strides = array<i32>} : memref<1x128xi32, #tpu.memory_space<vmem>>, vector<16xi32>,
          %shift_right_logical3A_245 = arith.constant 7 : i32
          %shift_right_logical3A_246 = vector.broadcast %shift_right_logical3A_245 : i32 to vector<16xi32>
          %shift_right_logical3A_247 = arith.shrui %get3A_244, %shift_right_logical3A_246 : vector<16xi32>
          %and3A_248 = arith.constant 127 : i32
          %and3A_249 = vector.broadcast %and3A_248 : i32 to vector<16xi32>
          %and3A_250 = arith.andi %get3A_244, %and3A_249 : vector<16xi32>
          tpu.vector_store_idx %arg19[%shift_right_logical3A_247, %and3A_250], %broadcast_in_dim3A_15 {add = true} : memref<80x128xf32, #tpu.memory_space<vmem>>[vector<16xi32>, vector<16xi32>], vector<16xf32>,
          %get3A_251 = arith.constant 0 : i32
          %get3A_252 = arith.index_cast %get3A_251 : i32 to index
          %get3A_253 = arith.constant 96 : index
          %get3A_254 = tpu.vector_load %arg10[%get3A_252, %get3A_253] {strides = array<i32>} : memref<1x128xi32, #tpu.memory_space<vmem>>, vector<16xi32>,
          %shift_right_logical3A_255 = arith.constant 7 : i32
          %shift_right_logical3A_256 = vector.broadcast %shift_right_logical3A_255 : i32 to vector<16xi32>
          %shift_right_logical3A_257 = arith.shrui %get3A_254, %shift_right_logical3A_256 : vector<16xi32>
          %and3A_258 = arith.constant 127 : i32
          %and3A_259 = vector.broadcast %and3A_258 : i32 to vector<16xi32>
          %and3A_260 = arith.andi %get3A_254, %and3A_259 : vector<16xi32>
          tpu.vector_store_idx %arg19[%shift_right_logical3A_257, %and3A_260], %broadcast_in_dim3A_15 {add = true} : memref<80x128xf32, #tpu.memory_space<vmem>>[vector<16xi32>, vector<16xi32>], vector<16xf32>,
          %get3A_261 = arith.constant 0 : i32
          %get3A_262 = arith.index_cast %get3A_261 : i32 to index
          %get3A_263 = arith.constant 112 : index
          %get3A_264 = tpu.vector_load %arg10[%get3A_262, %get3A_263] {strides = array<i32>} : memref<1x128xi32, #tpu.memory_space<vmem>>, vector<16xi32>,
          %shift_right_logical3A_265 = arith.constant 7 : i32
          %shift_right_logical3A_266 = vector.broadcast %shift_right_logical3A_265 : i32 to vector<16xi32>
          %shift_right_logical3A_267 = arith.shrui %get3A_264, %shift_right_logical3A_266 : vector<16xi32>
          %and3A_268 = arith.constant 127 : i32
          %and3A_269 = vector.broadcast %and3A_268 : i32 to vector<16xi32>
          %and3A_270 = arith.andi %get3A_264, %and3A_269 : vector<16xi32>
          tpu.vector_store_idx %arg19[%shift_right_logical3A_267, %and3A_270], %broadcast_in_dim3A_15 {add = true} : memref<80x128xf32, #tpu.memory_space<vmem>>[vector<16xi32>, vector<16xi32>], vector<16xf32>,
          %lt3A = arith.constant 15 : i32
          %lt3A_271 = arith.cmpi slt, %add3A_139, %lt3A : i32
          %convert_element_type3A_272 = arith.extui %lt3A_271 : i1 to i32
          %cond3A_273 = arith.constant 0 : i32
          %cond3A_274 = arith.cmpi ne, %convert_element_type3A_272, %cond3A_273 : i32
          scf.if %cond3A_274 {
            %add3A_275 = arith.addi %add3A_29, %add3A_139 : i32
            %add3A_276 = arith.constant 1 : i32
            %add3A_277 = arith.addi %add3A_275, %add3A_276 : i32
            %dma_start3A_278 = arith.constant 0 : i32
            %dma_start3A_279 = tpu.memref_slice %arg3[%add3A_277, %dma_start3A_278] : memref<2560x128xi32, #tpu.memory_space<hbm>> -> memref<1x128xi32, #tpu.memory_space<hbm>>
            %dma_start3A_280 = arith.constant 0 : i32
            %dma_start3A_281 = tpu.memref_slice %arg3[%add3A_277, %dma_start3A_280] : memref<2560x128xi32, #tpu.memory_space<hbm>> -> memref<1x128xi32, #tpu.memory_space<hbm>>
            tpu.enqueue_dma source(%dma_start3A_281 : memref<1x128xi32, #tpu.memory_space<hbm>>) target(%arg8 : memref<1x128xi32, #tpu.memory_space<vmem>>) target_semaphore(%arg16 : memref<!tpu.dma_semaphore, #tpu.memory_space<semaphore_mem>>)
            %dma_start3A_282 = arith.constant 0 : i32
            %dma_start3A_283 = tpu.memref_slice %arg4[%add3A_277, %dma_start3A_282] : memref<2560x128xi32, #tpu.memory_space<hbm>> -> memref<1x128xi32, #tpu.memory_space<hbm>>
            %dma_start3A_284 = arith.constant 0 : i32
            %dma_start3A_285 = tpu.memref_slice %arg4[%add3A_277, %dma_start3A_284] : memref<2560x128xi32, #tpu.memory_space<hbm>> -> memref<1x128xi32, #tpu.memory_space<hbm>>
            tpu.enqueue_dma source(%dma_start3A_285 : memref<1x128xi32, #tpu.memory_space<hbm>>) target(%arg10 : memref<1x128xi32, #tpu.memory_space<vmem>>) target_semaphore(%arg16 : memref<!tpu.dma_semaphore, #tpu.memory_space<semaphore_mem>>)
          } else {
          }
        } else {
        }
        %add3A_160 = arith.constant 1 : i32
        %add3A_161 = arith.addi %add3A_139, %add3A_160 : i32
        %add3A_162 = arith.addi %add3A_29, %add3A_161 : i32
        %dma_wait3A_163 = arith.constant 0 : i32
        %dma_wait3A_164 = tpu.memref_slice %arg3[%add3A_162, %dma_wait3A_163] : memref<2560x128xi32, #tpu.memory_space<hbm>> -> memref<1x128xi32, #tpu.memory_space<hbm>>
        %dma_wait3A_165 = arith.constant 0 : i32
        %dma_wait3A_166 = tpu.memref_slice %arg3[%add3A_162, %dma_wait3A_165] : memref<2560x128xi32, #tpu.memory_space<hbm>> -> memref<1x128xi32, #tpu.memory_space<hbm>>
        tpu.wait_dma2 semaphore(%arg16 : memref<!tpu.dma_semaphore, #tpu.memory_space<semaphore_mem>>) src(%dma_wait3A_166 : memref<1x128xi32, #tpu.memory_space<hbm>>) dst(%arg8 : memref<1x128xi32, #tpu.memory_space<vmem>>)
        %dma_wait3A_167 = arith.constant 0 : i32
        %dma_wait3A_168 = tpu.memref_slice %arg4[%add3A_162, %dma_wait3A_167] : memref<2560x128xi32, #tpu.memory_space<hbm>> -> memref<1x128xi32, #tpu.memory_space<hbm>>
        %dma_wait3A_169 = arith.constant 0 : i32
        %dma_wait3A_170 = tpu.memref_slice %arg4[%add3A_162, %dma_wait3A_169] : memref<2560x128xi32, #tpu.memory_space<hbm>> -> memref<1x128xi32, #tpu.memory_space<hbm>>
        tpu.wait_dma2 semaphore(%arg16 : memref<!tpu.dma_semaphore, #tpu.memory_space<semaphore_mem>>) src(%dma_wait3A_170 : memref<1x128xi32, #tpu.memory_space<hbm>>) dst(%arg10 : memref<1x128xi32, #tpu.memory_space<vmem>>)
        %dma_start3A_171 = arith.constant 0 : i32
        %dma_start3A_172 = arith.constant 0 : i32
        %dma_start3A_173 = tpu.memref_slice %arg8[%dma_start3A_171, %dma_start3A_172] : memref<1x128xi32, #tpu.memory_space<vmem>> -> memref<1x128xi32, #tpu.memory_space<vmem>>
        %dma_start3A_174 = tpu.memref_squeeze %dma_start3A_173 : memref<1x128xi32, #tpu.memory_space<vmem>> -> memref<128xi32, #tpu.memory_space<vmem>>
        %dma_start3A_175 = arith.constant 0 : i32
        %dma_start3A_176 = arith.constant 0 : i32
        %dma_start3A_177 = tpu.memref_slice %arg2[%dma_start3A_175, %dma_start3A_176] : memref<10000x128xf32, #tpu.memory_space<hbm>> -> memref<10000x128xf32, #tpu.memory_space<hbm>>
        tpu.enqueue_indirect_dma source(%dma_start3A_177 : memref<10000x128xf32, #tpu.memory_space<hbm>>) target(%arg12 : memref<128x128xf32, #tpu.memory_space<vmem>>) offsets(%dma_start3A_174 : memref<128xi32, #tpu.memory_space<vmem>>) semaphore(%arg18 : memref<!tpu.dma_semaphore, #tpu.memory_space<semaphore_mem>>)
        %gt3A_178 = arith.constant 0 : i32
        %gt3A_179 = arith.cmpi sgt, %add3A_161, %gt3A_178 : i32
        %convert_element_type3A_180 = arith.extui %gt3A_179 : i1 to i32
        %cond3A_181 = arith.constant 0 : i32
        %cond3A_182 = arith.cmpi ne, %convert_element_type3A_180, %cond3A_181 : i32
        scf.if %cond3A_182 {
          %dma_wait3A_183 = arith.constant 0 : i32
          %dma_wait3A_184 = arith.constant 0 : i32
          %dma_wait3A_185 = tpu.memref_slice %arg7[%dma_wait3A_183, %dma_wait3A_184] : memref<1x128xi32, #tpu.memory_space<vmem>> -> memref<1x128xi32, #tpu.memory_space<vmem>>
          %dma_wait3A_186 = tpu.memref_squeeze %dma_wait3A_185 : memref<1x128xi32, #tpu.memory_space<vmem>> -> memref<128xi32, #tpu.memory_space<vmem>>
          %dma_wait3A_187 = arith.constant 0 : i32
          %dma_wait3A_188 = arith.constant 0 : i32
          %dma_wait3A_189 = tpu.memref_slice %arg2[%dma_wait3A_187, %dma_wait3A_188] : memref<10000x128xf32, #tpu.memory_space<hbm>> -> memref<10000x128xf32, #tpu.memory_space<hbm>>
          tpu.wait_indirect_dma semaphore(%arg17 : memref<!tpu.dma_semaphore, #tpu.memory_space<semaphore_mem>>) src(%dma_wait3A_189 : memref<10000x128xf32, #tpu.memory_space<hbm>>) dst(%arg11 : memref<128x128xf32, #tpu.memory_space<vmem>>)
          %run_scoped3A_190 = arith.constant 0 : i32
          "tpu.region"() ({
            %run_scoped3A_275 = tpu.sem_alloc : memref<!tpu.dma_semaphore, #tpu.memory_space<semaphore_mem>>
            %dma_start3A_276 = arith.constant 0 : i32
            %dma_start3A_277 = tpu.memref_slice %arg9[%run_scoped3A_190, %dma_start3A_276] : memref<1x128xi32, #tpu.memory_space<vmem>> -> memref<1x128xi32, #tpu.memory_space<vmem>>
            %dma_start3A_278 = tpu.memref_squeeze %dma_start3A_277 : memref<1x128xi32, #tpu.memory_space<vmem>> -> memref<128xi32, #tpu.memory_space<vmem>>
            %dma_start3A_279 = arith.constant 0 : i32
            %dma_start3A_280 = arith.constant 0 : i32
            %dma_start3A_281 = tpu.memref_slice %arg14[%dma_start3A_279, %dma_start3A_280] : memref<10240x128xf32, #tpu.memory_space<vmem_shared>> -> memref<10240x128xf32, #tpu.memory_space<vmem_shared>>
            tpu.enqueue_indirect_dma source(%arg11 : memref<128x128xf32, #tpu.memory_space<vmem>>) target(%dma_start3A_281 : memref<10240x128xf32, #tpu.memory_space<vmem_shared>>) offsets(%dma_start3A_278 : memref<128xi32, #tpu.memory_space<vmem>>) semaphore(%run_scoped3A_275 : memref<!tpu.dma_semaphore, #tpu.memory_space<semaphore_mem>>) {add = true}
            %dma_wait3A_282 = arith.constant 0 : i32
            %dma_wait3A_283 = tpu.memref_slice %arg9[%run_scoped3A_190, %dma_wait3A_282] : memref<1x128xi32, #tpu.memory_space<vmem>> -> memref<1x128xi32, #tpu.memory_space<vmem>>
            %dma_wait3A_284 = tpu.memref_squeeze %dma_wait3A_283 : memref<1x128xi32, #tpu.memory_space<vmem>> -> memref<128xi32, #tpu.memory_space<vmem>>
            %dma_wait3A_285 = arith.constant 0 : i32
            %dma_wait3A_286 = arith.constant 0 : i32
            %dma_wait3A_287 = tpu.memref_slice %arg14[%dma_wait3A_285, %dma_wait3A_286] : memref<10240x128xf32, #tpu.memory_space<vmem_shared>> -> memref<10240x128xf32, #tpu.memory_space<vmem_shared>>
            tpu.wait_indirect_dma semaphore(%run_scoped3A_275 : memref<!tpu.dma_semaphore, #tpu.memory_space<semaphore_mem>>) src(%arg11 : memref<128x128xf32, #tpu.memory_space<vmem>>) dst(%dma_wait3A_287 : memref<10240x128xf32, #tpu.memory_space<vmem_shared>>)
            tpu.yield
          }) : () -> ()
          %get3A_191 = arith.constant 0 : i32
          %get3A_192 = arith.index_cast %get3A_191 : i32 to index
          %get3A_193 = arith.constant 0 : index
          %get3A_194 = tpu.vector_load %arg9[%get3A_192, %get3A_193] {strides = array<i32>} : memref<1x128xi32, #tpu.memory_space<vmem>>, vector<16xi32>,
          %shift_right_logical3A_195 = arith.constant 7 : i32
          %shift_right_logical3A_196 = vector.broadcast %shift_right_logical3A_195 : i32 to vector<16xi32>
          %shift_right_logical3A_197 = arith.shrui %get3A_194, %shift_right_logical3A_196 : vector<16xi32>
          %and3A_198 = arith.constant 127 : i32
          %and3A_199 = vector.broadcast %and3A_198 : i32 to vector<16xi32>
          %and3A_200 = arith.andi %get3A_194, %and3A_199 : vector<16xi32>
          tpu.vector_store_idx %arg19[%shift_right_logical3A_197, %and3A_200], %broadcast_in_dim3A_15 {add = true} : memref<80x128xf32, #tpu.memory_space<vmem>>[vector<16xi32>, vector<16xi32>], vector<16xf32>,
          %get3A_201 = arith.constant 0 : i32
          %get3A_202 = arith.index_cast %get3A_201 : i32 to index
          %get3A_203 = arith.constant 16 : index
          %get3A_204 = tpu.vector_load %arg9[%get3A_202, %get3A_203] {strides = array<i32>} : memref<1x128xi32, #tpu.memory_space<vmem>>, vector<16xi32>,
          %shift_right_logical3A_205 = arith.constant 7 : i32
          %shift_right_logical3A_206 = vector.broadcast %shift_right_logical3A_205 : i32 to vector<16xi32>
          %shift_right_logical3A_207 = arith.shrui %get3A_204, %shift_right_logical3A_206 : vector<16xi32>
          %and3A_208 = arith.constant 127 : i32
          %and3A_209 = vector.broadcast %and3A_208 : i32 to vector<16xi32>
          %and3A_210 = arith.andi %get3A_204, %and3A_209 : vector<16xi32>
          tpu.vector_store_idx %arg19[%shift_right_logical3A_207, %and3A_210], %broadcast_in_dim3A_15 {add = true} : memref<80x128xf32, #tpu.memory_space<vmem>>[vector<16xi32>, vector<16xi32>], vector<16xf32>,
          %get3A_211 = arith.constant 0 : i32
          %get3A_212 = arith.index_cast %get3A_211 : i32 to index
          %get3A_213 = arith.constant 32 : index
          %get3A_214 = tpu.vector_load %arg9[%get3A_212, %get3A_213] {strides = array<i32>} : memref<1x128xi32, #tpu.memory_space<vmem>>, vector<16xi32>,
          %shift_right_logical3A_215 = arith.constant 7 : i32
          %shift_right_logical3A_216 = vector.broadcast %shift_right_logical3A_215 : i32 to vector<16xi32>
          %shift_right_logical3A_217 = arith.shrui %get3A_214, %shift_right_logical3A_216 : vector<16xi32>
          %and3A_218 = arith.constant 127 : i32
          %and3A_219 = vector.broadcast %and3A_218 : i32 to vector<16xi32>
          %and3A_220 = arith.andi %get3A_214, %and3A_219 : vector<16xi32>
          tpu.vector_store_idx %arg19[%shift_right_logical3A_217, %and3A_220], %broadcast_in_dim3A_15 {add = true} : memref<80x128xf32, #tpu.memory_space<vmem>>[vector<16xi32>, vector<16xi32>], vector<16xf32>,
          %get3A_221 = arith.constant 0 : i32
          %get3A_222 = arith.index_cast %get3A_221 : i32 to index
          %get3A_223 = arith.constant 48 : index
          %get3A_224 = tpu.vector_load %arg9[%get3A_222, %get3A_223] {strides = array<i32>} : memref<1x128xi32, #tpu.memory_space<vmem>>, vector<16xi32>,
          %shift_right_logical3A_225 = arith.constant 7 : i32
          %shift_right_logical3A_226 = vector.broadcast %shift_right_logical3A_225 : i32 to vector<16xi32>
          %shift_right_logical3A_227 = arith.shrui %get3A_224, %shift_right_logical3A_226 : vector<16xi32>
          %and3A_228 = arith.constant 127 : i32
          %and3A_229 = vector.broadcast %and3A_228 : i32 to vector<16xi32>
          %and3A_230 = arith.andi %get3A_224, %and3A_229 : vector<16xi32>
          tpu.vector_store_idx %arg19[%shift_right_logical3A_227, %and3A_230], %broadcast_in_dim3A_15 {add = true} : memref<80x128xf32, #tpu.memory_space<vmem>>[vector<16xi32>, vector<16xi32>], vector<16xf32>,
          %get3A_231 = arith.constant 0 : i32
          %get3A_232 = arith.index_cast %get3A_231 : i32 to index
          %get3A_233 = arith.constant 64 : index
          %get3A_234 = tpu.vector_load %arg9[%get3A_232, %get3A_233] {strides = array<i32>} : memref<1x128xi32, #tpu.memory_space<vmem>>, vector<16xi32>,
          %shift_right_logical3A_235 = arith.constant 7 : i32
          %shift_right_logical3A_236 = vector.broadcast %shift_right_logical3A_235 : i32 to vector<16xi32>
          %shift_right_logical3A_237 = arith.shrui %get3A_234, %shift_right_logical3A_236 : vector<16xi32>
          %and3A_238 = arith.constant 127 : i32
          %and3A_239 = vector.broadcast %and3A_238 : i32 to vector<16xi32>
          %and3A_240 = arith.andi %get3A_234, %and3A_239 : vector<16xi32>
          tpu.vector_store_idx %arg19[%shift_right_logical3A_237, %and3A_240], %broadcast_in_dim3A_15 {add = true} : memref<80x128xf32, #tpu.memory_space<vmem>>[vector<16xi32>, vector<16xi32>], vector<16xf32>,
          %get3A_241 = arith.constant 0 : i32
          %get3A_242 = arith.index_cast %get3A_241 : i32 to index
          %get3A_243 = arith.constant 80 : index
          %get3A_244 = tpu.vector_load %arg9[%get3A_242, %get3A_243] {strides = array<i32>} : memref<1x128xi32, #tpu.memory_space<vmem>>, vector<16xi32>,
          %shift_right_logical3A_245 = arith.constant 7 : i32
          %shift_right_logical3A_246 = vector.broadcast %shift_right_logical3A_245 : i32 to vector<16xi32>
          %shift_right_logical3A_247 = arith.shrui %get3A_244, %shift_right_logical3A_246 : vector<16xi32>
          %and3A_248 = arith.constant 127 : i32
          %and3A_249 = vector.broadcast %and3A_248 : i32 to vector<16xi32>
          %and3A_250 = arith.andi %get3A_244, %and3A_249 : vector<16xi32>
          tpu.vector_store_idx %arg19[%shift_right_logical3A_247, %and3A_250], %broadcast_in_dim3A_15 {add = true} : memref<80x128xf32, #tpu.memory_space<vmem>>[vector<16xi32>, vector<16xi32>], vector<16xf32>,
          %get3A_251 = arith.constant 0 : i32
          %get3A_252 = arith.index_cast %get3A_251 : i32 to index
          %get3A_253 = arith.constant 96 : index
          %get3A_254 = tpu.vector_load %arg9[%get3A_252, %get3A_253] {strides = array<i32>} : memref<1x128xi32, #tpu.memory_space<vmem>>, vector<16xi32>,
          %shift_right_logical3A_255 = arith.constant 7 : i32
          %shift_right_logical3A_256 = vector.broadcast %shift_right_logical3A_255 : i32 to vector<16xi32>
          %shift_right_logical3A_257 = arith.shrui %get3A_254, %shift_right_logical3A_256 : vector<16xi32>
          %and3A_258 = arith.constant 127 : i32
          %and3A_259 = vector.broadcast %and3A_258 : i32 to vector<16xi32>
          %and3A_260 = arith.andi %get3A_254, %and3A_259 : vector<16xi32>
          tpu.vector_store_idx %arg19[%shift_right_logical3A_257, %and3A_260], %broadcast_in_dim3A_15 {add = true} : memref<80x128xf32, #tpu.memory_space<vmem>>[vector<16xi32>, vector<16xi32>], vector<16xf32>,
          %get3A_261 = arith.constant 0 : i32
          %get3A_262 = arith.index_cast %get3A_261 : i32 to index
          %get3A_263 = arith.constant 112 : index
          %get3A_264 = tpu.vector_load %arg9[%get3A_262, %get3A_263] {strides = array<i32>} : memref<1x128xi32, #tpu.memory_space<vmem>>, vector<16xi32>,
          %shift_right_logical3A_265 = arith.constant 7 : i32
          %shift_right_logical3A_266 = vector.broadcast %shift_right_logical3A_265 : i32 to vector<16xi32>
          %shift_right_logical3A_267 = arith.shrui %get3A_264, %shift_right_logical3A_266 : vector<16xi32>
          %and3A_268 = arith.constant 127 : i32
          %and3A_269 = vector.broadcast %and3A_268 : i32 to vector<16xi32>
          %and3A_270 = arith.andi %get3A_264, %and3A_269 : vector<16xi32>
          tpu.vector_store_idx %arg19[%shift_right_logical3A_267, %and3A_270], %broadcast_in_dim3A_15 {add = true} : memref<80x128xf32, #tpu.memory_space<vmem>>[vector<16xi32>, vector<16xi32>], vector<16xf32>,
          %lt3A = arith.constant 15 : i32
          %lt3A_271 = arith.cmpi slt, %add3A_161, %lt3A : i32
          %convert_element_type3A_272 = arith.extui %lt3A_271 : i1 to i32
          %cond3A_273 = arith.constant 0 : i32
          %cond3A_274 = arith.cmpi ne, %convert_element_type3A_272, %cond3A_273 : i32
          scf.if %cond3A_274 {
            %add3A_275 = arith.addi %add3A_29, %add3A_161 : i32
            %add3A_276 = arith.constant 1 : i32
            %add3A_277 = arith.addi %add3A_275, %add3A_276 : i32
            %dma_start3A_278 = arith.constant 0 : i32
            %dma_start3A_279 = tpu.memref_slice %arg3[%add3A_277, %dma_start3A_278] : memref<2560x128xi32, #tpu.memory_space<hbm>> -> memref<1x128xi32, #tpu.memory_space<hbm>>
            %dma_start3A_280 = arith.constant 0 : i32
            %dma_start3A_281 = tpu.memref_slice %arg3[%add3A_277, %dma_start3A_280] : memref<2560x128xi32, #tpu.memory_space<hbm>> -> memref<1x128xi32, #tpu.memory_space<hbm>>
            tpu.enqueue_dma source(%dma_start3A_281 : memref<1x128xi32, #tpu.memory_space<hbm>>) target(%arg7 : memref<1x128xi32, #tpu.memory_space<vmem>>) target_semaphore(%arg15 : memref<!tpu.dma_semaphore, #tpu.memory_space<semaphore_mem>>)
            %dma_start3A_282 = arith.constant 0 : i32
            %dma_start3A_283 = tpu.memref_slice %arg4[%add3A_277, %dma_start3A_282] : memref<2560x128xi32, #tpu.memory_space<hbm>> -> memref<1x128xi32, #tpu.memory_space<hbm>>
            %dma_start3A_284 = arith.constant 0 : i32
            %dma_start3A_285 = tpu.memref_slice %arg4[%add3A_277, %dma_start3A_284] : memref<2560x128xi32, #tpu.memory_space<hbm>> -> memref<1x128xi32, #tpu.memory_space<hbm>>
            tpu.enqueue_dma source(%dma_start3A_285 : memref<1x128xi32, #tpu.memory_space<hbm>>) target(%arg9 : memref<1x128xi32, #tpu.memory_space<vmem>>) target_semaphore(%arg15 : memref<!tpu.dma_semaphore, #tpu.memory_space<semaphore_mem>>)
          } else {
          }
        } else {
        }
      }
      %scan3A_51 = arith.constant 8 : i32
      %dma_wait3A = arith.constant 0 : i32
      %dma_wait3A_52 = arith.constant 0 : i32
      %dma_wait3A_53 = tpu.memref_slice %arg8[%dma_wait3A, %dma_wait3A_52] : memref<1x128xi32, #tpu.memory_space<vmem>> -> memref<1x128xi32, #tpu.memory_space<vmem>>
      %dma_wait3A_54 = tpu.memref_squeeze %dma_wait3A_53 : memref<1x128xi32, #tpu.memory_space<vmem>> -> memref<128xi32, #tpu.memory_space<vmem>>
      %dma_wait3A_55 = arith.constant 0 : i32
      %dma_wait3A_56 = arith.constant 0 : i32
      %dma_wait3A_57 = tpu.memref_slice %arg2[%dma_wait3A_55, %dma_wait3A_56] : memref<10000x128xf32, #tpu.memory_space<hbm>> -> memref<10000x128xf32, #tpu.memory_space<hbm>>
      tpu.wait_indirect_dma semaphore(%arg18 : memref<!tpu.dma_semaphore, #tpu.memory_space<semaphore_mem>>) src(%dma_wait3A_57 : memref<10000x128xf32, #tpu.memory_space<hbm>>) dst(%arg12 : memref<128x128xf32, #tpu.memory_space<vmem>>)
      %run_scoped3A = arith.constant 0 : i32
      "tpu.region"() ({
        %run_scoped3A_135 = tpu.sem_alloc : memref<!tpu.dma_semaphore, #tpu.memory_space<semaphore_mem>>
        %dma_start3A_136 = arith.constant 0 : i32
        %dma_start3A_137 = tpu.memref_slice %arg10[%run_scoped3A, %dma_start3A_136] : memref<1x128xi32, #tpu.memory_space<vmem>> -> memref<1x128xi32, #tpu.memory_space<vmem>>
        %dma_start3A_138 = tpu.memref_squeeze %dma_start3A_137 : memref<1x128xi32, #tpu.memory_space<vmem>> -> memref<128xi32, #tpu.memory_space<vmem>>
        %dma_start3A_139 = arith.constant 0 : i32
        %dma_start3A_140 = arith.constant 0 : i32
        %dma_start3A_141 = tpu.memref_slice %arg14[%dma_start3A_139, %dma_start3A_140] : memref<10240x128xf32, #tpu.memory_space<vmem_shared>> -> memref<10240x128xf32, #tpu.memory_space<vmem_shared>>
        tpu.enqueue_indirect_dma source(%arg12 : memref<128x128xf32, #tpu.memory_space<vmem>>) target(%dma_start3A_141 : memref<10240x128xf32, #tpu.memory_space<vmem_shared>>) offsets(%dma_start3A_138 : memref<128xi32, #tpu.memory_space<vmem>>) semaphore(%run_scoped3A_135 : memref<!tpu.dma_semaphore, #tpu.memory_space<semaphore_mem>>) {add = true}
        %dma_wait3A_142 = arith.constant 0 : i32
        %dma_wait3A_143 = tpu.memref_slice %arg10[%run_scoped3A, %dma_wait3A_142] : memref<1x128xi32, #tpu.memory_space<vmem>> -> memref<1x128xi32, #tpu.memory_space<vmem>>
        %dma_wait3A_144 = tpu.memref_squeeze %dma_wait3A_143 : memref<1x128xi32, #tpu.memory_space<vmem>> -> memref<128xi32, #tpu.memory_space<vmem>>
        %dma_wait3A_145 = arith.constant 0 : i32
        %dma_wait3A_146 = arith.constant 0 : i32
        %dma_wait3A_147 = tpu.memref_slice %arg14[%dma_wait3A_145, %dma_wait3A_146] : memref<10240x128xf32, #tpu.memory_space<vmem_shared>> -> memref<10240x128xf32, #tpu.memory_space<vmem_shared>>
        tpu.wait_indirect_dma semaphore(%run_scoped3A_135 : memref<!tpu.dma_semaphore, #tpu.memory_space<semaphore_mem>>) src(%arg12 : memref<128x128xf32, #tpu.memory_space<vmem>>) dst(%dma_wait3A_147 : memref<10240x128xf32, #tpu.memory_space<vmem_shared>>)
        tpu.yield
      }) : () -> ()
      %get3A = arith.constant 0 : i32
      %get3A_58 = arith.index_cast %get3A : i32 to index
      %get3A_59 = arith.constant 0 : index
      %get3A_60 = tpu.vector_load %arg10[%get3A_58, %get3A_59] {strides = array<i32>} : memref<1x128xi32, #tpu.memory_space<vmem>>, vector<16xi32>,
      %shift_right_logical3A = arith.constant 7 : i32
      %shift_right_logical3A_61 = vector.broadcast %shift_right_logical3A : i32 to vector<16xi32>
      %shift_right_logical3A_62 = arith.shrui %get3A_60, %shift_right_logical3A_61 : vector<16xi32>
      %and3A = arith.constant 127 : i32
      %and3A_63 = vector.broadcast %and3A : i32 to vector<16xi32>
      %and3A_64 = arith.andi %get3A_60, %and3A_63 : vector<16xi32>
      tpu.vector_store_idx %arg19[%shift_right_logical3A_62, %and3A_64], %broadcast_in_dim3A_15 {add = true} : memref<80x128xf32, #tpu.memory_space<vmem>>[vector<16xi32>, vector<16xi32>], vector<16xf32>,
      %get3A_65 = arith.constant 0 : i32
      %get3A_66 = arith.index_cast %get3A_65 : i32 to index
      %get3A_67 = arith.constant 16 : index
      %get3A_68 = tpu.vector_load %arg10[%get3A_66, %get3A_67] {strides = array<i32>} : memref<1x128xi32, #tpu.memory_space<vmem>>, vector<16xi32>,
      %shift_right_logical3A_69 = arith.constant 7 : i32
      %shift_right_logical3A_70 = vector.broadcast %shift_right_logical3A_69 : i32 to vector<16xi32>
      %shift_right_logical3A_71 = arith.shrui %get3A_68, %shift_right_logical3A_70 : vector<16xi32>
      %and3A_72 = arith.constant 127 : i32
      %and3A_73 = vector.broadcast %and3A_72 : i32 to vector<16xi32>
      %and3A_74 = arith.andi %get3A_68, %and3A_73 : vector<16xi32>
      tpu.vector_store_idx %arg19[%shift_right_logical3A_71, %and3A_74], %broadcast_in_dim3A_15 {add = true} : memref<80x128xf32, #tpu.memory_space<vmem>>[vector<16xi32>, vector<16xi32>], vector<16xf32>,
      %get3A_75 = arith.constant 0 : i32
      %get3A_76 = arith.index_cast %get3A_75 : i32 to index
      %get3A_77 = arith.constant 32 : index
      %get3A_78 = tpu.vector_load %arg10[%get3A_76, %get3A_77] {strides = array<i32>} : memref<1x128xi32, #tpu.memory_space<vmem>>, vector<16xi32>,
      %shift_right_logical3A_79 = arith.constant 7 : i32
      %shift_right_logical3A_80 = vector.broadcast %shift_right_logical3A_79 : i32 to vector<16xi32>
      %shift_right_logical3A_81 = arith.shrui %get3A_78, %shift_right_logical3A_80 : vector<16xi32>
      %and3A_82 = arith.constant 127 : i32
      %and3A_83 = vector.broadcast %and3A_82 : i32 to vector<16xi32>
      %and3A_84 = arith.andi %get3A_78, %and3A_83 : vector<16xi32>
      tpu.vector_store_idx %arg19[%shift_right_logical3A_81, %and3A_84], %broadcast_in_dim3A_15 {add = true} : memref<80x128xf32, #tpu.memory_space<vmem>>[vector<16xi32>, vector<16xi32>], vector<16xf32>,
      %get3A_85 = arith.constant 0 : i32
      %get3A_86 = arith.index_cast %get3A_85 : i32 to index
      %get3A_87 = arith.constant 48 : index
      %get3A_88 = tpu.vector_load %arg10[%get3A_86, %get3A_87] {strides = array<i32>} : memref<1x128xi32, #tpu.memory_space<vmem>>, vector<16xi32>,
      %shift_right_logical3A_89 = arith.constant 7 : i32
      %shift_right_logical3A_90 = vector.broadcast %shift_right_logical3A_89 : i32 to vector<16xi32>
      %shift_right_logical3A_91 = arith.shrui %get3A_88, %shift_right_logical3A_90 : vector<16xi32>
      %and3A_92 = arith.constant 127 : i32
      %and3A_93 = vector.broadcast %and3A_92 : i32 to vector<16xi32>
      %and3A_94 = arith.andi %get3A_88, %and3A_93 : vector<16xi32>
      tpu.vector_store_idx %arg19[%shift_right_logical3A_91, %and3A_94], %broadcast_in_dim3A_15 {add = true} : memref<80x128xf32, #tpu.memory_space<vmem>>[vector<16xi32>, vector<16xi32>], vector<16xf32>,
      %get3A_95 = arith.constant 0 : i32
      %get3A_96 = arith.index_cast %get3A_95 : i32 to index
      %get3A_97 = arith.constant 64 : index
      %get3A_98 = tpu.vector_load %arg10[%get3A_96, %get3A_97] {strides = array<i32>} : memref<1x128xi32, #tpu.memory_space<vmem>>, vector<16xi32>,
      %shift_right_logical3A_99 = arith.constant 7 : i32
      %shift_right_logical3A_100 = vector.broadcast %shift_right_logical3A_99 : i32 to vector<16xi32>
      %shift_right_logical3A_101 = arith.shrui %get3A_98, %shift_right_logical3A_100 : vector<16xi32>
      %and3A_102 = arith.constant 127 : i32
      %and3A_103 = vector.broadcast %and3A_102 : i32 to vector<16xi32>
      %and3A_104 = arith.andi %get3A_98, %and3A_103 : vector<16xi32>
      tpu.vector_store_idx %arg19[%shift_right_logical3A_101, %and3A_104], %broadcast_in_dim3A_15 {add = true} : memref<80x128xf32, #tpu.memory_space<vmem>>[vector<16xi32>, vector<16xi32>], vector<16xf32>,
      %get3A_105 = arith.constant 0 : i32
      %get3A_106 = arith.index_cast %get3A_105 : i32 to index
      %get3A_107 = arith.constant 80 : index
      %get3A_108 = tpu.vector_load %arg10[%get3A_106, %get3A_107] {strides = array<i32>} : memref<1x128xi32, #tpu.memory_space<vmem>>, vector<16xi32>,
      %shift_right_logical3A_109 = arith.constant 7 : i32
      %shift_right_logical3A_110 = vector.broadcast %shift_right_logical3A_109 : i32 to vector<16xi32>
      %shift_right_logical3A_111 = arith.shrui %get3A_108, %shift_right_logical3A_110 : vector<16xi32>
      %and3A_112 = arith.constant 127 : i32
      %and3A_113 = vector.broadcast %and3A_112 : i32 to vector<16xi32>
      %and3A_114 = arith.andi %get3A_108, %and3A_113 : vector<16xi32>
      tpu.vector_store_idx %arg19[%shift_right_logical3A_111, %and3A_114], %broadcast_in_dim3A_15 {add = true} : memref<80x128xf32, #tpu.memory_space<vmem>>[vector<16xi32>, vector<16xi32>], vector<16xf32>,
      %get3A_115 = arith.constant 0 : i32
      %get3A_116 = arith.index_cast %get3A_115 : i32 to index
      %get3A_117 = arith.constant 96 : index
      %get3A_118 = tpu.vector_load %arg10[%get3A_116, %get3A_117] {strides = array<i32>} : memref<1x128xi32, #tpu.memory_space<vmem>>, vector<16xi32>,
      %shift_right_logical3A_119 = arith.constant 7 : i32
      %shift_right_logical3A_120 = vector.broadcast %shift_right_logical3A_119 : i32 to vector<16xi32>
      %shift_right_logical3A_121 = arith.shrui %get3A_118, %shift_right_logical3A_120 : vector<16xi32>
      %and3A_122 = arith.constant 127 : i32
      %and3A_123 = vector.broadcast %and3A_122 : i32 to vector<16xi32>
      %and3A_124 = arith.andi %get3A_118, %and3A_123 : vector<16xi32>
      tpu.vector_store_idx %arg19[%shift_right_logical3A_121, %and3A_124], %broadcast_in_dim3A_15 {add = true} : memref<80x128xf32, #tpu.memory_space<vmem>>[vector<16xi32>, vector<16xi32>], vector<16xf32>,
      %get3A_125 = arith.constant 0 : i32
      %get3A_126 = arith.index_cast %get3A_125 : i32 to index
      %get3A_127 = arith.constant 112 : index
      %get3A_128 = tpu.vector_load %arg10[%get3A_126, %get3A_127] {strides = array<i32>} : memref<1x128xi32, #tpu.memory_space<vmem>>, vector<16xi32>,
      %shift_right_logical3A_129 = arith.constant 7 : i32
      %shift_right_logical3A_130 = vector.broadcast %shift_right_logical3A_129 : i32 to vector<16xi32>
      %shift_right_logical3A_131 = arith.shrui %get3A_128, %shift_right_logical3A_130 : vector<16xi32>
      %and3A_132 = arith.constant 127 : i32
      %and3A_133 = vector.broadcast %and3A_132 : i32 to vector<16xi32>
      %and3A_134 = arith.andi %get3A_128, %and3A_133 : vector<16xi32>
      tpu.vector_store_idx %arg19[%shift_right_logical3A_131, %and3A_134], %broadcast_in_dim3A_15 {add = true} : memref<80x128xf32, #tpu.memory_space<vmem>>[vector<16xi32>, vector<16xi32>], vector<16xf32>,
    } else {
    }
    %barrier3A_23 = arith.constant 0 : index
    tpu.barrier barrier_id(%barrier3A_23)
    "tpu.region"() ({
      %run_scoped3A = tpu.sem_alloc : memref<!tpu.dma_semaphore, #tpu.memory_space<semaphore_mem>>
      %dma_start3A = arith.constant 0 : i32
      %dma_start3A_26 = arith.constant 0 : i32
      %dma_start3A_27 = tpu.memref_slice %arg5[%arg0, %dma_start3A, %dma_start3A_26] : memref<2x10240x128xf32, #tpu.memory_space<hbm>> -> memref<1x10240x128xf32, #tpu.memory_space<hbm>>
      %dma_start3A_28 = tpu.memref_squeeze %dma_start3A_27 : memref<1x10240x128xf32, #tpu.memory_space<hbm>> -> memref<10240x128xf32, #tpu.memory_space<hbm>>
      %dma_start3A_29 = arith.constant 0 : i32
      %dma_start3A_30 = tpu.memref_slice %dma_start3A_28[%mul3A_4, %dma_start3A_29] : memref<10240x128xf32, #tpu.memory_space<hbm>> -> memref<640x128xf32, #tpu.memory_space<hbm>>
      %dma_start3A_31 = arith.constant 0 : i32
      %dma_start3A_32 = tpu.memref_slice %arg14[%mul3A_4, %dma_start3A_31] : memref<10240x128xf32, #tpu.memory_space<vmem_shared>> -> memref<640x128xf32, #tpu.memory_space<vmem_shared>>
      tpu.enqueue_dma source(%dma_start3A_32 : memref<640x128xf32, #tpu.memory_space<vmem_shared>>) target(%dma_start3A_30 : memref<640x128xf32, #tpu.memory_space<hbm>>) target_semaphore(%run_scoped3A : memref<!tpu.dma_semaphore, #tpu.memory_space<semaphore_mem>>)
      %dma_wait3A = arith.constant 0 : i32
      %dma_wait3A_33 = arith.constant 0 : i32
      %dma_wait3A_34 = tpu.memref_slice %arg5[%arg0, %dma_wait3A, %dma_wait3A_33] : memref<2x10240x128xf32, #tpu.memory_space<hbm>> -> memref<1x10240x128xf32, #tpu.memory_space<hbm>>
      %dma_wait3A_35 = tpu.memref_squeeze %dma_wait3A_34 : memref<1x10240x128xf32, #tpu.memory_space<hbm>> -> memref<10240x128xf32, #tpu.memory_space<hbm>>
      %dma_wait3A_36 = arith.constant 0 : i32
      %dma_wait3A_37 = tpu.memref_slice %dma_wait3A_35[%mul3A_4, %dma_wait3A_36] : memref<10240x128xf32, #tpu.memory_space<hbm>> -> memref<640x128xf32, #tpu.memory_space<hbm>>
      %dma_wait3A_38 = arith.constant 0 : i32
      %dma_wait3A_39 = tpu.memref_slice %arg14[%mul3A_4, %dma_wait3A_38] : memref<10240x128xf32, #tpu.memory_space<vmem_shared>> -> memref<640x128xf32, #tpu.memory_space<vmem_shared>>
      tpu.wait_dma2 semaphore(%run_scoped3A : memref<!tpu.dma_semaphore, #tpu.memory_space<semaphore_mem>>) src(%dma_wait3A_39 : memref<640x128xf32, #tpu.memory_space<vmem_shared>>) dst(%dma_wait3A_37 : memref<640x128xf32, #tpu.memory_space<hbm>>)
      tpu.yield
    }) : () -> ()
    %mul3A_24 = arith.constant 16 : i32
    %mul3A_25 = arith.muli %arg0, %mul3A_24 : i32
    %add3A = arith.addi %mul3A_25, %arg1 : i32
    "tpu.region"() ({
      %run_scoped3A = tpu.sem_alloc : memref<!tpu.dma_semaphore, #tpu.memory_space<semaphore_mem>>
      %dma_start3A = arith.constant 0 : i32
      %dma_start3A_26 = arith.constant 0 : i32
      %dma_start3A_27 = tpu.memref_slice %arg6[%add3A, %dma_start3A, %dma_start3A_26] : memref<32x80x128xf32, #tpu.memory_space<hbm>> -> memref<1x80x128xf32, #tpu.memory_space<hbm>>
      %dma_start3A_28 = tpu.memref_squeeze %dma_start3A_27 : memref<1x80x128xf32, #tpu.memory_space<hbm>> -> memref<80x128xf32, #tpu.memory_space<hbm>>
      %dma_start3A_29 = arith.constant 0 : i32
      %dma_start3A_30 = arith.constant 0 : i32
      %dma_start3A_31 = tpu.memref_slice %arg6[%add3A, %dma_start3A_29, %dma_start3A_30] : memref<32x80x128xf32, #tpu.memory_space<hbm>> -> memref<1x80x128xf32, #tpu.memory_space<hbm>>
      %dma_start3A_32 = tpu.memref_squeeze %dma_start3A_31 : memref<1x80x128xf32, #tpu.memory_space<hbm>> -> memref<80x128xf32, #tpu.memory_space<hbm>>
      tpu.enqueue_dma source(%arg19 : memref<80x128xf32, #tpu.memory_space<vmem>>) target(%dma_start3A_32 : memref<80x128xf32, #tpu.memory_space<hbm>>) target_semaphore(%run_scoped3A : memref<!tpu.dma_semaphore, #tpu.memory_space<semaphore_mem>>)
      %dma_wait3A = arith.constant 0 : i32
      %dma_wait3A_33 = arith.constant 0 : i32
      %dma_wait3A_34 = tpu.memref_slice %arg6[%add3A, %dma_wait3A, %dma_wait3A_33] : memref<32x80x128xf32, #tpu.memory_space<hbm>> -> memref<1x80x128xf32, #tpu.memory_space<hbm>>
      %dma_wait3A_35 = tpu.memref_squeeze %dma_wait3A_34 : memref<1x80x128xf32, #tpu.memory_space<hbm>> -> memref<80x128xf32, #tpu.memory_space<hbm>>
      %dma_wait3A_36 = arith.constant 0 : i32
      %dma_wait3A_37 = arith.constant 0 : i32
      %dma_wait3A_38 = tpu.memref_slice %arg6[%add3A, %dma_wait3A_36, %dma_wait3A_37] : memref<32x80x128xf32, #tpu.memory_space<hbm>> -> memref<1x80x128xf32, #tpu.memory_space<hbm>>
      %dma_wait3A_39 = tpu.memref_squeeze %dma_wait3A_38 : memref<1x80x128xf32, #tpu.memory_space<hbm>> -> memref<80x128xf32, #tpu.memory_space<hbm>>
      tpu.wait_dma2 semaphore(%run_scoped3A : memref<!tpu.dma_semaphore, #tpu.memory_space<semaphore_mem>>) src(%arg19 : memref<80x128xf32, #tpu.memory_space<vmem>>) dst(%dma_wait3A_39 : memref<80x128xf32, #tpu.memory_space<hbm>>)
      tpu.yield
    }) : () -> ()
    return
  }
}

#map = affine_map<(d0, d1) -> (0, 0)>
#map1 = affine_map<(d0, d1) -> (0, 0, 0)>
module attributes {stable_mosaic.version = 14 : i64} {
  func.func @body(%arg0: i32, %arg1: i32, %arg2: memref<10000x128xf32, #tpu.memory_space<hbm>>, %arg3: memref<2560x128xi32, #tpu.memory_space<hbm>>, %arg4: memref<2560x128xi32, #tpu.memory_space<hbm>>, %arg5: memref<2x10240x128xf32, #tpu.memory_space<hbm>>, %arg6: memref<1x128xi32, #tpu.memory_space<vmem>>, %arg7: memref<1x128xi32, #tpu.memory_space<vmem>>, %arg8: memref<1x128xi32, #tpu.memory_space<vmem>>, %arg9: memref<1x128xi32, #tpu.memory_space<vmem>>, %arg10: memref<128x128xf32, #tpu.memory_space<vmem>>, %arg11: memref<128x128xf32, #tpu.memory_space<vmem>>, %arg12: memref<16x128xf32, #tpu.memory_space<vmem>>, %arg13: memref<10240x128xf32, #tpu.memory_space<vmem_shared>>, %arg14: memref<!tpu.dma_semaphore, #tpu.memory_space<semaphore_mem>>, %arg15: memref<!tpu.dma_semaphore, #tpu.memory_space<semaphore_mem>>, %arg16: memref<!tpu.dma_semaphore, #tpu.memory_space<semaphore_mem>>, %arg17: memref<!tpu.dma_semaphore, #tpu.memory_space<semaphore_mem>>) attributes {dimension_semantics = [#tpu.dimension_semantics<core_parallel>, #tpu.dimension_semantics<subcore_parallel>], iteration_bounds = array<i64: 2, 16>, scalar_prefetch = 0 : i64, scratch_operands = 12 : i64, tpu.core_type = #tpu.core_type<sc_vector_subcore>, window_params = [{transform_indices = #map}, {transform_indices = #map}, {transform_indices = #map}, {transform_indices = #map1}]} {
    %scan3A = arith.constant 0 : i32
    %scan3A_0 = arith.constant 16 : i32
    %scan3A_1 = arith.addi %scan3A, %scan3A_0 : i32
    %scan3A_2 = arith.constant 1 : i32
    scf.for %scan3A_19 = %scan3A to %scan3A_1 step %scan3A_2  : i32 {
      %mul3A_20 = arith.constant 1 : i32
      %mul3A_21 = arith.muli %scan3A_19, %mul3A_20 : i32
      %add3A = arith.constant 0 : i32
      %add3A_22 = arith.addi %add3A, %mul3A_21 : i32
      %broadcast_in_dim3A_23 = arith.constant 0.000000e+00 : f32
      %broadcast_in_dim3A_24 = vector.broadcast %broadcast_in_dim3A_23 : f32 to vector<16xf32>
      %swap3A = arith.index_cast %add3A_22 : i32 to index
      %swap3A_25 = arith.constant 0 : index
      %swap3A_26 = tpu.vector_load %arg12[%swap3A, %swap3A_25] {strides = array<i32>} : memref<16x128xf32, #tpu.memory_space<vmem>>, vector<16xf32>,
      tpu.vector_store %arg12[%swap3A, %swap3A_25], %broadcast_in_dim3A_24 {strides = array<i32>} : memref<16x128xf32, #tpu.memory_space<vmem>>, vector<16xf32>,
      %broadcast_in_dim3A_27 = arith.constant 0.000000e+00 : f32
      %broadcast_in_dim3A_28 = vector.broadcast %broadcast_in_dim3A_27 : f32 to vector<16xf32>
      %swap3A_29 = arith.index_cast %add3A_22 : i32 to index
      %swap3A_30 = arith.constant 16 : index
      %swap3A_31 = tpu.vector_load %arg12[%swap3A_29, %swap3A_30] {strides = array<i32>} : memref<16x128xf32, #tpu.memory_space<vmem>>, vector<16xf32>,
      tpu.vector_store %arg12[%swap3A_29, %swap3A_30], %broadcast_in_dim3A_28 {strides = array<i32>} : memref<16x128xf32, #tpu.memory_space<vmem>>, vector<16xf32>,
      %broadcast_in_dim3A_32 = arith.constant 0.000000e+00 : f32
      %broadcast_in_dim3A_33 = vector.broadcast %broadcast_in_dim3A_32 : f32 to vector<16xf32>
      %swap3A_34 = arith.index_cast %add3A_22 : i32 to index
      %swap3A_35 = arith.constant 32 : index
      %swap3A_36 = tpu.vector_load %arg12[%swap3A_34, %swap3A_35] {strides = array<i32>} : memref<16x128xf32, #tpu.memory_space<vmem>>, vector<16xf32>,
      tpu.vector_store %arg12[%swap3A_34, %swap3A_35], %broadcast_in_dim3A_33 {strides = array<i32>} : memref<16x128xf32, #tpu.memory_space<vmem>>, vector<16xf32>,
      %broadcast_in_dim3A_37 = arith.constant 0.000000e+00 : f32
      %broadcast_in_dim3A_38 = vector.broadcast %broadcast_in_dim3A_37 : f32 to vector<16xf32>
      %swap3A_39 = arith.index_cast %add3A_22 : i32 to index
      %swap3A_40 = arith.constant 48 : index
      %swap3A_41 = tpu.vector_load %arg12[%swap3A_39, %swap3A_40] {strides = array<i32>} : memref<16x128xf32, #tpu.memory_space<vmem>>, vector<16xf32>,
      tpu.vector_store %arg12[%swap3A_39, %swap3A_40], %broadcast_in_dim3A_38 {strides = array<i32>} : memref<16x128xf32, #tpu.memory_space<vmem>>, vector<16xf32>,
      %broadcast_in_dim3A_42 = arith.constant 0.000000e+00 : f32
      %broadcast_in_dim3A_43 = vector.broadcast %broadcast_in_dim3A_42 : f32 to vector<16xf32>
      %swap3A_44 = arith.index_cast %add3A_22 : i32 to index
      %swap3A_45 = arith.constant 64 : index
      %swap3A_46 = tpu.vector_load %arg12[%swap3A_44, %swap3A_45] {strides = array<i32>} : memref<16x128xf32, #tpu.memory_space<vmem>>, vector<16xf32>,
      tpu.vector_store %arg12[%swap3A_44, %swap3A_45], %broadcast_in_dim3A_43 {strides = array<i32>} : memref<16x128xf32, #tpu.memory_space<vmem>>, vector<16xf32>,
      %broadcast_in_dim3A_47 = arith.constant 0.000000e+00 : f32
      %broadcast_in_dim3A_48 = vector.broadcast %broadcast_in_dim3A_47 : f32 to vector<16xf32>
      %swap3A_49 = arith.index_cast %add3A_22 : i32 to index
      %swap3A_50 = arith.constant 80 : index
      %swap3A_51 = tpu.vector_load %arg12[%swap3A_49, %swap3A_50] {strides = array<i32>} : memref<16x128xf32, #tpu.memory_space<vmem>>, vector<16xf32>,
      tpu.vector_store %arg12[%swap3A_49, %swap3A_50], %broadcast_in_dim3A_48 {strides = array<i32>} : memref<16x128xf32, #tpu.memory_space<vmem>>, vector<16xf32>,
      %broadcast_in_dim3A_52 = arith.constant 0.000000e+00 : f32
      %broadcast_in_dim3A_53 = vector.broadcast %broadcast_in_dim3A_52 : f32 to vector<16xf32>
      %swap3A_54 = arith.index_cast %add3A_22 : i32 to index
      %swap3A_55 = arith.constant 96 : index
      %swap3A_56 = tpu.vector_load %arg12[%swap3A_54, %swap3A_55] {strides = array<i32>} : memref<16x128xf32, #tpu.memory_space<vmem>>, vector<16xf32>,
      tpu.vector_store %arg12[%swap3A_54, %swap3A_55], %broadcast_in_dim3A_53 {strides = array<i32>} : memref<16x128xf32, #tpu.memory_space<vmem>>, vector<16xf32>,
      %broadcast_in_dim3A_57 = arith.constant 0.000000e+00 : f32
      %broadcast_in_dim3A_58 = vector.broadcast %broadcast_in_dim3A_57 : f32 to vector<16xf32>
      %swap3A_59 = arith.index_cast %add3A_22 : i32 to index
      %swap3A_60 = arith.constant 112 : index
      %swap3A_61 = tpu.vector_load %arg12[%swap3A_59, %swap3A_60] {strides = array<i32>} : memref<16x128xf32, #tpu.memory_space<vmem>>, vector<16xf32>,
      tpu.vector_store %arg12[%swap3A_59, %swap3A_60], %broadcast_in_dim3A_58 {strides = array<i32>} : memref<16x128xf32, #tpu.memory_space<vmem>>, vector<16xf32>,
    }
    %scan3A_3 = arith.constant 16 : i32
    %mul3A = arith.constant 640 : i32
    %mul3A_4 = arith.muli %arg1, %mul3A : i32
    %scan3A_5 = arith.constant 0 : i32
    %scan3A_6 = arith.constant 40 : i32
    %scan3A_7 = arith.addi %scan3A_5, %scan3A_6 : i32
    %scan3A_8 = arith.constant 1 : i32
    scf.for %scan3A_19 = %scan3A_5 to %scan3A_7 step %scan3A_8  : i32 {
      %mul3A_20 = arith.constant 1 : i32
      %mul3A_21 = arith.muli %scan3A_19, %mul3A_20 : i32
      %add3A = arith.constant 0 : i32
      %add3A_22 = arith.addi %add3A, %mul3A_21 : i32
      %mul3A_23 = arith.constant 16 : i32
      %mul3A_24 = arith.muli %add3A_22, %mul3A_23 : i32
      %add3A_25 = arith.addi %mul3A_4, %mul3A_24 : i32
      "tpu.region"() ({
        %run_scoped3A = tpu.sem_alloc : memref<!tpu.dma_semaphore, #tpu.memory_space<semaphore_mem>>
        %dma_start3A = arith.constant 0 : i32
        %dma_start3A_26 = tpu.memref_slice %arg13[%add3A_25, %dma_start3A] : memref<10240x128xf32, #tpu.memory_space<vmem_shared>> -> memref<16x128xf32, #tpu.memory_space<vmem_shared>>
        %dma_start3A_27 = arith.constant 0 : i32
        %dma_start3A_28 = tpu.memref_slice %arg13[%add3A_25, %dma_start3A_27] : memref<10240x128xf32, #tpu.memory_space<vmem_shared>> -> memref<16x128xf32, #tpu.memory_space<vmem_shared>>
        tpu.enqueue_dma source(%arg12 : memref<16x128xf32, #tpu.memory_space<vmem>>) target(%dma_start3A_28 : memref<16x128xf32, #tpu.memory_space<vmem_shared>>) target_semaphore(%run_scoped3A : memref<!tpu.dma_semaphore, #tpu.memory_space<semaphore_mem>>)
        %dma_wait3A = arith.constant 0 : i32
        %dma_wait3A_29 = tpu.memref_slice %arg13[%add3A_25, %dma_wait3A] : memref<10240x128xf32, #tpu.memory_space<vmem_shared>> -> memref<16x128xf32, #tpu.memory_space<vmem_shared>>
        %dma_wait3A_30 = arith.constant 0 : i32
        %dma_wait3A_31 = tpu.memref_slice %arg13[%add3A_25, %dma_wait3A_30] : memref<10240x128xf32, #tpu.memory_space<vmem_shared>> -> memref<16x128xf32, #tpu.memory_space<vmem_shared>>
        tpu.wait_dma2 semaphore(%run_scoped3A : memref<!tpu.dma_semaphore, #tpu.memory_space<semaphore_mem>>) src(%arg12 : memref<16x128xf32, #tpu.memory_space<vmem>>) dst(%dma_wait3A_31 : memref<16x128xf32, #tpu.memory_space<vmem_shared>>)
        tpu.yield
      }) : () -> ()
    }
    %scan3A_9 = arith.constant 40 : i32
    %barrier3A = arith.constant 0 : index
    tpu.barrier barrier_id(%barrier3A)
    %broadcast_in_dim3A = arith.constant 1.000000e+00 : f32
    %broadcast_in_dim3A_10 = vector.broadcast %broadcast_in_dim3A : f32 to vector<16xf32>
    %eq3A = arith.constant 0 : i32
    %eq3A_11 = arith.cmpi eq, %arg0, %eq3A : i32
    %convert_element_type3A = arith.extui %eq3A_11 : i1 to i32
    %cond3A = arith.constant 0 : i32
    %cond3A_12 = arith.cmpi ne, %convert_element_type3A, %cond3A : i32
    scf.if %cond3A_12 {
      %mul3A_19 = arith.constant 144 : i32
      %mul3A_20 = arith.muli %arg1, %mul3A_19 : i32
      %dma_start3A = arith.constant 0 : i32
      %dma_start3A_21 = tpu.memref_slice %arg3[%mul3A_20, %dma_start3A] : memref<2560x128xi32, #tpu.memory_space<hbm>> -> memref<1x128xi32, #tpu.memory_space<hbm>>
      %dma_start3A_22 = arith.constant 0 : i32
      %dma_start3A_23 = tpu.memref_slice %arg3[%mul3A_20, %dma_start3A_22] : memref<2560x128xi32, #tpu.memory_space<hbm>> -> memref<1x128xi32, #tpu.memory_space<hbm>>
      tpu.enqueue_dma source(%dma_start3A_23 : memref<1x128xi32, #tpu.memory_space<hbm>>) target(%arg6 : memref<1x128xi32, #tpu.memory_space<vmem>>) target_semaphore(%arg14 : memref<!tpu.dma_semaphore, #tpu.memory_space<semaphore_mem>>)
      %dma_start3A_24 = arith.constant 0 : i32
      %dma_start3A_25 = tpu.memref_slice %arg4[%mul3A_20, %dma_start3A_24] : memref<2560x128xi32, #tpu.memory_space<hbm>> -> memref<1x128xi32, #tpu.memory_space<hbm>>
      %dma_start3A_26 = arith.constant 0 : i32
      %dma_start3A_27 = tpu.memref_slice %arg4[%mul3A_20, %dma_start3A_26] : memref<2560x128xi32, #tpu.memory_space<hbm>> -> memref<1x128xi32, #tpu.memory_space<hbm>>
      tpu.enqueue_dma source(%dma_start3A_27 : memref<1x128xi32, #tpu.memory_space<hbm>>) target(%arg8 : memref<1x128xi32, #tpu.memory_space<vmem>>) target_semaphore(%arg14 : memref<!tpu.dma_semaphore, #tpu.memory_space<semaphore_mem>>)
      %add3A = arith.constant 1 : i32
      %add3A_28 = arith.addi %mul3A_20, %add3A : i32
      %dma_start3A_29 = arith.constant 0 : i32
      %dma_start3A_30 = tpu.memref_slice %arg3[%add3A_28, %dma_start3A_29] : memref<2560x128xi32, #tpu.memory_space<hbm>> -> memref<1x128xi32, #tpu.memory_space<hbm>>
      %dma_start3A_31 = arith.constant 0 : i32
      %dma_start3A_32 = tpu.memref_slice %arg3[%add3A_28, %dma_start3A_31] : memref<2560x128xi32, #tpu.memory_space<hbm>> -> memref<1x128xi32, #tpu.memory_space<hbm>>
      tpu.enqueue_dma source(%dma_start3A_32 : memref<1x128xi32, #tpu.memory_space<hbm>>) target(%arg7 : memref<1x128xi32, #tpu.memory_space<vmem>>) target_semaphore(%arg15 : memref<!tpu.dma_semaphore, #tpu.memory_space<semaphore_mem>>)
      %dma_start3A_33 = arith.constant 0 : i32
      %dma_start3A_34 = tpu.memref_slice %arg4[%add3A_28, %dma_start3A_33] : memref<2560x128xi32, #tpu.memory_space<hbm>> -> memref<1x128xi32, #tpu.memory_space<hbm>>
      %dma_start3A_35 = arith.constant 0 : i32
      %dma_start3A_36 = tpu.memref_slice %arg4[%add3A_28, %dma_start3A_35] : memref<2560x128xi32, #tpu.memory_space<hbm>> -> memref<1x128xi32, #tpu.memory_space<hbm>>
      tpu.enqueue_dma source(%dma_start3A_36 : memref<1x128xi32, #tpu.memory_space<hbm>>) target(%arg9 : memref<1x128xi32, #tpu.memory_space<vmem>>) target_semaphore(%arg15 : memref<!tpu.dma_semaphore, #tpu.memory_space<semaphore_mem>>)
      %scan3A_37 = arith.constant 0 : i32
      %scan3A_38 = arith.constant 72 : i32
      %scan3A_39 = arith.addi %scan3A_37, %scan3A_38 : i32
      %scan3A_40 = arith.constant 1 : i32
      scf.for %scan3A_48 = %scan3A_37 to %scan3A_39 step %scan3A_40  : i32 {
        %mul3A_49 = arith.constant 2 : i32
        %mul3A_50 = arith.muli %scan3A_48, %mul3A_49 : i32
        %add3A_51 = arith.constant 0 : i32
        %add3A_52 = arith.addi %add3A_51, %mul3A_50 : i32
        %add3A_53 = arith.addi %mul3A_20, %add3A_52 : i32
        %dma_wait3A_54 = arith.constant 0 : i32
        %dma_wait3A_55 = tpu.memref_slice %arg3[%add3A_53, %dma_wait3A_54] : memref<2560x128xi32, #tpu.memory_space<hbm>> -> memref<1x128xi32, #tpu.memory_space<hbm>>
        %dma_wait3A_56 = arith.constant 0 : i32
        %dma_wait3A_57 = tpu.memref_slice %arg3[%add3A_53, %dma_wait3A_56] : memref<2560x128xi32, #tpu.memory_space<hbm>> -> memref<1x128xi32, #tpu.memory_space<hbm>>
        tpu.wait_dma2 semaphore(%arg14 : memref<!tpu.dma_semaphore, #tpu.memory_space<semaphore_mem>>) src(%dma_wait3A_57 : memref<1x128xi32, #tpu.memory_space<hbm>>) dst(%arg6 : memref<1x128xi32, #tpu.memory_space<vmem>>)
        %dma_wait3A_58 = arith.constant 0 : i32
        %dma_wait3A_59 = tpu.memref_slice %arg4[%add3A_53, %dma_wait3A_58] : memref<2560x128xi32, #tpu.memory_space<hbm>> -> memref<1x128xi32, #tpu.memory_space<hbm>>
        %dma_wait3A_60 = arith.constant 0 : i32
        %dma_wait3A_61 = tpu.memref_slice %arg4[%add3A_53, %dma_wait3A_60] : memref<2560x128xi32, #tpu.memory_space<hbm>> -> memref<1x128xi32, #tpu.memory_space<hbm>>
        tpu.wait_dma2 semaphore(%arg14 : memref<!tpu.dma_semaphore, #tpu.memory_space<semaphore_mem>>) src(%dma_wait3A_61 : memref<1x128xi32, #tpu.memory_space<hbm>>) dst(%arg8 : memref<1x128xi32, #tpu.memory_space<vmem>>)
        %dma_start3A_62 = arith.constant 0 : i32
        %dma_start3A_63 = arith.constant 0 : i32
        %dma_start3A_64 = tpu.memref_slice %arg6[%dma_start3A_62, %dma_start3A_63] : memref<1x128xi32, #tpu.memory_space<vmem>> -> memref<1x128xi32, #tpu.memory_space<vmem>>
        %dma_start3A_65 = tpu.memref_squeeze %dma_start3A_64 : memref<1x128xi32, #tpu.memory_space<vmem>> -> memref<128xi32, #tpu.memory_space<vmem>>
        %dma_start3A_66 = arith.constant 0 : i32
        %dma_start3A_67 = arith.constant 0 : i32
        %dma_start3A_68 = tpu.memref_slice %arg2[%dma_start3A_66, %dma_start3A_67] : memref<10000x128xf32, #tpu.memory_space<hbm>> -> memref<10000x128xf32, #tpu.memory_space<hbm>>
        tpu.enqueue_indirect_dma source(%dma_start3A_68 : memref<10000x128xf32, #tpu.memory_space<hbm>>) target(%arg10 : memref<128x128xf32, #tpu.memory_space<vmem>>) offsets(%dma_start3A_65 : memref<128xi32, #tpu.memory_space<vmem>>) semaphore(%arg16 : memref<!tpu.dma_semaphore, #tpu.memory_space<semaphore_mem>>)
        %gt3A = arith.constant 0 : i32
        %gt3A_69 = arith.cmpi sgt, %add3A_52, %gt3A : i32
        %convert_element_type3A_70 = arith.extui %gt3A_69 : i1 to i32
        %cond3A_71 = arith.constant 0 : i32
        %cond3A_72 = arith.cmpi ne, %convert_element_type3A_70, %cond3A_71 : i32
        scf.if %cond3A_72 {
          %dma_wait3A_96 = arith.constant 0 : i32
          %dma_wait3A_97 = arith.constant 0 : i32
          %dma_wait3A_98 = tpu.memref_slice %arg7[%dma_wait3A_96, %dma_wait3A_97] : memref<1x128xi32, #tpu.memory_space<vmem>> -> memref<1x128xi32, #tpu.memory_space<vmem>>
          %dma_wait3A_99 = tpu.memref_squeeze %dma_wait3A_98 : memref<1x128xi32, #tpu.memory_space<vmem>> -> memref<128xi32, #tpu.memory_space<vmem>>
          %dma_wait3A_100 = arith.constant 0 : i32
          %dma_wait3A_101 = arith.constant 0 : i32
          %dma_wait3A_102 = tpu.memref_slice %arg2[%dma_wait3A_100, %dma_wait3A_101] : memref<10000x128xf32, #tpu.memory_space<hbm>> -> memref<10000x128xf32, #tpu.memory_space<hbm>>
          tpu.wait_indirect_dma semaphore(%arg17 : memref<!tpu.dma_semaphore, #tpu.memory_space<semaphore_mem>>) src(%dma_wait3A_102 : memref<10000x128xf32, #tpu.memory_space<hbm>>) dst(%arg11 : memref<128x128xf32, #tpu.memory_space<vmem>>)
          %run_scoped3A_103 = arith.constant 0 : i32
          "tpu.region"() ({
            %run_scoped3A_108 = tpu.sem_alloc : memref<!tpu.dma_semaphore, #tpu.memory_space<semaphore_mem>>
            %dma_start3A_109 = arith.constant 0 : i32
            %dma_start3A_110 = tpu.memref_slice %arg9[%run_scoped3A_103, %dma_start3A_109] : memref<1x128xi32, #tpu.memory_space<vmem>> -> memref<1x128xi32, #tpu.memory_space<vmem>>
            %dma_start3A_111 = tpu.memref_squeeze %dma_start3A_110 : memref<1x128xi32, #tpu.memory_space<vmem>> -> memref<128xi32, #tpu.memory_space<vmem>>
            %dma_start3A_112 = arith.constant 0 : i32
            %dma_start3A_113 = arith.constant 0 : i32
            %dma_start3A_114 = tpu.memref_slice %arg13[%dma_start3A_112, %dma_start3A_113] : memref<10240x128xf32, #tpu.memory_space<vmem_shared>> -> memref<10240x128xf32, #tpu.memory_space<vmem_shared>>
            tpu.enqueue_indirect_dma source(%arg11 : memref<128x128xf32, #tpu.memory_space<vmem>>) target(%dma_start3A_114 : memref<10240x128xf32, #tpu.memory_space<vmem_shared>>) offsets(%dma_start3A_111 : memref<128xi32, #tpu.memory_space<vmem>>) semaphore(%run_scoped3A_108 : memref<!tpu.dma_semaphore, #tpu.memory_space<semaphore_mem>>) {add = true}
            %dma_wait3A_115 = arith.constant 0 : i32
            %dma_wait3A_116 = tpu.memref_slice %arg9[%run_scoped3A_103, %dma_wait3A_115] : memref<1x128xi32, #tpu.memory_space<vmem>> -> memref<1x128xi32, #tpu.memory_space<vmem>>
            %dma_wait3A_117 = tpu.memref_squeeze %dma_wait3A_116 : memref<1x128xi32, #tpu.memory_space<vmem>> -> memref<128xi32, #tpu.memory_space<vmem>>
            %dma_wait3A_118 = arith.constant 0 : i32
            %dma_wait3A_119 = arith.constant 0 : i32
            %dma_wait3A_120 = tpu.memref_slice %arg13[%dma_wait3A_118, %dma_wait3A_119] : memref<10240x128xf32, #tpu.memory_space<vmem_shared>> -> memref<10240x128xf32, #tpu.memory_space<vmem_shared>>
            tpu.wait_indirect_dma semaphore(%run_scoped3A_108 : memref<!tpu.dma_semaphore, #tpu.memory_space<semaphore_mem>>) src(%arg11 : memref<128x128xf32, #tpu.memory_space<vmem>>) dst(%dma_wait3A_120 : memref<10240x128xf32, #tpu.memory_space<vmem_shared>>)
            tpu.yield
          }) : () -> ()
          %lt3A = arith.constant 143 : i32
          %lt3A_104 = arith.cmpi slt, %add3A_52, %lt3A : i32
          %convert_element_type3A_105 = arith.extui %lt3A_104 : i1 to i32
          %cond3A_106 = arith.constant 0 : i32
          %cond3A_107 = arith.cmpi ne, %convert_element_type3A_105, %cond3A_106 : i32
          scf.if %cond3A_107 {
            %add3A_108 = arith.addi %mul3A_20, %add3A_52 : i32
            %add3A_109 = arith.constant 1 : i32
            %add3A_110 = arith.addi %add3A_108, %add3A_109 : i32
            %dma_start3A_111 = arith.constant 0 : i32
            %dma_start3A_112 = tpu.memref_slice %arg3[%add3A_110, %dma_start3A_111] : memref<2560x128xi32, #tpu.memory_space<hbm>> -> memref<1x128xi32, #tpu.memory_space<hbm>>
            %dma_start3A_113 = arith.constant 0 : i32
            %dma_start3A_114 = tpu.memref_slice %arg3[%add3A_110, %dma_start3A_113] : memref<2560x128xi32, #tpu.memory_space<hbm>> -> memref<1x128xi32, #tpu.memory_space<hbm>>
            tpu.enqueue_dma source(%dma_start3A_114 : memref<1x128xi32, #tpu.memory_space<hbm>>) target(%arg7 : memref<1x128xi32, #tpu.memory_space<vmem>>) target_semaphore(%arg15 : memref<!tpu.dma_semaphore, #tpu.memory_space<semaphore_mem>>)
            %dma_start3A_115 = arith.constant 0 : i32
            %dma_start3A_116 = tpu.memref_slice %arg4[%add3A_110, %dma_start3A_115] : memref<2560x128xi32, #tpu.memory_space<hbm>> -> memref<1x128xi32, #tpu.memory_space<hbm>>
            %dma_start3A_117 = arith.constant 0 : i32
            %dma_start3A_118 = tpu.memref_slice %arg4[%add3A_110, %dma_start3A_117] : memref<2560x128xi32, #tpu.memory_space<hbm>> -> memref<1x128xi32, #tpu.memory_space<hbm>>
            tpu.enqueue_dma source(%dma_start3A_118 : memref<1x128xi32, #tpu.memory_space<hbm>>) target(%arg9 : memref<1x128xi32, #tpu.memory_space<vmem>>) target_semaphore(%arg15 : memref<!tpu.dma_semaphore, #tpu.memory_space<semaphore_mem>>)
          } else {
          }
        } else {
        }
        %add3A_73 = arith.constant 1 : i32
        %add3A_74 = arith.addi %add3A_52, %add3A_73 : i32
        %add3A_75 = arith.addi %mul3A_20, %add3A_74 : i32
        %dma_wait3A_76 = arith.constant 0 : i32
        %dma_wait3A_77 = tpu.memref_slice %arg3[%add3A_75, %dma_wait3A_76] : memref<2560x128xi32, #tpu.memory_space<hbm>> -> memref<1x128xi32, #tpu.memory_space<hbm>>
        %dma_wait3A_78 = arith.constant 0 : i32
        %dma_wait3A_79 = tpu.memref_slice %arg3[%add3A_75, %dma_wait3A_78] : memref<2560x128xi32, #tpu.memory_space<hbm>> -> memref<1x128xi32, #tpu.memory_space<hbm>>
        tpu.wait_dma2 semaphore(%arg15 : memref<!tpu.dma_semaphore, #tpu.memory_space<semaphore_mem>>) src(%dma_wait3A_79 : memref<1x128xi32, #tpu.memory_space<hbm>>) dst(%arg7 : memref<1x128xi32, #tpu.memory_space<vmem>>)
        %dma_wait3A_80 = arith.constant 0 : i32
        %dma_wait3A_81 = tpu.memref_slice %arg4[%add3A_75, %dma_wait3A_80] : memref<2560x128xi32, #tpu.memory_space<hbm>> -> memref<1x128xi32, #tpu.memory_space<hbm>>
        %dma_wait3A_82 = arith.constant 0 : i32
        %dma_wait3A_83 = tpu.memref_slice %arg4[%add3A_75, %dma_wait3A_82] : memref<2560x128xi32, #tpu.memory_space<hbm>> -> memref<1x128xi32, #tpu.memory_space<hbm>>
        tpu.wait_dma2 semaphore(%arg15 : memref<!tpu.dma_semaphore, #tpu.memory_space<semaphore_mem>>) src(%dma_wait3A_83 : memref<1x128xi32, #tpu.memory_space<hbm>>) dst(%arg9 : memref<1x128xi32, #tpu.memory_space<vmem>>)
        %dma_start3A_84 = arith.constant 0 : i32
        %dma_start3A_85 = arith.constant 0 : i32
        %dma_start3A_86 = tpu.memref_slice %arg7[%dma_start3A_84, %dma_start3A_85] : memref<1x128xi32, #tpu.memory_space<vmem>> -> memref<1x128xi32, #tpu.memory_space<vmem>>
        %dma_start3A_87 = tpu.memref_squeeze %dma_start3A_86 : memref<1x128xi32, #tpu.memory_space<vmem>> -> memref<128xi32, #tpu.memory_space<vmem>>
        %dma_start3A_88 = arith.constant 0 : i32
        %dma_start3A_89 = arith.constant 0 : i32
        %dma_start3A_90 = tpu.memref_slice %arg2[%dma_start3A_88, %dma_start3A_89] : memref<10000x128xf32, #tpu.memory_space<hbm>> -> memref<10000x128xf32, #tpu.memory_space<hbm>>
        tpu.enqueue_indirect_dma source(%dma_start3A_90 : memref<10000x128xf32, #tpu.memory_space<hbm>>) target(%arg11 : memref<128x128xf32, #tpu.memory_space<vmem>>) offsets(%dma_start3A_87 : memref<128xi32, #tpu.memory_space<vmem>>) semaphore(%arg17 : memref<!tpu.dma_semaphore, #tpu.memory_space<semaphore_mem>>)
        %gt3A_91 = arith.constant 0 : i32
        %gt3A_92 = arith.cmpi sgt, %add3A_74, %gt3A_91 : i32
        %convert_element_type3A_93 = arith.extui %gt3A_92 : i1 to i32
        %cond3A_94 = arith.constant 0 : i32
        %cond3A_95 = arith.cmpi ne, %convert_element_type3A_93, %cond3A_94 : i32
        scf.if %cond3A_95 {
          %dma_wait3A_96 = arith.constant 0 : i32
          %dma_wait3A_97 = arith.constant 0 : i32
          %dma_wait3A_98 = tpu.memref_slice %arg6[%dma_wait3A_96, %dma_wait3A_97] : memref<1x128xi32, #tpu.memory_space<vmem>> -> memref<1x128xi32, #tpu.memory_space<vmem>>
          %dma_wait3A_99 = tpu.memref_squeeze %dma_wait3A_98 : memref<1x128xi32, #tpu.memory_space<vmem>> -> memref<128xi32, #tpu.memory_space<vmem>>
          %dma_wait3A_100 = arith.constant 0 : i32
          %dma_wait3A_101 = arith.constant 0 : i32
          %dma_wait3A_102 = tpu.memref_slice %arg2[%dma_wait3A_100, %dma_wait3A_101] : memref<10000x128xf32, #tpu.memory_space<hbm>> -> memref<10000x128xf32, #tpu.memory_space<hbm>>
          tpu.wait_indirect_dma semaphore(%arg16 : memref<!tpu.dma_semaphore, #tpu.memory_space<semaphore_mem>>) src(%dma_wait3A_102 : memref<10000x128xf32, #tpu.memory_space<hbm>>) dst(%arg10 : memref<128x128xf32, #tpu.memory_space<vmem>>)
          %run_scoped3A_103 = arith.constant 0 : i32
          "tpu.region"() ({
            %run_scoped3A_108 = tpu.sem_alloc : memref<!tpu.dma_semaphore, #tpu.memory_space<semaphore_mem>>
            %dma_start3A_109 = arith.constant 0 : i32
            %dma_start3A_110 = tpu.memref_slice %arg8[%run_scoped3A_103, %dma_start3A_109] : memref<1x128xi32, #tpu.memory_space<vmem>> -> memref<1x128xi32, #tpu.memory_space<vmem>>
            %dma_start3A_111 = tpu.memref_squeeze %dma_start3A_110 : memref<1x128xi32, #tpu.memory_space<vmem>> -> memref<128xi32, #tpu.memory_space<vmem>>
            %dma_start3A_112 = arith.constant 0 : i32
            %dma_start3A_113 = arith.constant 0 : i32
            %dma_start3A_114 = tpu.memref_slice %arg13[%dma_start3A_112, %dma_start3A_113] : memref<10240x128xf32, #tpu.memory_space<vmem_shared>> -> memref<10240x128xf32, #tpu.memory_space<vmem_shared>>
            tpu.enqueue_indirect_dma source(%arg10 : memref<128x128xf32, #tpu.memory_space<vmem>>) target(%dma_start3A_114 : memref<10240x128xf32, #tpu.memory_space<vmem_shared>>) offsets(%dma_start3A_111 : memref<128xi32, #tpu.memory_space<vmem>>) semaphore(%run_scoped3A_108 : memref<!tpu.dma_semaphore, #tpu.memory_space<semaphore_mem>>) {add = true}
            %dma_wait3A_115 = arith.constant 0 : i32
            %dma_wait3A_116 = tpu.memref_slice %arg8[%run_scoped3A_103, %dma_wait3A_115] : memref<1x128xi32, #tpu.memory_space<vmem>> -> memref<1x128xi32, #tpu.memory_space<vmem>>
            %dma_wait3A_117 = tpu.memref_squeeze %dma_wait3A_116 : memref<1x128xi32, #tpu.memory_space<vmem>> -> memref<128xi32, #tpu.memory_space<vmem>>
            %dma_wait3A_118 = arith.constant 0 : i32
            %dma_wait3A_119 = arith.constant 0 : i32
            %dma_wait3A_120 = tpu.memref_slice %arg13[%dma_wait3A_118, %dma_wait3A_119] : memref<10240x128xf32, #tpu.memory_space<vmem_shared>> -> memref<10240x128xf32, #tpu.memory_space<vmem_shared>>
            tpu.wait_indirect_dma semaphore(%run_scoped3A_108 : memref<!tpu.dma_semaphore, #tpu.memory_space<semaphore_mem>>) src(%arg10 : memref<128x128xf32, #tpu.memory_space<vmem>>) dst(%dma_wait3A_120 : memref<10240x128xf32, #tpu.memory_space<vmem_shared>>)
            tpu.yield
          }) : () -> ()
          %lt3A = arith.constant 143 : i32
          %lt3A_104 = arith.cmpi slt, %add3A_74, %lt3A : i32
          %convert_element_type3A_105 = arith.extui %lt3A_104 : i1 to i32
          %cond3A_106 = arith.constant 0 : i32
          %cond3A_107 = arith.cmpi ne, %convert_element_type3A_105, %cond3A_106 : i32
          scf.if %cond3A_107 {
            %add3A_108 = arith.addi %mul3A_20, %add3A_74 : i32
            %add3A_109 = arith.constant 1 : i32
            %add3A_110 = arith.addi %add3A_108, %add3A_109 : i32
            %dma_start3A_111 = arith.constant 0 : i32
            %dma_start3A_112 = tpu.memref_slice %arg3[%add3A_110, %dma_start3A_111] : memref<2560x128xi32, #tpu.memory_space<hbm>> -> memref<1x128xi32, #tpu.memory_space<hbm>>
            %dma_start3A_113 = arith.constant 0 : i32
            %dma_start3A_114 = tpu.memref_slice %arg3[%add3A_110, %dma_start3A_113] : memref<2560x128xi32, #tpu.memory_space<hbm>> -> memref<1x128xi32, #tpu.memory_space<hbm>>
            tpu.enqueue_dma source(%dma_start3A_114 : memref<1x128xi32, #tpu.memory_space<hbm>>) target(%arg6 : memref<1x128xi32, #tpu.memory_space<vmem>>) target_semaphore(%arg14 : memref<!tpu.dma_semaphore, #tpu.memory_space<semaphore_mem>>)
            %dma_start3A_115 = arith.constant 0 : i32
            %dma_start3A_116 = tpu.memref_slice %arg4[%add3A_110, %dma_start3A_115] : memref<2560x128xi32, #tpu.memory_space<hbm>> -> memref<1x128xi32, #tpu.memory_space<hbm>>
            %dma_start3A_117 = arith.constant 0 : i32
            %dma_start3A_118 = tpu.memref_slice %arg4[%add3A_110, %dma_start3A_117] : memref<2560x128xi32, #tpu.memory_space<hbm>> -> memref<1x128xi32, #tpu.memory_space<hbm>>
            tpu.enqueue_dma source(%dma_start3A_118 : memref<1x128xi32, #tpu.memory_space<hbm>>) target(%arg8 : memref<1x128xi32, #tpu.memory_space<vmem>>) target_semaphore(%arg14 : memref<!tpu.dma_semaphore, #tpu.memory_space<semaphore_mem>>)
          } else {
          }
        } else {
        }
      }
      %scan3A_41 = arith.constant 72 : i32
      %dma_wait3A = arith.constant 0 : i32
      %dma_wait3A_42 = arith.constant 0 : i32
      %dma_wait3A_43 = tpu.memref_slice %arg7[%dma_wait3A, %dma_wait3A_42] : memref<1x128xi32, #tpu.memory_space<vmem>> -> memref<1x128xi32, #tpu.memory_space<vmem>>
      %dma_wait3A_44 = tpu.memref_squeeze %dma_wait3A_43 : memref<1x128xi32, #tpu.memory_space<vmem>> -> memref<128xi32, #tpu.memory_space<vmem>>
      %dma_wait3A_45 = arith.constant 0 : i32
      %dma_wait3A_46 = arith.constant 0 : i32
      %dma_wait3A_47 = tpu.memref_slice %arg2[%dma_wait3A_45, %dma_wait3A_46] : memref<10000x128xf32, #tpu.memory_space<hbm>> -> memref<10000x128xf32, #tpu.memory_space<hbm>>
      tpu.wait_indirect_dma semaphore(%arg17 : memref<!tpu.dma_semaphore, #tpu.memory_space<semaphore_mem>>) src(%dma_wait3A_47 : memref<10000x128xf32, #tpu.memory_space<hbm>>) dst(%arg11 : memref<128x128xf32, #tpu.memory_space<vmem>>)
      %run_scoped3A = arith.constant 0 : i32
      "tpu.region"() ({
        %run_scoped3A_48 = tpu.sem_alloc : memref<!tpu.dma_semaphore, #tpu.memory_space<semaphore_mem>>
        %dma_start3A_49 = arith.constant 0 : i32
        %dma_start3A_50 = tpu.memref_slice %arg9[%run_scoped3A, %dma_start3A_49] : memref<1x128xi32, #tpu.memory_space<vmem>> -> memref<1x128xi32, #tpu.memory_space<vmem>>
        %dma_start3A_51 = tpu.memref_squeeze %dma_start3A_50 : memref<1x128xi32, #tpu.memory_space<vmem>> -> memref<128xi32, #tpu.memory_space<vmem>>
        %dma_start3A_52 = arith.constant 0 : i32
        %dma_start3A_53 = arith.constant 0 : i32
        %dma_start3A_54 = tpu.memref_slice %arg13[%dma_start3A_52, %dma_start3A_53] : memref<10240x128xf32, #tpu.memory_space<vmem_shared>> -> memref<10240x128xf32, #tpu.memory_space<vmem_shared>>
        tpu.enqueue_indirect_dma source(%arg11 : memref<128x128xf32, #tpu.memory_space<vmem>>) target(%dma_start3A_54 : memref<10240x128xf32, #tpu.memory_space<vmem_shared>>) offsets(%dma_start3A_51 : memref<128xi32, #tpu.memory_space<vmem>>) semaphore(%run_scoped3A_48 : memref<!tpu.dma_semaphore, #tpu.memory_space<semaphore_mem>>) {add = true}
        %dma_wait3A_55 = arith.constant 0 : i32
        %dma_wait3A_56 = tpu.memref_slice %arg9[%run_scoped3A, %dma_wait3A_55] : memref<1x128xi32, #tpu.memory_space<vmem>> -> memref<1x128xi32, #tpu.memory_space<vmem>>
        %dma_wait3A_57 = tpu.memref_squeeze %dma_wait3A_56 : memref<1x128xi32, #tpu.memory_space<vmem>> -> memref<128xi32, #tpu.memory_space<vmem>>
        %dma_wait3A_58 = arith.constant 0 : i32
        %dma_wait3A_59 = arith.constant 0 : i32
        %dma_wait3A_60 = tpu.memref_slice %arg13[%dma_wait3A_58, %dma_wait3A_59] : memref<10240x128xf32, #tpu.memory_space<vmem_shared>> -> memref<10240x128xf32, #tpu.memory_space<vmem_shared>>
        tpu.wait_indirect_dma semaphore(%run_scoped3A_48 : memref<!tpu.dma_semaphore, #tpu.memory_space<semaphore_mem>>) src(%arg11 : memref<128x128xf32, #tpu.memory_space<vmem>>) dst(%dma_wait3A_60 : memref<10240x128xf32, #tpu.memory_space<vmem_shared>>)
        tpu.yield
      }) : () -> ()
    } else {
    }
    %eq3A_13 = arith.constant 1 : i32
    %eq3A_14 = arith.cmpi eq, %arg0, %eq3A_13 : i32
    %convert_element_type3A_15 = arith.extui %eq3A_14 : i1 to i32
    %cond3A_16 = arith.constant 0 : i32
    %cond3A_17 = arith.cmpi ne, %convert_element_type3A_15, %cond3A_16 : i32
    scf.if %cond3A_17 {
      %mul3A_19 = arith.constant 16 : i32
      %mul3A_20 = arith.muli %arg1, %mul3A_19 : i32
      %add3A = arith.constant 2304 : i32
      %add3A_21 = arith.addi %add3A, %mul3A_20 : i32
      %dma_start3A = arith.constant 0 : i32
      %dma_start3A_22 = tpu.memref_slice %arg3[%add3A_21, %dma_start3A] : memref<2560x128xi32, #tpu.memory_space<hbm>> -> memref<1x128xi32, #tpu.memory_space<hbm>>
      %dma_start3A_23 = arith.constant 0 : i32
      %dma_start3A_24 = tpu.memref_slice %arg3[%add3A_21, %dma_start3A_23] : memref<2560x128xi32, #tpu.memory_space<hbm>> -> memref<1x128xi32, #tpu.memory_space<hbm>>
      tpu.enqueue_dma source(%dma_start3A_24 : memref<1x128xi32, #tpu.memory_space<hbm>>) target(%arg6 : memref<1x128xi32, #tpu.memory_space<vmem>>) target_semaphore(%arg14 : memref<!tpu.dma_semaphore, #tpu.memory_space<semaphore_mem>>)
      %dma_start3A_25 = arith.constant 0 : i32
      %dma_start3A_26 = tpu.memref_slice %arg4[%add3A_21, %dma_start3A_25] : memref<2560x128xi32, #tpu.memory_space<hbm>> -> memref<1x128xi32, #tpu.memory_space<hbm>>
      %dma_start3A_27 = arith.constant 0 : i32
      %dma_start3A_28 = tpu.memref_slice %arg4[%add3A_21, %dma_start3A_27] : memref<2560x128xi32, #tpu.memory_space<hbm>> -> memref<1x128xi32, #tpu.memory_space<hbm>>
      tpu.enqueue_dma source(%dma_start3A_28 : memref<1x128xi32, #tpu.memory_space<hbm>>) target(%arg8 : memref<1x128xi32, #tpu.memory_space<vmem>>) target_semaphore(%arg14 : memref<!tpu.dma_semaphore, #tpu.memory_space<semaphore_mem>>)
      %add3A_29 = arith.constant 1 : i32
      %add3A_30 = arith.addi %add3A_21, %add3A_29 : i32
      %dma_start3A_31 = arith.constant 0 : i32
      %dma_start3A_32 = tpu.memref_slice %arg3[%add3A_30, %dma_start3A_31] : memref<2560x128xi32, #tpu.memory_space<hbm>> -> memref<1x128xi32, #tpu.memory_space<hbm>>
      %dma_start3A_33 = arith.constant 0 : i32
      %dma_start3A_34 = tpu.memref_slice %arg3[%add3A_30, %dma_start3A_33] : memref<2560x128xi32, #tpu.memory_space<hbm>> -> memref<1x128xi32, #tpu.memory_space<hbm>>
      tpu.enqueue_dma source(%dma_start3A_34 : memref<1x128xi32, #tpu.memory_space<hbm>>) target(%arg7 : memref<1x128xi32, #tpu.memory_space<vmem>>) target_semaphore(%arg15 : memref<!tpu.dma_semaphore, #tpu.memory_space<semaphore_mem>>)
      %dma_start3A_35 = arith.constant 0 : i32
      %dma_start3A_36 = tpu.memref_slice %arg4[%add3A_30, %dma_start3A_35] : memref<2560x128xi32, #tpu.memory_space<hbm>> -> memref<1x128xi32, #tpu.memory_space<hbm>>
      %dma_start3A_37 = arith.constant 0 : i32
      %dma_start3A_38 = tpu.memref_slice %arg4[%add3A_30, %dma_start3A_37] : memref<2560x128xi32, #tpu.memory_space<hbm>> -> memref<1x128xi32, #tpu.memory_space<hbm>>
      tpu.enqueue_dma source(%dma_start3A_38 : memref<1x128xi32, #tpu.memory_space<hbm>>) target(%arg9 : memref<1x128xi32, #tpu.memory_space<vmem>>) target_semaphore(%arg15 : memref<!tpu.dma_semaphore, #tpu.memory_space<semaphore_mem>>)
      %scan3A_39 = arith.constant 0 : i32
      %scan3A_40 = arith.constant 8 : i32
      %scan3A_41 = arith.addi %scan3A_39, %scan3A_40 : i32
      %scan3A_42 = arith.constant 1 : i32
      scf.for %scan3A_50 = %scan3A_39 to %scan3A_41 step %scan3A_42  : i32 {
        %mul3A_51 = arith.constant 2 : i32
        %mul3A_52 = arith.muli %scan3A_50, %mul3A_51 : i32
        %add3A_53 = arith.constant 0 : i32
        %add3A_54 = arith.addi %add3A_53, %mul3A_52 : i32
        %add3A_55 = arith.addi %add3A_21, %add3A_54 : i32
        %dma_wait3A_56 = arith.constant 0 : i32
        %dma_wait3A_57 = tpu.memref_slice %arg3[%add3A_55, %dma_wait3A_56] : memref<2560x128xi32, #tpu.memory_space<hbm>> -> memref<1x128xi32, #tpu.memory_space<hbm>>
        %dma_wait3A_58 = arith.constant 0 : i32
        %dma_wait3A_59 = tpu.memref_slice %arg3[%add3A_55, %dma_wait3A_58] : memref<2560x128xi32, #tpu.memory_space<hbm>> -> memref<1x128xi32, #tpu.memory_space<hbm>>
        tpu.wait_dma2 semaphore(%arg14 : memref<!tpu.dma_semaphore, #tpu.memory_space<semaphore_mem>>) src(%dma_wait3A_59 : memref<1x128xi32, #tpu.memory_space<hbm>>) dst(%arg6 : memref<1x128xi32, #tpu.memory_space<vmem>>)
        %dma_wait3A_60 = arith.constant 0 : i32
        %dma_wait3A_61 = tpu.memref_slice %arg4[%add3A_55, %dma_wait3A_60] : memref<2560x128xi32, #tpu.memory_space<hbm>> -> memref<1x128xi32, #tpu.memory_space<hbm>>
        %dma_wait3A_62 = arith.constant 0 : i32
        %dma_wait3A_63 = tpu.memref_slice %arg4[%add3A_55, %dma_wait3A_62] : memref<2560x128xi32, #tpu.memory_space<hbm>> -> memref<1x128xi32, #tpu.memory_space<hbm>>
        tpu.wait_dma2 semaphore(%arg14 : memref<!tpu.dma_semaphore, #tpu.memory_space<semaphore_mem>>) src(%dma_wait3A_63 : memref<1x128xi32, #tpu.memory_space<hbm>>) dst(%arg8 : memref<1x128xi32, #tpu.memory_space<vmem>>)
        %dma_start3A_64 = arith.constant 0 : i32
        %dma_start3A_65 = arith.constant 0 : i32
        %dma_start3A_66 = tpu.memref_slice %arg6[%dma_start3A_64, %dma_start3A_65] : memref<1x128xi32, #tpu.memory_space<vmem>> -> memref<1x128xi32, #tpu.memory_space<vmem>>
        %dma_start3A_67 = tpu.memref_squeeze %dma_start3A_66 : memref<1x128xi32, #tpu.memory_space<vmem>> -> memref<128xi32, #tpu.memory_space<vmem>>
        %dma_start3A_68 = arith.constant 0 : i32
        %dma_start3A_69 = arith.constant 0 : i32
        %dma_start3A_70 = tpu.memref_slice %arg2[%dma_start3A_68, %dma_start3A_69] : memref<10000x128xf32, #tpu.memory_space<hbm>> -> memref<10000x128xf32, #tpu.memory_space<hbm>>
        tpu.enqueue_indirect_dma source(%dma_start3A_70 : memref<10000x128xf32, #tpu.memory_space<hbm>>) target(%arg10 : memref<128x128xf32, #tpu.memory_space<vmem>>) offsets(%dma_start3A_67 : memref<128xi32, #tpu.memory_space<vmem>>) semaphore(%arg16 : memref<!tpu.dma_semaphore, #tpu.memory_space<semaphore_mem>>)
        %gt3A = arith.constant 0 : i32
        %gt3A_71 = arith.cmpi sgt, %add3A_54, %gt3A : i32
        %convert_element_type3A_72 = arith.extui %gt3A_71 : i1 to i32
        %cond3A_73 = arith.constant 0 : i32
        %cond3A_74 = arith.cmpi ne, %convert_element_type3A_72, %cond3A_73 : i32
        scf.if %cond3A_74 {
          %dma_wait3A_98 = arith.constant 0 : i32
          %dma_wait3A_99 = arith.constant 0 : i32
          %dma_wait3A_100 = tpu.memref_slice %arg7[%dma_wait3A_98, %dma_wait3A_99] : memref<1x128xi32, #tpu.memory_space<vmem>> -> memref<1x128xi32, #tpu.memory_space<vmem>>
          %dma_wait3A_101 = tpu.memref_squeeze %dma_wait3A_100 : memref<1x128xi32, #tpu.memory_space<vmem>> -> memref<128xi32, #tpu.memory_space<vmem>>
          %dma_wait3A_102 = arith.constant 0 : i32
          %dma_wait3A_103 = arith.constant 0 : i32
          %dma_wait3A_104 = tpu.memref_slice %arg2[%dma_wait3A_102, %dma_wait3A_103] : memref<10000x128xf32, #tpu.memory_space<hbm>> -> memref<10000x128xf32, #tpu.memory_space<hbm>>
          tpu.wait_indirect_dma semaphore(%arg17 : memref<!tpu.dma_semaphore, #tpu.memory_space<semaphore_mem>>) src(%dma_wait3A_104 : memref<10000x128xf32, #tpu.memory_space<hbm>>) dst(%arg11 : memref<128x128xf32, #tpu.memory_space<vmem>>)
          %run_scoped3A_105 = arith.constant 0 : i32
          "tpu.region"() ({
            %run_scoped3A_110 = tpu.sem_alloc : memref<!tpu.dma_semaphore, #tpu.memory_space<semaphore_mem>>
            %dma_start3A_111 = arith.constant 0 : i32
            %dma_start3A_112 = tpu.memref_slice %arg9[%run_scoped3A_105, %dma_start3A_111] : memref<1x128xi32, #tpu.memory_space<vmem>> -> memref<1x128xi32, #tpu.memory_space<vmem>>
            %dma_start3A_113 = tpu.memref_squeeze %dma_start3A_112 : memref<1x128xi32, #tpu.memory_space<vmem>> -> memref<128xi32, #tpu.memory_space<vmem>>
            %dma_start3A_114 = arith.constant 0 : i32
            %dma_start3A_115 = arith.constant 0 : i32
            %dma_start3A_116 = tpu.memref_slice %arg13[%dma_start3A_114, %dma_start3A_115] : memref<10240x128xf32, #tpu.memory_space<vmem_shared>> -> memref<10240x128xf32, #tpu.memory_space<vmem_shared>>
            tpu.enqueue_indirect_dma source(%arg11 : memref<128x128xf32, #tpu.memory_space<vmem>>) target(%dma_start3A_116 : memref<10240x128xf32, #tpu.memory_space<vmem_shared>>) offsets(%dma_start3A_113 : memref<128xi32, #tpu.memory_space<vmem>>) semaphore(%run_scoped3A_110 : memref<!tpu.dma_semaphore, #tpu.memory_space<semaphore_mem>>) {add = true}
            %dma_wait3A_117 = arith.constant 0 : i32
            %dma_wait3A_118 = tpu.memref_slice %arg9[%run_scoped3A_105, %dma_wait3A_117] : memref<1x128xi32, #tpu.memory_space<vmem>> -> memref<1x128xi32, #tpu.memory_space<vmem>>
            %dma_wait3A_119 = tpu.memref_squeeze %dma_wait3A_118 : memref<1x128xi32, #tpu.memory_space<vmem>> -> memref<128xi32, #tpu.memory_space<vmem>>
            %dma_wait3A_120 = arith.constant 0 : i32
            %dma_wait3A_121 = arith.constant 0 : i32
            %dma_wait3A_122 = tpu.memref_slice %arg13[%dma_wait3A_120, %dma_wait3A_121] : memref<10240x128xf32, #tpu.memory_space<vmem_shared>> -> memref<10240x128xf32, #tpu.memory_space<vmem_shared>>
            tpu.wait_indirect_dma semaphore(%run_scoped3A_110 : memref<!tpu.dma_semaphore, #tpu.memory_space<semaphore_mem>>) src(%arg11 : memref<128x128xf32, #tpu.memory_space<vmem>>) dst(%dma_wait3A_122 : memref<10240x128xf32, #tpu.memory_space<vmem_shared>>)
            tpu.yield
          }) : () -> ()
          %lt3A = arith.constant 15 : i32
          %lt3A_106 = arith.cmpi slt, %add3A_54, %lt3A : i32
          %convert_element_type3A_107 = arith.extui %lt3A_106 : i1 to i32
          %cond3A_108 = arith.constant 0 : i32
          %cond3A_109 = arith.cmpi ne, %convert_element_type3A_107, %cond3A_108 : i32
          scf.if %cond3A_109 {
            %add3A_110 = arith.addi %add3A_21, %add3A_54 : i32
            %add3A_111 = arith.constant 1 : i32
            %add3A_112 = arith.addi %add3A_110, %add3A_111 : i32
            %dma_start3A_113 = arith.constant 0 : i32
            %dma_start3A_114 = tpu.memref_slice %arg3[%add3A_112, %dma_start3A_113] : memref<2560x128xi32, #tpu.memory_space<hbm>> -> memref<1x128xi32, #tpu.memory_space<hbm>>
            %dma_start3A_115 = arith.constant 0 : i32
            %dma_start3A_116 = tpu.memref_slice %arg3[%add3A_112, %dma_start3A_115] : memref<2560x128xi32, #tpu.memory_space<hbm>> -> memref<1x128xi32, #tpu.memory_space<hbm>>
            tpu.enqueue_dma source(%dma_start3A_116 : memref<1x128xi32, #tpu.memory_space<hbm>>) target(%arg7 : memref<1x128xi32, #tpu.memory_space<vmem>>) target_semaphore(%arg15 : memref<!tpu.dma_semaphore, #tpu.memory_space<semaphore_mem>>)
            %dma_start3A_117 = arith.constant 0 : i32
            %dma_start3A_118 = tpu.memref_slice %arg4[%add3A_112, %dma_start3A_117] : memref<2560x128xi32, #tpu.memory_space<hbm>> -> memref<1x128xi32, #tpu.memory_space<hbm>>
            %dma_start3A_119 = arith.constant 0 : i32
            %dma_start3A_120 = tpu.memref_slice %arg4[%add3A_112, %dma_start3A_119] : memref<2560x128xi32, #tpu.memory_space<hbm>> -> memref<1x128xi32, #tpu.memory_space<hbm>>
            tpu.enqueue_dma source(%dma_start3A_120 : memref<1x128xi32, #tpu.memory_space<hbm>>) target(%arg9 : memref<1x128xi32, #tpu.memory_space<vmem>>) target_semaphore(%arg15 : memref<!tpu.dma_semaphore, #tpu.memory_space<semaphore_mem>>)
          } else {
          }
        } else {
        }
        %add3A_75 = arith.constant 1 : i32
        %add3A_76 = arith.addi %add3A_54, %add3A_75 : i32
        %add3A_77 = arith.addi %add3A_21, %add3A_76 : i32
        %dma_wait3A_78 = arith.constant 0 : i32
        %dma_wait3A_79 = tpu.memref_slice %arg3[%add3A_77, %dma_wait3A_78] : memref<2560x128xi32, #tpu.memory_space<hbm>> -> memref<1x128xi32, #tpu.memory_space<hbm>>
        %dma_wait3A_80 = arith.constant 0 : i32
        %dma_wait3A_81 = tpu.memref_slice %arg3[%add3A_77, %dma_wait3A_80] : memref<2560x128xi32, #tpu.memory_space<hbm>> -> memref<1x128xi32, #tpu.memory_space<hbm>>
        tpu.wait_dma2 semaphore(%arg15 : memref<!tpu.dma_semaphore, #tpu.memory_space<semaphore_mem>>) src(%dma_wait3A_81 : memref<1x128xi32, #tpu.memory_space<hbm>>) dst(%arg7 : memref<1x128xi32, #tpu.memory_space<vmem>>)
        %dma_wait3A_82 = arith.constant 0 : i32
        %dma_wait3A_83 = tpu.memref_slice %arg4[%add3A_77, %dma_wait3A_82] : memref<2560x128xi32, #tpu.memory_space<hbm>> -> memref<1x128xi32, #tpu.memory_space<hbm>>
        %dma_wait3A_84 = arith.constant 0 : i32
        %dma_wait3A_85 = tpu.memref_slice %arg4[%add3A_77, %dma_wait3A_84] : memref<2560x128xi32, #tpu.memory_space<hbm>> -> memref<1x128xi32, #tpu.memory_space<hbm>>
        tpu.wait_dma2 semaphore(%arg15 : memref<!tpu.dma_semaphore, #tpu.memory_space<semaphore_mem>>) src(%dma_wait3A_85 : memref<1x128xi32, #tpu.memory_space<hbm>>) dst(%arg9 : memref<1x128xi32, #tpu.memory_space<vmem>>)
        %dma_start3A_86 = arith.constant 0 : i32
        %dma_start3A_87 = arith.constant 0 : i32
        %dma_start3A_88 = tpu.memref_slice %arg7[%dma_start3A_86, %dma_start3A_87] : memref<1x128xi32, #tpu.memory_space<vmem>> -> memref<1x128xi32, #tpu.memory_space<vmem>>
        %dma_start3A_89 = tpu.memref_squeeze %dma_start3A_88 : memref<1x128xi32, #tpu.memory_space<vmem>> -> memref<128xi32, #tpu.memory_space<vmem>>
        %dma_start3A_90 = arith.constant 0 : i32
        %dma_start3A_91 = arith.constant 0 : i32
        %dma_start3A_92 = tpu.memref_slice %arg2[%dma_start3A_90, %dma_start3A_91] : memref<10000x128xf32, #tpu.memory_space<hbm>> -> memref<10000x128xf32, #tpu.memory_space<hbm>>
        tpu.enqueue_indirect_dma source(%dma_start3A_92 : memref<10000x128xf32, #tpu.memory_space<hbm>>) target(%arg11 : memref<128x128xf32, #tpu.memory_space<vmem>>) offsets(%dma_start3A_89 : memref<128xi32, #tpu.memory_space<vmem>>) semaphore(%arg17 : memref<!tpu.dma_semaphore, #tpu.memory_space<semaphore_mem>>)
        %gt3A_93 = arith.constant 0 : i32
        %gt3A_94 = arith.cmpi sgt, %add3A_76, %gt3A_93 : i32
        %convert_element_type3A_95 = arith.extui %gt3A_94 : i1 to i32
        %cond3A_96 = arith.constant 0 : i32
        %cond3A_97 = arith.cmpi ne, %convert_element_type3A_95, %cond3A_96 : i32
        scf.if %cond3A_97 {
          %dma_wait3A_98 = arith.constant 0 : i32
          %dma_wait3A_99 = arith.constant 0 : i32
          %dma_wait3A_100 = tpu.memref_slice %arg6[%dma_wait3A_98, %dma_wait3A_99] : memref<1x128xi32, #tpu.memory_space<vmem>> -> memref<1x128xi32, #tpu.memory_space<vmem>>
          %dma_wait3A_101 = tpu.memref_squeeze %dma_wait3A_100 : memref<1x128xi32, #tpu.memory_space<vmem>> -> memref<128xi32, #tpu.memory_space<vmem>>
          %dma_wait3A_102 = arith.constant 0 : i32
          %dma_wait3A_103 = arith.constant 0 : i32
          %dma_wait3A_104 = tpu.memref_slice %arg2[%dma_wait3A_102, %dma_wait3A_103] : memref<10000x128xf32, #tpu.memory_space<hbm>> -> memref<10000x128xf32, #tpu.memory_space<hbm>>
          tpu.wait_indirect_dma semaphore(%arg16 : memref<!tpu.dma_semaphore, #tpu.memory_space<semaphore_mem>>) src(%dma_wait3A_104 : memref<10000x128xf32, #tpu.memory_space<hbm>>) dst(%arg10 : memref<128x128xf32, #tpu.memory_space<vmem>>)
          %run_scoped3A_105 = arith.constant 0 : i32
          "tpu.region"() ({
            %run_scoped3A_110 = tpu.sem_alloc : memref<!tpu.dma_semaphore, #tpu.memory_space<semaphore_mem>>
            %dma_start3A_111 = arith.constant 0 : i32
            %dma_start3A_112 = tpu.memref_slice %arg8[%run_scoped3A_105, %dma_start3A_111] : memref<1x128xi32, #tpu.memory_space<vmem>> -> memref<1x128xi32, #tpu.memory_space<vmem>>
            %dma_start3A_113 = tpu.memref_squeeze %dma_start3A_112 : memref<1x128xi32, #tpu.memory_space<vmem>> -> memref<128xi32, #tpu.memory_space<vmem>>
            %dma_start3A_114 = arith.constant 0 : i32
            %dma_start3A_115 = arith.constant 0 : i32
            %dma_start3A_116 = tpu.memref_slice %arg13[%dma_start3A_114, %dma_start3A_115] : memref<10240x128xf32, #tpu.memory_space<vmem_shared>> -> memref<10240x128xf32, #tpu.memory_space<vmem_shared>>
            tpu.enqueue_indirect_dma source(%arg10 : memref<128x128xf32, #tpu.memory_space<vmem>>) target(%dma_start3A_116 : memref<10240x128xf32, #tpu.memory_space<vmem_shared>>) offsets(%dma_start3A_113 : memref<128xi32, #tpu.memory_space<vmem>>) semaphore(%run_scoped3A_110 : memref<!tpu.dma_semaphore, #tpu.memory_space<semaphore_mem>>) {add = true}
            %dma_wait3A_117 = arith.constant 0 : i32
            %dma_wait3A_118 = tpu.memref_slice %arg8[%run_scoped3A_105, %dma_wait3A_117] : memref<1x128xi32, #tpu.memory_space<vmem>> -> memref<1x128xi32, #tpu.memory_space<vmem>>
            %dma_wait3A_119 = tpu.memref_squeeze %dma_wait3A_118 : memref<1x128xi32, #tpu.memory_space<vmem>> -> memref<128xi32, #tpu.memory_space<vmem>>
            %dma_wait3A_120 = arith.constant 0 : i32
            %dma_wait3A_121 = arith.constant 0 : i32
            %dma_wait3A_122 = tpu.memref_slice %arg13[%dma_wait3A_120, %dma_wait3A_121] : memref<10240x128xf32, #tpu.memory_space<vmem_shared>> -> memref<10240x128xf32, #tpu.memory_space<vmem_shared>>
            tpu.wait_indirect_dma semaphore(%run_scoped3A_110 : memref<!tpu.dma_semaphore, #tpu.memory_space<semaphore_mem>>) src(%arg10 : memref<128x128xf32, #tpu.memory_space<vmem>>) dst(%dma_wait3A_122 : memref<10240x128xf32, #tpu.memory_space<vmem_shared>>)
            tpu.yield
          }) : () -> ()
          %lt3A = arith.constant 15 : i32
          %lt3A_106 = arith.cmpi slt, %add3A_76, %lt3A : i32
          %convert_element_type3A_107 = arith.extui %lt3A_106 : i1 to i32
          %cond3A_108 = arith.constant 0 : i32
          %cond3A_109 = arith.cmpi ne, %convert_element_type3A_107, %cond3A_108 : i32
          scf.if %cond3A_109 {
            %add3A_110 = arith.addi %add3A_21, %add3A_76 : i32
            %add3A_111 = arith.constant 1 : i32
            %add3A_112 = arith.addi %add3A_110, %add3A_111 : i32
            %dma_start3A_113 = arith.constant 0 : i32
            %dma_start3A_114 = tpu.memref_slice %arg3[%add3A_112, %dma_start3A_113] : memref<2560x128xi32, #tpu.memory_space<hbm>> -> memref<1x128xi32, #tpu.memory_space<hbm>>
            %dma_start3A_115 = arith.constant 0 : i32
            %dma_start3A_116 = tpu.memref_slice %arg3[%add3A_112, %dma_start3A_115] : memref<2560x128xi32, #tpu.memory_space<hbm>> -> memref<1x128xi32, #tpu.memory_space<hbm>>
            tpu.enqueue_dma source(%dma_start3A_116 : memref<1x128xi32, #tpu.memory_space<hbm>>) target(%arg6 : memref<1x128xi32, #tpu.memory_space<vmem>>) target_semaphore(%arg14 : memref<!tpu.dma_semaphore, #tpu.memory_space<semaphore_mem>>)
            %dma_start3A_117 = arith.constant 0 : i32
            %dma_start3A_118 = tpu.memref_slice %arg4[%add3A_112, %dma_start3A_117] : memref<2560x128xi32, #tpu.memory_space<hbm>> -> memref<1x128xi32, #tpu.memory_space<hbm>>
            %dma_start3A_119 = arith.constant 0 : i32
            %dma_start3A_120 = tpu.memref_slice %arg4[%add3A_112, %dma_start3A_119] : memref<2560x128xi32, #tpu.memory_space<hbm>> -> memref<1x128xi32, #tpu.memory_space<hbm>>
            tpu.enqueue_dma source(%dma_start3A_120 : memref<1x128xi32, #tpu.memory_space<hbm>>) target(%arg8 : memref<1x128xi32, #tpu.memory_space<vmem>>) target_semaphore(%arg14 : memref<!tpu.dma_semaphore, #tpu.memory_space<semaphore_mem>>)
          } else {
          }
        } else {
        }
      }
      %scan3A_43 = arith.constant 8 : i32
      %dma_wait3A = arith.constant 0 : i32
      %dma_wait3A_44 = arith.constant 0 : i32
      %dma_wait3A_45 = tpu.memref_slice %arg7[%dma_wait3A, %dma_wait3A_44] : memref<1x128xi32, #tpu.memory_space<vmem>> -> memref<1x128xi32, #tpu.memory_space<vmem>>
      %dma_wait3A_46 = tpu.memref_squeeze %dma_wait3A_45 : memref<1x128xi32, #tpu.memory_space<vmem>> -> memref<128xi32, #tpu.memory_space<vmem>>
      %dma_wait3A_47 = arith.constant 0 : i32
      %dma_wait3A_48 = arith.constant 0 : i32
      %dma_wait3A_49 = tpu.memref_slice %arg2[%dma_wait3A_47, %dma_wait3A_48] : memref<10000x128xf32, #tpu.memory_space<hbm>> -> memref<10000x128xf32, #tpu.memory_space<hbm>>
      tpu.wait_indirect_dma semaphore(%arg17 : memref<!tpu.dma_semaphore, #tpu.memory_space<semaphore_mem>>) src(%dma_wait3A_49 : memref<10000x128xf32, #tpu.memory_space<hbm>>) dst(%arg11 : memref<128x128xf32, #tpu.memory_space<vmem>>)
      %run_scoped3A = arith.constant 0 : i32
      "tpu.region"() ({
        %run_scoped3A_50 = tpu.sem_alloc : memref<!tpu.dma_semaphore, #tpu.memory_space<semaphore_mem>>
        %dma_start3A_51 = arith.constant 0 : i32
        %dma_start3A_52 = tpu.memref_slice %arg9[%run_scoped3A, %dma_start3A_51] : memref<1x128xi32, #tpu.memory_space<vmem>> -> memref<1x128xi32, #tpu.memory_space<vmem>>
        %dma_start3A_53 = tpu.memref_squeeze %dma_start3A_52 : memref<1x128xi32, #tpu.memory_space<vmem>> -> memref<128xi32, #tpu.memory_space<vmem>>
        %dma_start3A_54 = arith.constant 0 : i32
        %dma_start3A_55 = arith.constant 0 : i32
        %dma_start3A_56 = tpu.memref_slice %arg13[%dma_start3A_54, %dma_start3A_55] : memref<10240x128xf32, #tpu.memory_space<vmem_shared>> -> memref<10240x128xf32, #tpu.memory_space<vmem_shared>>
        tpu.enqueue_indirect_dma source(%arg11 : memref<128x128xf32, #tpu.memory_space<vmem>>) target(%dma_start3A_56 : memref<10240x128xf32, #tpu.memory_space<vmem_shared>>) offsets(%dma_start3A_53 : memref<128xi32, #tpu.memory_space<vmem>>) semaphore(%run_scoped3A_50 : memref<!tpu.dma_semaphore, #tpu.memory_space<semaphore_mem>>) {add = true}
        %dma_wait3A_57 = arith.constant 0 : i32
        %dma_wait3A_58 = tpu.memref_slice %arg9[%run_scoped3A, %dma_wait3A_57] : memref<1x128xi32, #tpu.memory_space<vmem>> -> memref<1x128xi32, #tpu.memory_space<vmem>>
        %dma_wait3A_59 = tpu.memref_squeeze %dma_wait3A_58 : memref<1x128xi32, #tpu.memory_space<vmem>> -> memref<128xi32, #tpu.memory_space<vmem>>
        %dma_wait3A_60 = arith.constant 0 : i32
        %dma_wait3A_61 = arith.constant 0 : i32
        %dma_wait3A_62 = tpu.memref_slice %arg13[%dma_wait3A_60, %dma_wait3A_61] : memref<10240x128xf32, #tpu.memory_space<vmem_shared>> -> memref<10240x128xf32, #tpu.memory_space<vmem_shared>>
        tpu.wait_indirect_dma semaphore(%run_scoped3A_50 : memref<!tpu.dma_semaphore, #tpu.memory_space<semaphore_mem>>) src(%arg11 : memref<128x128xf32, #tpu.memory_space<vmem>>) dst(%dma_wait3A_62 : memref<10240x128xf32, #tpu.memory_space<vmem_shared>>)
        tpu.yield
      }) : () -> ()
    } else {
    }
    %barrier3A_18 = arith.constant 0 : index
    tpu.barrier barrier_id(%barrier3A_18)
    "tpu.region"() ({
      %run_scoped3A = tpu.sem_alloc : memref<!tpu.dma_semaphore, #tpu.memory_space<semaphore_mem>>
      %dma_start3A = arith.constant 0 : i32
      %dma_start3A_19 = arith.constant 0 : i32
      %dma_start3A_20 = tpu.memref_slice %arg5[%arg0, %dma_start3A, %dma_start3A_19] : memref<2x10240x128xf32, #tpu.memory_space<hbm>> -> memref<1x10240x128xf32, #tpu.memory_space<hbm>>
      %dma_start3A_21 = tpu.memref_squeeze %dma_start3A_20 : memref<1x10240x128xf32, #tpu.memory_space<hbm>> -> memref<10240x128xf32, #tpu.memory_space<hbm>>
      %dma_start3A_22 = arith.constant 0 : i32
      %dma_start3A_23 = tpu.memref_slice %dma_start3A_21[%mul3A_4, %dma_start3A_22] : memref<10240x128xf32, #tpu.memory_space<hbm>> -> memref<640x128xf32, #tpu.memory_space<hbm>>
      %dma_start3A_24 = arith.constant 0 : i32
      %dma_start3A_25 = tpu.memref_slice %arg13[%mul3A_4, %dma_start3A_24] : memref<10240x128xf32, #tpu.memory_space<vmem_shared>> -> memref<640x128xf32, #tpu.memory_space<vmem_shared>>
      tpu.enqueue_dma source(%dma_start3A_25 : memref<640x128xf32, #tpu.memory_space<vmem_shared>>) target(%dma_start3A_23 : memref<640x128xf32, #tpu.memory_space<hbm>>) target_semaphore(%run_scoped3A : memref<!tpu.dma_semaphore, #tpu.memory_space<semaphore_mem>>)
      %dma_wait3A = arith.constant 0 : i32
      %dma_wait3A_26 = arith.constant 0 : i32
      %dma_wait3A_27 = tpu.memref_slice %arg5[%arg0, %dma_wait3A, %dma_wait3A_26] : memref<2x10240x128xf32, #tpu.memory_space<hbm>> -> memref<1x10240x128xf32, #tpu.memory_space<hbm>>
      %dma_wait3A_28 = tpu.memref_squeeze %dma_wait3A_27 : memref<1x10240x128xf32, #tpu.memory_space<hbm>> -> memref<10240x128xf32, #tpu.memory_space<hbm>>
      %dma_wait3A_29 = arith.constant 0 : i32
      %dma_wait3A_30 = tpu.memref_slice %dma_wait3A_28[%mul3A_4, %dma_wait3A_29] : memref<10240x128xf32, #tpu.memory_space<hbm>> -> memref<640x128xf32, #tpu.memory_space<hbm>>
      %dma_wait3A_31 = arith.constant 0 : i32
      %dma_wait3A_32 = tpu.memref_slice %arg13[%mul3A_4, %dma_wait3A_31] : memref<10240x128xf32, #tpu.memory_space<vmem_shared>> -> memref<640x128xf32, #tpu.memory_space<vmem_shared>>
      tpu.wait_dma2 semaphore(%run_scoped3A : memref<!tpu.dma_semaphore, #tpu.memory_space<semaphore_mem>>) src(%dma_wait3A_32 : memref<640x128xf32, #tpu.memory_space<vmem_shared>>) dst(%dma_wait3A_30 : memref<640x128xf32, #tpu.memory_space<hbm>>)
      tpu.yield
    }) : () -> ()
    return
  }
}

#map = affine_map<(d0, d1) -> (0, 0)>
#map1 = affine_map<(d0, d1) -> (0, 0, 0)>
module attributes {stable_mosaic.version = 14 : i64} {
  func.func @body(%arg0: i32, %arg1: i32, %arg2: memref<10000x128xf32, #tpu.memory_space<hbm>>, %arg3: memref<2560x128xi32, #tpu.memory_space<hbm>>, %arg4: memref<2560x128xi32, #tpu.memory_space<hbm>>, %arg5: memref<2x10240x128xf32, #tpu.memory_space<hbm>>, %arg6: memref<1x128xi32, #tpu.memory_space<vmem>>, %arg7: memref<1x128xi32, #tpu.memory_space<vmem>>, %arg8: memref<1x128xi32, #tpu.memory_space<vmem>>, %arg9: memref<1x128xi32, #tpu.memory_space<vmem>>, %arg10: memref<128x128xf32, #tpu.memory_space<vmem>>, %arg11: memref<128x128xf32, #tpu.memory_space<vmem>>, %arg12: memref<16x128xf32, #tpu.memory_space<vmem>>, %arg13: memref<10240x128xf32, #tpu.memory_space<vmem_shared>>, %arg14: memref<!tpu.dma_semaphore, #tpu.memory_space<semaphore_mem>>, %arg15: memref<!tpu.dma_semaphore, #tpu.memory_space<semaphore_mem>>, %arg16: memref<!tpu.dma_semaphore, #tpu.memory_space<semaphore_mem>>, %arg17: memref<!tpu.dma_semaphore, #tpu.memory_space<semaphore_mem>>) attributes {dimension_semantics = [#tpu.dimension_semantics<core_parallel>, #tpu.dimension_semantics<subcore_parallel>], iteration_bounds = array<i64: 2, 16>, scalar_prefetch = 0 : i64, scratch_operands = 12 : i64, tpu.core_type = #tpu.core_type<sc_vector_subcore>, window_params = [{transform_indices = #map}, {transform_indices = #map}, {transform_indices = #map}, {transform_indices = #map1}]} {
    %scan3A = arith.constant 0 : i32
    %scan3A_0 = arith.constant 16 : i32
    %scan3A_1 = arith.addi %scan3A, %scan3A_0 : i32
    %scan3A_2 = arith.constant 1 : i32
    scf.for %scan3A_19 = %scan3A to %scan3A_1 step %scan3A_2  : i32 {
      %mul3A_20 = arith.constant 1 : i32
      %mul3A_21 = arith.muli %scan3A_19, %mul3A_20 : i32
      %add3A = arith.constant 0 : i32
      %add3A_22 = arith.addi %add3A, %mul3A_21 : i32
      %broadcast_in_dim3A_23 = arith.constant 0.000000e+00 : f32
      %broadcast_in_dim3A_24 = vector.broadcast %broadcast_in_dim3A_23 : f32 to vector<16xf32>
      %swap3A = arith.index_cast %add3A_22 : i32 to index
      %swap3A_25 = arith.constant 0 : index
      %swap3A_26 = tpu.vector_load %arg12[%swap3A, %swap3A_25] {strides = array<i32>} : memref<16x128xf32, #tpu.memory_space<vmem>>, vector<16xf32>,
      tpu.vector_store %arg12[%swap3A, %swap3A_25], %broadcast_in_dim3A_24 {strides = array<i32>} : memref<16x128xf32, #tpu.memory_space<vmem>>, vector<16xf32>,
      %broadcast_in_dim3A_27 = arith.constant 0.000000e+00 : f32
      %broadcast_in_dim3A_28 = vector.broadcast %broadcast_in_dim3A_27 : f32 to vector<16xf32>
      %swap3A_29 = arith.index_cast %add3A_22 : i32 to index
      %swap3A_30 = arith.constant 16 : index
      %swap3A_31 = tpu.vector_load %arg12[%swap3A_29, %swap3A_30] {strides = array<i32>} : memref<16x128xf32, #tpu.memory_space<vmem>>, vector<16xf32>,
      tpu.vector_store %arg12[%swap3A_29, %swap3A_30], %broadcast_in_dim3A_28 {strides = array<i32>} : memref<16x128xf32, #tpu.memory_space<vmem>>, vector<16xf32>,
      %broadcast_in_dim3A_32 = arith.constant 0.000000e+00 : f32
      %broadcast_in_dim3A_33 = vector.broadcast %broadcast_in_dim3A_32 : f32 to vector<16xf32>
      %swap3A_34 = arith.index_cast %add3A_22 : i32 to index
      %swap3A_35 = arith.constant 32 : index
      %swap3A_36 = tpu.vector_load %arg12[%swap3A_34, %swap3A_35] {strides = array<i32>} : memref<16x128xf32, #tpu.memory_space<vmem>>, vector<16xf32>,
      tpu.vector_store %arg12[%swap3A_34, %swap3A_35], %broadcast_in_dim3A_33 {strides = array<i32>} : memref<16x128xf32, #tpu.memory_space<vmem>>, vector<16xf32>,
      %broadcast_in_dim3A_37 = arith.constant 0.000000e+00 : f32
      %broadcast_in_dim3A_38 = vector.broadcast %broadcast_in_dim3A_37 : f32 to vector<16xf32>
      %swap3A_39 = arith.index_cast %add3A_22 : i32 to index
      %swap3A_40 = arith.constant 48 : index
      %swap3A_41 = tpu.vector_load %arg12[%swap3A_39, %swap3A_40] {strides = array<i32>} : memref<16x128xf32, #tpu.memory_space<vmem>>, vector<16xf32>,
      tpu.vector_store %arg12[%swap3A_39, %swap3A_40], %broadcast_in_dim3A_38 {strides = array<i32>} : memref<16x128xf32, #tpu.memory_space<vmem>>, vector<16xf32>,
      %broadcast_in_dim3A_42 = arith.constant 0.000000e+00 : f32
      %broadcast_in_dim3A_43 = vector.broadcast %broadcast_in_dim3A_42 : f32 to vector<16xf32>
      %swap3A_44 = arith.index_cast %add3A_22 : i32 to index
      %swap3A_45 = arith.constant 64 : index
      %swap3A_46 = tpu.vector_load %arg12[%swap3A_44, %swap3A_45] {strides = array<i32>} : memref<16x128xf32, #tpu.memory_space<vmem>>, vector<16xf32>,
      tpu.vector_store %arg12[%swap3A_44, %swap3A_45], %broadcast_in_dim3A_43 {strides = array<i32>} : memref<16x128xf32, #tpu.memory_space<vmem>>, vector<16xf32>,
      %broadcast_in_dim3A_47 = arith.constant 0.000000e+00 : f32
      %broadcast_in_dim3A_48 = vector.broadcast %broadcast_in_dim3A_47 : f32 to vector<16xf32>
      %swap3A_49 = arith.index_cast %add3A_22 : i32 to index
      %swap3A_50 = arith.constant 80 : index
      %swap3A_51 = tpu.vector_load %arg12[%swap3A_49, %swap3A_50] {strides = array<i32>} : memref<16x128xf32, #tpu.memory_space<vmem>>, vector<16xf32>,
      tpu.vector_store %arg12[%swap3A_49, %swap3A_50], %broadcast_in_dim3A_48 {strides = array<i32>} : memref<16x128xf32, #tpu.memory_space<vmem>>, vector<16xf32>,
      %broadcast_in_dim3A_52 = arith.constant 0.000000e+00 : f32
      %broadcast_in_dim3A_53 = vector.broadcast %broadcast_in_dim3A_52 : f32 to vector<16xf32>
      %swap3A_54 = arith.index_cast %add3A_22 : i32 to index
      %swap3A_55 = arith.constant 96 : index
      %swap3A_56 = tpu.vector_load %arg12[%swap3A_54, %swap3A_55] {strides = array<i32>} : memref<16x128xf32, #tpu.memory_space<vmem>>, vector<16xf32>,
      tpu.vector_store %arg12[%swap3A_54, %swap3A_55], %broadcast_in_dim3A_53 {strides = array<i32>} : memref<16x128xf32, #tpu.memory_space<vmem>>, vector<16xf32>,
      %broadcast_in_dim3A_57 = arith.constant 0.000000e+00 : f32
      %broadcast_in_dim3A_58 = vector.broadcast %broadcast_in_dim3A_57 : f32 to vector<16xf32>
      %swap3A_59 = arith.index_cast %add3A_22 : i32 to index
      %swap3A_60 = arith.constant 112 : index
      %swap3A_61 = tpu.vector_load %arg12[%swap3A_59, %swap3A_60] {strides = array<i32>} : memref<16x128xf32, #tpu.memory_space<vmem>>, vector<16xf32>,
      tpu.vector_store %arg12[%swap3A_59, %swap3A_60], %broadcast_in_dim3A_58 {strides = array<i32>} : memref<16x128xf32, #tpu.memory_space<vmem>>, vector<16xf32>,
    }
    %scan3A_3 = arith.constant 16 : i32
    %mul3A = arith.constant 640 : i32
    %mul3A_4 = arith.muli %arg1, %mul3A : i32
    %scan3A_5 = arith.constant 0 : i32
    %scan3A_6 = arith.constant 40 : i32
    %scan3A_7 = arith.addi %scan3A_5, %scan3A_6 : i32
    %scan3A_8 = arith.constant 1 : i32
    scf.for %scan3A_19 = %scan3A_5 to %scan3A_7 step %scan3A_8  : i32 {
      %mul3A_20 = arith.constant 1 : i32
      %mul3A_21 = arith.muli %scan3A_19, %mul3A_20 : i32
      %add3A = arith.constant 0 : i32
      %add3A_22 = arith.addi %add3A, %mul3A_21 : i32
      %mul3A_23 = arith.constant 16 : i32
      %mul3A_24 = arith.muli %add3A_22, %mul3A_23 : i32
      %add3A_25 = arith.addi %mul3A_4, %mul3A_24 : i32
      "tpu.region"() ({
        %run_scoped3A = tpu.sem_alloc : memref<!tpu.dma_semaphore, #tpu.memory_space<semaphore_mem>>
        %dma_start3A = arith.constant 0 : i32
        %dma_start3A_26 = tpu.memref_slice %arg13[%add3A_25, %dma_start3A] : memref<10240x128xf32, #tpu.memory_space<vmem_shared>> -> memref<16x128xf32, #tpu.memory_space<vmem_shared>>
        %dma_start3A_27 = arith.constant 0 : i32
        %dma_start3A_28 = tpu.memref_slice %arg13[%add3A_25, %dma_start3A_27] : memref<10240x128xf32, #tpu.memory_space<vmem_shared>> -> memref<16x128xf32, #tpu.memory_space<vmem_shared>>
        tpu.enqueue_dma source(%arg12 : memref<16x128xf32, #tpu.memory_space<vmem>>) target(%dma_start3A_28 : memref<16x128xf32, #tpu.memory_space<vmem_shared>>) target_semaphore(%run_scoped3A : memref<!tpu.dma_semaphore, #tpu.memory_space<semaphore_mem>>)
        %dma_wait3A = arith.constant 0 : i32
        %dma_wait3A_29 = tpu.memref_slice %arg13[%add3A_25, %dma_wait3A] : memref<10240x128xf32, #tpu.memory_space<vmem_shared>> -> memref<16x128xf32, #tpu.memory_space<vmem_shared>>
        %dma_wait3A_30 = arith.constant 0 : i32
        %dma_wait3A_31 = tpu.memref_slice %arg13[%add3A_25, %dma_wait3A_30] : memref<10240x128xf32, #tpu.memory_space<vmem_shared>> -> memref<16x128xf32, #tpu.memory_space<vmem_shared>>
        tpu.wait_dma2 semaphore(%run_scoped3A : memref<!tpu.dma_semaphore, #tpu.memory_space<semaphore_mem>>) src(%arg12 : memref<16x128xf32, #tpu.memory_space<vmem>>) dst(%dma_wait3A_31 : memref<16x128xf32, #tpu.memory_space<vmem_shared>>)
        tpu.yield
      }) : () -> ()
    }
    %scan3A_9 = arith.constant 40 : i32
    %barrier3A = arith.constant 0 : index
    tpu.barrier barrier_id(%barrier3A)
    %broadcast_in_dim3A = arith.constant 1.000000e+00 : f32
    %broadcast_in_dim3A_10 = vector.broadcast %broadcast_in_dim3A : f32 to vector<16xf32>
    %eq3A = arith.constant 0 : i32
    %eq3A_11 = arith.cmpi eq, %arg0, %eq3A : i32
    %convert_element_type3A = arith.extui %eq3A_11 : i1 to i32
    %cond3A = arith.constant 0 : i32
    %cond3A_12 = arith.cmpi ne, %convert_element_type3A, %cond3A : i32
    scf.if %cond3A_12 {
      %mul3A_19 = arith.constant 144 : i32
      %mul3A_20 = arith.muli %arg1, %mul3A_19 : i32
      %dma_start3A = arith.constant 0 : i32
      %dma_start3A_21 = tpu.memref_slice %arg3[%mul3A_20, %dma_start3A] : memref<2560x128xi32, #tpu.memory_space<hbm>> -> memref<1x128xi32, #tpu.memory_space<hbm>>
      %dma_start3A_22 = arith.constant 0 : i32
      %dma_start3A_23 = tpu.memref_slice %arg3[%mul3A_20, %dma_start3A_22] : memref<2560x128xi32, #tpu.memory_space<hbm>> -> memref<1x128xi32, #tpu.memory_space<hbm>>
      tpu.enqueue_dma source(%dma_start3A_23 : memref<1x128xi32, #tpu.memory_space<hbm>>) target(%arg6 : memref<1x128xi32, #tpu.memory_space<vmem>>) target_semaphore(%arg14 : memref<!tpu.dma_semaphore, #tpu.memory_space<semaphore_mem>>)
      %dma_start3A_24 = arith.constant 0 : i32
      %dma_start3A_25 = tpu.memref_slice %arg4[%mul3A_20, %dma_start3A_24] : memref<2560x128xi32, #tpu.memory_space<hbm>> -> memref<1x128xi32, #tpu.memory_space<hbm>>
      %dma_start3A_26 = arith.constant 0 : i32
      %dma_start3A_27 = tpu.memref_slice %arg4[%mul3A_20, %dma_start3A_26] : memref<2560x128xi32, #tpu.memory_space<hbm>> -> memref<1x128xi32, #tpu.memory_space<hbm>>
      tpu.enqueue_dma source(%dma_start3A_27 : memref<1x128xi32, #tpu.memory_space<hbm>>) target(%arg8 : memref<1x128xi32, #tpu.memory_space<vmem>>) target_semaphore(%arg14 : memref<!tpu.dma_semaphore, #tpu.memory_space<semaphore_mem>>)
      %add3A = arith.constant 1 : i32
      %add3A_28 = arith.addi %mul3A_20, %add3A : i32
      %dma_start3A_29 = arith.constant 0 : i32
      %dma_start3A_30 = tpu.memref_slice %arg3[%add3A_28, %dma_start3A_29] : memref<2560x128xi32, #tpu.memory_space<hbm>> -> memref<1x128xi32, #tpu.memory_space<hbm>>
      %dma_start3A_31 = arith.constant 0 : i32
      %dma_start3A_32 = tpu.memref_slice %arg3[%add3A_28, %dma_start3A_31] : memref<2560x128xi32, #tpu.memory_space<hbm>> -> memref<1x128xi32, #tpu.memory_space<hbm>>
      tpu.enqueue_dma source(%dma_start3A_32 : memref<1x128xi32, #tpu.memory_space<hbm>>) target(%arg7 : memref<1x128xi32, #tpu.memory_space<vmem>>) target_semaphore(%arg15 : memref<!tpu.dma_semaphore, #tpu.memory_space<semaphore_mem>>)
      %dma_start3A_33 = arith.constant 0 : i32
      %dma_start3A_34 = tpu.memref_slice %arg4[%add3A_28, %dma_start3A_33] : memref<2560x128xi32, #tpu.memory_space<hbm>> -> memref<1x128xi32, #tpu.memory_space<hbm>>
      %dma_start3A_35 = arith.constant 0 : i32
      %dma_start3A_36 = tpu.memref_slice %arg4[%add3A_28, %dma_start3A_35] : memref<2560x128xi32, #tpu.memory_space<hbm>> -> memref<1x128xi32, #tpu.memory_space<hbm>>
      tpu.enqueue_dma source(%dma_start3A_36 : memref<1x128xi32, #tpu.memory_space<hbm>>) target(%arg9 : memref<1x128xi32, #tpu.memory_space<vmem>>) target_semaphore(%arg15 : memref<!tpu.dma_semaphore, #tpu.memory_space<semaphore_mem>>)
      %scan3A_37 = arith.constant 0 : i32
      %scan3A_38 = arith.constant 72 : i32
      %scan3A_39 = arith.addi %scan3A_37, %scan3A_38 : i32
      %scan3A_40 = arith.constant 1 : i32
      scf.for %scan3A_48 = %scan3A_37 to %scan3A_39 step %scan3A_40  : i32 {
        %mul3A_49 = arith.constant 2 : i32
        %mul3A_50 = arith.muli %scan3A_48, %mul3A_49 : i32
        %add3A_51 = arith.constant 0 : i32
        %add3A_52 = arith.addi %add3A_51, %mul3A_50 : i32
        %add3A_53 = arith.addi %mul3A_20, %add3A_52 : i32
        %dma_wait3A_54 = arith.constant 0 : i32
        %dma_wait3A_55 = tpu.memref_slice %arg3[%add3A_53, %dma_wait3A_54] : memref<2560x128xi32, #tpu.memory_space<hbm>> -> memref<1x128xi32, #tpu.memory_space<hbm>>
        %dma_wait3A_56 = arith.constant 0 : i32
        %dma_wait3A_57 = tpu.memref_slice %arg3[%add3A_53, %dma_wait3A_56] : memref<2560x128xi32, #tpu.memory_space<hbm>> -> memref<1x128xi32, #tpu.memory_space<hbm>>
        tpu.wait_dma2 semaphore(%arg14 : memref<!tpu.dma_semaphore, #tpu.memory_space<semaphore_mem>>) src(%dma_wait3A_57 : memref<1x128xi32, #tpu.memory_space<hbm>>) dst(%arg6 : memref<1x128xi32, #tpu.memory_space<vmem>>)
        %dma_wait3A_58 = arith.constant 0 : i32
        %dma_wait3A_59 = tpu.memref_slice %arg4[%add3A_53, %dma_wait3A_58] : memref<2560x128xi32, #tpu.memory_space<hbm>> -> memref<1x128xi32, #tpu.memory_space<hbm>>
        %dma_wait3A_60 = arith.constant 0 : i32
        %dma_wait3A_61 = tpu.memref_slice %arg4[%add3A_53, %dma_wait3A_60] : memref<2560x128xi32, #tpu.memory_space<hbm>> -> memref<1x128xi32, #tpu.memory_space<hbm>>
        tpu.wait_dma2 semaphore(%arg14 : memref<!tpu.dma_semaphore, #tpu.memory_space<semaphore_mem>>) src(%dma_wait3A_61 : memref<1x128xi32, #tpu.memory_space<hbm>>) dst(%arg8 : memref<1x128xi32, #tpu.memory_space<vmem>>)
        %dma_start3A_62 = arith.constant 0 : i32
        %dma_start3A_63 = arith.constant 0 : i32
        %dma_start3A_64 = tpu.memref_slice %arg6[%dma_start3A_62, %dma_start3A_63] : memref<1x128xi32, #tpu.memory_space<vmem>> -> memref<1x128xi32, #tpu.memory_space<vmem>>
        %dma_start3A_65 = tpu.memref_squeeze %dma_start3A_64 : memref<1x128xi32, #tpu.memory_space<vmem>> -> memref<128xi32, #tpu.memory_space<vmem>>
        %dma_start3A_66 = arith.constant 0 : i32
        %dma_start3A_67 = arith.constant 0 : i32
        %dma_start3A_68 = tpu.memref_slice %arg2[%dma_start3A_66, %dma_start3A_67] : memref<10000x128xf32, #tpu.memory_space<hbm>> -> memref<10000x128xf32, #tpu.memory_space<hbm>>
        tpu.enqueue_indirect_dma source(%dma_start3A_68 : memref<10000x128xf32, #tpu.memory_space<hbm>>) target(%arg10 : memref<128x128xf32, #tpu.memory_space<vmem>>) offsets(%dma_start3A_65 : memref<128xi32, #tpu.memory_space<vmem>>) semaphore(%arg16 : memref<!tpu.dma_semaphore, #tpu.memory_space<semaphore_mem>>)
        %gt3A = arith.constant 0 : i32
        %gt3A_69 = arith.cmpi sgt, %add3A_52, %gt3A : i32
        %convert_element_type3A_70 = arith.extui %gt3A_69 : i1 to i32
        %cond3A_71 = arith.constant 0 : i32
        %cond3A_72 = arith.cmpi ne, %convert_element_type3A_70, %cond3A_71 : i32
        scf.if %cond3A_72 {
          %dma_wait3A_96 = arith.constant 0 : i32
          %dma_wait3A_97 = arith.constant 0 : i32
          %dma_wait3A_98 = tpu.memref_slice %arg7[%dma_wait3A_96, %dma_wait3A_97] : memref<1x128xi32, #tpu.memory_space<vmem>> -> memref<1x128xi32, #tpu.memory_space<vmem>>
          %dma_wait3A_99 = tpu.memref_squeeze %dma_wait3A_98 : memref<1x128xi32, #tpu.memory_space<vmem>> -> memref<128xi32, #tpu.memory_space<vmem>>
          %dma_wait3A_100 = arith.constant 0 : i32
          %dma_wait3A_101 = arith.constant 0 : i32
          %dma_wait3A_102 = tpu.memref_slice %arg2[%dma_wait3A_100, %dma_wait3A_101] : memref<10000x128xf32, #tpu.memory_space<hbm>> -> memref<10000x128xf32, #tpu.memory_space<hbm>>
          tpu.wait_indirect_dma semaphore(%arg17 : memref<!tpu.dma_semaphore, #tpu.memory_space<semaphore_mem>>) src(%dma_wait3A_102 : memref<10000x128xf32, #tpu.memory_space<hbm>>) dst(%arg11 : memref<128x128xf32, #tpu.memory_space<vmem>>)
          %run_scoped3A_103 = arith.constant 0 : i32
          "tpu.region"() ({
            %run_scoped3A_108 = tpu.sem_alloc : memref<!tpu.dma_semaphore, #tpu.memory_space<semaphore_mem>>
            %dma_start3A_109 = arith.constant 0 : i32
            %dma_start3A_110 = tpu.memref_slice %arg9[%run_scoped3A_103, %dma_start3A_109] : memref<1x128xi32, #tpu.memory_space<vmem>> -> memref<1x128xi32, #tpu.memory_space<vmem>>
            %dma_start3A_111 = tpu.memref_squeeze %dma_start3A_110 : memref<1x128xi32, #tpu.memory_space<vmem>> -> memref<128xi32, #tpu.memory_space<vmem>>
            %dma_start3A_112 = arith.constant 0 : i32
            %dma_start3A_113 = arith.constant 0 : i32
            %dma_start3A_114 = tpu.memref_slice %arg13[%dma_start3A_112, %dma_start3A_113] : memref<10240x128xf32, #tpu.memory_space<vmem_shared>> -> memref<10240x128xf32, #tpu.memory_space<vmem_shared>>
            tpu.enqueue_indirect_dma source(%arg11 : memref<128x128xf32, #tpu.memory_space<vmem>>) target(%dma_start3A_114 : memref<10240x128xf32, #tpu.memory_space<vmem_shared>>) offsets(%dma_start3A_111 : memref<128xi32, #tpu.memory_space<vmem>>) semaphore(%run_scoped3A_108 : memref<!tpu.dma_semaphore, #tpu.memory_space<semaphore_mem>>) {add = true}
            %dma_wait3A_115 = arith.constant 0 : i32
            %dma_wait3A_116 = tpu.memref_slice %arg9[%run_scoped3A_103, %dma_wait3A_115] : memref<1x128xi32, #tpu.memory_space<vmem>> -> memref<1x128xi32, #tpu.memory_space<vmem>>
            %dma_wait3A_117 = tpu.memref_squeeze %dma_wait3A_116 : memref<1x128xi32, #tpu.memory_space<vmem>> -> memref<128xi32, #tpu.memory_space<vmem>>
            %dma_wait3A_118 = arith.constant 0 : i32
            %dma_wait3A_119 = arith.constant 0 : i32
            %dma_wait3A_120 = tpu.memref_slice %arg13[%dma_wait3A_118, %dma_wait3A_119] : memref<10240x128xf32, #tpu.memory_space<vmem_shared>> -> memref<10240x128xf32, #tpu.memory_space<vmem_shared>>
            tpu.wait_indirect_dma semaphore(%run_scoped3A_108 : memref<!tpu.dma_semaphore, #tpu.memory_space<semaphore_mem>>) src(%arg11 : memref<128x128xf32, #tpu.memory_space<vmem>>) dst(%dma_wait3A_120 : memref<10240x128xf32, #tpu.memory_space<vmem_shared>>)
            tpu.yield
          }) : () -> ()
          %lt3A = arith.constant 143 : i32
          %lt3A_104 = arith.cmpi slt, %add3A_52, %lt3A : i32
          %convert_element_type3A_105 = arith.extui %lt3A_104 : i1 to i32
          %cond3A_106 = arith.constant 0 : i32
          %cond3A_107 = arith.cmpi ne, %convert_element_type3A_105, %cond3A_106 : i32
          scf.if %cond3A_107 {
            %add3A_108 = arith.addi %mul3A_20, %add3A_52 : i32
            %add3A_109 = arith.constant 1 : i32
            %add3A_110 = arith.addi %add3A_108, %add3A_109 : i32
            %dma_start3A_111 = arith.constant 0 : i32
            %dma_start3A_112 = tpu.memref_slice %arg3[%add3A_110, %dma_start3A_111] : memref<2560x128xi32, #tpu.memory_space<hbm>> -> memref<1x128xi32, #tpu.memory_space<hbm>>
            %dma_start3A_113 = arith.constant 0 : i32
            %dma_start3A_114 = tpu.memref_slice %arg3[%add3A_110, %dma_start3A_113] : memref<2560x128xi32, #tpu.memory_space<hbm>> -> memref<1x128xi32, #tpu.memory_space<hbm>>
            tpu.enqueue_dma source(%dma_start3A_114 : memref<1x128xi32, #tpu.memory_space<hbm>>) target(%arg7 : memref<1x128xi32, #tpu.memory_space<vmem>>) target_semaphore(%arg15 : memref<!tpu.dma_semaphore, #tpu.memory_space<semaphore_mem>>)
            %dma_start3A_115 = arith.constant 0 : i32
            %dma_start3A_116 = tpu.memref_slice %arg4[%add3A_110, %dma_start3A_115] : memref<2560x128xi32, #tpu.memory_space<hbm>> -> memref<1x128xi32, #tpu.memory_space<hbm>>
            %dma_start3A_117 = arith.constant 0 : i32
            %dma_start3A_118 = tpu.memref_slice %arg4[%add3A_110, %dma_start3A_117] : memref<2560x128xi32, #tpu.memory_space<hbm>> -> memref<1x128xi32, #tpu.memory_space<hbm>>
            tpu.enqueue_dma source(%dma_start3A_118 : memref<1x128xi32, #tpu.memory_space<hbm>>) target(%arg9 : memref<1x128xi32, #tpu.memory_space<vmem>>) target_semaphore(%arg15 : memref<!tpu.dma_semaphore, #tpu.memory_space<semaphore_mem>>)
          } else {
          }
        } else {
        }
        %add3A_73 = arith.constant 1 : i32
        %add3A_74 = arith.addi %add3A_52, %add3A_73 : i32
        %add3A_75 = arith.addi %mul3A_20, %add3A_74 : i32
        %dma_wait3A_76 = arith.constant 0 : i32
        %dma_wait3A_77 = tpu.memref_slice %arg3[%add3A_75, %dma_wait3A_76] : memref<2560x128xi32, #tpu.memory_space<hbm>> -> memref<1x128xi32, #tpu.memory_space<hbm>>
        %dma_wait3A_78 = arith.constant 0 : i32
        %dma_wait3A_79 = tpu.memref_slice %arg3[%add3A_75, %dma_wait3A_78] : memref<2560x128xi32, #tpu.memory_space<hbm>> -> memref<1x128xi32, #tpu.memory_space<hbm>>
        tpu.wait_dma2 semaphore(%arg15 : memref<!tpu.dma_semaphore, #tpu.memory_space<semaphore_mem>>) src(%dma_wait3A_79 : memref<1x128xi32, #tpu.memory_space<hbm>>) dst(%arg7 : memref<1x128xi32, #tpu.memory_space<vmem>>)
        %dma_wait3A_80 = arith.constant 0 : i32
        %dma_wait3A_81 = tpu.memref_slice %arg4[%add3A_75, %dma_wait3A_80] : memref<2560x128xi32, #tpu.memory_space<hbm>> -> memref<1x128xi32, #tpu.memory_space<hbm>>
        %dma_wait3A_82 = arith.constant 0 : i32
        %dma_wait3A_83 = tpu.memref_slice %arg4[%add3A_75, %dma_wait3A_82] : memref<2560x128xi32, #tpu.memory_space<hbm>> -> memref<1x128xi32, #tpu.memory_space<hbm>>
        tpu.wait_dma2 semaphore(%arg15 : memref<!tpu.dma_semaphore, #tpu.memory_space<semaphore_mem>>) src(%dma_wait3A_83 : memref<1x128xi32, #tpu.memory_space<hbm>>) dst(%arg9 : memref<1x128xi32, #tpu.memory_space<vmem>>)
        %dma_start3A_84 = arith.constant 0 : i32
        %dma_start3A_85 = arith.constant 0 : i32
        %dma_start3A_86 = tpu.memref_slice %arg7[%dma_start3A_84, %dma_start3A_85] : memref<1x128xi32, #tpu.memory_space<vmem>> -> memref<1x128xi32, #tpu.memory_space<vmem>>
        %dma_start3A_87 = tpu.memref_squeeze %dma_start3A_86 : memref<1x128xi32, #tpu.memory_space<vmem>> -> memref<128xi32, #tpu.memory_space<vmem>>
        %dma_start3A_88 = arith.constant 0 : i32
        %dma_start3A_89 = arith.constant 0 : i32
        %dma_start3A_90 = tpu.memref_slice %arg2[%dma_start3A_88, %dma_start3A_89] : memref<10000x128xf32, #tpu.memory_space<hbm>> -> memref<10000x128xf32, #tpu.memory_space<hbm>>
        tpu.enqueue_indirect_dma source(%dma_start3A_90 : memref<10000x128xf32, #tpu.memory_space<hbm>>) target(%arg11 : memref<128x128xf32, #tpu.memory_space<vmem>>) offsets(%dma_start3A_87 : memref<128xi32, #tpu.memory_space<vmem>>) semaphore(%arg17 : memref<!tpu.dma_semaphore, #tpu.memory_space<semaphore_mem>>)
        %gt3A_91 = arith.constant 0 : i32
        %gt3A_92 = arith.cmpi sgt, %add3A_74, %gt3A_91 : i32
        %convert_element_type3A_93 = arith.extui %gt3A_92 : i1 to i32
        %cond3A_94 = arith.constant 0 : i32
        %cond3A_95 = arith.cmpi ne, %convert_element_type3A_93, %cond3A_94 : i32
        scf.if %cond3A_95 {
          %dma_wait3A_96 = arith.constant 0 : i32
          %dma_wait3A_97 = arith.constant 0 : i32
          %dma_wait3A_98 = tpu.memref_slice %arg6[%dma_wait3A_96, %dma_wait3A_97] : memref<1x128xi32, #tpu.memory_space<vmem>> -> memref<1x128xi32, #tpu.memory_space<vmem>>
          %dma_wait3A_99 = tpu.memref_squeeze %dma_wait3A_98 : memref<1x128xi32, #tpu.memory_space<vmem>> -> memref<128xi32, #tpu.memory_space<vmem>>
          %dma_wait3A_100 = arith.constant 0 : i32
          %dma_wait3A_101 = arith.constant 0 : i32
          %dma_wait3A_102 = tpu.memref_slice %arg2[%dma_wait3A_100, %dma_wait3A_101] : memref<10000x128xf32, #tpu.memory_space<hbm>> -> memref<10000x128xf32, #tpu.memory_space<hbm>>
          tpu.wait_indirect_dma semaphore(%arg16 : memref<!tpu.dma_semaphore, #tpu.memory_space<semaphore_mem>>) src(%dma_wait3A_102 : memref<10000x128xf32, #tpu.memory_space<hbm>>) dst(%arg10 : memref<128x128xf32, #tpu.memory_space<vmem>>)
          %run_scoped3A_103 = arith.constant 0 : i32
          "tpu.region"() ({
            %run_scoped3A_108 = tpu.sem_alloc : memref<!tpu.dma_semaphore, #tpu.memory_space<semaphore_mem>>
            %dma_start3A_109 = arith.constant 0 : i32
            %dma_start3A_110 = tpu.memref_slice %arg8[%run_scoped3A_103, %dma_start3A_109] : memref<1x128xi32, #tpu.memory_space<vmem>> -> memref<1x128xi32, #tpu.memory_space<vmem>>
            %dma_start3A_111 = tpu.memref_squeeze %dma_start3A_110 : memref<1x128xi32, #tpu.memory_space<vmem>> -> memref<128xi32, #tpu.memory_space<vmem>>
            %dma_start3A_112 = arith.constant 0 : i32
            %dma_start3A_113 = arith.constant 0 : i32
            %dma_start3A_114 = tpu.memref_slice %arg13[%dma_start3A_112, %dma_start3A_113] : memref<10240x128xf32, #tpu.memory_space<vmem_shared>> -> memref<10240x128xf32, #tpu.memory_space<vmem_shared>>
            tpu.enqueue_indirect_dma source(%arg10 : memref<128x128xf32, #tpu.memory_space<vmem>>) target(%dma_start3A_114 : memref<10240x128xf32, #tpu.memory_space<vmem_shared>>) offsets(%dma_start3A_111 : memref<128xi32, #tpu.memory_space<vmem>>) semaphore(%run_scoped3A_108 : memref<!tpu.dma_semaphore, #tpu.memory_space<semaphore_mem>>) {add = true}
            %dma_wait3A_115 = arith.constant 0 : i32
            %dma_wait3A_116 = tpu.memref_slice %arg8[%run_scoped3A_103, %dma_wait3A_115] : memref<1x128xi32, #tpu.memory_space<vmem>> -> memref<1x128xi32, #tpu.memory_space<vmem>>
            %dma_wait3A_117 = tpu.memref_squeeze %dma_wait3A_116 : memref<1x128xi32, #tpu.memory_space<vmem>> -> memref<128xi32, #tpu.memory_space<vmem>>
            %dma_wait3A_118 = arith.constant 0 : i32
            %dma_wait3A_119 = arith.constant 0 : i32
            %dma_wait3A_120 = tpu.memref_slice %arg13[%dma_wait3A_118, %dma_wait3A_119] : memref<10240x128xf32, #tpu.memory_space<vmem_shared>> -> memref<10240x128xf32, #tpu.memory_space<vmem_shared>>
            tpu.wait_indirect_dma semaphore(%run_scoped3A_108 : memref<!tpu.dma_semaphore, #tpu.memory_space<semaphore_mem>>) src(%arg10 : memref<128x128xf32, #tpu.memory_space<vmem>>) dst(%dma_wait3A_120 : memref<10240x128xf32, #tpu.memory_space<vmem_shared>>)
            tpu.yield
          }) : () -> ()
          %lt3A = arith.constant 143 : i32
          %lt3A_104 = arith.cmpi slt, %add3A_74, %lt3A : i32
          %convert_element_type3A_105 = arith.extui %lt3A_104 : i1 to i32
          %cond3A_106 = arith.constant 0 : i32
          %cond3A_107 = arith.cmpi ne, %convert_element_type3A_105, %cond3A_106 : i32
          scf.if %cond3A_107 {
            %add3A_108 = arith.addi %mul3A_20, %add3A_74 : i32
            %add3A_109 = arith.constant 1 : i32
            %add3A_110 = arith.addi %add3A_108, %add3A_109 : i32
            %dma_start3A_111 = arith.constant 0 : i32
            %dma_start3A_112 = tpu.memref_slice %arg3[%add3A_110, %dma_start3A_111] : memref<2560x128xi32, #tpu.memory_space<hbm>> -> memref<1x128xi32, #tpu.memory_space<hbm>>
            %dma_start3A_113 = arith.constant 0 : i32
            %dma_start3A_114 = tpu.memref_slice %arg3[%add3A_110, %dma_start3A_113] : memref<2560x128xi32, #tpu.memory_space<hbm>> -> memref<1x128xi32, #tpu.memory_space<hbm>>
            tpu.enqueue_dma source(%dma_start3A_114 : memref<1x128xi32, #tpu.memory_space<hbm>>) target(%arg6 : memref<1x128xi32, #tpu.memory_space<vmem>>) target_semaphore(%arg14 : memref<!tpu.dma_semaphore, #tpu.memory_space<semaphore_mem>>)
            %dma_start3A_115 = arith.constant 0 : i32
            %dma_start3A_116 = tpu.memref_slice %arg4[%add3A_110, %dma_start3A_115] : memref<2560x128xi32, #tpu.memory_space<hbm>> -> memref<1x128xi32, #tpu.memory_space<hbm>>
            %dma_start3A_117 = arith.constant 0 : i32
            %dma_start3A_118 = tpu.memref_slice %arg4[%add3A_110, %dma_start3A_117] : memref<2560x128xi32, #tpu.memory_space<hbm>> -> memref<1x128xi32, #tpu.memory_space<hbm>>
            tpu.enqueue_dma source(%dma_start3A_118 : memref<1x128xi32, #tpu.memory_space<hbm>>) target(%arg8 : memref<1x128xi32, #tpu.memory_space<vmem>>) target_semaphore(%arg14 : memref<!tpu.dma_semaphore, #tpu.memory_space<semaphore_mem>>)
          } else {
          }
        } else {
        }
      }
      %scan3A_41 = arith.constant 72 : i32
      %dma_wait3A = arith.constant 0 : i32
      %dma_wait3A_42 = arith.constant 0 : i32
      %dma_wait3A_43 = tpu.memref_slice %arg7[%dma_wait3A, %dma_wait3A_42] : memref<1x128xi32, #tpu.memory_space<vmem>> -> memref<1x128xi32, #tpu.memory_space<vmem>>
      %dma_wait3A_44 = tpu.memref_squeeze %dma_wait3A_43 : memref<1x128xi32, #tpu.memory_space<vmem>> -> memref<128xi32, #tpu.memory_space<vmem>>
      %dma_wait3A_45 = arith.constant 0 : i32
      %dma_wait3A_46 = arith.constant 0 : i32
      %dma_wait3A_47 = tpu.memref_slice %arg2[%dma_wait3A_45, %dma_wait3A_46] : memref<10000x128xf32, #tpu.memory_space<hbm>> -> memref<10000x128xf32, #tpu.memory_space<hbm>>
      tpu.wait_indirect_dma semaphore(%arg17 : memref<!tpu.dma_semaphore, #tpu.memory_space<semaphore_mem>>) src(%dma_wait3A_47 : memref<10000x128xf32, #tpu.memory_space<hbm>>) dst(%arg11 : memref<128x128xf32, #tpu.memory_space<vmem>>)
      %run_scoped3A = arith.constant 0 : i32
      "tpu.region"() ({
        %run_scoped3A_48 = tpu.sem_alloc : memref<!tpu.dma_semaphore, #tpu.memory_space<semaphore_mem>>
        %dma_start3A_49 = arith.constant 0 : i32
        %dma_start3A_50 = tpu.memref_slice %arg9[%run_scoped3A, %dma_start3A_49] : memref<1x128xi32, #tpu.memory_space<vmem>> -> memref<1x128xi32, #tpu.memory_space<vmem>>
        %dma_start3A_51 = tpu.memref_squeeze %dma_start3A_50 : memref<1x128xi32, #tpu.memory_space<vmem>> -> memref<128xi32, #tpu.memory_space<vmem>>
        %dma_start3A_52 = arith.constant 0 : i32
        %dma_start3A_53 = arith.constant 0 : i32
        %dma_start3A_54 = tpu.memref_slice %arg13[%dma_start3A_52, %dma_start3A_53] : memref<10240x128xf32, #tpu.memory_space<vmem_shared>> -> memref<10240x128xf32, #tpu.memory_space<vmem_shared>>
        tpu.enqueue_indirect_dma source(%arg11 : memref<128x128xf32, #tpu.memory_space<vmem>>) target(%dma_start3A_54 : memref<10240x128xf32, #tpu.memory_space<vmem_shared>>) offsets(%dma_start3A_51 : memref<128xi32, #tpu.memory_space<vmem>>) semaphore(%run_scoped3A_48 : memref<!tpu.dma_semaphore, #tpu.memory_space<semaphore_mem>>) {add = true}
        %dma_wait3A_55 = arith.constant 0 : i32
        %dma_wait3A_56 = tpu.memref_slice %arg9[%run_scoped3A, %dma_wait3A_55] : memref<1x128xi32, #tpu.memory_space<vmem>> -> memref<1x128xi32, #tpu.memory_space<vmem>>
        %dma_wait3A_57 = tpu.memref_squeeze %dma_wait3A_56 : memref<1x128xi32, #tpu.memory_space<vmem>> -> memref<128xi32, #tpu.memory_space<vmem>>
        %dma_wait3A_58 = arith.constant 0 : i32
        %dma_wait3A_59 = arith.constant 0 : i32
        %dma_wait3A_60 = tpu.memref_slice %arg13[%dma_wait3A_58, %dma_wait3A_59] : memref<10240x128xf32, #tpu.memory_space<vmem_shared>> -> memref<10240x128xf32, #tpu.memory_space<vmem_shared>>
        tpu.wait_indirect_dma semaphore(%run_scoped3A_48 : memref<!tpu.dma_semaphore, #tpu.memory_space<semaphore_mem>>) src(%arg11 : memref<128x128xf32, #tpu.memory_space<vmem>>) dst(%dma_wait3A_60 : memref<10240x128xf32, #tpu.memory_space<vmem_shared>>)
        tpu.yield
      }) : () -> ()
    } else {
    }
    %eq3A_13 = arith.constant 1 : i32
    %eq3A_14 = arith.cmpi eq, %arg0, %eq3A_13 : i32
    %convert_element_type3A_15 = arith.extui %eq3A_14 : i1 to i32
    %cond3A_16 = arith.constant 0 : i32
    %cond3A_17 = arith.cmpi ne, %convert_element_type3A_15, %cond3A_16 : i32
    scf.if %cond3A_17 {
      %mul3A_19 = arith.constant 16 : i32
      %mul3A_20 = arith.muli %arg1, %mul3A_19 : i32
      %add3A = arith.constant 2304 : i32
      %add3A_21 = arith.addi %add3A, %mul3A_20 : i32
      %dma_start3A = arith.constant 0 : i32
      %dma_start3A_22 = tpu.memref_slice %arg3[%add3A_21, %dma_start3A] : memref<2560x128xi32, #tpu.memory_space<hbm>> -> memref<1x128xi32, #tpu.memory_space<hbm>>
      %dma_start3A_23 = arith.constant 0 : i32
      %dma_start3A_24 = tpu.memref_slice %arg3[%add3A_21, %dma_start3A_23] : memref<2560x128xi32, #tpu.memory_space<hbm>> -> memref<1x128xi32, #tpu.memory_space<hbm>>
      tpu.enqueue_dma source(%dma_start3A_24 : memref<1x128xi32, #tpu.memory_space<hbm>>) target(%arg6 : memref<1x128xi32, #tpu.memory_space<vmem>>) target_semaphore(%arg14 : memref<!tpu.dma_semaphore, #tpu.memory_space<semaphore_mem>>)
      %dma_start3A_25 = arith.constant 0 : i32
      %dma_start3A_26 = tpu.memref_slice %arg4[%add3A_21, %dma_start3A_25] : memref<2560x128xi32, #tpu.memory_space<hbm>> -> memref<1x128xi32, #tpu.memory_space<hbm>>
      %dma_start3A_27 = arith.constant 0 : i32
      %dma_start3A_28 = tpu.memref_slice %arg4[%add3A_21, %dma_start3A_27] : memref<2560x128xi32, #tpu.memory_space<hbm>> -> memref<1x128xi32, #tpu.memory_space<hbm>>
      tpu.enqueue_dma source(%dma_start3A_28 : memref<1x128xi32, #tpu.memory_space<hbm>>) target(%arg8 : memref<1x128xi32, #tpu.memory_space<vmem>>) target_semaphore(%arg14 : memref<!tpu.dma_semaphore, #tpu.memory_space<semaphore_mem>>)
      %add3A_29 = arith.constant 1 : i32
      %add3A_30 = arith.addi %add3A_21, %add3A_29 : i32
      %dma_start3A_31 = arith.constant 0 : i32
      %dma_start3A_32 = tpu.memref_slice %arg3[%add3A_30, %dma_start3A_31] : memref<2560x128xi32, #tpu.memory_space<hbm>> -> memref<1x128xi32, #tpu.memory_space<hbm>>
      %dma_start3A_33 = arith.constant 0 : i32
      %dma_start3A_34 = tpu.memref_slice %arg3[%add3A_30, %dma_start3A_33] : memref<2560x128xi32, #tpu.memory_space<hbm>> -> memref<1x128xi32, #tpu.memory_space<hbm>>
      tpu.enqueue_dma source(%dma_start3A_34 : memref<1x128xi32, #tpu.memory_space<hbm>>) target(%arg7 : memref<1x128xi32, #tpu.memory_space<vmem>>) target_semaphore(%arg15 : memref<!tpu.dma_semaphore, #tpu.memory_space<semaphore_mem>>)
      %dma_start3A_35 = arith.constant 0 : i32
      %dma_start3A_36 = tpu.memref_slice %arg4[%add3A_30, %dma_start3A_35] : memref<2560x128xi32, #tpu.memory_space<hbm>> -> memref<1x128xi32, #tpu.memory_space<hbm>>
      %dma_start3A_37 = arith.constant 0 : i32
      %dma_start3A_38 = tpu.memref_slice %arg4[%add3A_30, %dma_start3A_37] : memref<2560x128xi32, #tpu.memory_space<hbm>> -> memref<1x128xi32, #tpu.memory_space<hbm>>
      tpu.enqueue_dma source(%dma_start3A_38 : memref<1x128xi32, #tpu.memory_space<hbm>>) target(%arg9 : memref<1x128xi32, #tpu.memory_space<vmem>>) target_semaphore(%arg15 : memref<!tpu.dma_semaphore, #tpu.memory_space<semaphore_mem>>)
      %scan3A_39 = arith.constant 0 : i32
      %scan3A_40 = arith.constant 8 : i32
      %scan3A_41 = arith.addi %scan3A_39, %scan3A_40 : i32
      %scan3A_42 = arith.constant 1 : i32
      scf.for %scan3A_50 = %scan3A_39 to %scan3A_41 step %scan3A_42  : i32 {
        %mul3A_51 = arith.constant 2 : i32
        %mul3A_52 = arith.muli %scan3A_50, %mul3A_51 : i32
        %add3A_53 = arith.constant 0 : i32
        %add3A_54 = arith.addi %add3A_53, %mul3A_52 : i32
        %add3A_55 = arith.addi %add3A_21, %add3A_54 : i32
        %dma_wait3A_56 = arith.constant 0 : i32
        %dma_wait3A_57 = tpu.memref_slice %arg3[%add3A_55, %dma_wait3A_56] : memref<2560x128xi32, #tpu.memory_space<hbm>> -> memref<1x128xi32, #tpu.memory_space<hbm>>
        %dma_wait3A_58 = arith.constant 0 : i32
        %dma_wait3A_59 = tpu.memref_slice %arg3[%add3A_55, %dma_wait3A_58] : memref<2560x128xi32, #tpu.memory_space<hbm>> -> memref<1x128xi32, #tpu.memory_space<hbm>>
        tpu.wait_dma2 semaphore(%arg14 : memref<!tpu.dma_semaphore, #tpu.memory_space<semaphore_mem>>) src(%dma_wait3A_59 : memref<1x128xi32, #tpu.memory_space<hbm>>) dst(%arg6 : memref<1x128xi32, #tpu.memory_space<vmem>>)
        %dma_wait3A_60 = arith.constant 0 : i32
        %dma_wait3A_61 = tpu.memref_slice %arg4[%add3A_55, %dma_wait3A_60] : memref<2560x128xi32, #tpu.memory_space<hbm>> -> memref<1x128xi32, #tpu.memory_space<hbm>>
        %dma_wait3A_62 = arith.constant 0 : i32
        %dma_wait3A_63 = tpu.memref_slice %arg4[%add3A_55, %dma_wait3A_62] : memref<2560x128xi32, #tpu.memory_space<hbm>> -> memref<1x128xi32, #tpu.memory_space<hbm>>
        tpu.wait_dma2 semaphore(%arg14 : memref<!tpu.dma_semaphore, #tpu.memory_space<semaphore_mem>>) src(%dma_wait3A_63 : memref<1x128xi32, #tpu.memory_space<hbm>>) dst(%arg8 : memref<1x128xi32, #tpu.memory_space<vmem>>)
        %dma_start3A_64 = arith.constant 0 : i32
        %dma_start3A_65 = arith.constant 0 : i32
        %dma_start3A_66 = tpu.memref_slice %arg6[%dma_start3A_64, %dma_start3A_65] : memref<1x128xi32, #tpu.memory_space<vmem>> -> memref<1x128xi32, #tpu.memory_space<vmem>>
        %dma_start3A_67 = tpu.memref_squeeze %dma_start3A_66 : memref<1x128xi32, #tpu.memory_space<vmem>> -> memref<128xi32, #tpu.memory_space<vmem>>
        %dma_start3A_68 = arith.constant 0 : i32
        %dma_start3A_69 = arith.constant 0 : i32
        %dma_start3A_70 = tpu.memref_slice %arg2[%dma_start3A_68, %dma_start3A_69] : memref<10000x128xf32, #tpu.memory_space<hbm>> -> memref<10000x128xf32, #tpu.memory_space<hbm>>
        tpu.enqueue_indirect_dma source(%dma_start3A_70 : memref<10000x128xf32, #tpu.memory_space<hbm>>) target(%arg10 : memref<128x128xf32, #tpu.memory_space<vmem>>) offsets(%dma_start3A_67 : memref<128xi32, #tpu.memory_space<vmem>>) semaphore(%arg16 : memref<!tpu.dma_semaphore, #tpu.memory_space<semaphore_mem>>)
        %gt3A = arith.constant 0 : i32
        %gt3A_71 = arith.cmpi sgt, %add3A_54, %gt3A : i32
        %convert_element_type3A_72 = arith.extui %gt3A_71 : i1 to i32
        %cond3A_73 = arith.constant 0 : i32
        %cond3A_74 = arith.cmpi ne, %convert_element_type3A_72, %cond3A_73 : i32
        scf.if %cond3A_74 {
          %dma_wait3A_98 = arith.constant 0 : i32
          %dma_wait3A_99 = arith.constant 0 : i32
          %dma_wait3A_100 = tpu.memref_slice %arg7[%dma_wait3A_98, %dma_wait3A_99] : memref<1x128xi32, #tpu.memory_space<vmem>> -> memref<1x128xi32, #tpu.memory_space<vmem>>
          %dma_wait3A_101 = tpu.memref_squeeze %dma_wait3A_100 : memref<1x128xi32, #tpu.memory_space<vmem>> -> memref<128xi32, #tpu.memory_space<vmem>>
          %dma_wait3A_102 = arith.constant 0 : i32
          %dma_wait3A_103 = arith.constant 0 : i32
          %dma_wait3A_104 = tpu.memref_slice %arg2[%dma_wait3A_102, %dma_wait3A_103] : memref<10000x128xf32, #tpu.memory_space<hbm>> -> memref<10000x128xf32, #tpu.memory_space<hbm>>
          tpu.wait_indirect_dma semaphore(%arg17 : memref<!tpu.dma_semaphore, #tpu.memory_space<semaphore_mem>>) src(%dma_wait3A_104 : memref<10000x128xf32, #tpu.memory_space<hbm>>) dst(%arg11 : memref<128x128xf32, #tpu.memory_space<vmem>>)
          %run_scoped3A_105 = arith.constant 0 : i32
          "tpu.region"() ({
            %run_scoped3A_110 = tpu.sem_alloc : memref<!tpu.dma_semaphore, #tpu.memory_space<semaphore_mem>>
            %dma_start3A_111 = arith.constant 0 : i32
            %dma_start3A_112 = tpu.memref_slice %arg9[%run_scoped3A_105, %dma_start3A_111] : memref<1x128xi32, #tpu.memory_space<vmem>> -> memref<1x128xi32, #tpu.memory_space<vmem>>
            %dma_start3A_113 = tpu.memref_squeeze %dma_start3A_112 : memref<1x128xi32, #tpu.memory_space<vmem>> -> memref<128xi32, #tpu.memory_space<vmem>>
            %dma_start3A_114 = arith.constant 0 : i32
            %dma_start3A_115 = arith.constant 0 : i32
            %dma_start3A_116 = tpu.memref_slice %arg13[%dma_start3A_114, %dma_start3A_115] : memref<10240x128xf32, #tpu.memory_space<vmem_shared>> -> memref<10240x128xf32, #tpu.memory_space<vmem_shared>>
            tpu.enqueue_indirect_dma source(%arg11 : memref<128x128xf32, #tpu.memory_space<vmem>>) target(%dma_start3A_116 : memref<10240x128xf32, #tpu.memory_space<vmem_shared>>) offsets(%dma_start3A_113 : memref<128xi32, #tpu.memory_space<vmem>>) semaphore(%run_scoped3A_110 : memref<!tpu.dma_semaphore, #tpu.memory_space<semaphore_mem>>) {add = true}
            %dma_wait3A_117 = arith.constant 0 : i32
            %dma_wait3A_118 = tpu.memref_slice %arg9[%run_scoped3A_105, %dma_wait3A_117] : memref<1x128xi32, #tpu.memory_space<vmem>> -> memref<1x128xi32, #tpu.memory_space<vmem>>
            %dma_wait3A_119 = tpu.memref_squeeze %dma_wait3A_118 : memref<1x128xi32, #tpu.memory_space<vmem>> -> memref<128xi32, #tpu.memory_space<vmem>>
            %dma_wait3A_120 = arith.constant 0 : i32
            %dma_wait3A_121 = arith.constant 0 : i32
            %dma_wait3A_122 = tpu.memref_slice %arg13[%dma_wait3A_120, %dma_wait3A_121] : memref<10240x128xf32, #tpu.memory_space<vmem_shared>> -> memref<10240x128xf32, #tpu.memory_space<vmem_shared>>
            tpu.wait_indirect_dma semaphore(%run_scoped3A_110 : memref<!tpu.dma_semaphore, #tpu.memory_space<semaphore_mem>>) src(%arg11 : memref<128x128xf32, #tpu.memory_space<vmem>>) dst(%dma_wait3A_122 : memref<10240x128xf32, #tpu.memory_space<vmem_shared>>)
            tpu.yield
          }) : () -> ()
          %lt3A = arith.constant 15 : i32
          %lt3A_106 = arith.cmpi slt, %add3A_54, %lt3A : i32
          %convert_element_type3A_107 = arith.extui %lt3A_106 : i1 to i32
          %cond3A_108 = arith.constant 0 : i32
          %cond3A_109 = arith.cmpi ne, %convert_element_type3A_107, %cond3A_108 : i32
          scf.if %cond3A_109 {
            %add3A_110 = arith.addi %add3A_21, %add3A_54 : i32
            %add3A_111 = arith.constant 1 : i32
            %add3A_112 = arith.addi %add3A_110, %add3A_111 : i32
            %dma_start3A_113 = arith.constant 0 : i32
            %dma_start3A_114 = tpu.memref_slice %arg3[%add3A_112, %dma_start3A_113] : memref<2560x128xi32, #tpu.memory_space<hbm>> -> memref<1x128xi32, #tpu.memory_space<hbm>>
            %dma_start3A_115 = arith.constant 0 : i32
            %dma_start3A_116 = tpu.memref_slice %arg3[%add3A_112, %dma_start3A_115] : memref<2560x128xi32, #tpu.memory_space<hbm>> -> memref<1x128xi32, #tpu.memory_space<hbm>>
            tpu.enqueue_dma source(%dma_start3A_116 : memref<1x128xi32, #tpu.memory_space<hbm>>) target(%arg7 : memref<1x128xi32, #tpu.memory_space<vmem>>) target_semaphore(%arg15 : memref<!tpu.dma_semaphore, #tpu.memory_space<semaphore_mem>>)
            %dma_start3A_117 = arith.constant 0 : i32
            %dma_start3A_118 = tpu.memref_slice %arg4[%add3A_112, %dma_start3A_117] : memref<2560x128xi32, #tpu.memory_space<hbm>> -> memref<1x128xi32, #tpu.memory_space<hbm>>
            %dma_start3A_119 = arith.constant 0 : i32
            %dma_start3A_120 = tpu.memref_slice %arg4[%add3A_112, %dma_start3A_119] : memref<2560x128xi32, #tpu.memory_space<hbm>> -> memref<1x128xi32, #tpu.memory_space<hbm>>
            tpu.enqueue_dma source(%dma_start3A_120 : memref<1x128xi32, #tpu.memory_space<hbm>>) target(%arg9 : memref<1x128xi32, #tpu.memory_space<vmem>>) target_semaphore(%arg15 : memref<!tpu.dma_semaphore, #tpu.memory_space<semaphore_mem>>)
          } else {
          }
        } else {
        }
        %add3A_75 = arith.constant 1 : i32
        %add3A_76 = arith.addi %add3A_54, %add3A_75 : i32
        %add3A_77 = arith.addi %add3A_21, %add3A_76 : i32
        %dma_wait3A_78 = arith.constant 0 : i32
        %dma_wait3A_79 = tpu.memref_slice %arg3[%add3A_77, %dma_wait3A_78] : memref<2560x128xi32, #tpu.memory_space<hbm>> -> memref<1x128xi32, #tpu.memory_space<hbm>>
        %dma_wait3A_80 = arith.constant 0 : i32
        %dma_wait3A_81 = tpu.memref_slice %arg3[%add3A_77, %dma_wait3A_80] : memref<2560x128xi32, #tpu.memory_space<hbm>> -> memref<1x128xi32, #tpu.memory_space<hbm>>
        tpu.wait_dma2 semaphore(%arg15 : memref<!tpu.dma_semaphore, #tpu.memory_space<semaphore_mem>>) src(%dma_wait3A_81 : memref<1x128xi32, #tpu.memory_space<hbm>>) dst(%arg7 : memref<1x128xi32, #tpu.memory_space<vmem>>)
        %dma_wait3A_82 = arith.constant 0 : i32
        %dma_wait3A_83 = tpu.memref_slice %arg4[%add3A_77, %dma_wait3A_82] : memref<2560x128xi32, #tpu.memory_space<hbm>> -> memref<1x128xi32, #tpu.memory_space<hbm>>
        %dma_wait3A_84 = arith.constant 0 : i32
        %dma_wait3A_85 = tpu.memref_slice %arg4[%add3A_77, %dma_wait3A_84] : memref<2560x128xi32, #tpu.memory_space<hbm>> -> memref<1x128xi32, #tpu.memory_space<hbm>>
        tpu.wait_dma2 semaphore(%arg15 : memref<!tpu.dma_semaphore, #tpu.memory_space<semaphore_mem>>) src(%dma_wait3A_85 : memref<1x128xi32, #tpu.memory_space<hbm>>) dst(%arg9 : memref<1x128xi32, #tpu.memory_space<vmem>>)
        %dma_start3A_86 = arith.constant 0 : i32
        %dma_start3A_87 = arith.constant 0 : i32
        %dma_start3A_88 = tpu.memref_slice %arg7[%dma_start3A_86, %dma_start3A_87] : memref<1x128xi32, #tpu.memory_space<vmem>> -> memref<1x128xi32, #tpu.memory_space<vmem>>
        %dma_start3A_89 = tpu.memref_squeeze %dma_start3A_88 : memref<1x128xi32, #tpu.memory_space<vmem>> -> memref<128xi32, #tpu.memory_space<vmem>>
        %dma_start3A_90 = arith.constant 0 : i32
        %dma_start3A_91 = arith.constant 0 : i32
        %dma_start3A_92 = tpu.memref_slice %arg2[%dma_start3A_90, %dma_start3A_91] : memref<10000x128xf32, #tpu.memory_space<hbm>> -> memref<10000x128xf32, #tpu.memory_space<hbm>>
        tpu.enqueue_indirect_dma source(%dma_start3A_92 : memref<10000x128xf32, #tpu.memory_space<hbm>>) target(%arg11 : memref<128x128xf32, #tpu.memory_space<vmem>>) offsets(%dma_start3A_89 : memref<128xi32, #tpu.memory_space<vmem>>) semaphore(%arg17 : memref<!tpu.dma_semaphore, #tpu.memory_space<semaphore_mem>>)
        %gt3A_93 = arith.constant 0 : i32
        %gt3A_94 = arith.cmpi sgt, %add3A_76, %gt3A_93 : i32
        %convert_element_type3A_95 = arith.extui %gt3A_94 : i1 to i32
        %cond3A_96 = arith.constant 0 : i32
        %cond3A_97 = arith.cmpi ne, %convert_element_type3A_95, %cond3A_96 : i32
        scf.if %cond3A_97 {
          %dma_wait3A_98 = arith.constant 0 : i32
          %dma_wait3A_99 = arith.constant 0 : i32
          %dma_wait3A_100 = tpu.memref_slice %arg6[%dma_wait3A_98, %dma_wait3A_99] : memref<1x128xi32, #tpu.memory_space<vmem>> -> memref<1x128xi32, #tpu.memory_space<vmem>>
          %dma_wait3A_101 = tpu.memref_squeeze %dma_wait3A_100 : memref<1x128xi32, #tpu.memory_space<vmem>> -> memref<128xi32, #tpu.memory_space<vmem>>
          %dma_wait3A_102 = arith.constant 0 : i32
          %dma_wait3A_103 = arith.constant 0 : i32
          %dma_wait3A_104 = tpu.memref_slice %arg2[%dma_wait3A_102, %dma_wait3A_103] : memref<10000x128xf32, #tpu.memory_space<hbm>> -> memref<10000x128xf32, #tpu.memory_space<hbm>>
          tpu.wait_indirect_dma semaphore(%arg16 : memref<!tpu.dma_semaphore, #tpu.memory_space<semaphore_mem>>) src(%dma_wait3A_104 : memref<10000x128xf32, #tpu.memory_space<hbm>>) dst(%arg10 : memref<128x128xf32, #tpu.memory_space<vmem>>)
          %run_scoped3A_105 = arith.constant 0 : i32
          "tpu.region"() ({
            %run_scoped3A_110 = tpu.sem_alloc : memref<!tpu.dma_semaphore, #tpu.memory_space<semaphore_mem>>
            %dma_start3A_111 = arith.constant 0 : i32
            %dma_start3A_112 = tpu.memref_slice %arg8[%run_scoped3A_105, %dma_start3A_111] : memref<1x128xi32, #tpu.memory_space<vmem>> -> memref<1x128xi32, #tpu.memory_space<vmem>>
            %dma_start3A_113 = tpu.memref_squeeze %dma_start3A_112 : memref<1x128xi32, #tpu.memory_space<vmem>> -> memref<128xi32, #tpu.memory_space<vmem>>
            %dma_start3A_114 = arith.constant 0 : i32
            %dma_start3A_115 = arith.constant 0 : i32
            %dma_start3A_116 = tpu.memref_slice %arg13[%dma_start3A_114, %dma_start3A_115] : memref<10240x128xf32, #tpu.memory_space<vmem_shared>> -> memref<10240x128xf32, #tpu.memory_space<vmem_shared>>
            tpu.enqueue_indirect_dma source(%arg10 : memref<128x128xf32, #tpu.memory_space<vmem>>) target(%dma_start3A_116 : memref<10240x128xf32, #tpu.memory_space<vmem_shared>>) offsets(%dma_start3A_113 : memref<128xi32, #tpu.memory_space<vmem>>) semaphore(%run_scoped3A_110 : memref<!tpu.dma_semaphore, #tpu.memory_space<semaphore_mem>>) {add = true}
            %dma_wait3A_117 = arith.constant 0 : i32
            %dma_wait3A_118 = tpu.memref_slice %arg8[%run_scoped3A_105, %dma_wait3A_117] : memref<1x128xi32, #tpu.memory_space<vmem>> -> memref<1x128xi32, #tpu.memory_space<vmem>>
            %dma_wait3A_119 = tpu.memref_squeeze %dma_wait3A_118 : memref<1x128xi32, #tpu.memory_space<vmem>> -> memref<128xi32, #tpu.memory_space<vmem>>
            %dma_wait3A_120 = arith.constant 0 : i32
            %dma_wait3A_121 = arith.constant 0 : i32
            %dma_wait3A_122 = tpu.memref_slice %arg13[%dma_wait3A_120, %dma_wait3A_121] : memref<10240x128xf32, #tpu.memory_space<vmem_shared>> -> memref<10240x128xf32, #tpu.memory_space<vmem_shared>>
            tpu.wait_indirect_dma semaphore(%run_scoped3A_110 : memref<!tpu.dma_semaphore, #tpu.memory_space<semaphore_mem>>) src(%arg10 : memref<128x128xf32, #tpu.memory_space<vmem>>) dst(%dma_wait3A_122 : memref<10240x128xf32, #tpu.memory_space<vmem_shared>>)
            tpu.yield
          }) : () -> ()
          %lt3A = arith.constant 15 : i32
          %lt3A_106 = arith.cmpi slt, %add3A_76, %lt3A : i32
          %convert_element_type3A_107 = arith.extui %lt3A_106 : i1 to i32
          %cond3A_108 = arith.constant 0 : i32
          %cond3A_109 = arith.cmpi ne, %convert_element_type3A_107, %cond3A_108 : i32
          scf.if %cond3A_109 {
            %add3A_110 = arith.addi %add3A_21, %add3A_76 : i32
            %add3A_111 = arith.constant 1 : i32
            %add3A_112 = arith.addi %add3A_110, %add3A_111 : i32
            %dma_start3A_113 = arith.constant 0 : i32
            %dma_start3A_114 = tpu.memref_slice %arg3[%add3A_112, %dma_start3A_113] : memref<2560x128xi32, #tpu.memory_space<hbm>> -> memref<1x128xi32, #tpu.memory_space<hbm>>
            %dma_start3A_115 = arith.constant 0 : i32
            %dma_start3A_116 = tpu.memref_slice %arg3[%add3A_112, %dma_start3A_115] : memref<2560x128xi32, #tpu.memory_space<hbm>> -> memref<1x128xi32, #tpu.memory_space<hbm>>
            tpu.enqueue_dma source(%dma_start3A_116 : memref<1x128xi32, #tpu.memory_space<hbm>>) target(%arg6 : memref<1x128xi32, #tpu.memory_space<vmem>>) target_semaphore(%arg14 : memref<!tpu.dma_semaphore, #tpu.memory_space<semaphore_mem>>)
            %dma_start3A_117 = arith.constant 0 : i32
            %dma_start3A_118 = tpu.memref_slice %arg4[%add3A_112, %dma_start3A_117] : memref<2560x128xi32, #tpu.memory_space<hbm>> -> memref<1x128xi32, #tpu.memory_space<hbm>>
            %dma_start3A_119 = arith.constant 0 : i32
            %dma_start3A_120 = tpu.memref_slice %arg4[%add3A_112, %dma_start3A_119] : memref<2560x128xi32, #tpu.memory_space<hbm>> -> memref<1x128xi32, #tpu.memory_space<hbm>>
            tpu.enqueue_dma source(%dma_start3A_120 : memref<1x128xi32, #tpu.memory_space<hbm>>) target(%arg8 : memref<1x128xi32, #tpu.memory_space<vmem>>) target_semaphore(%arg14 : memref<!tpu.dma_semaphore, #tpu.memory_space<semaphore_mem>>)
          } else {
          }
        } else {
        }
      }
      %scan3A_43 = arith.constant 8 : i32
      %dma_wait3A = arith.constant 0 : i32
      %dma_wait3A_44 = arith.constant 0 : i32
      %dma_wait3A_45 = tpu.memref_slice %arg7[%dma_wait3A, %dma_wait3A_44] : memref<1x128xi32, #tpu.memory_space<vmem>> -> memref<1x128xi32, #tpu.memory_space<vmem>>
      %dma_wait3A_46 = tpu.memref_squeeze %dma_wait3A_45 : memref<1x128xi32, #tpu.memory_space<vmem>> -> memref<128xi32, #tpu.memory_space<vmem>>
      %dma_wait3A_47 = arith.constant 0 : i32
      %dma_wait3A_48 = arith.constant 0 : i32
      %dma_wait3A_49 = tpu.memref_slice %arg2[%dma_wait3A_47, %dma_wait3A_48] : memref<10000x128xf32, #tpu.memory_space<hbm>> -> memref<10000x128xf32, #tpu.memory_space<hbm>>
      tpu.wait_indirect_dma semaphore(%arg17 : memref<!tpu.dma_semaphore, #tpu.memory_space<semaphore_mem>>) src(%dma_wait3A_49 : memref<10000x128xf32, #tpu.memory_space<hbm>>) dst(%arg11 : memref<128x128xf32, #tpu.memory_space<vmem>>)
      %run_scoped3A = arith.constant 0 : i32
      "tpu.region"() ({
        %run_scoped3A_50 = tpu.sem_alloc : memref<!tpu.dma_semaphore, #tpu.memory_space<semaphore_mem>>
        %dma_start3A_51 = arith.constant 0 : i32
        %dma_start3A_52 = tpu.memref_slice %arg9[%run_scoped3A, %dma_start3A_51] : memref<1x128xi32, #tpu.memory_space<vmem>> -> memref<1x128xi32, #tpu.memory_space<vmem>>
        %dma_start3A_53 = tpu.memref_squeeze %dma_start3A_52 : memref<1x128xi32, #tpu.memory_space<vmem>> -> memref<128xi32, #tpu.memory_space<vmem>>
        %dma_start3A_54 = arith.constant 0 : i32
        %dma_start3A_55 = arith.constant 0 : i32
        %dma_start3A_56 = tpu.memref_slice %arg13[%dma_start3A_54, %dma_start3A_55] : memref<10240x128xf32, #tpu.memory_space<vmem_shared>> -> memref<10240x128xf32, #tpu.memory_space<vmem_shared>>
        tpu.enqueue_indirect_dma source(%arg11 : memref<128x128xf32, #tpu.memory_space<vmem>>) target(%dma_start3A_56 : memref<10240x128xf32, #tpu.memory_space<vmem_shared>>) offsets(%dma_start3A_53 : memref<128xi32, #tpu.memory_space<vmem>>) semaphore(%run_scoped3A_50 : memref<!tpu.dma_semaphore, #tpu.memory_space<semaphore_mem>>) {add = true}
        %dma_wait3A_57 = arith.constant 0 : i32
        %dma_wait3A_58 = tpu.memref_slice %arg9[%run_scoped3A, %dma_wait3A_57] : memref<1x128xi32, #tpu.memory_space<vmem>> -> memref<1x128xi32, #tpu.memory_space<vmem>>
        %dma_wait3A_59 = tpu.memref_squeeze %dma_wait3A_58 : memref<1x128xi32, #tpu.memory_space<vmem>> -> memref<128xi32, #tpu.memory_space<vmem>>
        %dma_wait3A_60 = arith.constant 0 : i32
        %dma_wait3A_61 = arith.constant 0 : i32
        %dma_wait3A_62 = tpu.memref_slice %arg13[%dma_wait3A_60, %dma_wait3A_61] : memref<10240x128xf32, #tpu.memory_space<vmem_shared>> -> memref<10240x128xf32, #tpu.memory_space<vmem_shared>>
        tpu.wait_indirect_dma semaphore(%run_scoped3A_50 : memref<!tpu.dma_semaphore, #tpu.memory_space<semaphore_mem>>) src(%arg11 : memref<128x128xf32, #tpu.memory_space<vmem>>) dst(%dma_wait3A_62 : memref<10240x128xf32, #tpu.memory_space<vmem_shared>>)
        tpu.yield
      }) : () -> ()
    } else {
    }
    %barrier3A_18 = arith.constant 0 : index
    tpu.barrier barrier_id(%barrier3A_18)
    "tpu.region"() ({
      %run_scoped3A = tpu.sem_alloc : memref<!tpu.dma_semaphore, #tpu.memory_space<semaphore_mem>>
      %dma_start3A = arith.constant 0 : i32
      %dma_start3A_19 = arith.constant 0 : i32
      %dma_start3A_20 = tpu.memref_slice %arg5[%arg0, %dma_start3A, %dma_start3A_19] : memref<2x10240x128xf32, #tpu.memory_space<hbm>> -> memref<1x10240x128xf32, #tpu.memory_space<hbm>>
      %dma_start3A_21 = tpu.memref_squeeze %dma_start3A_20 : memref<1x10240x128xf32, #tpu.memory_space<hbm>> -> memref<10240x128xf32, #tpu.memory_space<hbm>>
      %dma_start3A_22 = arith.constant 0 : i32
      %dma_start3A_23 = tpu.memref_slice %dma_start3A_21[%mul3A_4, %dma_start3A_22] : memref<10240x128xf32, #tpu.memory_space<hbm>> -> memref<640x128xf32, #tpu.memory_space<hbm>>
      %dma_start3A_24 = arith.constant 0 : i32
      %dma_start3A_25 = tpu.memref_slice %arg13[%mul3A_4, %dma_start3A_24] : memref<10240x128xf32, #tpu.memory_space<vmem_shared>> -> memref<640x128xf32, #tpu.memory_space<vmem_shared>>
      tpu.enqueue_dma source(%dma_start3A_25 : memref<640x128xf32, #tpu.memory_space<vmem_shared>>) target(%dma_start3A_23 : memref<640x128xf32, #tpu.memory_space<hbm>>) target_semaphore(%run_scoped3A : memref<!tpu.dma_semaphore, #tpu.memory_space<semaphore_mem>>)
      %dma_wait3A = arith.constant 0 : i32
      %dma_wait3A_26 = arith.constant 0 : i32
      %dma_wait3A_27 = tpu.memref_slice %arg5[%arg0, %dma_wait3A, %dma_wait3A_26] : memref<2x10240x128xf32, #tpu.memory_space<hbm>> -> memref<1x10240x128xf32, #tpu.memory_space<hbm>>
      %dma_wait3A_28 = tpu.memref_squeeze %dma_wait3A_27 : memref<1x10240x128xf32, #tpu.memory_space<hbm>> -> memref<10240x128xf32, #tpu.memory_space<hbm>>
      %dma_wait3A_29 = arith.constant 0 : i32
      %dma_wait3A_30 = tpu.memref_slice %dma_wait3A_28[%mul3A_4, %dma_wait3A_29] : memref<10240x128xf32, #tpu.memory_space<hbm>> -> memref<640x128xf32, #tpu.memory_space<hbm>>
      %dma_wait3A_31 = arith.constant 0 : i32
      %dma_wait3A_32 = tpu.memref_slice %arg13[%mul3A_4, %dma_wait3A_31] : memref<10240x128xf32, #tpu.memory_space<vmem_shared>> -> memref<640x128xf32, #tpu.memory_space<vmem_shared>>
      tpu.wait_dma2 semaphore(%run_scoped3A : memref<!tpu.dma_semaphore, #tpu.memory_space<semaphore_mem>>) src(%dma_wait3A_32 : memref<640x128xf32, #tpu.memory_space<vmem_shared>>) dst(%dma_wait3A_30 : memref<640x128xf32, #tpu.memory_space<hbm>>)
      tpu.yield
    }) : () -> ()
    return
  }
}

#map = affine_map<(d0, d1) -> (0, 0)>
module attributes {stable_mosaic.version = 14 : i64} {
  func.func @body(%arg0: i32, %arg1: i32, %arg2: memref<10000x128xf32, #tpu.memory_space<hbm>>, %arg3: memref<10000x128xf32, #tpu.memory_space<hbm>>, %arg4: memref<2560x128xi32, #tpu.memory_space<hbm>>, %arg5: memref<2560x128xi32, #tpu.memory_space<hbm>>, %arg6: memref<327680x128xf32, #tpu.memory_space<hbm>>, %arg7: memref<327680x128xf32, #tpu.memory_space<hbm>>, %arg8: memref<1x128xi32, #tpu.memory_space<vmem>>, %arg9: memref<1x128xi32, #tpu.memory_space<vmem>>, %arg10: memref<1x128xi32, #tpu.memory_space<vmem>>, %arg11: memref<1x128xi32, #tpu.memory_space<vmem>>, %arg12: memref<128x128xf32, #tpu.memory_space<vmem>>, %arg13: memref<128x128xf32, #tpu.memory_space<vmem>>, %arg14: memref<128x128xf32, #tpu.memory_space<vmem>>, %arg15: memref<128x128xf32, #tpu.memory_space<vmem>>, %arg16: memref<!tpu.dma_semaphore, #tpu.memory_space<semaphore_mem>>, %arg17: memref<!tpu.dma_semaphore, #tpu.memory_space<semaphore_mem>>, %arg18: memref<!tpu.dma_semaphore, #tpu.memory_space<semaphore_mem>>, %arg19: memref<!tpu.dma_semaphore, #tpu.memory_space<semaphore_mem>>, %arg20: memref<!tpu.dma_semaphore, #tpu.memory_space<semaphore_mem>>, %arg21: memref<!tpu.dma_semaphore, #tpu.memory_space<semaphore_mem>>, %arg22: memref<!tpu.dma_semaphore, #tpu.memory_space<semaphore_mem>>, %arg23: memref<!tpu.dma_semaphore, #tpu.memory_space<semaphore_mem>>, %arg24: memref<!tpu.dma_semaphore, #tpu.memory_space<semaphore_mem>>, %arg25: memref<!tpu.dma_semaphore, #tpu.memory_space<semaphore_mem>>) attributes {dimension_semantics = [#tpu.dimension_semantics<core_parallel>, #tpu.dimension_semantics<subcore_parallel>], iteration_bounds = array<i64: 2, 16>, scalar_prefetch = 0 : i64, scratch_operands = 18 : i64, tpu.core_type = #tpu.core_type<sc_vector_subcore>, window_params = [{transform_indices = #map}, {transform_indices = #map}, {transform_indices = #map}, {transform_indices = #map}, {transform_indices = #map}, {transform_indices = #map}]} {
    %eq3A = arith.constant 0 : i32
    %eq3A_0 = arith.cmpi eq, %arg0, %eq3A : i32
    %convert_element_type3A = arith.extui %eq3A_0 : i1 to i32
    %cond3A = arith.constant 0 : i32
    %cond3A_1 = arith.cmpi ne, %convert_element_type3A, %cond3A : i32
    scf.if %cond3A_1 {
      %mul3A = arith.constant 144 : i32
      %mul3A_7 = arith.muli %arg1, %mul3A : i32
      %dma_start3A = arith.constant 0 : i32
      %dma_start3A_8 = tpu.memref_slice %arg4[%mul3A_7, %dma_start3A] : memref<2560x128xi32, #tpu.memory_space<hbm>> -> memref<1x128xi32, #tpu.memory_space<hbm>>
      %dma_start3A_9 = arith.constant 0 : i32
      %dma_start3A_10 = tpu.memref_slice %arg4[%mul3A_7, %dma_start3A_9] : memref<2560x128xi32, #tpu.memory_space<hbm>> -> memref<1x128xi32, #tpu.memory_space<hbm>>
      tpu.enqueue_dma source(%dma_start3A_10 : memref<1x128xi32, #tpu.memory_space<hbm>>) target(%arg8 : memref<1x128xi32, #tpu.memory_space<vmem>>) target_semaphore(%arg16 : memref<!tpu.dma_semaphore, #tpu.memory_space<semaphore_mem>>)
      %dma_start3A_11 = arith.constant 0 : i32
      %dma_start3A_12 = tpu.memref_slice %arg5[%mul3A_7, %dma_start3A_11] : memref<2560x128xi32, #tpu.memory_space<hbm>> -> memref<1x128xi32, #tpu.memory_space<hbm>>
      %dma_start3A_13 = arith.constant 0 : i32
      %dma_start3A_14 = tpu.memref_slice %arg5[%mul3A_7, %dma_start3A_13] : memref<2560x128xi32, #tpu.memory_space<hbm>> -> memref<1x128xi32, #tpu.memory_space<hbm>>
      tpu.enqueue_dma source(%dma_start3A_14 : memref<1x128xi32, #tpu.memory_space<hbm>>) target(%arg10 : memref<1x128xi32, #tpu.memory_space<vmem>>) target_semaphore(%arg16 : memref<!tpu.dma_semaphore, #tpu.memory_space<semaphore_mem>>)
      %add3A = arith.constant 1 : i32
      %add3A_15 = arith.addi %mul3A_7, %add3A : i32
      %dma_start3A_16 = arith.constant 0 : i32
      %dma_start3A_17 = tpu.memref_slice %arg4[%add3A_15, %dma_start3A_16] : memref<2560x128xi32, #tpu.memory_space<hbm>> -> memref<1x128xi32, #tpu.memory_space<hbm>>
      %dma_start3A_18 = arith.constant 0 : i32
      %dma_start3A_19 = tpu.memref_slice %arg4[%add3A_15, %dma_start3A_18] : memref<2560x128xi32, #tpu.memory_space<hbm>> -> memref<1x128xi32, #tpu.memory_space<hbm>>
      tpu.enqueue_dma source(%dma_start3A_19 : memref<1x128xi32, #tpu.memory_space<hbm>>) target(%arg9 : memref<1x128xi32, #tpu.memory_space<vmem>>) target_semaphore(%arg17 : memref<!tpu.dma_semaphore, #tpu.memory_space<semaphore_mem>>)
      %dma_start3A_20 = arith.constant 0 : i32
      %dma_start3A_21 = tpu.memref_slice %arg5[%add3A_15, %dma_start3A_20] : memref<2560x128xi32, #tpu.memory_space<hbm>> -> memref<1x128xi32, #tpu.memory_space<hbm>>
      %dma_start3A_22 = arith.constant 0 : i32
      %dma_start3A_23 = tpu.memref_slice %arg5[%add3A_15, %dma_start3A_22] : memref<2560x128xi32, #tpu.memory_space<hbm>> -> memref<1x128xi32, #tpu.memory_space<hbm>>
      tpu.enqueue_dma source(%dma_start3A_23 : memref<1x128xi32, #tpu.memory_space<hbm>>) target(%arg11 : memref<1x128xi32, #tpu.memory_space<vmem>>) target_semaphore(%arg17 : memref<!tpu.dma_semaphore, #tpu.memory_space<semaphore_mem>>)
      %scan3A = arith.constant 0 : i32
      %scan3A_24 = arith.constant 72 : i32
      %scan3A_25 = arith.addi %scan3A, %scan3A_24 : i32
      %scan3A_26 = arith.constant 1 : i32
      scf.for %scan3A_88 = %scan3A to %scan3A_25 step %scan3A_26  : i32 {
        %mul3A_89 = arith.constant 2 : i32
        %mul3A_90 = arith.muli %scan3A_88, %mul3A_89 : i32
        %add3A_91 = arith.constant 0 : i32
        %add3A_92 = arith.addi %add3A_91, %mul3A_90 : i32
        %add3A_93 = arith.addi %mul3A_7, %add3A_92 : i32
        %dma_wait3A_94 = arith.constant 0 : i32
        %dma_wait3A_95 = tpu.memref_slice %arg4[%add3A_93, %dma_wait3A_94] : memref<2560x128xi32, #tpu.memory_space<hbm>> -> memref<1x128xi32, #tpu.memory_space<hbm>>
        %dma_wait3A_96 = arith.constant 0 : i32
        %dma_wait3A_97 = tpu.memref_slice %arg4[%add3A_93, %dma_wait3A_96] : memref<2560x128xi32, #tpu.memory_space<hbm>> -> memref<1x128xi32, #tpu.memory_space<hbm>>
        tpu.wait_dma2 semaphore(%arg16 : memref<!tpu.dma_semaphore, #tpu.memory_space<semaphore_mem>>) src(%dma_wait3A_97 : memref<1x128xi32, #tpu.memory_space<hbm>>) dst(%arg8 : memref<1x128xi32, #tpu.memory_space<vmem>>)
        %dma_wait3A_98 = arith.constant 0 : i32
        %dma_wait3A_99 = tpu.memref_slice %arg5[%add3A_93, %dma_wait3A_98] : memref<2560x128xi32, #tpu.memory_space<hbm>> -> memref<1x128xi32, #tpu.memory_space<hbm>>
        %dma_wait3A_100 = arith.constant 0 : i32
        %dma_wait3A_101 = tpu.memref_slice %arg5[%add3A_93, %dma_wait3A_100] : memref<2560x128xi32, #tpu.memory_space<hbm>> -> memref<1x128xi32, #tpu.memory_space<hbm>>
        tpu.wait_dma2 semaphore(%arg16 : memref<!tpu.dma_semaphore, #tpu.memory_space<semaphore_mem>>) src(%dma_wait3A_101 : memref<1x128xi32, #tpu.memory_space<hbm>>) dst(%arg10 : memref<1x128xi32, #tpu.memory_space<vmem>>)
        %gt3A = arith.constant 1 : i32
        %gt3A_102 = arith.cmpi sgt, %add3A_92, %gt3A : i32
        %convert_element_type3A_103 = arith.extui %gt3A_102 : i1 to i32
        %cond3A_104 = arith.constant 0 : i32
        %cond3A_105 = arith.cmpi ne, %convert_element_type3A_103, %cond3A_104 : i32
        scf.if %cond3A_105 {
          %add3A_160 = arith.addi %mul3A_7, %add3A_92 : i32
          %sub3A_161 = arith.constant 2 : i32
          %sub3A_162 = arith.subi %add3A_160, %sub3A_161 : i32
          %mul3A_163 = arith.constant 128 : i32
          %mul3A_164 = arith.muli %sub3A_162, %mul3A_163 : i32
          %dma_wait3A_165 = arith.constant 0 : i32
          %dma_wait3A_166 = tpu.memref_slice %arg6[%mul3A_164, %dma_wait3A_165] : memref<327680x128xf32, #tpu.memory_space<hbm>> -> memref<128x128xf32, #tpu.memory_space<hbm>>
          %dma_wait3A_167 = arith.constant 0 : i32
          %dma_wait3A_168 = tpu.memref_slice %arg6[%mul3A_164, %dma_wait3A_167] : memref<327680x128xf32, #tpu.memory_space<hbm>> -> memref<128x128xf32, #tpu.memory_space<hbm>>
          tpu.wait_dma2 semaphore(%arg22 : memref<!tpu.dma_semaphore, #tpu.memory_space<semaphore_mem>>) src(%arg12 : memref<128x128xf32, #tpu.memory_space<vmem>>) dst(%dma_wait3A_168 : memref<128x128xf32, #tpu.memory_space<hbm>>)
          %mul3A_169 = arith.constant 128 : i32
          %mul3A_170 = arith.muli %sub3A_162, %mul3A_169 : i32
          %dma_wait3A_171 = arith.constant 0 : i32
          %dma_wait3A_172 = tpu.memref_slice %arg7[%mul3A_170, %dma_wait3A_171] : memref<327680x128xf32, #tpu.memory_space<hbm>> -> memref<128x128xf32, #tpu.memory_space<hbm>>
          %dma_wait3A_173 = arith.constant 0 : i32
          %dma_wait3A_174 = tpu.memref_slice %arg7[%mul3A_170, %dma_wait3A_173] : memref<327680x128xf32, #tpu.memory_space<hbm>> -> memref<128x128xf32, #tpu.memory_space<hbm>>
          tpu.wait_dma2 semaphore(%arg24 : memref<!tpu.dma_semaphore, #tpu.memory_space<semaphore_mem>>) src(%arg14 : memref<128x128xf32, #tpu.memory_space<vmem>>) dst(%dma_wait3A_174 : memref<128x128xf32, #tpu.memory_space<hbm>>)
        } else {
        }
        %dma_start3A_106 = arith.constant 0 : i32
        %dma_start3A_107 = arith.constant 0 : i32
        %dma_start3A_108 = tpu.memref_slice %arg8[%dma_start3A_106, %dma_start3A_107] : memref<1x128xi32, #tpu.memory_space<vmem>> -> memref<1x128xi32, #tpu.memory_space<vmem>>
        %dma_start3A_109 = tpu.memref_squeeze %dma_start3A_108 : memref<1x128xi32, #tpu.memory_space<vmem>> -> memref<128xi32, #tpu.memory_space<vmem>>
        %dma_start3A_110 = arith.constant 0 : i32
        %dma_start3A_111 = arith.constant 0 : i32
        %dma_start3A_112 = tpu.memref_slice %arg2[%dma_start3A_110, %dma_start3A_111] : memref<10000x128xf32, #tpu.memory_space<hbm>> -> memref<10000x128xf32, #tpu.memory_space<hbm>>
        tpu.enqueue_indirect_dma source(%dma_start3A_112 : memref<10000x128xf32, #tpu.memory_space<hbm>>) target(%arg12 : memref<128x128xf32, #tpu.memory_space<vmem>>) offsets(%dma_start3A_109 : memref<128xi32, #tpu.memory_space<vmem>>) semaphore(%arg18 : memref<!tpu.dma_semaphore, #tpu.memory_space<semaphore_mem>>)
        %dma_start3A_113 = arith.constant 0 : i32
        %dma_start3A_114 = arith.constant 0 : i32
        %dma_start3A_115 = tpu.memref_slice %arg10[%dma_start3A_113, %dma_start3A_114] : memref<1x128xi32, #tpu.memory_space<vmem>> -> memref<1x128xi32, #tpu.memory_space<vmem>>
        %dma_start3A_116 = tpu.memref_squeeze %dma_start3A_115 : memref<1x128xi32, #tpu.memory_space<vmem>> -> memref<128xi32, #tpu.memory_space<vmem>>
        %dma_start3A_117 = arith.constant 0 : i32
        %dma_start3A_118 = arith.constant 0 : i32
        %dma_start3A_119 = tpu.memref_slice %arg3[%dma_start3A_117, %dma_start3A_118] : memref<10000x128xf32, #tpu.memory_space<hbm>> -> memref<10000x128xf32, #tpu.memory_space<hbm>>
        tpu.enqueue_indirect_dma source(%dma_start3A_119 : memref<10000x128xf32, #tpu.memory_space<hbm>>) target(%arg14 : memref<128x128xf32, #tpu.memory_space<vmem>>) offsets(%dma_start3A_116 : memref<128xi32, #tpu.memory_space<vmem>>) semaphore(%arg20 : memref<!tpu.dma_semaphore, #tpu.memory_space<semaphore_mem>>)
        %gt3A_120 = arith.constant 0 : i32
        %gt3A_121 = arith.cmpi sgt, %add3A_92, %gt3A_120 : i32
        %convert_element_type3A_122 = arith.extui %gt3A_121 : i1 to i32
        %cond3A_123 = arith.constant 0 : i32
        %cond3A_124 = arith.cmpi ne, %convert_element_type3A_122, %cond3A_123 : i32
        scf.if %cond3A_124 {
          %dma_wait3A_160 = arith.constant 0 : i32
          %dma_wait3A_161 = arith.constant 0 : i32
          %dma_wait3A_162 = tpu.memref_slice %arg9[%dma_wait3A_160, %dma_wait3A_161] : memref<1x128xi32, #tpu.memory_space<vmem>> -> memref<1x128xi32, #tpu.memory_space<vmem>>
          %dma_wait3A_163 = tpu.memref_squeeze %dma_wait3A_162 : memref<1x128xi32, #tpu.memory_space<vmem>> -> memref<128xi32, #tpu.memory_space<vmem>>
          %dma_wait3A_164 = arith.constant 0 : i32
          %dma_wait3A_165 = arith.constant 0 : i32
          %dma_wait3A_166 = tpu.memref_slice %arg2[%dma_wait3A_164, %dma_wait3A_165] : memref<10000x128xf32, #tpu.memory_space<hbm>> -> memref<10000x128xf32, #tpu.memory_space<hbm>>
          tpu.wait_indirect_dma semaphore(%arg19 : memref<!tpu.dma_semaphore, #tpu.memory_space<semaphore_mem>>) src(%dma_wait3A_166 : memref<10000x128xf32, #tpu.memory_space<hbm>>) dst(%arg13 : memref<128x128xf32, #tpu.memory_space<vmem>>)
          %dma_wait3A_167 = arith.constant 0 : i32
          %dma_wait3A_168 = arith.constant 0 : i32
          %dma_wait3A_169 = tpu.memref_slice %arg11[%dma_wait3A_167, %dma_wait3A_168] : memref<1x128xi32, #tpu.memory_space<vmem>> -> memref<1x128xi32, #tpu.memory_space<vmem>>
          %dma_wait3A_170 = tpu.memref_squeeze %dma_wait3A_169 : memref<1x128xi32, #tpu.memory_space<vmem>> -> memref<128xi32, #tpu.memory_space<vmem>>
          %dma_wait3A_171 = arith.constant 0 : i32
          %dma_wait3A_172 = arith.constant 0 : i32
          %dma_wait3A_173 = tpu.memref_slice %arg3[%dma_wait3A_171, %dma_wait3A_172] : memref<10000x128xf32, #tpu.memory_space<hbm>> -> memref<10000x128xf32, #tpu.memory_space<hbm>>
          tpu.wait_indirect_dma semaphore(%arg21 : memref<!tpu.dma_semaphore, #tpu.memory_space<semaphore_mem>>) src(%dma_wait3A_173 : memref<10000x128xf32, #tpu.memory_space<hbm>>) dst(%arg15 : memref<128x128xf32, #tpu.memory_space<vmem>>)
          %add3A_174 = arith.addi %mul3A_7, %add3A_92 : i32
          %sub3A_175 = arith.constant 1 : i32
          %sub3A_176 = arith.subi %add3A_174, %sub3A_175 : i32
          %mul3A_177 = arith.constant 128 : i32
          %mul3A_178 = arith.muli %sub3A_176, %mul3A_177 : i32
          %dma_start3A_179 = arith.constant 0 : i32
          %dma_start3A_180 = tpu.memref_slice %arg6[%mul3A_178, %dma_start3A_179] : memref<327680x128xf32, #tpu.memory_space<hbm>> -> memref<128x128xf32, #tpu.memory_space<hbm>>
          %dma_start3A_181 = arith.constant 0 : i32
          %dma_start3A_182 = tpu.memref_slice %arg6[%mul3A_178, %dma_start3A_181] : memref<327680x128xf32, #tpu.memory_space<hbm>> -> memref<128x128xf32, #tpu.memory_space<hbm>>
          tpu.enqueue_dma source(%arg13 : memref<128x128xf32, #tpu.memory_space<vmem>>) target(%dma_start3A_182 : memref<128x128xf32, #tpu.memory_space<hbm>>) target_semaphore(%arg23 : memref<!tpu.dma_semaphore, #tpu.memory_space<semaphore_mem>>)
          %mul3A_183 = arith.constant 128 : i32
          %mul3A_184 = arith.muli %sub3A_176, %mul3A_183 : i32
          %dma_start3A_185 = arith.constant 0 : i32
          %dma_start3A_186 = tpu.memref_slice %arg7[%mul3A_184, %dma_start3A_185] : memref<327680x128xf32, #tpu.memory_space<hbm>> -> memref<128x128xf32, #tpu.memory_space<hbm>>
          %dma_start3A_187 = arith.constant 0 : i32
          %dma_start3A_188 = tpu.memref_slice %arg7[%mul3A_184, %dma_start3A_187] : memref<327680x128xf32, #tpu.memory_space<hbm>> -> memref<128x128xf32, #tpu.memory_space<hbm>>
          tpu.enqueue_dma source(%arg15 : memref<128x128xf32, #tpu.memory_space<vmem>>) target(%dma_start3A_188 : memref<128x128xf32, #tpu.memory_space<hbm>>) target_semaphore(%arg25 : memref<!tpu.dma_semaphore, #tpu.memory_space<semaphore_mem>>)
          %lt3A = arith.constant 143 : i32
          %lt3A_189 = arith.cmpi slt, %add3A_92, %lt3A : i32
          %convert_element_type3A_190 = arith.extui %lt3A_189 : i1 to i32
          %cond3A_191 = arith.constant 0 : i32
          %cond3A_192 = arith.cmpi ne, %convert_element_type3A_190, %cond3A_191 : i32
          scf.if %cond3A_192 {
            %add3A_193 = arith.addi %mul3A_7, %add3A_92 : i32
            %add3A_194 = arith.constant 1 : i32
            %add3A_195 = arith.addi %add3A_193, %add3A_194 : i32
            %dma_start3A_196 = arith.constant 0 : i32
            %dma_start3A_197 = tpu.memref_slice %arg4[%add3A_195, %dma_start3A_196] : memref<2560x128xi32, #tpu.memory_space<hbm>> -> memref<1x128xi32, #tpu.memory_space<hbm>>
            %dma_start3A_198 = arith.constant 0 : i32
            %dma_start3A_199 = tpu.memref_slice %arg4[%add3A_195, %dma_start3A_198] : memref<2560x128xi32, #tpu.memory_space<hbm>> -> memref<1x128xi32, #tpu.memory_space<hbm>>
            tpu.enqueue_dma source(%dma_start3A_199 : memref<1x128xi32, #tpu.memory_space<hbm>>) target(%arg9 : memref<1x128xi32, #tpu.memory_space<vmem>>) target_semaphore(%arg17 : memref<!tpu.dma_semaphore, #tpu.memory_space<semaphore_mem>>)
            %dma_start3A_200 = arith.constant 0 : i32
            %dma_start3A_201 = tpu.memref_slice %arg5[%add3A_195, %dma_start3A_200] : memref<2560x128xi32, #tpu.memory_space<hbm>> -> memref<1x128xi32, #tpu.memory_space<hbm>>
            %dma_start3A_202 = arith.constant 0 : i32
            %dma_start3A_203 = tpu.memref_slice %arg5[%add3A_195, %dma_start3A_202] : memref<2560x128xi32, #tpu.memory_space<hbm>> -> memref<1x128xi32, #tpu.memory_space<hbm>>
            tpu.enqueue_dma source(%dma_start3A_203 : memref<1x128xi32, #tpu.memory_space<hbm>>) target(%arg11 : memref<1x128xi32, #tpu.memory_space<vmem>>) target_semaphore(%arg17 : memref<!tpu.dma_semaphore, #tpu.memory_space<semaphore_mem>>)
          } else {
          }
        } else {
        }
        %add3A_125 = arith.constant 1 : i32
        %add3A_126 = arith.addi %add3A_92, %add3A_125 : i32
        %add3A_127 = arith.addi %mul3A_7, %add3A_126 : i32
        %dma_wait3A_128 = arith.constant 0 : i32
        %dma_wait3A_129 = tpu.memref_slice %arg4[%add3A_127, %dma_wait3A_128] : memref<2560x128xi32, #tpu.memory_space<hbm>> -> memref<1x128xi32, #tpu.memory_space<hbm>>
        %dma_wait3A_130 = arith.constant 0 : i32
        %dma_wait3A_131 = tpu.memref_slice %arg4[%add3A_127, %dma_wait3A_130] : memref<2560x128xi32, #tpu.memory_space<hbm>> -> memref<1x128xi32, #tpu.memory_space<hbm>>
        tpu.wait_dma2 semaphore(%arg17 : memref<!tpu.dma_semaphore, #tpu.memory_space<semaphore_mem>>) src(%dma_wait3A_131 : memref<1x128xi32, #tpu.memory_space<hbm>>) dst(%arg9 : memref<1x128xi32, #tpu.memory_space<vmem>>)
        %dma_wait3A_132 = arith.constant 0 : i32
        %dma_wait3A_133 = tpu.memref_slice %arg5[%add3A_127, %dma_wait3A_132] : memref<2560x128xi32, #tpu.memory_space<hbm>> -> memref<1x128xi32, #tpu.memory_space<hbm>>
        %dma_wait3A_134 = arith.constant 0 : i32
        %dma_wait3A_135 = tpu.memref_slice %arg5[%add3A_127, %dma_wait3A_134] : memref<2560x128xi32, #tpu.memory_space<hbm>> -> memref<1x128xi32, #tpu.memory_space<hbm>>
        tpu.wait_dma2 semaphore(%arg17 : memref<!tpu.dma_semaphore, #tpu.memory_space<semaphore_mem>>) src(%dma_wait3A_135 : memref<1x128xi32, #tpu.memory_space<hbm>>) dst(%arg11 : memref<1x128xi32, #tpu.memory_space<vmem>>)
        %gt3A_136 = arith.constant 1 : i32
        %gt3A_137 = arith.cmpi sgt, %add3A_126, %gt3A_136 : i32
        %convert_element_type3A_138 = arith.extui %gt3A_137 : i1 to i32
        %cond3A_139 = arith.constant 0 : i32
        %cond3A_140 = arith.cmpi ne, %convert_element_type3A_138, %cond3A_139 : i32
        scf.if %cond3A_140 {
          %add3A_160 = arith.addi %mul3A_7, %add3A_126 : i32
          %sub3A_161 = arith.constant 2 : i32
          %sub3A_162 = arith.subi %add3A_160, %sub3A_161 : i32
          %mul3A_163 = arith.constant 128 : i32
          %mul3A_164 = arith.muli %sub3A_162, %mul3A_163 : i32
          %dma_wait3A_165 = arith.constant 0 : i32
          %dma_wait3A_166 = tpu.memref_slice %arg6[%mul3A_164, %dma_wait3A_165] : memref<327680x128xf32, #tpu.memory_space<hbm>> -> memref<128x128xf32, #tpu.memory_space<hbm>>
          %dma_wait3A_167 = arith.constant 0 : i32
          %dma_wait3A_168 = tpu.memref_slice %arg6[%mul3A_164, %dma_wait3A_167] : memref<327680x128xf32, #tpu.memory_space<hbm>> -> memref<128x128xf32, #tpu.memory_space<hbm>>
          tpu.wait_dma2 semaphore(%arg23 : memref<!tpu.dma_semaphore, #tpu.memory_space<semaphore_mem>>) src(%arg13 : memref<128x128xf32, #tpu.memory_space<vmem>>) dst(%dma_wait3A_168 : memref<128x128xf32, #tpu.memory_space<hbm>>)
          %mul3A_169 = arith.constant 128 : i32
          %mul3A_170 = arith.muli %sub3A_162, %mul3A_169 : i32
          %dma_wait3A_171 = arith.constant 0 : i32
          %dma_wait3A_172 = tpu.memref_slice %arg7[%mul3A_170, %dma_wait3A_171] : memref<327680x128xf32, #tpu.memory_space<hbm>> -> memref<128x128xf32, #tpu.memory_space<hbm>>
          %dma_wait3A_173 = arith.constant 0 : i32
          %dma_wait3A_174 = tpu.memref_slice %arg7[%mul3A_170, %dma_wait3A_173] : memref<327680x128xf32, #tpu.memory_space<hbm>> -> memref<128x128xf32, #tpu.memory_space<hbm>>
          tpu.wait_dma2 semaphore(%arg25 : memref<!tpu.dma_semaphore, #tpu.memory_space<semaphore_mem>>) src(%arg15 : memref<128x128xf32, #tpu.memory_space<vmem>>) dst(%dma_wait3A_174 : memref<128x128xf32, #tpu.memory_space<hbm>>)
        } else {
        }
        %dma_start3A_141 = arith.constant 0 : i32
        %dma_start3A_142 = arith.constant 0 : i32
        %dma_start3A_143 = tpu.memref_slice %arg9[%dma_start3A_141, %dma_start3A_142] : memref<1x128xi32, #tpu.memory_space<vmem>> -> memref<1x128xi32, #tpu.memory_space<vmem>>
        %dma_start3A_144 = tpu.memref_squeeze %dma_start3A_143 : memref<1x128xi32, #tpu.memory_space<vmem>> -> memref<128xi32, #tpu.memory_space<vmem>>
        %dma_start3A_145 = arith.constant 0 : i32
        %dma_start3A_146 = arith.constant 0 : i32
        %dma_start3A_147 = tpu.memref_slice %arg2[%dma_start3A_145, %dma_start3A_146] : memref<10000x128xf32, #tpu.memory_space<hbm>> -> memref<10000x128xf32, #tpu.memory_space<hbm>>
        tpu.enqueue_indirect_dma source(%dma_start3A_147 : memref<10000x128xf32, #tpu.memory_space<hbm>>) target(%arg13 : memref<128x128xf32, #tpu.memory_space<vmem>>) offsets(%dma_start3A_144 : memref<128xi32, #tpu.memory_space<vmem>>) semaphore(%arg19 : memref<!tpu.dma_semaphore, #tpu.memory_space<semaphore_mem>>)
        %dma_start3A_148 = arith.constant 0 : i32
        %dma_start3A_149 = arith.constant 0 : i32
        %dma_start3A_150 = tpu.memref_slice %arg11[%dma_start3A_148, %dma_start3A_149] : memref<1x128xi32, #tpu.memory_space<vmem>> -> memref<1x128xi32, #tpu.memory_space<vmem>>
        %dma_start3A_151 = tpu.memref_squeeze %dma_start3A_150 : memref<1x128xi32, #tpu.memory_space<vmem>> -> memref<128xi32, #tpu.memory_space<vmem>>
        %dma_start3A_152 = arith.constant 0 : i32
        %dma_start3A_153 = arith.constant 0 : i32
        %dma_start3A_154 = tpu.memref_slice %arg3[%dma_start3A_152, %dma_start3A_153] : memref<10000x128xf32, #tpu.memory_space<hbm>> -> memref<10000x128xf32, #tpu.memory_space<hbm>>
        tpu.enqueue_indirect_dma source(%dma_start3A_154 : memref<10000x128xf32, #tpu.memory_space<hbm>>) target(%arg15 : memref<128x128xf32, #tpu.memory_space<vmem>>) offsets(%dma_start3A_151 : memref<128xi32, #tpu.memory_space<vmem>>) semaphore(%arg21 : memref<!tpu.dma_semaphore, #tpu.memory_space<semaphore_mem>>)
        %gt3A_155 = arith.constant 0 : i32
        %gt3A_156 = arith.cmpi sgt, %add3A_126, %gt3A_155 : i32
        %convert_element_type3A_157 = arith.extui %gt3A_156 : i1 to i32
        %cond3A_158 = arith.constant 0 : i32
        %cond3A_159 = arith.cmpi ne, %convert_element_type3A_157, %cond3A_158 : i32
        scf.if %cond3A_159 {
          %dma_wait3A_160 = arith.constant 0 : i32
          %dma_wait3A_161 = arith.constant 0 : i32
          %dma_wait3A_162 = tpu.memref_slice %arg8[%dma_wait3A_160, %dma_wait3A_161] : memref<1x128xi32, #tpu.memory_space<vmem>> -> memref<1x128xi32, #tpu.memory_space<vmem>>
          %dma_wait3A_163 = tpu.memref_squeeze %dma_wait3A_162 : memref<1x128xi32, #tpu.memory_space<vmem>> -> memref<128xi32, #tpu.memory_space<vmem>>
          %dma_wait3A_164 = arith.constant 0 : i32
          %dma_wait3A_165 = arith.constant 0 : i32
          %dma_wait3A_166 = tpu.memref_slice %arg2[%dma_wait3A_164, %dma_wait3A_165] : memref<10000x128xf32, #tpu.memory_space<hbm>> -> memref<10000x128xf32, #tpu.memory_space<hbm>>
          tpu.wait_indirect_dma semaphore(%arg18 : memref<!tpu.dma_semaphore, #tpu.memory_space<semaphore_mem>>) src(%dma_wait3A_166 : memref<10000x128xf32, #tpu.memory_space<hbm>>) dst(%arg12 : memref<128x128xf32, #tpu.memory_space<vmem>>)
          %dma_wait3A_167 = arith.constant 0 : i32
          %dma_wait3A_168 = arith.constant 0 : i32
          %dma_wait3A_169 = tpu.memref_slice %arg10[%dma_wait3A_167, %dma_wait3A_168] : memref<1x128xi32, #tpu.memory_space<vmem>> -> memref<1x128xi32, #tpu.memory_space<vmem>>
          %dma_wait3A_170 = tpu.memref_squeeze %dma_wait3A_169 : memref<1x128xi32, #tpu.memory_space<vmem>> -> memref<128xi32, #tpu.memory_space<vmem>>
          %dma_wait3A_171 = arith.constant 0 : i32
          %dma_wait3A_172 = arith.constant 0 : i32
          %dma_wait3A_173 = tpu.memref_slice %arg3[%dma_wait3A_171, %dma_wait3A_172] : memref<10000x128xf32, #tpu.memory_space<hbm>> -> memref<10000x128xf32, #tpu.memory_space<hbm>>
          tpu.wait_indirect_dma semaphore(%arg20 : memref<!tpu.dma_semaphore, #tpu.memory_space<semaphore_mem>>) src(%dma_wait3A_173 : memref<10000x128xf32, #tpu.memory_space<hbm>>) dst(%arg14 : memref<128x128xf32, #tpu.memory_space<vmem>>)
          %add3A_174 = arith.addi %mul3A_7, %add3A_126 : i32
          %sub3A_175 = arith.constant 1 : i32
          %sub3A_176 = arith.subi %add3A_174, %sub3A_175 : i32
          %mul3A_177 = arith.constant 128 : i32
          %mul3A_178 = arith.muli %sub3A_176, %mul3A_177 : i32
          %dma_start3A_179 = arith.constant 0 : i32
          %dma_start3A_180 = tpu.memref_slice %arg6[%mul3A_178, %dma_start3A_179] : memref<327680x128xf32, #tpu.memory_space<hbm>> -> memref<128x128xf32, #tpu.memory_space<hbm>>
          %dma_start3A_181 = arith.constant 0 : i32
          %dma_start3A_182 = tpu.memref_slice %arg6[%mul3A_178, %dma_start3A_181] : memref<327680x128xf32, #tpu.memory_space<hbm>> -> memref<128x128xf32, #tpu.memory_space<hbm>>
          tpu.enqueue_dma source(%arg12 : memref<128x128xf32, #tpu.memory_space<vmem>>) target(%dma_start3A_182 : memref<128x128xf32, #tpu.memory_space<hbm>>) target_semaphore(%arg22 : memref<!tpu.dma_semaphore, #tpu.memory_space<semaphore_mem>>)
          %mul3A_183 = arith.constant 128 : i32
          %mul3A_184 = arith.muli %sub3A_176, %mul3A_183 : i32
          %dma_start3A_185 = arith.constant 0 : i32
          %dma_start3A_186 = tpu.memref_slice %arg7[%mul3A_184, %dma_start3A_185] : memref<327680x128xf32, #tpu.memory_space<hbm>> -> memref<128x128xf32, #tpu.memory_space<hbm>>
          %dma_start3A_187 = arith.constant 0 : i32
          %dma_start3A_188 = tpu.memref_slice %arg7[%mul3A_184, %dma_start3A_187] : memref<327680x128xf32, #tpu.memory_space<hbm>> -> memref<128x128xf32, #tpu.memory_space<hbm>>
          tpu.enqueue_dma source(%arg14 : memref<128x128xf32, #tpu.memory_space<vmem>>) target(%dma_start3A_188 : memref<128x128xf32, #tpu.memory_space<hbm>>) target_semaphore(%arg24 : memref<!tpu.dma_semaphore, #tpu.memory_space<semaphore_mem>>)
          %lt3A = arith.constant 143 : i32
          %lt3A_189 = arith.cmpi slt, %add3A_126, %lt3A : i32
          %convert_element_type3A_190 = arith.extui %lt3A_189 : i1 to i32
          %cond3A_191 = arith.constant 0 : i32
          %cond3A_192 = arith.cmpi ne, %convert_element_type3A_190, %cond3A_191 : i32
          scf.if %cond3A_192 {
            %add3A_193 = arith.addi %mul3A_7, %add3A_126 : i32
            %add3A_194 = arith.constant 1 : i32
            %add3A_195 = arith.addi %add3A_193, %add3A_194 : i32
            %dma_start3A_196 = arith.constant 0 : i32
            %dma_start3A_197 = tpu.memref_slice %arg4[%add3A_195, %dma_start3A_196] : memref<2560x128xi32, #tpu.memory_space<hbm>> -> memref<1x128xi32, #tpu.memory_space<hbm>>
            %dma_start3A_198 = arith.constant 0 : i32
            %dma_start3A_199 = tpu.memref_slice %arg4[%add3A_195, %dma_start3A_198] : memref<2560x128xi32, #tpu.memory_space<hbm>> -> memref<1x128xi32, #tpu.memory_space<hbm>>
            tpu.enqueue_dma source(%dma_start3A_199 : memref<1x128xi32, #tpu.memory_space<hbm>>) target(%arg8 : memref<1x128xi32, #tpu.memory_space<vmem>>) target_semaphore(%arg16 : memref<!tpu.dma_semaphore, #tpu.memory_space<semaphore_mem>>)
            %dma_start3A_200 = arith.constant 0 : i32
            %dma_start3A_201 = tpu.memref_slice %arg5[%add3A_195, %dma_start3A_200] : memref<2560x128xi32, #tpu.memory_space<hbm>> -> memref<1x128xi32, #tpu.memory_space<hbm>>
            %dma_start3A_202 = arith.constant 0 : i32
            %dma_start3A_203 = tpu.memref_slice %arg5[%add3A_195, %dma_start3A_202] : memref<2560x128xi32, #tpu.memory_space<hbm>> -> memref<1x128xi32, #tpu.memory_space<hbm>>
            tpu.enqueue_dma source(%dma_start3A_203 : memref<1x128xi32, #tpu.memory_space<hbm>>) target(%arg10 : memref<1x128xi32, #tpu.memory_space<vmem>>) target_semaphore(%arg16 : memref<!tpu.dma_semaphore, #tpu.memory_space<semaphore_mem>>)
          } else {
          }
        } else {
        }
      }
      %scan3A_27 = arith.constant 72 : i32
      %dma_wait3A = arith.constant 0 : i32
      %dma_wait3A_28 = arith.constant 0 : i32
      %dma_wait3A_29 = tpu.memref_slice %arg9[%dma_wait3A, %dma_wait3A_28] : memref<1x128xi32, #tpu.memory_space<vmem>> -> memref<1x128xi32, #tpu.memory_space<vmem>>
      %dma_wait3A_30 = tpu.memref_squeeze %dma_wait3A_29 : memref<1x128xi32, #tpu.memory_space<vmem>> -> memref<128xi32, #tpu.memory_space<vmem>>
      %dma_wait3A_31 = arith.constant 0 : i32
      %dma_wait3A_32 = arith.constant 0 : i32
      %dma_wait3A_33 = tpu.memref_slice %arg2[%dma_wait3A_31, %dma_wait3A_32] : memref<10000x128xf32, #tpu.memory_space<hbm>> -> memref<10000x128xf32, #tpu.memory_space<hbm>>
      tpu.wait_indirect_dma semaphore(%arg19 : memref<!tpu.dma_semaphore, #tpu.memory_space<semaphore_mem>>) src(%dma_wait3A_33 : memref<10000x128xf32, #tpu.memory_space<hbm>>) dst(%arg13 : memref<128x128xf32, #tpu.memory_space<vmem>>)
      %dma_wait3A_34 = arith.constant 0 : i32
      %dma_wait3A_35 = arith.constant 0 : i32
      %dma_wait3A_36 = tpu.memref_slice %arg11[%dma_wait3A_34, %dma_wait3A_35] : memref<1x128xi32, #tpu.memory_space<vmem>> -> memref<1x128xi32, #tpu.memory_space<vmem>>
      %dma_wait3A_37 = tpu.memref_squeeze %dma_wait3A_36 : memref<1x128xi32, #tpu.memory_space<vmem>> -> memref<128xi32, #tpu.memory_space<vmem>>
      %dma_wait3A_38 = arith.constant 0 : i32
      %dma_wait3A_39 = arith.constant 0 : i32
      %dma_wait3A_40 = tpu.memref_slice %arg3[%dma_wait3A_38, %dma_wait3A_39] : memref<10000x128xf32, #tpu.memory_space<hbm>> -> memref<10000x128xf32, #tpu.memory_space<hbm>>
      tpu.wait_indirect_dma semaphore(%arg21 : memref<!tpu.dma_semaphore, #tpu.memory_space<semaphore_mem>>) src(%dma_wait3A_40 : memref<10000x128xf32, #tpu.memory_space<hbm>>) dst(%arg15 : memref<128x128xf32, #tpu.memory_space<vmem>>)
      %add3A_41 = arith.constant 144 : i32
      %add3A_42 = arith.addi %mul3A_7, %add3A_41 : i32
      %sub3A = arith.constant 1 : i32
      %sub3A_43 = arith.subi %add3A_42, %sub3A : i32
      %mul3A_44 = arith.constant 128 : i32
      %mul3A_45 = arith.muli %sub3A_43, %mul3A_44 : i32
      %dma_start3A_46 = arith.constant 0 : i32
      %dma_start3A_47 = tpu.memref_slice %arg6[%mul3A_45, %dma_start3A_46] : memref<327680x128xf32, #tpu.memory_space<hbm>> -> memref<128x128xf32, #tpu.memory_space<hbm>>
      %dma_start3A_48 = arith.constant 0 : i32
      %dma_start3A_49 = tpu.memref_slice %arg6[%mul3A_45, %dma_start3A_48] : memref<327680x128xf32, #tpu.memory_space<hbm>> -> memref<128x128xf32, #tpu.memory_space<hbm>>
      tpu.enqueue_dma source(%arg13 : memref<128x128xf32, #tpu.memory_space<vmem>>) target(%dma_start3A_49 : memref<128x128xf32, #tpu.memory_space<hbm>>) target_semaphore(%arg23 : memref<!tpu.dma_semaphore, #tpu.memory_space<semaphore_mem>>)
      %mul3A_50 = arith.constant 128 : i32
      %mul3A_51 = arith.muli %sub3A_43, %mul3A_50 : i32
      %dma_start3A_52 = arith.constant 0 : i32
      %dma_start3A_53 = tpu.memref_slice %arg7[%mul3A_51, %dma_start3A_52] : memref<327680x128xf32, #tpu.memory_space<hbm>> -> memref<128x128xf32, #tpu.memory_space<hbm>>
      %dma_start3A_54 = arith.constant 0 : i32
      %dma_start3A_55 = tpu.memref_slice %arg7[%mul3A_51, %dma_start3A_54] : memref<327680x128xf32, #tpu.memory_space<hbm>> -> memref<128x128xf32, #tpu.memory_space<hbm>>
      tpu.enqueue_dma source(%arg15 : memref<128x128xf32, #tpu.memory_space<vmem>>) target(%dma_start3A_55 : memref<128x128xf32, #tpu.memory_space<hbm>>) target_semaphore(%arg25 : memref<!tpu.dma_semaphore, #tpu.memory_space<semaphore_mem>>)
      %add3A_56 = arith.constant 144 : i32
      %add3A_57 = arith.addi %mul3A_7, %add3A_56 : i32
      %sub3A_58 = arith.constant 2 : i32
      %sub3A_59 = arith.subi %add3A_57, %sub3A_58 : i32
      %mul3A_60 = arith.constant 128 : i32
      %mul3A_61 = arith.muli %sub3A_59, %mul3A_60 : i32
      %dma_wait3A_62 = arith.constant 0 : i32
      %dma_wait3A_63 = tpu.memref_slice %arg6[%mul3A_61, %dma_wait3A_62] : memref<327680x128xf32, #tpu.memory_space<hbm>> -> memref<128x128xf32, #tpu.memory_space<hbm>>
      %dma_wait3A_64 = arith.constant 0 : i32
      %dma_wait3A_65 = tpu.memref_slice %arg6[%mul3A_61, %dma_wait3A_64] : memref<327680x128xf32, #tpu.memory_space<hbm>> -> memref<128x128xf32, #tpu.memory_space<hbm>>
      tpu.wait_dma2 semaphore(%arg22 : memref<!tpu.dma_semaphore, #tpu.memory_space<semaphore_mem>>) src(%arg12 : memref<128x128xf32, #tpu.memory_space<vmem>>) dst(%dma_wait3A_65 : memref<128x128xf32, #tpu.memory_space<hbm>>)
      %mul3A_66 = arith.constant 128 : i32
      %mul3A_67 = arith.muli %sub3A_59, %mul3A_66 : i32
      %dma_wait3A_68 = arith.constant 0 : i32
      %dma_wait3A_69 = tpu.memref_slice %arg7[%mul3A_67, %dma_wait3A_68] : memref<327680x128xf32, #tpu.memory_space<hbm>> -> memref<128x128xf32, #tpu.memory_space<hbm>>
      %dma_wait3A_70 = arith.constant 0 : i32
      %dma_wait3A_71 = tpu.memref_slice %arg7[%mul3A_67, %dma_wait3A_70] : memref<327680x128xf32, #tpu.memory_space<hbm>> -> memref<128x128xf32, #tpu.memory_space<hbm>>
      tpu.wait_dma2 semaphore(%arg24 : memref<!tpu.dma_semaphore, #tpu.memory_space<semaphore_mem>>) src(%arg14 : memref<128x128xf32, #tpu.memory_space<vmem>>) dst(%dma_wait3A_71 : memref<128x128xf32, #tpu.memory_space<hbm>>)
      %add3A_72 = arith.constant 144 : i32
      %add3A_73 = arith.addi %mul3A_7, %add3A_72 : i32
      %sub3A_74 = arith.constant 1 : i32
      %sub3A_75 = arith.subi %add3A_73, %sub3A_74 : i32
      %mul3A_76 = arith.constant 128 : i32
      %mul3A_77 = arith.muli %sub3A_75, %mul3A_76 : i32
      %dma_wait3A_78 = arith.constant 0 : i32
      %dma_wait3A_79 = tpu.memref_slice %arg6[%mul3A_77, %dma_wait3A_78] : memref<327680x128xf32, #tpu.memory_space<hbm>> -> memref<128x128xf32, #tpu.memory_space<hbm>>
      %dma_wait3A_80 = arith.constant 0 : i32
      %dma_wait3A_81 = tpu.memref_slice %arg6[%mul3A_77, %dma_wait3A_80] : memref<327680x128xf32, #tpu.memory_space<hbm>> -> memref<128x128xf32, #tpu.memory_space<hbm>>
      tpu.wait_dma2 semaphore(%arg23 : memref<!tpu.dma_semaphore, #tpu.memory_space<semaphore_mem>>) src(%arg13 : memref<128x128xf32, #tpu.memory_space<vmem>>) dst(%dma_wait3A_81 : memref<128x128xf32, #tpu.memory_space<hbm>>)
      %mul3A_82 = arith.constant 128 : i32
      %mul3A_83 = arith.muli %sub3A_75, %mul3A_82 : i32
      %dma_wait3A_84 = arith.constant 0 : i32
      %dma_wait3A_85 = tpu.memref_slice %arg7[%mul3A_83, %dma_wait3A_84] : memref<327680x128xf32, #tpu.memory_space<hbm>> -> memref<128x128xf32, #tpu.memory_space<hbm>>
      %dma_wait3A_86 = arith.constant 0 : i32
      %dma_wait3A_87 = tpu.memref_slice %arg7[%mul3A_83, %dma_wait3A_86] : memref<327680x128xf32, #tpu.memory_space<hbm>> -> memref<128x128xf32, #tpu.memory_space<hbm>>
      tpu.wait_dma2 semaphore(%arg25 : memref<!tpu.dma_semaphore, #tpu.memory_space<semaphore_mem>>) src(%arg15 : memref<128x128xf32, #tpu.memory_space<vmem>>) dst(%dma_wait3A_87 : memref<128x128xf32, #tpu.memory_space<hbm>>)
    } else {
    }
    %eq3A_2 = arith.constant 1 : i32
    %eq3A_3 = arith.cmpi eq, %arg0, %eq3A_2 : i32
    %convert_element_type3A_4 = arith.extui %eq3A_3 : i1 to i32
    %cond3A_5 = arith.constant 0 : i32
    %cond3A_6 = arith.cmpi ne, %convert_element_type3A_4, %cond3A_5 : i32
    scf.if %cond3A_6 {
      %mul3A = arith.constant 16 : i32
      %mul3A_7 = arith.muli %arg1, %mul3A : i32
      %add3A = arith.constant 2304 : i32
      %add3A_8 = arith.addi %add3A, %mul3A_7 : i32
      %dma_start3A = arith.constant 0 : i32
      %dma_start3A_9 = tpu.memref_slice %arg4[%add3A_8, %dma_start3A] : memref<2560x128xi32, #tpu.memory_space<hbm>> -> memref<1x128xi32, #tpu.memory_space<hbm>>
      %dma_start3A_10 = arith.constant 0 : i32
      %dma_start3A_11 = tpu.memref_slice %arg4[%add3A_8, %dma_start3A_10] : memref<2560x128xi32, #tpu.memory_space<hbm>> -> memref<1x128xi32, #tpu.memory_space<hbm>>
      tpu.enqueue_dma source(%dma_start3A_11 : memref<1x128xi32, #tpu.memory_space<hbm>>) target(%arg8 : memref<1x128xi32, #tpu.memory_space<vmem>>) target_semaphore(%arg16 : memref<!tpu.dma_semaphore, #tpu.memory_space<semaphore_mem>>)
      %dma_start3A_12 = arith.constant 0 : i32
      %dma_start3A_13 = tpu.memref_slice %arg5[%add3A_8, %dma_start3A_12] : memref<2560x128xi32, #tpu.memory_space<hbm>> -> memref<1x128xi32, #tpu.memory_space<hbm>>
      %dma_start3A_14 = arith.constant 0 : i32
      %dma_start3A_15 = tpu.memref_slice %arg5[%add3A_8, %dma_start3A_14] : memref<2560x128xi32, #tpu.memory_space<hbm>> -> memref<1x128xi32, #tpu.memory_space<hbm>>
      tpu.enqueue_dma source(%dma_start3A_15 : memref<1x128xi32, #tpu.memory_space<hbm>>) target(%arg10 : memref<1x128xi32, #tpu.memory_space<vmem>>) target_semaphore(%arg16 : memref<!tpu.dma_semaphore, #tpu.memory_space<semaphore_mem>>)
      %add3A_16 = arith.constant 1 : i32
      %add3A_17 = arith.addi %add3A_8, %add3A_16 : i32
      %dma_start3A_18 = arith.constant 0 : i32
      %dma_start3A_19 = tpu.memref_slice %arg4[%add3A_17, %dma_start3A_18] : memref<2560x128xi32, #tpu.memory_space<hbm>> -> memref<1x128xi32, #tpu.memory_space<hbm>>
      %dma_start3A_20 = arith.constant 0 : i32
      %dma_start3A_21 = tpu.memref_slice %arg4[%add3A_17, %dma_start3A_20] : memref<2560x128xi32, #tpu.memory_space<hbm>> -> memref<1x128xi32, #tpu.memory_space<hbm>>
      tpu.enqueue_dma source(%dma_start3A_21 : memref<1x128xi32, #tpu.memory_space<hbm>>) target(%arg9 : memref<1x128xi32, #tpu.memory_space<vmem>>) target_semaphore(%arg17 : memref<!tpu.dma_semaphore, #tpu.memory_space<semaphore_mem>>)
      %dma_start3A_22 = arith.constant 0 : i32
      %dma_start3A_23 = tpu.memref_slice %arg5[%add3A_17, %dma_start3A_22] : memref<2560x128xi32, #tpu.memory_space<hbm>> -> memref<1x128xi32, #tpu.memory_space<hbm>>
      %dma_start3A_24 = arith.constant 0 : i32
      %dma_start3A_25 = tpu.memref_slice %arg5[%add3A_17, %dma_start3A_24] : memref<2560x128xi32, #tpu.memory_space<hbm>> -> memref<1x128xi32, #tpu.memory_space<hbm>>
      tpu.enqueue_dma source(%dma_start3A_25 : memref<1x128xi32, #tpu.memory_space<hbm>>) target(%arg11 : memref<1x128xi32, #tpu.memory_space<vmem>>) target_semaphore(%arg17 : memref<!tpu.dma_semaphore, #tpu.memory_space<semaphore_mem>>)
      %scan3A = arith.constant 0 : i32
      %scan3A_26 = arith.constant 8 : i32
      %scan3A_27 = arith.addi %scan3A, %scan3A_26 : i32
      %scan3A_28 = arith.constant 1 : i32
      scf.for %scan3A_90 = %scan3A to %scan3A_27 step %scan3A_28  : i32 {
        %mul3A_91 = arith.constant 2 : i32
        %mul3A_92 = arith.muli %scan3A_90, %mul3A_91 : i32
        %add3A_93 = arith.constant 0 : i32
        %add3A_94 = arith.addi %add3A_93, %mul3A_92 : i32
        %add3A_95 = arith.addi %add3A_8, %add3A_94 : i32
        %dma_wait3A_96 = arith.constant 0 : i32
        %dma_wait3A_97 = tpu.memref_slice %arg4[%add3A_95, %dma_wait3A_96] : memref<2560x128xi32, #tpu.memory_space<hbm>> -> memref<1x128xi32, #tpu.memory_space<hbm>>
        %dma_wait3A_98 = arith.constant 0 : i32
        %dma_wait3A_99 = tpu.memref_slice %arg4[%add3A_95, %dma_wait3A_98] : memref<2560x128xi32, #tpu.memory_space<hbm>> -> memref<1x128xi32, #tpu.memory_space<hbm>>
        tpu.wait_dma2 semaphore(%arg16 : memref<!tpu.dma_semaphore, #tpu.memory_space<semaphore_mem>>) src(%dma_wait3A_99 : memref<1x128xi32, #tpu.memory_space<hbm>>) dst(%arg8 : memref<1x128xi32, #tpu.memory_space<vmem>>)
        %dma_wait3A_100 = arith.constant 0 : i32
        %dma_wait3A_101 = tpu.memref_slice %arg5[%add3A_95, %dma_wait3A_100] : memref<2560x128xi32, #tpu.memory_space<hbm>> -> memref<1x128xi32, #tpu.memory_space<hbm>>
        %dma_wait3A_102 = arith.constant 0 : i32
        %dma_wait3A_103 = tpu.memref_slice %arg5[%add3A_95, %dma_wait3A_102] : memref<2560x128xi32, #tpu.memory_space<hbm>> -> memref<1x128xi32, #tpu.memory_space<hbm>>
        tpu.wait_dma2 semaphore(%arg16 : memref<!tpu.dma_semaphore, #tpu.memory_space<semaphore_mem>>) src(%dma_wait3A_103 : memref<1x128xi32, #tpu.memory_space<hbm>>) dst(%arg10 : memref<1x128xi32, #tpu.memory_space<vmem>>)
        %gt3A = arith.constant 1 : i32
        %gt3A_104 = arith.cmpi sgt, %add3A_94, %gt3A : i32
        %convert_element_type3A_105 = arith.extui %gt3A_104 : i1 to i32
        %cond3A_106 = arith.constant 0 : i32
        %cond3A_107 = arith.cmpi ne, %convert_element_type3A_105, %cond3A_106 : i32
        scf.if %cond3A_107 {
          %add3A_162 = arith.addi %add3A_8, %add3A_94 : i32
          %sub3A_163 = arith.constant 2 : i32
          %sub3A_164 = arith.subi %add3A_162, %sub3A_163 : i32
          %mul3A_165 = arith.constant 128 : i32
          %mul3A_166 = arith.muli %sub3A_164, %mul3A_165 : i32
          %dma_wait3A_167 = arith.constant 0 : i32
          %dma_wait3A_168 = tpu.memref_slice %arg6[%mul3A_166, %dma_wait3A_167] : memref<327680x128xf32, #tpu.memory_space<hbm>> -> memref<128x128xf32, #tpu.memory_space<hbm>>
          %dma_wait3A_169 = arith.constant 0 : i32
          %dma_wait3A_170 = tpu.memref_slice %arg6[%mul3A_166, %dma_wait3A_169] : memref<327680x128xf32, #tpu.memory_space<hbm>> -> memref<128x128xf32, #tpu.memory_space<hbm>>
          tpu.wait_dma2 semaphore(%arg22 : memref<!tpu.dma_semaphore, #tpu.memory_space<semaphore_mem>>) src(%arg12 : memref<128x128xf32, #tpu.memory_space<vmem>>) dst(%dma_wait3A_170 : memref<128x128xf32, #tpu.memory_space<hbm>>)
          %mul3A_171 = arith.constant 128 : i32
          %mul3A_172 = arith.muli %sub3A_164, %mul3A_171 : i32
          %dma_wait3A_173 = arith.constant 0 : i32
          %dma_wait3A_174 = tpu.memref_slice %arg7[%mul3A_172, %dma_wait3A_173] : memref<327680x128xf32, #tpu.memory_space<hbm>> -> memref<128x128xf32, #tpu.memory_space<hbm>>
          %dma_wait3A_175 = arith.constant 0 : i32
          %dma_wait3A_176 = tpu.memref_slice %arg7[%mul3A_172, %dma_wait3A_175] : memref<327680x128xf32, #tpu.memory_space<hbm>> -> memref<128x128xf32, #tpu.memory_space<hbm>>
          tpu.wait_dma2 semaphore(%arg24 : memref<!tpu.dma_semaphore, #tpu.memory_space<semaphore_mem>>) src(%arg14 : memref<128x128xf32, #tpu.memory_space<vmem>>) dst(%dma_wait3A_176 : memref<128x128xf32, #tpu.memory_space<hbm>>)
        } else {
        }
        %dma_start3A_108 = arith.constant 0 : i32
        %dma_start3A_109 = arith.constant 0 : i32
        %dma_start3A_110 = tpu.memref_slice %arg8[%dma_start3A_108, %dma_start3A_109] : memref<1x128xi32, #tpu.memory_space<vmem>> -> memref<1x128xi32, #tpu.memory_space<vmem>>
        %dma_start3A_111 = tpu.memref_squeeze %dma_start3A_110 : memref<1x128xi32, #tpu.memory_space<vmem>> -> memref<128xi32, #tpu.memory_space<vmem>>
        %dma_start3A_112 = arith.constant 0 : i32
        %dma_start3A_113 = arith.constant 0 : i32
        %dma_start3A_114 = tpu.memref_slice %arg2[%dma_start3A_112, %dma_start3A_113] : memref<10000x128xf32, #tpu.memory_space<hbm>> -> memref<10000x128xf32, #tpu.memory_space<hbm>>
        tpu.enqueue_indirect_dma source(%dma_start3A_114 : memref<10000x128xf32, #tpu.memory_space<hbm>>) target(%arg12 : memref<128x128xf32, #tpu.memory_space<vmem>>) offsets(%dma_start3A_111 : memref<128xi32, #tpu.memory_space<vmem>>) semaphore(%arg18 : memref<!tpu.dma_semaphore, #tpu.memory_space<semaphore_mem>>)
        %dma_start3A_115 = arith.constant 0 : i32
        %dma_start3A_116 = arith.constant 0 : i32
        %dma_start3A_117 = tpu.memref_slice %arg10[%dma_start3A_115, %dma_start3A_116] : memref<1x128xi32, #tpu.memory_space<vmem>> -> memref<1x128xi32, #tpu.memory_space<vmem>>
        %dma_start3A_118 = tpu.memref_squeeze %dma_start3A_117 : memref<1x128xi32, #tpu.memory_space<vmem>> -> memref<128xi32, #tpu.memory_space<vmem>>
        %dma_start3A_119 = arith.constant 0 : i32
        %dma_start3A_120 = arith.constant 0 : i32
        %dma_start3A_121 = tpu.memref_slice %arg3[%dma_start3A_119, %dma_start3A_120] : memref<10000x128xf32, #tpu.memory_space<hbm>> -> memref<10000x128xf32, #tpu.memory_space<hbm>>
        tpu.enqueue_indirect_dma source(%dma_start3A_121 : memref<10000x128xf32, #tpu.memory_space<hbm>>) target(%arg14 : memref<128x128xf32, #tpu.memory_space<vmem>>) offsets(%dma_start3A_118 : memref<128xi32, #tpu.memory_space<vmem>>) semaphore(%arg20 : memref<!tpu.dma_semaphore, #tpu.memory_space<semaphore_mem>>)
        %gt3A_122 = arith.constant 0 : i32
        %gt3A_123 = arith.cmpi sgt, %add3A_94, %gt3A_122 : i32
        %convert_element_type3A_124 = arith.extui %gt3A_123 : i1 to i32
        %cond3A_125 = arith.constant 0 : i32
        %cond3A_126 = arith.cmpi ne, %convert_element_type3A_124, %cond3A_125 : i32
        scf.if %cond3A_126 {
          %dma_wait3A_162 = arith.constant 0 : i32
          %dma_wait3A_163 = arith.constant 0 : i32
          %dma_wait3A_164 = tpu.memref_slice %arg9[%dma_wait3A_162, %dma_wait3A_163] : memref<1x128xi32, #tpu.memory_space<vmem>> -> memref<1x128xi32, #tpu.memory_space<vmem>>
          %dma_wait3A_165 = tpu.memref_squeeze %dma_wait3A_164 : memref<1x128xi32, #tpu.memory_space<vmem>> -> memref<128xi32, #tpu.memory_space<vmem>>
          %dma_wait3A_166 = arith.constant 0 : i32
          %dma_wait3A_167 = arith.constant 0 : i32
          %dma_wait3A_168 = tpu.memref_slice %arg2[%dma_wait3A_166, %dma_wait3A_167] : memref<10000x128xf32, #tpu.memory_space<hbm>> -> memref<10000x128xf32, #tpu.memory_space<hbm>>
          tpu.wait_indirect_dma semaphore(%arg19 : memref<!tpu.dma_semaphore, #tpu.memory_space<semaphore_mem>>) src(%dma_wait3A_168 : memref<10000x128xf32, #tpu.memory_space<hbm>>) dst(%arg13 : memref<128x128xf32, #tpu.memory_space<vmem>>)
          %dma_wait3A_169 = arith.constant 0 : i32
          %dma_wait3A_170 = arith.constant 0 : i32
          %dma_wait3A_171 = tpu.memref_slice %arg11[%dma_wait3A_169, %dma_wait3A_170] : memref<1x128xi32, #tpu.memory_space<vmem>> -> memref<1x128xi32, #tpu.memory_space<vmem>>
          %dma_wait3A_172 = tpu.memref_squeeze %dma_wait3A_171 : memref<1x128xi32, #tpu.memory_space<vmem>> -> memref<128xi32, #tpu.memory_space<vmem>>
          %dma_wait3A_173 = arith.constant 0 : i32
          %dma_wait3A_174 = arith.constant 0 : i32
          %dma_wait3A_175 = tpu.memref_slice %arg3[%dma_wait3A_173, %dma_wait3A_174] : memref<10000x128xf32, #tpu.memory_space<hbm>> -> memref<10000x128xf32, #tpu.memory_space<hbm>>
          tpu.wait_indirect_dma semaphore(%arg21 : memref<!tpu.dma_semaphore, #tpu.memory_space<semaphore_mem>>) src(%dma_wait3A_175 : memref<10000x128xf32, #tpu.memory_space<hbm>>) dst(%arg15 : memref<128x128xf32, #tpu.memory_space<vmem>>)
          %add3A_176 = arith.addi %add3A_8, %add3A_94 : i32
          %sub3A_177 = arith.constant 1 : i32
          %sub3A_178 = arith.subi %add3A_176, %sub3A_177 : i32
          %mul3A_179 = arith.constant 128 : i32
          %mul3A_180 = arith.muli %sub3A_178, %mul3A_179 : i32
          %dma_start3A_181 = arith.constant 0 : i32
          %dma_start3A_182 = tpu.memref_slice %arg6[%mul3A_180, %dma_start3A_181] : memref<327680x128xf32, #tpu.memory_space<hbm>> -> memref<128x128xf32, #tpu.memory_space<hbm>>
          %dma_start3A_183 = arith.constant 0 : i32
          %dma_start3A_184 = tpu.memref_slice %arg6[%mul3A_180, %dma_start3A_183] : memref<327680x128xf32, #tpu.memory_space<hbm>> -> memref<128x128xf32, #tpu.memory_space<hbm>>
          tpu.enqueue_dma source(%arg13 : memref<128x128xf32, #tpu.memory_space<vmem>>) target(%dma_start3A_184 : memref<128x128xf32, #tpu.memory_space<hbm>>) target_semaphore(%arg23 : memref<!tpu.dma_semaphore, #tpu.memory_space<semaphore_mem>>)
          %mul3A_185 = arith.constant 128 : i32
          %mul3A_186 = arith.muli %sub3A_178, %mul3A_185 : i32
          %dma_start3A_187 = arith.constant 0 : i32
          %dma_start3A_188 = tpu.memref_slice %arg7[%mul3A_186, %dma_start3A_187] : memref<327680x128xf32, #tpu.memory_space<hbm>> -> memref<128x128xf32, #tpu.memory_space<hbm>>
          %dma_start3A_189 = arith.constant 0 : i32
          %dma_start3A_190 = tpu.memref_slice %arg7[%mul3A_186, %dma_start3A_189] : memref<327680x128xf32, #tpu.memory_space<hbm>> -> memref<128x128xf32, #tpu.memory_space<hbm>>
          tpu.enqueue_dma source(%arg15 : memref<128x128xf32, #tpu.memory_space<vmem>>) target(%dma_start3A_190 : memref<128x128xf32, #tpu.memory_space<hbm>>) target_semaphore(%arg25 : memref<!tpu.dma_semaphore, #tpu.memory_space<semaphore_mem>>)
          %lt3A = arith.constant 15 : i32
          %lt3A_191 = arith.cmpi slt, %add3A_94, %lt3A : i32
          %convert_element_type3A_192 = arith.extui %lt3A_191 : i1 to i32
          %cond3A_193 = arith.constant 0 : i32
          %cond3A_194 = arith.cmpi ne, %convert_element_type3A_192, %cond3A_193 : i32
          scf.if %cond3A_194 {
            %add3A_195 = arith.addi %add3A_8, %add3A_94 : i32
            %add3A_196 = arith.constant 1 : i32
            %add3A_197 = arith.addi %add3A_195, %add3A_196 : i32
            %dma_start3A_198 = arith.constant 0 : i32
            %dma_start3A_199 = tpu.memref_slice %arg4[%add3A_197, %dma_start3A_198] : memref<2560x128xi32, #tpu.memory_space<hbm>> -> memref<1x128xi32, #tpu.memory_space<hbm>>
            %dma_start3A_200 = arith.constant 0 : i32
            %dma_start3A_201 = tpu.memref_slice %arg4[%add3A_197, %dma_start3A_200] : memref<2560x128xi32, #tpu.memory_space<hbm>> -> memref<1x128xi32, #tpu.memory_space<hbm>>
            tpu.enqueue_dma source(%dma_start3A_201 : memref<1x128xi32, #tpu.memory_space<hbm>>) target(%arg9 : memref<1x128xi32, #tpu.memory_space<vmem>>) target_semaphore(%arg17 : memref<!tpu.dma_semaphore, #tpu.memory_space<semaphore_mem>>)
            %dma_start3A_202 = arith.constant 0 : i32
            %dma_start3A_203 = tpu.memref_slice %arg5[%add3A_197, %dma_start3A_202] : memref<2560x128xi32, #tpu.memory_space<hbm>> -> memref<1x128xi32, #tpu.memory_space<hbm>>
            %dma_start3A_204 = arith.constant 0 : i32
            %dma_start3A_205 = tpu.memref_slice %arg5[%add3A_197, %dma_start3A_204] : memref<2560x128xi32, #tpu.memory_space<hbm>> -> memref<1x128xi32, #tpu.memory_space<hbm>>
            tpu.enqueue_dma source(%dma_start3A_205 : memref<1x128xi32, #tpu.memory_space<hbm>>) target(%arg11 : memref<1x128xi32, #tpu.memory_space<vmem>>) target_semaphore(%arg17 : memref<!tpu.dma_semaphore, #tpu.memory_space<semaphore_mem>>)
          } else {
          }
        } else {
        }
        %add3A_127 = arith.constant 1 : i32
        %add3A_128 = arith.addi %add3A_94, %add3A_127 : i32
        %add3A_129 = arith.addi %add3A_8, %add3A_128 : i32
        %dma_wait3A_130 = arith.constant 0 : i32
        %dma_wait3A_131 = tpu.memref_slice %arg4[%add3A_129, %dma_wait3A_130] : memref<2560x128xi32, #tpu.memory_space<hbm>> -> memref<1x128xi32, #tpu.memory_space<hbm>>
        %dma_wait3A_132 = arith.constant 0 : i32
        %dma_wait3A_133 = tpu.memref_slice %arg4[%add3A_129, %dma_wait3A_132] : memref<2560x128xi32, #tpu.memory_space<hbm>> -> memref<1x128xi32, #tpu.memory_space<hbm>>
        tpu.wait_dma2 semaphore(%arg17 : memref<!tpu.dma_semaphore, #tpu.memory_space<semaphore_mem>>) src(%dma_wait3A_133 : memref<1x128xi32, #tpu.memory_space<hbm>>) dst(%arg9 : memref<1x128xi32, #tpu.memory_space<vmem>>)
        %dma_wait3A_134 = arith.constant 0 : i32
        %dma_wait3A_135 = tpu.memref_slice %arg5[%add3A_129, %dma_wait3A_134] : memref<2560x128xi32, #tpu.memory_space<hbm>> -> memref<1x128xi32, #tpu.memory_space<hbm>>
        %dma_wait3A_136 = arith.constant 0 : i32
        %dma_wait3A_137 = tpu.memref_slice %arg5[%add3A_129, %dma_wait3A_136] : memref<2560x128xi32, #tpu.memory_space<hbm>> -> memref<1x128xi32, #tpu.memory_space<hbm>>
        tpu.wait_dma2 semaphore(%arg17 : memref<!tpu.dma_semaphore, #tpu.memory_space<semaphore_mem>>) src(%dma_wait3A_137 : memref<1x128xi32, #tpu.memory_space<hbm>>) dst(%arg11 : memref<1x128xi32, #tpu.memory_space<vmem>>)
        %gt3A_138 = arith.constant 1 : i32
        %gt3A_139 = arith.cmpi sgt, %add3A_128, %gt3A_138 : i32
        %convert_element_type3A_140 = arith.extui %gt3A_139 : i1 to i32
        %cond3A_141 = arith.constant 0 : i32
        %cond3A_142 = arith.cmpi ne, %convert_element_type3A_140, %cond3A_141 : i32
        scf.if %cond3A_142 {
          %add3A_162 = arith.addi %add3A_8, %add3A_128 : i32
          %sub3A_163 = arith.constant 2 : i32
          %sub3A_164 = arith.subi %add3A_162, %sub3A_163 : i32
          %mul3A_165 = arith.constant 128 : i32
          %mul3A_166 = arith.muli %sub3A_164, %mul3A_165 : i32
          %dma_wait3A_167 = arith.constant 0 : i32
          %dma_wait3A_168 = tpu.memref_slice %arg6[%mul3A_166, %dma_wait3A_167] : memref<327680x128xf32, #tpu.memory_space<hbm>> -> memref<128x128xf32, #tpu.memory_space<hbm>>
          %dma_wait3A_169 = arith.constant 0 : i32
          %dma_wait3A_170 = tpu.memref_slice %arg6[%mul3A_166, %dma_wait3A_169] : memref<327680x128xf32, #tpu.memory_space<hbm>> -> memref<128x128xf32, #tpu.memory_space<hbm>>
          tpu.wait_dma2 semaphore(%arg23 : memref<!tpu.dma_semaphore, #tpu.memory_space<semaphore_mem>>) src(%arg13 : memref<128x128xf32, #tpu.memory_space<vmem>>) dst(%dma_wait3A_170 : memref<128x128xf32, #tpu.memory_space<hbm>>)
          %mul3A_171 = arith.constant 128 : i32
          %mul3A_172 = arith.muli %sub3A_164, %mul3A_171 : i32
          %dma_wait3A_173 = arith.constant 0 : i32
          %dma_wait3A_174 = tpu.memref_slice %arg7[%mul3A_172, %dma_wait3A_173] : memref<327680x128xf32, #tpu.memory_space<hbm>> -> memref<128x128xf32, #tpu.memory_space<hbm>>
          %dma_wait3A_175 = arith.constant 0 : i32
          %dma_wait3A_176 = tpu.memref_slice %arg7[%mul3A_172, %dma_wait3A_175] : memref<327680x128xf32, #tpu.memory_space<hbm>> -> memref<128x128xf32, #tpu.memory_space<hbm>>
          tpu.wait_dma2 semaphore(%arg25 : memref<!tpu.dma_semaphore, #tpu.memory_space<semaphore_mem>>) src(%arg15 : memref<128x128xf32, #tpu.memory_space<vmem>>) dst(%dma_wait3A_176 : memref<128x128xf32, #tpu.memory_space<hbm>>)
        } else {
        }
        %dma_start3A_143 = arith.constant 0 : i32
        %dma_start3A_144 = arith.constant 0 : i32
        %dma_start3A_145 = tpu.memref_slice %arg9[%dma_start3A_143, %dma_start3A_144] : memref<1x128xi32, #tpu.memory_space<vmem>> -> memref<1x128xi32, #tpu.memory_space<vmem>>
        %dma_start3A_146 = tpu.memref_squeeze %dma_start3A_145 : memref<1x128xi32, #tpu.memory_space<vmem>> -> memref<128xi32, #tpu.memory_space<vmem>>
        %dma_start3A_147 = arith.constant 0 : i32
        %dma_start3A_148 = arith.constant 0 : i32
        %dma_start3A_149 = tpu.memref_slice %arg2[%dma_start3A_147, %dma_start3A_148] : memref<10000x128xf32, #tpu.memory_space<hbm>> -> memref<10000x128xf32, #tpu.memory_space<hbm>>
        tpu.enqueue_indirect_dma source(%dma_start3A_149 : memref<10000x128xf32, #tpu.memory_space<hbm>>) target(%arg13 : memref<128x128xf32, #tpu.memory_space<vmem>>) offsets(%dma_start3A_146 : memref<128xi32, #tpu.memory_space<vmem>>) semaphore(%arg19 : memref<!tpu.dma_semaphore, #tpu.memory_space<semaphore_mem>>)
        %dma_start3A_150 = arith.constant 0 : i32
        %dma_start3A_151 = arith.constant 0 : i32
        %dma_start3A_152 = tpu.memref_slice %arg11[%dma_start3A_150, %dma_start3A_151] : memref<1x128xi32, #tpu.memory_space<vmem>> -> memref<1x128xi32, #tpu.memory_space<vmem>>
        %dma_start3A_153 = tpu.memref_squeeze %dma_start3A_152 : memref<1x128xi32, #tpu.memory_space<vmem>> -> memref<128xi32, #tpu.memory_space<vmem>>
        %dma_start3A_154 = arith.constant 0 : i32
        %dma_start3A_155 = arith.constant 0 : i32
        %dma_start3A_156 = tpu.memref_slice %arg3[%dma_start3A_154, %dma_start3A_155] : memref<10000x128xf32, #tpu.memory_space<hbm>> -> memref<10000x128xf32, #tpu.memory_space<hbm>>
        tpu.enqueue_indirect_dma source(%dma_start3A_156 : memref<10000x128xf32, #tpu.memory_space<hbm>>) target(%arg15 : memref<128x128xf32, #tpu.memory_space<vmem>>) offsets(%dma_start3A_153 : memref<128xi32, #tpu.memory_space<vmem>>) semaphore(%arg21 : memref<!tpu.dma_semaphore, #tpu.memory_space<semaphore_mem>>)
        %gt3A_157 = arith.constant 0 : i32
        %gt3A_158 = arith.cmpi sgt, %add3A_128, %gt3A_157 : i32
        %convert_element_type3A_159 = arith.extui %gt3A_158 : i1 to i32
        %cond3A_160 = arith.constant 0 : i32
        %cond3A_161 = arith.cmpi ne, %convert_element_type3A_159, %cond3A_160 : i32
        scf.if %cond3A_161 {
          %dma_wait3A_162 = arith.constant 0 : i32
          %dma_wait3A_163 = arith.constant 0 : i32
          %dma_wait3A_164 = tpu.memref_slice %arg8[%dma_wait3A_162, %dma_wait3A_163] : memref<1x128xi32, #tpu.memory_space<vmem>> -> memref<1x128xi32, #tpu.memory_space<vmem>>
          %dma_wait3A_165 = tpu.memref_squeeze %dma_wait3A_164 : memref<1x128xi32, #tpu.memory_space<vmem>> -> memref<128xi32, #tpu.memory_space<vmem>>
          %dma_wait3A_166 = arith.constant 0 : i32
          %dma_wait3A_167 = arith.constant 0 : i32
          %dma_wait3A_168 = tpu.memref_slice %arg2[%dma_wait3A_166, %dma_wait3A_167] : memref<10000x128xf32, #tpu.memory_space<hbm>> -> memref<10000x128xf32, #tpu.memory_space<hbm>>
          tpu.wait_indirect_dma semaphore(%arg18 : memref<!tpu.dma_semaphore, #tpu.memory_space<semaphore_mem>>) src(%dma_wait3A_168 : memref<10000x128xf32, #tpu.memory_space<hbm>>) dst(%arg12 : memref<128x128xf32, #tpu.memory_space<vmem>>)
          %dma_wait3A_169 = arith.constant 0 : i32
          %dma_wait3A_170 = arith.constant 0 : i32
          %dma_wait3A_171 = tpu.memref_slice %arg10[%dma_wait3A_169, %dma_wait3A_170] : memref<1x128xi32, #tpu.memory_space<vmem>> -> memref<1x128xi32, #tpu.memory_space<vmem>>
          %dma_wait3A_172 = tpu.memref_squeeze %dma_wait3A_171 : memref<1x128xi32, #tpu.memory_space<vmem>> -> memref<128xi32, #tpu.memory_space<vmem>>
          %dma_wait3A_173 = arith.constant 0 : i32
          %dma_wait3A_174 = arith.constant 0 : i32
          %dma_wait3A_175 = tpu.memref_slice %arg3[%dma_wait3A_173, %dma_wait3A_174] : memref<10000x128xf32, #tpu.memory_space<hbm>> -> memref<10000x128xf32, #tpu.memory_space<hbm>>
          tpu.wait_indirect_dma semaphore(%arg20 : memref<!tpu.dma_semaphore, #tpu.memory_space<semaphore_mem>>) src(%dma_wait3A_175 : memref<10000x128xf32, #tpu.memory_space<hbm>>) dst(%arg14 : memref<128x128xf32, #tpu.memory_space<vmem>>)
          %add3A_176 = arith.addi %add3A_8, %add3A_128 : i32
          %sub3A_177 = arith.constant 1 : i32
          %sub3A_178 = arith.subi %add3A_176, %sub3A_177 : i32
          %mul3A_179 = arith.constant 128 : i32
          %mul3A_180 = arith.muli %sub3A_178, %mul3A_179 : i32
          %dma_start3A_181 = arith.constant 0 : i32
          %dma_start3A_182 = tpu.memref_slice %arg6[%mul3A_180, %dma_start3A_181] : memref<327680x128xf32, #tpu.memory_space<hbm>> -> memref<128x128xf32, #tpu.memory_space<hbm>>
          %dma_start3A_183 = arith.constant 0 : i32
          %dma_start3A_184 = tpu.memref_slice %arg6[%mul3A_180, %dma_start3A_183] : memref<327680x128xf32, #tpu.memory_space<hbm>> -> memref<128x128xf32, #tpu.memory_space<hbm>>
          tpu.enqueue_dma source(%arg12 : memref<128x128xf32, #tpu.memory_space<vmem>>) target(%dma_start3A_184 : memref<128x128xf32, #tpu.memory_space<hbm>>) target_semaphore(%arg22 : memref<!tpu.dma_semaphore, #tpu.memory_space<semaphore_mem>>)
          %mul3A_185 = arith.constant 128 : i32
          %mul3A_186 = arith.muli %sub3A_178, %mul3A_185 : i32
          %dma_start3A_187 = arith.constant 0 : i32
          %dma_start3A_188 = tpu.memref_slice %arg7[%mul3A_186, %dma_start3A_187] : memref<327680x128xf32, #tpu.memory_space<hbm>> -> memref<128x128xf32, #tpu.memory_space<hbm>>
          %dma_start3A_189 = arith.constant 0 : i32
          %dma_start3A_190 = tpu.memref_slice %arg7[%mul3A_186, %dma_start3A_189] : memref<327680x128xf32, #tpu.memory_space<hbm>> -> memref<128x128xf32, #tpu.memory_space<hbm>>
          tpu.enqueue_dma source(%arg14 : memref<128x128xf32, #tpu.memory_space<vmem>>) target(%dma_start3A_190 : memref<128x128xf32, #tpu.memory_space<hbm>>) target_semaphore(%arg24 : memref<!tpu.dma_semaphore, #tpu.memory_space<semaphore_mem>>)
          %lt3A = arith.constant 15 : i32
          %lt3A_191 = arith.cmpi slt, %add3A_128, %lt3A : i32
          %convert_element_type3A_192 = arith.extui %lt3A_191 : i1 to i32
          %cond3A_193 = arith.constant 0 : i32
          %cond3A_194 = arith.cmpi ne, %convert_element_type3A_192, %cond3A_193 : i32
          scf.if %cond3A_194 {
            %add3A_195 = arith.addi %add3A_8, %add3A_128 : i32
            %add3A_196 = arith.constant 1 : i32
            %add3A_197 = arith.addi %add3A_195, %add3A_196 : i32
            %dma_start3A_198 = arith.constant 0 : i32
            %dma_start3A_199 = tpu.memref_slice %arg4[%add3A_197, %dma_start3A_198] : memref<2560x128xi32, #tpu.memory_space<hbm>> -> memref<1x128xi32, #tpu.memory_space<hbm>>
            %dma_start3A_200 = arith.constant 0 : i32
            %dma_start3A_201 = tpu.memref_slice %arg4[%add3A_197, %dma_start3A_200] : memref<2560x128xi32, #tpu.memory_space<hbm>> -> memref<1x128xi32, #tpu.memory_space<hbm>>
            tpu.enqueue_dma source(%dma_start3A_201 : memref<1x128xi32, #tpu.memory_space<hbm>>) target(%arg8 : memref<1x128xi32, #tpu.memory_space<vmem>>) target_semaphore(%arg16 : memref<!tpu.dma_semaphore, #tpu.memory_space<semaphore_mem>>)
            %dma_start3A_202 = arith.constant 0 : i32
            %dma_start3A_203 = tpu.memref_slice %arg5[%add3A_197, %dma_start3A_202] : memref<2560x128xi32, #tpu.memory_space<hbm>> -> memref<1x128xi32, #tpu.memory_space<hbm>>
            %dma_start3A_204 = arith.constant 0 : i32
            %dma_start3A_205 = tpu.memref_slice %arg5[%add3A_197, %dma_start3A_204] : memref<2560x128xi32, #tpu.memory_space<hbm>> -> memref<1x128xi32, #tpu.memory_space<hbm>>
            tpu.enqueue_dma source(%dma_start3A_205 : memref<1x128xi32, #tpu.memory_space<hbm>>) target(%arg10 : memref<1x128xi32, #tpu.memory_space<vmem>>) target_semaphore(%arg16 : memref<!tpu.dma_semaphore, #tpu.memory_space<semaphore_mem>>)
          } else {
          }
        } else {
        }
      }
      %scan3A_29 = arith.constant 8 : i32
      %dma_wait3A = arith.constant 0 : i32
      %dma_wait3A_30 = arith.constant 0 : i32
      %dma_wait3A_31 = tpu.memref_slice %arg9[%dma_wait3A, %dma_wait3A_30] : memref<1x128xi32, #tpu.memory_space<vmem>> -> memref<1x128xi32, #tpu.memory_space<vmem>>
      %dma_wait3A_32 = tpu.memref_squeeze %dma_wait3A_31 : memref<1x128xi32, #tpu.memory_space<vmem>> -> memref<128xi32, #tpu.memory_space<vmem>>
      %dma_wait3A_33 = arith.constant 0 : i32
      %dma_wait3A_34 = arith.constant 0 : i32
      %dma_wait3A_35 = tpu.memref_slice %arg2[%dma_wait3A_33, %dma_wait3A_34] : memref<10000x128xf32, #tpu.memory_space<hbm>> -> memref<10000x128xf32, #tpu.memory_space<hbm>>
      tpu.wait_indirect_dma semaphore(%arg19 : memref<!tpu.dma_semaphore, #tpu.memory_space<semaphore_mem>>) src(%dma_wait3A_35 : memref<10000x128xf32, #tpu.memory_space<hbm>>) dst(%arg13 : memref<128x128xf32, #tpu.memory_space<vmem>>)
      %dma_wait3A_36 = arith.constant 0 : i32
      %dma_wait3A_37 = arith.constant 0 : i32
      %dma_wait3A_38 = tpu.memref_slice %arg11[%dma_wait3A_36, %dma_wait3A_37] : memref<1x128xi32, #tpu.memory_space<vmem>> -> memref<1x128xi32, #tpu.memory_space<vmem>>
      %dma_wait3A_39 = tpu.memref_squeeze %dma_wait3A_38 : memref<1x128xi32, #tpu.memory_space<vmem>> -> memref<128xi32, #tpu.memory_space<vmem>>
      %dma_wait3A_40 = arith.constant 0 : i32
      %dma_wait3A_41 = arith.constant 0 : i32
      %dma_wait3A_42 = tpu.memref_slice %arg3[%dma_wait3A_40, %dma_wait3A_41] : memref<10000x128xf32, #tpu.memory_space<hbm>> -> memref<10000x128xf32, #tpu.memory_space<hbm>>
      tpu.wait_indirect_dma semaphore(%arg21 : memref<!tpu.dma_semaphore, #tpu.memory_space<semaphore_mem>>) src(%dma_wait3A_42 : memref<10000x128xf32, #tpu.memory_space<hbm>>) dst(%arg15 : memref<128x128xf32, #tpu.memory_space<vmem>>)
      %add3A_43 = arith.constant 16 : i32
      %add3A_44 = arith.addi %add3A_8, %add3A_43 : i32
      %sub3A = arith.constant 1 : i32
      %sub3A_45 = arith.subi %add3A_44, %sub3A : i32
      %mul3A_46 = arith.constant 128 : i32
      %mul3A_47 = arith.muli %sub3A_45, %mul3A_46 : i32
      %dma_start3A_48 = arith.constant 0 : i32
      %dma_start3A_49 = tpu.memref_slice %arg6[%mul3A_47, %dma_start3A_48] : memref<327680x128xf32, #tpu.memory_space<hbm>> -> memref<128x128xf32, #tpu.memory_space<hbm>>
      %dma_start3A_50 = arith.constant 0 : i32
      %dma_start3A_51 = tpu.memref_slice %arg6[%mul3A_47, %dma_start3A_50] : memref<327680x128xf32, #tpu.memory_space<hbm>> -> memref<128x128xf32, #tpu.memory_space<hbm>>
      tpu.enqueue_dma source(%arg13 : memref<128x128xf32, #tpu.memory_space<vmem>>) target(%dma_start3A_51 : memref<128x128xf32, #tpu.memory_space<hbm>>) target_semaphore(%arg23 : memref<!tpu.dma_semaphore, #tpu.memory_space<semaphore_mem>>)
      %mul3A_52 = arith.constant 128 : i32
      %mul3A_53 = arith.muli %sub3A_45, %mul3A_52 : i32
      %dma_start3A_54 = arith.constant 0 : i32
      %dma_start3A_55 = tpu.memref_slice %arg7[%mul3A_53, %dma_start3A_54] : memref<327680x128xf32, #tpu.memory_space<hbm>> -> memref<128x128xf32, #tpu.memory_space<hbm>>
      %dma_start3A_56 = arith.constant 0 : i32
      %dma_start3A_57 = tpu.memref_slice %arg7[%mul3A_53, %dma_start3A_56] : memref<327680x128xf32, #tpu.memory_space<hbm>> -> memref<128x128xf32, #tpu.memory_space<hbm>>
      tpu.enqueue_dma source(%arg15 : memref<128x128xf32, #tpu.memory_space<vmem>>) target(%dma_start3A_57 : memref<128x128xf32, #tpu.memory_space<hbm>>) target_semaphore(%arg25 : memref<!tpu.dma_semaphore, #tpu.memory_space<semaphore_mem>>)
      %add3A_58 = arith.constant 16 : i32
      %add3A_59 = arith.addi %add3A_8, %add3A_58 : i32
      %sub3A_60 = arith.constant 2 : i32
      %sub3A_61 = arith.subi %add3A_59, %sub3A_60 : i32
      %mul3A_62 = arith.constant 128 : i32
      %mul3A_63 = arith.muli %sub3A_61, %mul3A_62 : i32
      %dma_wait3A_64 = arith.constant 0 : i32
      %dma_wait3A_65 = tpu.memref_slice %arg6[%mul3A_63, %dma_wait3A_64] : memref<327680x128xf32, #tpu.memory_space<hbm>> -> memref<128x128xf32, #tpu.memory_space<hbm>>
      %dma_wait3A_66 = arith.constant 0 : i32
      %dma_wait3A_67 = tpu.memref_slice %arg6[%mul3A_63, %dma_wait3A_66] : memref<327680x128xf32, #tpu.memory_space<hbm>> -> memref<128x128xf32, #tpu.memory_space<hbm>>
      tpu.wait_dma2 semaphore(%arg22 : memref<!tpu.dma_semaphore, #tpu.memory_space<semaphore_mem>>) src(%arg12 : memref<128x128xf32, #tpu.memory_space<vmem>>) dst(%dma_wait3A_67 : memref<128x128xf32, #tpu.memory_space<hbm>>)
      %mul3A_68 = arith.constant 128 : i32
      %mul3A_69 = arith.muli %sub3A_61, %mul3A_68 : i32
      %dma_wait3A_70 = arith.constant 0 : i32
      %dma_wait3A_71 = tpu.memref_slice %arg7[%mul3A_69, %dma_wait3A_70] : memref<327680x128xf32, #tpu.memory_space<hbm>> -> memref<128x128xf32, #tpu.memory_space<hbm>>
      %dma_wait3A_72 = arith.constant 0 : i32
      %dma_wait3A_73 = tpu.memref_slice %arg7[%mul3A_69, %dma_wait3A_72] : memref<327680x128xf32, #tpu.memory_space<hbm>> -> memref<128x128xf32, #tpu.memory_space<hbm>>
      tpu.wait_dma2 semaphore(%arg24 : memref<!tpu.dma_semaphore, #tpu.memory_space<semaphore_mem>>) src(%arg14 : memref<128x128xf32, #tpu.memory_space<vmem>>) dst(%dma_wait3A_73 : memref<128x128xf32, #tpu.memory_space<hbm>>)
      %add3A_74 = arith.constant 16 : i32
      %add3A_75 = arith.addi %add3A_8, %add3A_74 : i32
      %sub3A_76 = arith.constant 1 : i32
      %sub3A_77 = arith.subi %add3A_75, %sub3A_76 : i32
      %mul3A_78 = arith.constant 128 : i32
      %mul3A_79 = arith.muli %sub3A_77, %mul3A_78 : i32
      %dma_wait3A_80 = arith.constant 0 : i32
      %dma_wait3A_81 = tpu.memref_slice %arg6[%mul3A_79, %dma_wait3A_80] : memref<327680x128xf32, #tpu.memory_space<hbm>> -> memref<128x128xf32, #tpu.memory_space<hbm>>
      %dma_wait3A_82 = arith.constant 0 : i32
      %dma_wait3A_83 = tpu.memref_slice %arg6[%mul3A_79, %dma_wait3A_82] : memref<327680x128xf32, #tpu.memory_space<hbm>> -> memref<128x128xf32, #tpu.memory_space<hbm>>
      tpu.wait_dma2 semaphore(%arg23 : memref<!tpu.dma_semaphore, #tpu.memory_space<semaphore_mem>>) src(%arg13 : memref<128x128xf32, #tpu.memory_space<vmem>>) dst(%dma_wait3A_83 : memref<128x128xf32, #tpu.memory_space<hbm>>)
      %mul3A_84 = arith.constant 128 : i32
      %mul3A_85 = arith.muli %sub3A_77, %mul3A_84 : i32
      %dma_wait3A_86 = arith.constant 0 : i32
      %dma_wait3A_87 = tpu.memref_slice %arg7[%mul3A_85, %dma_wait3A_86] : memref<327680x128xf32, #tpu.memory_space<hbm>> -> memref<128x128xf32, #tpu.memory_space<hbm>>
      %dma_wait3A_88 = arith.constant 0 : i32
      %dma_wait3A_89 = tpu.memref_slice %arg7[%mul3A_85, %dma_wait3A_88] : memref<327680x128xf32, #tpu.memory_space<hbm>> -> memref<128x128xf32, #tpu.memory_space<hbm>>
      tpu.wait_dma2 semaphore(%arg25 : memref<!tpu.dma_semaphore, #tpu.memory_space<semaphore_mem>>) src(%arg15 : memref<128x128xf32, #tpu.memory_space<vmem>>) dst(%dma_wait3A_89 : memref<128x128xf32, #tpu.memory_space<hbm>>)
    } else {
    }
    return
  }
}

module attributes {stable_mosaic.version = 14 : i64} {
  func.func @body(%arg0: memref<10000x128xf32, #tpu.memory_space<vmem>>, %arg1: memref<1x128xf32, #tpu.memory_space<vmem>>, %arg2: memref<1x128xf32, #tpu.memory_space<vmem>>, %arg3: memref<128x128xf32, #tpu.memory_space<vmem>>, %arg4: memref<1x128xf32, #tpu.memory_space<vmem>>, %arg5: memref<128x128xf32, #tpu.memory_space<vmem>>, %arg6: memref<1x128xf32, #tpu.memory_space<vmem>>, %arg7: memref<10000x128xf32, #tpu.memory_space<vmem>>) attributes {dimension_semantics = [], scalar_prefetch = 0 : i64, scratch_operands = 0 : i64, tpu.core_type = #tpu.core_type<tc>} {
    %get3A = arith.constant 0 : index
    %get3A_0 = arith.constant 0 : index
    %get3A_1 = vector.load %arg0[%get3A, %get3A_0] : memref<10000x128xf32, #tpu.memory_space<vmem>>, vector<10000x128xf32>
    %reduce_sum3A = arith.constant dense<0.000000e+00> : vector<128xf32>
    %reduce_sum3A_2 = vector.multi_reduction <add>, %get3A_1, %reduce_sum3A [0] : vector<10000x128xf32> to vector<128xf32>
    %broadcast_in_dim3A = vector.shape_cast %reduce_sum3A_2 : vector<128xf32> to vector<1x128xf32>
    %div3A = arith.constant 1.000000e+04 : f32
    %div3A_3 = vector.broadcast %div3A : f32 to vector<1x128xf32>
    %div3A_4 = arith.divf %broadcast_in_dim3A, %div3A_3 : vector<1x128xf32>
    %sub3A = vector.broadcast %div3A_4 : vector<1x128xf32> to vector<10000x128xf32>
    %sub3A_5 = arith.subf %get3A_1, %sub3A : vector<10000x128xf32>
    %integer_pow3A = arith.mulf %sub3A_5, %sub3A_5 : vector<10000x128xf32>
    %reduce_sum3A_6 = arith.constant dense<0.000000e+00> : vector<128xf32>
    %reduce_sum3A_7 = vector.multi_reduction <add>, %integer_pow3A, %reduce_sum3A_6 [0] : vector<10000x128xf32> to vector<128xf32>
    %broadcast_in_dim3A_8 = vector.shape_cast %reduce_sum3A_7 : vector<128xf32> to vector<1x128xf32>
    %div3A_9 = arith.constant 1.000000e+04 : f32
    %div3A_10 = vector.broadcast %div3A_9 : f32 to vector<1x128xf32>
    %div3A_11 = arith.divf %broadcast_in_dim3A_8, %div3A_10 : vector<1x128xf32>
    %sub3A_12 = vector.broadcast %div3A_4 : vector<1x128xf32> to vector<10000x128xf32>
    %sub3A_13 = arith.subf %get3A_1, %sub3A_12 : vector<10000x128xf32>
    %add3A = arith.constant 9.99999974E-6 : f32
    %add3A_14 = vector.broadcast %add3A : f32 to vector<1x128xf32>
    %add3A_15 = arith.addf %div3A_11, %add3A_14 : vector<1x128xf32>
    %sqrt3A = math.sqrt %add3A_15 : vector<1x128xf32>
    %div3A_16 = vector.broadcast %sqrt3A : vector<1x128xf32> to vector<10000x128xf32>
    %div3A_17 = arith.divf %sub3A_13, %div3A_16 : vector<10000x128xf32>
    %get3A_18 = arith.constant 0 : index
    %get3A_19 = arith.constant 0 : index
    %get3A_20 = vector.load %arg1[%get3A_18, %get3A_19] : memref<1x128xf32, #tpu.memory_space<vmem>>, vector<1x128xf32>
    %mul3A = vector.broadcast %get3A_20 : vector<1x128xf32> to vector<10000x128xf32>
    %mul3A_21 = arith.mulf %div3A_17, %mul3A : vector<10000x128xf32>
    %get3A_22 = arith.constant 0 : index
    %get3A_23 = arith.constant 0 : index
    %get3A_24 = vector.load %arg2[%get3A_22, %get3A_23] : memref<1x128xf32, #tpu.memory_space<vmem>>, vector<1x128xf32>
    %add3A_25 = vector.broadcast %get3A_24 : vector<1x128xf32> to vector<10000x128xf32>
    %add3A_26 = arith.addf %mul3A_21, %add3A_25 : vector<10000x128xf32>
    %get3A_27 = arith.constant 0 : index
    %get3A_28 = arith.constant 0 : index
    %get3A_29 = vector.load %arg3[%get3A_27, %get3A_28] : memref<128x128xf32, #tpu.memory_space<vmem>>, vector<128x128xf32>
    %dot_general3A = arith.constant dense<0.000000e+00> : vector<10000x128xf32>
    %dot_general3A_30 = tpu.matmul %add3A_26, %get3A_29, %dot_general3A {dimension_numbers = #tpu.dot_dimension_numbers<[1], [0], [0], [1], [0, 0, 1, 1], [], []>, transpose_lhs_hint = false} : vector<10000x128xf32>, vector<128x128xf32>, vector<10000x128xf32> -> vector<10000x128xf32>
    %get3A_31 = arith.constant 0 : index
    %get3A_32 = arith.constant 0 : index
    %get3A_33 = vector.load %arg4[%get3A_31, %get3A_32] : memref<1x128xf32, #tpu.memory_space<vmem>>, vector<1x128xf32>
    %add3A_34 = vector.broadcast %get3A_33 : vector<1x128xf32> to vector<10000x128xf32>
    %add3A_35 = arith.addf %dot_general3A_30, %add3A_34 : vector<10000x128xf32>
    %integer_pow3A_36 = arith.mulf %add3A_35, %add3A_35 : vector<10000x128xf32>
    %integer_pow3A_37 = arith.mulf %add3A_35, %integer_pow3A_36 : vector<10000x128xf32>
    %mul3A_38 = arith.constant 4.471500e-02 : f32
    %mul3A_39 = vector.broadcast %mul3A_38 : f32 to vector<10000x128xf32>
    %mul3A_40 = arith.mulf %mul3A_39, %integer_pow3A_37 : vector<10000x128xf32>
    %add3A_41 = arith.addf %add3A_35, %mul3A_40 : vector<10000x128xf32>
    %mul3A_42 = arith.constant 0.797884583 : f32
    %mul3A_43 = vector.broadcast %mul3A_42 : f32 to vector<10000x128xf32>
    %mul3A_44 = arith.mulf %mul3A_43, %add3A_41 : vector<10000x128xf32>
    %tanh3A = math.tanh %mul3A_44 : vector<10000x128xf32>
    %add3A_45 = arith.constant 1.000000e+00 : f32
    %add3A_46 = vector.broadcast %add3A_45 : f32 to vector<10000x128xf32>
    %add3A_47 = arith.addf %add3A_46, %tanh3A : vector<10000x128xf32>
    %mul3A_48 = arith.constant 5.000000e-01 : f32
    %mul3A_49 = vector.broadcast %mul3A_48 : f32 to vector<10000x128xf32>
    %mul3A_50 = arith.mulf %mul3A_49, %add3A_47 : vector<10000x128xf32>
    %mul3A_51 = arith.mulf %add3A_35, %mul3A_50 : vector<10000x128xf32>
    %get3A_52 = arith.constant 0 : index
    %get3A_53 = arith.constant 0 : index
    %get3A_54 = vector.load %arg5[%get3A_52, %get3A_53] : memref<128x128xf32, #tpu.memory_space<vmem>>, vector<128x128xf32>
    %dot_general3A_55 = arith.constant dense<0.000000e+00> : vector<10000x128xf32>
    %dot_general3A_56 = tpu.matmul %mul3A_51, %get3A_54, %dot_general3A_55 {dimension_numbers = #tpu.dot_dimension_numbers<[1], [0], [0], [1], [0, 0, 1, 1], [], []>, transpose_lhs_hint = false} : vector<10000x128xf32>, vector<128x128xf32>, vector<10000x128xf32> -> vector<10000x128xf32>
    %get3A_57 = arith.constant 0 : index
    %get3A_58 = arith.constant 0 : index
    %get3A_59 = vector.load %arg6[%get3A_57, %get3A_58] : memref<1x128xf32, #tpu.memory_space<vmem>>, vector<1x128xf32>
    %add3A_60 = vector.broadcast %get3A_59 : vector<1x128xf32> to vector<10000x128xf32>
    %add3A_61 = arith.addf %dot_general3A_56, %add3A_60 : vector<10000x128xf32>
    %tanh3A_62 = math.tanh %add3A_61 : vector<10000x128xf32>
    %swap3A = arith.constant 0 : index
    %swap3A_63 = arith.constant 0 : index
    %swap3A_64 = vector.load %arg7[%swap3A, %swap3A_63] : memref<10000x128xf32, #tpu.memory_space<vmem>>, vector<10000x128xf32>
    tpu.vector_store %arg7[%swap3A, %swap3A_63], %tanh3A_62 {strides = array<i32>} : memref<10000x128xf32, #tpu.memory_space<vmem>>, vector<10000x128xf32>,
    return
  }
}

module attributes {stable_mosaic.version = 14 : i64} {
  func.func @body(%arg0: memref<10000x128xf32, #tpu.memory_space<vmem>>, %arg1: memref<2x10240x128xf32, #tpu.memory_space<vmem>>, %arg2: memref<32x10240xf32, #tpu.memory_space<vmem>>, %arg3: memref<128x128xf32, #tpu.memory_space<vmem>>, %arg4: memref<128x128xf32, #tpu.memory_space<vmem>>, %arg5: memref<1x128xf32, #tpu.memory_space<vmem>>, %arg6: memref<1x128xf32, #tpu.memory_space<vmem>>, %arg7: memref<1x128xf32, #tpu.memory_space<vmem>>, %arg8: memref<1x1xf32, #tpu.memory_space<vmem>>, %arg9: memref<10000x128xf32, #tpu.memory_space<vmem>>) attributes {dimension_semantics = [], scalar_prefetch = 0 : i64, scratch_operands = 0 : i64, tpu.core_type = #tpu.core_type<tc>} {
    %get3A = arith.constant 0 : index
    %get3A_0 = arith.constant 0 : index
    %get3A_1 = vector.load %arg2[%get3A, %get3A_0] : memref<32x10240xf32, #tpu.memory_space<vmem>>, vector<32x10240xf32>
    %broadcast_in_dim3A = arith.constant 1.000000e+00 : f32
    %broadcast_in_dim3A_2 = vector.broadcast %broadcast_in_dim3A : f32 to vector<32x1xf32>
    %dot_general3A = arith.constant dense<0.000000e+00> : vector<10240x1xf32>
    %dot_general3A_3 = tpu.matmul %get3A_1, %broadcast_in_dim3A_2, %dot_general3A {dimension_numbers = #tpu.dot_dimension_numbers<[0], [0], [1], [1], [0, 1, 1, 1], [], []>, transpose_lhs_hint = false} : vector<32x10240xf32>, vector<32x1xf32>, vector<10240x1xf32> -> vector<10240x1xf32>
    %slice3A = vector.extract_strided_slice %dot_general3A_3 {offsets = [0, 0], sizes = [10000, 1], strides = [1, 1]} : vector<10240x1xf32> to vector<10000x1xf32>
    %max3A = arith.constant 1.000000e+00 : f32
    %max3A_4 = vector.broadcast %max3A : f32 to vector<10000x1xf32>
    %max3A_5 = arith.maximumf %slice3A, %max3A_4 : vector<10000x1xf32>
    %get3A_6 = arith.constant 0 : index
    %get3A_7 = arith.constant 0 : index
    %get3A_8 = arith.constant 0 : index
    %get3A_9 = vector.load %arg1[%get3A_6, %get3A_7, %get3A_8] : memref<2x10240x128xf32, #tpu.memory_space<vmem>>, vector<1x10000x128xf32>
    %get3A_10 = vector.shape_cast %get3A_9 : vector<1x10000x128xf32> to vector<10000x128xf32>
    %get3A_11 = arith.constant 1 : index
    %get3A_12 = arith.constant 0 : index
    %get3A_13 = arith.constant 0 : index
    %get3A_14 = vector.load %arg1[%get3A_11, %get3A_12, %get3A_13] : memref<2x10240x128xf32, #tpu.memory_space<vmem>>, vector<1x10000x128xf32>
    %get3A_15 = vector.shape_cast %get3A_14 : vector<1x10000x128xf32> to vector<10000x128xf32>
    %add3A = arith.addf %get3A_10, %get3A_15 : vector<10000x128xf32>
    %div3A = vector.broadcast %max3A_5 : vector<10000x1xf32> to vector<10000x128xf32>
    %div3A_16 = arith.divf %add3A, %div3A : vector<10000x128xf32>
    %get3A_17 = arith.constant 0 : index
    %get3A_18 = arith.constant 0 : index
    %get3A_19 = vector.load %arg0[%get3A_17, %get3A_18] : memref<10000x128xf32, #tpu.memory_space<vmem>>, vector<10000x128xf32>
    %get3A_20 = arith.constant 0 : index
    %get3A_21 = arith.constant 0 : index
    %get3A_22 = vector.load %arg3[%get3A_20, %get3A_21] : memref<128x128xf32, #tpu.memory_space<vmem>>, vector<128x128xf32>
    %dot_general3A_23 = arith.constant dense<0.000000e+00> : vector<10000x128xf32>
    %dot_general3A_24 = tpu.matmul %get3A_19, %get3A_22, %dot_general3A_23 {dimension_numbers = #tpu.dot_dimension_numbers<[1], [0], [0], [1], [0, 0, 1, 1], [], []>, transpose_lhs_hint = false} : vector<10000x128xf32>, vector<128x128xf32>, vector<10000x128xf32> -> vector<10000x128xf32>
    %get3A_25 = arith.constant 0 : index
    %get3A_26 = arith.constant 0 : index
    %get3A_27 = vector.load %arg4[%get3A_25, %get3A_26] : memref<128x128xf32, #tpu.memory_space<vmem>>, vector<128x128xf32>
    %dot_general3A_28 = arith.constant dense<0.000000e+00> : vector<10000x128xf32>
    %dot_general3A_29 = tpu.matmul %div3A_16, %get3A_27, %dot_general3A_28 {dimension_numbers = #tpu.dot_dimension_numbers<[1], [0], [0], [1], [0, 0, 1, 1], [], []>, transpose_lhs_hint = false} : vector<10000x128xf32>, vector<128x128xf32>, vector<10000x128xf32> -> vector<10000x128xf32>
    %add3A_30 = arith.addf %dot_general3A_24, %dot_general3A_29 : vector<10000x128xf32>
    %get3A_31 = arith.constant 0 : index
    %get3A_32 = arith.constant 0 : index
    %get3A_33 = vector.load %arg5[%get3A_31, %get3A_32] : memref<1x128xf32, #tpu.memory_space<vmem>>, vector<1x128xf32>
    %add3A_34 = vector.broadcast %get3A_33 : vector<1x128xf32> to vector<10000x128xf32>
    %add3A_35 = arith.addf %add3A_30, %add3A_34 : vector<10000x128xf32>
    %reduce_sum3A = arith.constant dense<0.000000e+00> : vector<128xf32>
    %reduce_sum3A_36 = vector.multi_reduction <add>, %add3A_35, %reduce_sum3A [0] : vector<10000x128xf32> to vector<128xf32>
    %broadcast_in_dim3A_37 = vector.shape_cast %reduce_sum3A_36 : vector<128xf32> to vector<1x128xf32>
    %div3A_38 = arith.constant 1.000000e+04 : f32
    %div3A_39 = vector.broadcast %div3A_38 : f32 to vector<1x128xf32>
    %div3A_40 = arith.divf %broadcast_in_dim3A_37, %div3A_39 : vector<1x128xf32>
    %get3A_41 = arith.constant 0 : index
    %get3A_42 = arith.constant 0 : index
    %get3A_43 = vector.load %arg8[%get3A_41, %get3A_42] : memref<1x1xf32, #tpu.memory_space<vmem>>, vector<1x1xf32>
    %get3A_44 = vector.extract %get3A_43[0, 0] : f32 from vector<1x1xf32>
    %mul3A = vector.broadcast %get3A_44 : f32 to vector<1x128xf32>
    %mul3A_45 = arith.mulf %mul3A, %div3A_40 : vector<1x128xf32>
    %sub3A = vector.broadcast %mul3A_45 : vector<1x128xf32> to vector<10000x128xf32>
    %sub3A_46 = arith.subf %add3A_35, %sub3A : vector<10000x128xf32>
    %integer_pow3A = arith.mulf %sub3A_46, %sub3A_46 : vector<10000x128xf32>
    %reduce_sum3A_47 = arith.constant dense<0.000000e+00> : vector<128xf32>
    %reduce_sum3A_48 = vector.multi_reduction <add>, %integer_pow3A, %reduce_sum3A_47 [0] : vector<10000x128xf32> to vector<128xf32>
    %broadcast_in_dim3A_49 = vector.shape_cast %reduce_sum3A_48 : vector<128xf32> to vector<1x128xf32>
    %div3A_50 = arith.constant 1.000000e+04 : f32
    %div3A_51 = vector.broadcast %div3A_50 : f32 to vector<1x128xf32>
    %div3A_52 = arith.divf %broadcast_in_dim3A_49, %div3A_51 : vector<1x128xf32>
    %get3A_53 = arith.constant 0 : index
    %get3A_54 = arith.constant 0 : index
    %get3A_55 = vector.load %arg6[%get3A_53, %get3A_54] : memref<1x128xf32, #tpu.memory_space<vmem>>, vector<1x128xf32>
    %mul3A_56 = vector.broadcast %get3A_55 : vector<1x128xf32> to vector<10000x128xf32>
    %mul3A_57 = arith.mulf %mul3A_56, %sub3A_46 : vector<10000x128xf32>
    %add3A_58 = arith.constant 9.99999974E-6 : f32
    %add3A_59 = vector.broadcast %add3A_58 : f32 to vector<1x128xf32>
    %add3A_60 = arith.addf %div3A_52, %add3A_59 : vector<1x128xf32>
    %sqrt3A = math.sqrt %add3A_60 : vector<1x128xf32>
    %div3A_61 = vector.broadcast %sqrt3A : vector<1x128xf32> to vector<10000x128xf32>
    %div3A_62 = arith.divf %mul3A_57, %div3A_61 : vector<10000x128xf32>
    %get3A_63 = arith.constant 0 : index
    %get3A_64 = arith.constant 0 : index
    %get3A_65 = vector.load %arg7[%get3A_63, %get3A_64] : memref<1x128xf32, #tpu.memory_space<vmem>>, vector<1x128xf32>
    %add3A_66 = vector.broadcast %get3A_65 : vector<1x128xf32> to vector<10000x128xf32>
    %add3A_67 = arith.addf %div3A_62, %add3A_66 : vector<10000x128xf32>
    %swap3A = arith.constant 0 : index
    %swap3A_68 = arith.constant 0 : index
    %swap3A_69 = vector.load %arg9[%swap3A, %swap3A_68] : memref<10000x128xf32, #tpu.memory_space<vmem>>, vector<10000x128xf32>
    tpu.vector_store %arg9[%swap3A, %swap3A_68], %add3A_67 {strides = array<i32>} : memref<10000x128xf32, #tpu.memory_space<vmem>>, vector<10000x128xf32>,
    return
  }
}

module attributes {stable_mosaic.version = 14 : i64} {
  func.func @body(%arg0: i32, %arg1: memref<2000x128xf32, #tpu.memory_space<vmem>>, %arg2: memref<2000x128xf32, #tpu.memory_space<vmem>>, %arg3: memref<2000x128xf32, #tpu.memory_space<vmem>>, %arg4: memref<2000x128xf32, #tpu.memory_space<vmem>>, %arg5: memref<1x384xf32, #tpu.memory_space<vmem>>, %arg6: memref<1x384xf32, #tpu.memory_space<vmem>>, %arg7: memref<1x1xf32, #tpu.memory_space<vmem>>, %arg8: memref<384x256xf32, #tpu.memory_space<vmem>>, %arg9: memref<1x256xf32, #tpu.memory_space<vmem>>, %arg10: memref<256x256xf32, #tpu.memory_space<vmem>>, %arg11: memref<1x256xf32, #tpu.memory_space<vmem>>, %arg12: memref<256x128xf32, #tpu.memory_space<vmem>>, %arg13: memref<1x128xf32, #tpu.memory_space<vmem>>, %arg14: memref<2000x128xf32, #tpu.memory_space<vmem>>) attributes {dimension_semantics = [#tpu.dimension_semantics<arbitrary>], iteration_bounds = array<i64: 5>, scalar_prefetch = 0 : i64, scratch_operands = 0 : i64, tpu.core_type = #tpu.core_type<tc>, window_params = [{transform_indices = @transform_0, window_bounds = array<i64: 2000, 128>}, {transform_indices = @transform_1, window_bounds = array<i64: 2000, 128>}, {transform_indices = @transform_2, window_bounds = array<i64: 2000, 128>}, {transform_indices = @transform_3, window_bounds = array<i64: 2000, 128>}, {pipeline_mode = #tpu.pipeline_mode<synchronous>, transform_indices = @transform_4, window_bounds = array<i64: 1, 384>}, {pipeline_mode = #tpu.pipeline_mode<synchronous>, transform_indices = @transform_5, window_bounds = array<i64: 1, 384>}, {pipeline_mode = #tpu.pipeline_mode<synchronous>, transform_indices = @transform_6, window_bounds = array<i64: 1, 1>}, {pipeline_mode = #tpu.pipeline_mode<synchronous>, transform_indices = @transform_7, window_bounds = array<i64: 384, 256>}, {pipeline_mode = #tpu.pipeline_mode<synchronous>, transform_indices = @transform_8, window_bounds = array<i64: 1, 256>}, {pipeline_mode = #tpu.pipeline_mode<synchronous>, transform_indices = @transform_9, window_bounds = array<i64: 256, 256>}, {pipeline_mode = #tpu.pipeline_mode<synchronous>, transform_indices = @transform_10, window_bounds = array<i64: 1, 256>}, {pipeline_mode = #tpu.pipeline_mode<synchronous>, transform_indices = @transform_11, window_bounds = array<i64: 256, 128>}, {pipeline_mode = #tpu.pipeline_mode<synchronous>, transform_indices = @transform_12, window_bounds = array<i64: 1, 128>}, {transform_indices = @transform_13, window_bounds = array<i64: 2000, 128>}]} {
    %get3A = arith.constant 0 : index
    %get3A_0 = arith.constant 0 : index
    %get3A_1 = vector.load %arg1[%get3A, %get3A_0] : memref<2000x128xf32, #tpu.memory_space<vmem>>, vector<2000x128xf32>
    %get3A_2 = arith.constant 0 : index
    %get3A_3 = arith.constant 0 : index
    %get3A_4 = vector.load %arg2[%get3A_2, %get3A_3] : memref<2000x128xf32, #tpu.memory_space<vmem>>, vector<2000x128xf32>
    %get3A_5 = arith.constant 0 : index
    %get3A_6 = arith.constant 0 : index
    %get3A_7 = vector.load %arg3[%get3A_5, %get3A_6] : memref<2000x128xf32, #tpu.memory_space<vmem>>, vector<2000x128xf32>
    %concatenate3A = tpu.concatenate %get3A_1, %get3A_4, %get3A_7 in 1 : vector<2000x128xf32>, vector<2000x128xf32>, vector<2000x128xf32> -> vector<2000x384xf32>
    %get3A_8 = arith.constant 0 : index
    %get3A_9 = arith.constant 0 : index
    %get3A_10 = vector.load %arg5[%get3A_8, %get3A_9] : memref<1x384xf32, #tpu.memory_space<vmem>>, vector<1x384xf32>
    %get3A_11 = arith.constant 0 : index
    %get3A_12 = arith.constant 0 : index
    %get3A_13 = vector.load %arg7[%get3A_11, %get3A_12] : memref<1x1xf32, #tpu.memory_space<vmem>>, vector<1x1xf32>
    %get3A_14 = vector.extract %get3A_13[0, 0] : f32 from vector<1x1xf32>
    %mul3A = vector.broadcast %get3A_14 : f32 to vector<2000x384xf32>
    %mul3A_15 = arith.mulf %mul3A, %concatenate3A : vector<2000x384xf32>
    %tanh3A = math.tanh %mul3A_15 : vector<2000x384xf32>
    %mul3A_16 = vector.broadcast %get3A_10 : vector<1x384xf32> to vector<2000x384xf32>
    %mul3A_17 = arith.mulf %mul3A_16, %tanh3A : vector<2000x384xf32>
    %get3A_18 = arith.constant 0 : index
    %get3A_19 = arith.constant 0 : index
    %get3A_20 = vector.load %arg6[%get3A_18, %get3A_19] : memref<1x384xf32, #tpu.memory_space<vmem>>, vector<1x384xf32>
    %add3A = vector.broadcast %get3A_20 : vector<1x384xf32> to vector<2000x384xf32>
    %add3A_21 = arith.addf %mul3A_17, %add3A : vector<2000x384xf32>
    %get3A_22 = arith.constant 0 : index
    %get3A_23 = arith.constant 0 : index
    %get3A_24 = vector.load %arg8[%get3A_22, %get3A_23] : memref<384x256xf32, #tpu.memory_space<vmem>>, vector<384x256xf32>
    %dot_general3A = arith.constant dense<0.000000e+00> : vector<2000x256xf32>
    %dot_general3A_25 = tpu.matmul %add3A_21, %get3A_24, %dot_general3A {dimension_numbers = #tpu.dot_dimension_numbers<[1], [0], [0], [1], [0, 0, 1, 1], [], []>, transpose_lhs_hint = false} : vector<2000x384xf32>, vector<384x256xf32>, vector<2000x256xf32> -> vector<2000x256xf32>
    %get3A_26 = arith.constant 0 : index
    %get3A_27 = arith.constant 0 : index
    %get3A_28 = vector.load %arg9[%get3A_26, %get3A_27] : memref<1x256xf32, #tpu.memory_space<vmem>>, vector<1x256xf32>
    %add3A_29 = vector.broadcast %get3A_28 : vector<1x256xf32> to vector<2000x256xf32>
    %add3A_30 = arith.addf %dot_general3A_25, %add3A_29 : vector<2000x256xf32>
    %integer_pow3A = arith.mulf %add3A_30, %add3A_30 : vector<2000x256xf32>
    %integer_pow3A_31 = arith.mulf %add3A_30, %integer_pow3A : vector<2000x256xf32>
    %mul3A_32 = arith.constant 4.471500e-02 : f32
    %mul3A_33 = vector.broadcast %mul3A_32 : f32 to vector<2000x256xf32>
    %mul3A_34 = arith.mulf %mul3A_33, %integer_pow3A_31 : vector<2000x256xf32>
    %add3A_35 = arith.addf %add3A_30, %mul3A_34 : vector<2000x256xf32>
    %mul3A_36 = arith.constant 0.797884583 : f32
    %mul3A_37 = vector.broadcast %mul3A_36 : f32 to vector<2000x256xf32>
    %mul3A_38 = arith.mulf %mul3A_37, %add3A_35 : vector<2000x256xf32>
    %tanh3A_39 = math.tanh %mul3A_38 : vector<2000x256xf32>
    %add3A_40 = arith.constant 1.000000e+00 : f32
    %add3A_41 = vector.broadcast %add3A_40 : f32 to vector<2000x256xf32>
    %add3A_42 = arith.addf %add3A_41, %tanh3A_39 : vector<2000x256xf32>
    %mul3A_43 = arith.constant 5.000000e-01 : f32
    %mul3A_44 = vector.broadcast %mul3A_43 : f32 to vector<2000x256xf32>
    %mul3A_45 = arith.mulf %mul3A_44, %add3A_42 : vector<2000x256xf32>
    %mul3A_46 = arith.mulf %add3A_30, %mul3A_45 : vector<2000x256xf32>
    %get3A_47 = arith.constant 0 : index
    %get3A_48 = arith.constant 0 : index
    %get3A_49 = vector.load %arg10[%get3A_47, %get3A_48] : memref<256x256xf32, #tpu.memory_space<vmem>>, vector<256x256xf32>
    %dot_general3A_50 = arith.constant dense<0.000000e+00> : vector<2000x256xf32>
    %dot_general3A_51 = tpu.matmul %mul3A_46, %get3A_49, %dot_general3A_50 {dimension_numbers = #tpu.dot_dimension_numbers<[1], [0], [0], [1], [0, 0, 1, 1], [], []>, transpose_lhs_hint = false} : vector<2000x256xf32>, vector<256x256xf32>, vector<2000x256xf32> -> vector<2000x256xf32>
    %get3A_52 = arith.constant 0 : index
    %get3A_53 = arith.constant 0 : index
    %get3A_54 = vector.load %arg11[%get3A_52, %get3A_53] : memref<1x256xf32, #tpu.memory_space<vmem>>, vector<1x256xf32>
    %add3A_55 = vector.broadcast %get3A_54 : vector<1x256xf32> to vector<2000x256xf32>
    %add3A_56 = arith.addf %dot_general3A_51, %add3A_55 : vector<2000x256xf32>
    %integer_pow3A_57 = arith.mulf %add3A_56, %add3A_56 : vector<2000x256xf32>
    %integer_pow3A_58 = arith.mulf %add3A_56, %integer_pow3A_57 : vector<2000x256xf32>
    %mul3A_59 = arith.constant 4.471500e-02 : f32
    %mul3A_60 = vector.broadcast %mul3A_59 : f32 to vector<2000x256xf32>
    %mul3A_61 = arith.mulf %mul3A_60, %integer_pow3A_58 : vector<2000x256xf32>
    %add3A_62 = arith.addf %add3A_56, %mul3A_61 : vector<2000x256xf32>
    %mul3A_63 = arith.constant 0.797884583 : f32
    %mul3A_64 = vector.broadcast %mul3A_63 : f32 to vector<2000x256xf32>
    %mul3A_65 = arith.mulf %mul3A_64, %add3A_62 : vector<2000x256xf32>
    %tanh3A_66 = math.tanh %mul3A_65 : vector<2000x256xf32>
    %add3A_67 = arith.constant 1.000000e+00 : f32
    %add3A_68 = vector.broadcast %add3A_67 : f32 to vector<2000x256xf32>
    %add3A_69 = arith.addf %add3A_68, %tanh3A_66 : vector<2000x256xf32>
    %mul3A_70 = arith.constant 5.000000e-01 : f32
    %mul3A_71 = vector.broadcast %mul3A_70 : f32 to vector<2000x256xf32>
    %mul3A_72 = arith.mulf %mul3A_71, %add3A_69 : vector<2000x256xf32>
    %mul3A_73 = arith.mulf %add3A_56, %mul3A_72 : vector<2000x256xf32>
    %get3A_74 = arith.constant 0 : index
    %get3A_75 = arith.constant 0 : index
    %get3A_76 = vector.load %arg12[%get3A_74, %get3A_75] : memref<256x128xf32, #tpu.memory_space<vmem>>, vector<256x128xf32>
    %dot_general3A_77 = arith.constant dense<0.000000e+00> : vector<2000x128xf32>
    %dot_general3A_78 = tpu.matmul %mul3A_73, %get3A_76, %dot_general3A_77 {dimension_numbers = #tpu.dot_dimension_numbers<[1], [0], [0], [1], [0, 0, 1, 1], [], []>, transpose_lhs_hint = false} : vector<2000x256xf32>, vector<256x128xf32>, vector<2000x128xf32> -> vector<2000x128xf32>
    %get3A_79 = arith.constant 0 : index
    %get3A_80 = arith.constant 0 : index
    %get3A_81 = vector.load %arg13[%get3A_79, %get3A_80] : memref<1x128xf32, #tpu.memory_space<vmem>>, vector<1x128xf32>
    %add3A_82 = vector.broadcast %get3A_81 : vector<1x128xf32> to vector<2000x128xf32>
    %add3A_83 = arith.addf %dot_general3A_78, %add3A_82 : vector<2000x128xf32>
    %get3A_84 = arith.constant 0 : index
    %get3A_85 = arith.constant 0 : index
    %get3A_86 = vector.load %arg4[%get3A_84, %get3A_85] : memref<2000x128xf32, #tpu.memory_space<vmem>>, vector<2000x128xf32>
    %add3A_87 = arith.addf %add3A_83, %get3A_86 : vector<2000x128xf32>
    %swap3A = arith.constant 0 : index
    %swap3A_88 = arith.constant 0 : index
    %swap3A_89 = vector.load %arg14[%swap3A, %swap3A_88] : memref<2000x128xf32, #tpu.memory_space<vmem>>, vector<2000x128xf32>
    tpu.vector_store %arg14[%swap3A, %swap3A_88], %add3A_87 {strides = array<i32>} : memref<2000x128xf32, #tpu.memory_space<vmem>>, vector<2000x128xf32>,
    return
  }
  func.func @transform_0(%arg0: i32) -> (i32, i32) {
    %c0_i32 = arith.constant 0 : i32
    %c0_i32_0 = arith.constant 0 : i32
    return %arg0, %c0_i32 : i32, i32
  }
  func.func @transform_1(%arg0: i32) -> (i32, i32) {
    %c0_i32 = arith.constant 0 : i32
    %c0_i32_0 = arith.constant 0 : i32
    return %arg0, %c0_i32 : i32, i32
  }
  func.func @transform_2(%arg0: i32) -> (i32, i32) {
    %c0_i32 = arith.constant 0 : i32
    %c0_i32_0 = arith.constant 0 : i32
    return %arg0, %c0_i32 : i32, i32
  }
  func.func @transform_3(%arg0: i32) -> (i32, i32) {
    %c0_i32 = arith.constant 0 : i32
    %c0_i32_0 = arith.constant 0 : i32
    return %arg0, %c0_i32 : i32, i32
  }
  func.func @transform_4(%arg0: i32) -> (i32, i32) {
    %c0_i32 = arith.constant 0 : i32
    %c0_i32_0 = arith.constant 0 : i32
    %c0_i32_1 = arith.constant 0 : i32
    return %c0_i32, %c0_i32_0 : i32, i32
  }
  func.func @transform_5(%arg0: i32) -> (i32, i32) {
    %c0_i32 = arith.constant 0 : i32
    %c0_i32_0 = arith.constant 0 : i32
    %c0_i32_1 = arith.constant 0 : i32
    return %c0_i32, %c0_i32_0 : i32, i32
  }
  func.func @transform_6(%arg0: i32) -> (i32, i32) {
    %c0_i32 = arith.constant 0 : i32
    %c0_i32_0 = arith.constant 0 : i32
    %c0_i32_1 = arith.constant 0 : i32
    return %c0_i32, %c0_i32_0 : i32, i32
  }
  func.func @transform_7(%arg0: i32) -> (i32, i32) {
    %c0_i32 = arith.constant 0 : i32
    %c0_i32_0 = arith.constant 0 : i32
    %c0_i32_1 = arith.constant 0 : i32
    return %c0_i32, %c0_i32_0 : i32, i32
  }
  func.func @transform_8(%arg0: i32) -> (i32, i32) {
    %c0_i32 = arith.constant 0 : i32
    %c0_i32_0 = arith.constant 0 : i32
    %c0_i32_1 = arith.constant 0 : i32
    return %c0_i32, %c0_i32_0 : i32, i32
  }
  func.func @transform_9(%arg0: i32) -> (i32, i32) {
    %c0_i32 = arith.constant 0 : i32
    %c0_i32_0 = arith.constant 0 : i32
    %c0_i32_1 = arith.constant 0 : i32
    return %c0_i32, %c0_i32_0 : i32, i32
  }
  func.func @transform_10(%arg0: i32) -> (i32, i32) {
    %c0_i32 = arith.constant 0 : i32
    %c0_i32_0 = arith.constant 0 : i32
    %c0_i32_1 = arith.constant 0 : i32
    return %c0_i32, %c0_i32_0 : i32, i32
  }
  func.func @transform_11(%arg0: i32) -> (i32, i32) {
    %c0_i32 = arith.constant 0 : i32
    %c0_i32_0 = arith.constant 0 : i32
    %c0_i32_1 = arith.constant 0 : i32
    return %c0_i32, %c0_i32_0 : i32, i32
  }
  func.func @transform_12(%arg0: i32) -> (i32, i32) {
    %c0_i32 = arith.constant 0 : i32
    %c0_i32_0 = arith.constant 0 : i32
    %c0_i32_1 = arith.constant 0 : i32
    return %c0_i32, %c0_i32_0 : i32, i32
  }
  func.func @transform_13(%arg0: i32) -> (i32, i32) {
    %c0_i32 = arith.constant 0 : i32
    %c0_i32_0 = arith.constant 0 : i32
    return %arg0, %c0_i32 : i32, i32
  }
}

module attributes {stable_mosaic.version = 14 : i64} {
  func.func @body(%arg0: memref<10000x128xf32, #tpu.memory_space<vmem>>, %arg1: memref<128x128xf32, #tpu.memory_space<vmem>>, %arg2: memref<128x128xf32, #tpu.memory_space<vmem>>, %arg3: memref<128x128xf32, #tpu.memory_space<vmem>>, %arg4: memref<1x128xf32, #tpu.memory_space<vmem>>, %arg5: memref<128x128xf32, #tpu.memory_space<vmem>>, %arg6: memref<1x128xf32, #tpu.memory_space<vmem>>, %arg7: memref<10000x128xf32, #tpu.memory_space<vmem>>, %arg8: memref<10000x128xf32, #tpu.memory_space<vmem>>, %arg9: memref<1x128xf32, #tpu.memory_space<vmem>>) attributes {dimension_semantics = [], scalar_prefetch = 0 : i64, scratch_operands = 0 : i64, tpu.core_type = #tpu.core_type<tc>} {
    %get3A = arith.constant 0 : index
    %get3A_0 = arith.constant 0 : index
    %get3A_1 = vector.load %arg0[%get3A, %get3A_0] : memref<10000x128xf32, #tpu.memory_space<vmem>>, vector<10000x128xf32>
    %get3A_2 = arith.constant 0 : index
    %get3A_3 = arith.constant 0 : index
    %get3A_4 = vector.load %arg1[%get3A_2, %get3A_3] : memref<128x128xf32, #tpu.memory_space<vmem>>, vector<128x128xf32>
    %dot_general3A = arith.constant dense<0.000000e+00> : vector<10000x128xf32>
    %dot_general3A_5 = tpu.matmul %get3A_1, %get3A_4, %dot_general3A {dimension_numbers = #tpu.dot_dimension_numbers<[1], [0], [0], [1], [0, 0, 1, 1], [], []>, transpose_lhs_hint = false} : vector<10000x128xf32>, vector<128x128xf32>, vector<10000x128xf32> -> vector<10000x128xf32>
    %swap3A = arith.constant 0 : index
    %swap3A_6 = arith.constant 0 : index
    %swap3A_7 = vector.load %arg7[%swap3A, %swap3A_6] : memref<10000x128xf32, #tpu.memory_space<vmem>>, vector<10000x128xf32>
    tpu.vector_store %arg7[%swap3A, %swap3A_6], %dot_general3A_5 {strides = array<i32>} : memref<10000x128xf32, #tpu.memory_space<vmem>>, vector<10000x128xf32>,
    %get3A_8 = arith.constant 0 : index
    %get3A_9 = arith.constant 0 : index
    %get3A_10 = vector.load %arg2[%get3A_8, %get3A_9] : memref<128x128xf32, #tpu.memory_space<vmem>>, vector<128x128xf32>
    %dot_general3A_11 = arith.constant dense<0.000000e+00> : vector<10000x128xf32>
    %dot_general3A_12 = tpu.matmul %get3A_1, %get3A_10, %dot_general3A_11 {dimension_numbers = #tpu.dot_dimension_numbers<[1], [0], [0], [1], [0, 0, 1, 1], [], []>, transpose_lhs_hint = false} : vector<10000x128xf32>, vector<128x128xf32>, vector<10000x128xf32> -> vector<10000x128xf32>
    %swap3A_13 = arith.constant 0 : index
    %swap3A_14 = arith.constant 0 : index
    %swap3A_15 = vector.load %arg8[%swap3A_13, %swap3A_14] : memref<10000x128xf32, #tpu.memory_space<vmem>>, vector<10000x128xf32>
    tpu.vector_store %arg8[%swap3A_13, %swap3A_14], %dot_general3A_12 {strides = array<i32>} : memref<10000x128xf32, #tpu.memory_space<vmem>>, vector<10000x128xf32>,
    %reduce_sum3A = arith.constant dense<0.000000e+00> : vector<128xf32>
    %reduce_sum3A_16 = vector.multi_reduction <add>, %get3A_1, %reduce_sum3A [0] : vector<10000x128xf32> to vector<128xf32>
    %broadcast_in_dim3A = vector.shape_cast %reduce_sum3A_16 : vector<128xf32> to vector<1x128xf32>
    %div3A = arith.constant 1.000000e+04 : f32
    %div3A_17 = vector.broadcast %div3A : f32 to vector<1x128xf32>
    %div3A_18 = arith.divf %broadcast_in_dim3A, %div3A_17 : vector<1x128xf32>
    %get3A_19 = arith.constant 0 : index
    %get3A_20 = arith.constant 0 : index
    %get3A_21 = vector.load %arg3[%get3A_19, %get3A_20] : memref<128x128xf32, #tpu.memory_space<vmem>>, vector<128x128xf32>
    %dot_general3A_22 = arith.constant dense<0.000000e+00> : vector<1x128xf32>
    %dot_general3A_23 = tpu.matmul %div3A_18, %get3A_21, %dot_general3A_22 {dimension_numbers = #tpu.dot_dimension_numbers<[1], [0], [0], [1], [0, 0, 1, 1], [], []>, transpose_lhs_hint = false} : vector<1x128xf32>, vector<128x128xf32>, vector<1x128xf32> -> vector<1x128xf32>
    %get3A_24 = arith.constant 0 : index
    %get3A_25 = arith.constant 0 : index
    %get3A_26 = vector.load %arg4[%get3A_24, %get3A_25] : memref<1x128xf32, #tpu.memory_space<vmem>>, vector<1x128xf32>
    %add3A = arith.addf %dot_general3A_23, %get3A_26 : vector<1x128xf32>
    %integer_pow3A = arith.mulf %add3A, %add3A : vector<1x128xf32>
    %integer_pow3A_27 = arith.mulf %add3A, %integer_pow3A : vector<1x128xf32>
    %mul3A = arith.constant 4.471500e-02 : f32
    %mul3A_28 = vector.broadcast %mul3A : f32 to vector<1x128xf32>
    %mul3A_29 = arith.mulf %mul3A_28, %integer_pow3A_27 : vector<1x128xf32>
    %add3A_30 = arith.addf %add3A, %mul3A_29 : vector<1x128xf32>
    %mul3A_31 = arith.constant 0.797884583 : f32
    %mul3A_32 = vector.broadcast %mul3A_31 : f32 to vector<1x128xf32>
    %mul3A_33 = arith.mulf %mul3A_32, %add3A_30 : vector<1x128xf32>
    %tanh3A = math.tanh %mul3A_33 : vector<1x128xf32>
    %add3A_34 = arith.constant 1.000000e+00 : f32
    %add3A_35 = vector.broadcast %add3A_34 : f32 to vector<1x128xf32>
    %add3A_36 = arith.addf %add3A_35, %tanh3A : vector<1x128xf32>
    %mul3A_37 = arith.constant 5.000000e-01 : f32
    %mul3A_38 = vector.broadcast %mul3A_37 : f32 to vector<1x128xf32>
    %mul3A_39 = arith.mulf %mul3A_38, %add3A_36 : vector<1x128xf32>
    %mul3A_40 = arith.mulf %add3A, %mul3A_39 : vector<1x128xf32>
    %get3A_41 = arith.constant 0 : index
    %get3A_42 = arith.constant 0 : index
    %get3A_43 = vector.load %arg5[%get3A_41, %get3A_42] : memref<128x128xf32, #tpu.memory_space<vmem>>, vector<128x128xf32>
    %dot_general3A_44 = arith.constant dense<0.000000e+00> : vector<1x128xf32>
    %dot_general3A_45 = tpu.matmul %mul3A_40, %get3A_43, %dot_general3A_44 {dimension_numbers = #tpu.dot_dimension_numbers<[1], [0], [0], [1], [0, 0, 1, 1], [], []>, transpose_lhs_hint = false} : vector<1x128xf32>, vector<128x128xf32>, vector<1x128xf32> -> vector<1x128xf32>
    %get3A_46 = arith.constant 0 : index
    %get3A_47 = arith.constant 0 : index
    %get3A_48 = vector.load %arg6[%get3A_46, %get3A_47] : memref<1x128xf32, #tpu.memory_space<vmem>>, vector<1x128xf32>
    %add3A_49 = arith.addf %dot_general3A_45, %get3A_48 : vector<1x128xf32>
    %swap3A_50 = arith.constant 0 : index
    %swap3A_51 = arith.constant 0 : index
    %swap3A_52 = vector.load %arg9[%swap3A_50, %swap3A_51] : memref<1x128xf32, #tpu.memory_space<vmem>>, vector<1x128xf32>
    tpu.vector_store %arg9[%swap3A_50, %swap3A_51], %add3A_49 {strides = array<i32>} : memref<1x128xf32, #tpu.memory_space<vmem>>, vector<1x128xf32>,
    return
  }
}

module attributes {stable_mosaic.version = 14 : i64} {
  func.func @body(%arg0: i32, %arg1: memref<2000x128xf32, #tpu.memory_space<vmem>>, %arg2: memref<2000x128xf32, #tpu.memory_space<vmem>>, %arg3: memref<1x128xf32, #tpu.memory_space<vmem>>, %arg4: memref<128x128xf32, #tpu.memory_space<vmem>>, %arg5: memref<1x128xf32, #tpu.memory_space<vmem>>, %arg6: memref<1x128xf32, #tpu.memory_space<vmem>>, %arg7: memref<1x1xf32, #tpu.memory_space<vmem>>, %arg8: memref<2000x1xf32, #tpu.memory_space<vmem>>) attributes {dimension_semantics = [#tpu.dimension_semantics<arbitrary>], iteration_bounds = array<i64: 160>, scalar_prefetch = 0 : i64, scratch_operands = 0 : i64, tpu.core_type = #tpu.core_type<tc>, window_params = [{transform_indices = @transform_0, window_bounds = array<i64: 2000, 128>}, {transform_indices = @transform_1, window_bounds = array<i64: 2000, 128>}, {pipeline_mode = #tpu.pipeline_mode<synchronous>, transform_indices = @transform_2, window_bounds = array<i64: 1, 128>}, {pipeline_mode = #tpu.pipeline_mode<synchronous>, transform_indices = @transform_3, window_bounds = array<i64: 128, 128>}, {pipeline_mode = #tpu.pipeline_mode<synchronous>, transform_indices = @transform_4, window_bounds = array<i64: 1, 128>}, {pipeline_mode = #tpu.pipeline_mode<synchronous>, transform_indices = @transform_5, window_bounds = array<i64: 1, 128>}, {pipeline_mode = #tpu.pipeline_mode<synchronous>, transform_indices = @transform_6, window_bounds = array<i64: 1, 1>}, {transform_indices = @transform_7, window_bounds = array<i64: 2000, 1>}]} {
    %get3A = arith.constant 0 : index
    %get3A_0 = arith.constant 0 : index
    %get3A_1 = vector.load %arg1[%get3A, %get3A_0] : memref<2000x128xf32, #tpu.memory_space<vmem>>, vector<2000x128xf32>
    %get3A_2 = arith.constant 0 : index
    %get3A_3 = arith.constant 0 : index
    %get3A_4 = vector.load %arg2[%get3A_2, %get3A_3] : memref<2000x128xf32, #tpu.memory_space<vmem>>, vector<2000x128xf32>
    %add3A = arith.addf %get3A_1, %get3A_4 : vector<2000x128xf32>
    %get3A_5 = arith.constant 0 : index
    %get3A_6 = arith.constant 0 : index
    %get3A_7 = vector.load %arg3[%get3A_5, %get3A_6] : memref<1x128xf32, #tpu.memory_space<vmem>>, vector<1x128xf32>
    %add3A_8 = vector.broadcast %get3A_7 : vector<1x128xf32> to vector<2000x128xf32>
    %add3A_9 = arith.addf %add3A, %add3A_8 : vector<2000x128xf32>
    %convert_element_type3A = arith.truncf %add3A_9 : vector<2000x128xf32> to vector<2000x128xbf16>
    %integer_pow3A = arith.mulf %convert_element_type3A, %convert_element_type3A : vector<2000x128xbf16>
    %integer_pow3A_10 = arith.mulf %convert_element_type3A, %integer_pow3A : vector<2000x128xbf16>
    %mul3A = arith.constant 4.467770e-02 : bf16
    %mul3A_11 = vector.broadcast %mul3A : bf16 to vector<2000x128xbf16>
    %mul3A_12 = arith.mulf %mul3A_11, %integer_pow3A_10 : vector<2000x128xbf16>
    %add3A_13 = arith.addf %convert_element_type3A, %mul3A_12 : vector<2000x128xbf16>
    %mul3A_14 = arith.constant 7.968750e-01 : bf16
    %mul3A_15 = vector.broadcast %mul3A_14 : bf16 to vector<2000x128xbf16>
    %mul3A_16 = arith.mulf %mul3A_15, %add3A_13 : vector<2000x128xbf16>
    %tanh3A = math.tanh %mul3A_16 : vector<2000x128xbf16>
    %add3A_17 = arith.constant 1.000000e+00 : bf16
    %add3A_18 = vector.broadcast %add3A_17 : bf16 to vector<2000x128xbf16>
    %add3A_19 = arith.addf %add3A_18, %tanh3A : vector<2000x128xbf16>
    %mul3A_20 = arith.constant 5.000000e-01 : bf16
    %mul3A_21 = vector.broadcast %mul3A_20 : bf16 to vector<2000x128xbf16>
    %mul3A_22 = arith.mulf %mul3A_21, %add3A_19 : vector<2000x128xbf16>
    %mul3A_23 = arith.mulf %convert_element_type3A, %mul3A_22 : vector<2000x128xbf16>
    %get3A_24 = arith.constant 0 : index
    %get3A_25 = arith.constant 0 : index
    %get3A_26 = vector.load %arg4[%get3A_24, %get3A_25] : memref<128x128xf32, #tpu.memory_space<vmem>>, vector<128x128xf32>
    %convert_element_type3A_27 = arith.truncf %get3A_26 : vector<128x128xf32> to vector<128x128xbf16>
    %dot_general3A = arith.constant dense<0.000000e+00> : vector<2000x128xf32>
    %dot_general3A_28 = tpu.matmul %mul3A_23, %convert_element_type3A_27, %dot_general3A {dimension_numbers = #tpu.dot_dimension_numbers<[1], [0], [0], [1], [0, 0, 1, 1], [], []>, transpose_lhs_hint = false} : vector<2000x128xbf16>, vector<128x128xbf16>, vector<2000x128xf32> -> vector<2000x128xf32>
    %get3A_29 = arith.constant 0 : index
    %get3A_30 = arith.constant 0 : index
    %get3A_31 = vector.load %arg5[%get3A_29, %get3A_30] : memref<1x128xf32, #tpu.memory_space<vmem>>, vector<1x128xf32>
    %add3A_32 = vector.broadcast %get3A_31 : vector<1x128xf32> to vector<2000x128xf32>
    %add3A_33 = arith.addf %dot_general3A_28, %add3A_32 : vector<2000x128xf32>
    %convert_element_type3A_34 = arith.truncf %add3A_33 : vector<2000x128xf32> to vector<2000x128xbf16>
    %integer_pow3A_35 = arith.mulf %convert_element_type3A_34, %convert_element_type3A_34 : vector<2000x128xbf16>
    %integer_pow3A_36 = arith.mulf %convert_element_type3A_34, %integer_pow3A_35 : vector<2000x128xbf16>
    %mul3A_37 = arith.constant 4.467770e-02 : bf16
    %mul3A_38 = vector.broadcast %mul3A_37 : bf16 to vector<2000x128xbf16>
    %mul3A_39 = arith.mulf %mul3A_38, %integer_pow3A_36 : vector<2000x128xbf16>
    %add3A_40 = arith.addf %convert_element_type3A_34, %mul3A_39 : vector<2000x128xbf16>
    %mul3A_41 = arith.constant 7.968750e-01 : bf16
    %mul3A_42 = vector.broadcast %mul3A_41 : bf16 to vector<2000x128xbf16>
    %mul3A_43 = arith.mulf %mul3A_42, %add3A_40 : vector<2000x128xbf16>
    %tanh3A_44 = math.tanh %mul3A_43 : vector<2000x128xbf16>
    %add3A_45 = arith.constant 1.000000e+00 : bf16
    %add3A_46 = vector.broadcast %add3A_45 : bf16 to vector<2000x128xbf16>
    %add3A_47 = arith.addf %add3A_46, %tanh3A_44 : vector<2000x128xbf16>
    %mul3A_48 = arith.constant 5.000000e-01 : bf16
    %mul3A_49 = vector.broadcast %mul3A_48 : bf16 to vector<2000x128xbf16>
    %mul3A_50 = arith.mulf %mul3A_49, %add3A_47 : vector<2000x128xbf16>
    %mul3A_51 = arith.mulf %convert_element_type3A_34, %mul3A_50 : vector<2000x128xbf16>
    %convert_element_type3A_52 = arith.extf %mul3A_51 : vector<2000x128xbf16> to vector<2000x128xf32>
    %get3A_53 = arith.constant 0 : index
    %get3A_54 = arith.constant 0 : index
    %get3A_55 = vector.load %arg6[%get3A_53, %get3A_54] : memref<1x128xf32, #tpu.memory_space<vmem>>, vector<1x128xf32>
    %mul3A_56 = vector.broadcast %get3A_55 : vector<1x128xf32> to vector<2000x128xf32>
    %mul3A_57 = arith.mulf %convert_element_type3A_52, %mul3A_56 : vector<2000x128xf32>
    %reduce_sum3A = arith.constant dense<0.000000e+00> : vector<2000xf32>
    %reduce_sum3A_58 = vector.multi_reduction <add>, %mul3A_57, %reduce_sum3A [1] : vector<2000x128xf32> to vector<2000xf32>
    %broadcast_in_dim3A = vector.shape_cast %reduce_sum3A_58 : vector<2000xf32> to vector<2000x1xf32>
    %get3A_59 = arith.constant 0 : index
    %get3A_60 = arith.constant 0 : index
    %get3A_61 = vector.load %arg7[%get3A_59, %get3A_60] : memref<1x1xf32, #tpu.memory_space<vmem>>, vector<1x1xf32>
    %get3A_62 = vector.extract %get3A_61[0, 0] : f32 from vector<1x1xf32>
    %add3A_63 = vector.broadcast %get3A_62 : f32 to vector<2000x1xf32>
    %add3A_64 = arith.addf %broadcast_in_dim3A, %add3A_63 : vector<2000x1xf32>
    %logistic3A = arith.negf %add3A_64 : vector<2000x1xf32>
    %logistic3A_65 = math.exp %logistic3A : vector<2000x1xf32>
    %logistic3A_66 = arith.constant 1.000000e+00 : f32
    %logistic3A_67 = vector.broadcast %logistic3A_66 : f32 to vector<2000x1xf32>
    %logistic3A_68 = arith.addf %logistic3A_67, %logistic3A_65 : vector<2000x1xf32>
    %logistic3A_69 = arith.divf %logistic3A_67, %logistic3A_68 : vector<2000x1xf32>
    %swap3A = arith.constant 0 : index
    %swap3A_70 = arith.constant 0 : index
    %swap3A_71 = vector.load %arg8[%swap3A, %swap3A_70] : memref<2000x1xf32, #tpu.memory_space<vmem>>, vector<2000x1xf32>
    tpu.vector_store %arg8[%swap3A, %swap3A_70], %logistic3A_69 {strides = array<i32>} : memref<2000x1xf32, #tpu.memory_space<vmem>>, vector<2000x1xf32>,
    return
  }
  func.func @transform_0(%arg0: i32) -> (i32, i32) {
    %c0_i32 = arith.constant 0 : i32
    %c0_i32_0 = arith.constant 0 : i32
    return %arg0, %c0_i32 : i32, i32
  }
  func.func @transform_1(%arg0: i32) -> (i32, i32) {
    %c0_i32 = arith.constant 0 : i32
    %c0_i32_0 = arith.constant 0 : i32
    return %arg0, %c0_i32 : i32, i32
  }
  func.func @transform_2(%arg0: i32) -> (i32, i32) {
    %c0_i32 = arith.constant 0 : i32
    %c0_i32_0 = arith.constant 0 : i32
    %c0_i32_1 = arith.constant 0 : i32
    return %c0_i32, %c0_i32_0 : i32, i32
  }
  func.func @transform_3(%arg0: i32) -> (i32, i32) {
    %c0_i32 = arith.constant 0 : i32
    %c0_i32_0 = arith.constant 0 : i32
    %c0_i32_1 = arith.constant 0 : i32
    return %c0_i32, %c0_i32_0 : i32, i32
  }
  func.func @transform_4(%arg0: i32) -> (i32, i32) {
    %c0_i32 = arith.constant 0 : i32
    %c0_i32_0 = arith.constant 0 : i32
    %c0_i32_1 = arith.constant 0 : i32
    return %c0_i32, %c0_i32_0 : i32, i32
  }
  func.func @transform_5(%arg0: i32) -> (i32, i32) {
    %c0_i32 = arith.constant 0 : i32
    %c0_i32_0 = arith.constant 0 : i32
    %c0_i32_1 = arith.constant 0 : i32
    return %c0_i32, %c0_i32_0 : i32, i32
  }
  func.func @transform_6(%arg0: i32) -> (i32, i32) {
    %c0_i32 = arith.constant 0 : i32
    %c0_i32_0 = arith.constant 0 : i32
    %c0_i32_1 = arith.constant 0 : i32
    return %c0_i32, %c0_i32_0 : i32, i32
  }
  func.func @transform_7(%arg0: i32) -> (i32, i32) {
    %c0_i32 = arith.constant 0 : i32
    %c0_i32_0 = arith.constant 0 : i32
    return %arg0, %c0_i32 : i32, i32
  }
}

</mosaic_0001>

<sc_bundles>
// kernel: kernel.13.cloned.1.call-start
scs
__scs_entry_jumppad:
0x0: {  	(pc) =	sbr.rel $0x88, $3  }
0x1: {  	(tag) =	ssettag $0x0;
	lr =	simm.s32 $0x1  }
0x2: {  	[smem:$0x3F73] =	sst lr;
	_ =	strace $0xD0000000  }
0x3: {  	_ = 	snop  }
0x4: {  	_ = 	snop  }
0x5: {  	_ = 	snop  }
0x6: {  	_ = 	snop  }
0x7: {  	_ = 	snop  }
__scs_overlays_trampoline_lowered:
0x8: {  	[smem:$0x3F82] =	sst s0  }
0x9: {  	[smem:$0x3F83] =	sst s1  }
0xa: {  	[smem:$0x3F84] =	sst s2  }
0xb: {  	[smem:$0x3F85] =	sst s3  }
0xc: {  	[smem:$0x3F86] =	sst s4  }
0xd: {  	[smem:$0x3F87] =	sst s5  }
0xe: {  	[smem:$0x3F88] =	sst s6  }
0xf: {  	[smem:$0x3F89] =	sst s7  }
0x10: {  	[smem:$0x3F8A] =	sst s8  }
0x11: {  	[smem:$0x3F8B] =	sst s9;
	s0 =	simm.s32 @!p0 $0x0  }
0x12: {  	s1 =	sld [smem:$0x3F71];
	s0 =	simm.s32 @p0 $0x1  }
0x13: {  	[smem:$0x3F8C] =	sst s0;
	s0 =	simm.s32 @!p1 $0x0  }
0x14: {  	s2 =	sld [smem:$0x3F70];
	s0 =	simm.s32 @p1 $0x1  }
0x15: {  	[smem:$0x3F8D] =	sst s0;
	s0 =	simm.s32 @!p2 $0x0  }
0x16: {  	s3 =	sld [smem:$0x3FDB];
	s0 =	simm.s32 @p2 $0x1  }
0x17: {  	s4 =	simm.s32 $0x1BF5;
	[smem:$0x3F8F] =	sst s0  }
0x18: {  	s0 =	sld [smem:$0x3F72];
	_ =	swait.ge [sflag:s4], $0x0  }
0x19: {  	s7 =	sld [smem:$0x3F73]  }
0x1a: {  	s8 =	sadd.s32 $0xFFFFE003, lr  }
0x1b: {  	s9 =	sadd.s32 $0xFFFFFEF7, lr;
	s5 =	simm.s32 $0xFFFFFFFF;
	p2 =	slt.u32 s8, $0xFFFFF086  }
0x1c: {  	p1 =	slt.u32 s9, $0xF7A;
	s5 =	simm.s32 @!p2 $0x0  }
0x1d: {  	s5 =	simm.s32 @p1 $0x1;
	p0 =	seq.s32 s7, s2  }
0x1e: {  	s7 =	smul.u32 @!p0 $0xF7A, s2;
	p2 =	seq.s32 @!p0 s5, $0x0  }
0x1f: {  	s9 =	smul.u32 $0xF7A, s1;
	s8 =	simm.s32 @!p0 $0x1BF5;
	p2 =	por !p2, p0  }
0x20: {  	[sflag:s8] =	ssyncset.s32 @!p0 $0xFFFFF086;
	s6 =	sadd.s32 @!p0 s3, s7;
	s7 =	simm.s32 @!p0 $0x108  }
0x21: {  	s3 =	sadd.s32 s3, s9;
	s6 =	sadd.s32 @!p0 $0x88, s6;
	s7 =	simm.s32 @p2 $0x1082  }
0x22: {  	[simem:s7], [sflag:s8] =	dma.local @!p0 [hbm:s6], $0xF7A  }
0x23: {  	s9 =	sor.u32 $0xD0000000, s2;
	s6 =	simm.s32 $0x108;
	_ =	swait.ge @!p0 [sflag:s8], $0x0  }
0x24: {  	s3 =	sadd.s32 $0x88, s3;
	s6 =	simm.s32 @!p1 $0x1082;
	[sflag:s4] =	ssyncset.s32 $0xFFFFF086  }
0x25: {  	[simem:s6], [sflag:s4] =	dma.local [hbm:s3], $0xF7A  }
0x26: {  	[smem:$0x3F73] =	sst s1;
	(tag) =	ssettag s2;
	_ =	strace s9  }
0x27: {  	s1 =	sld [smem:$0x3F83]  }
0x28: {  	s2 =	sld [smem:$0x3F84]  }
0x29: {  	s4 =	sld [smem:$0x3F86]  }
0x2a: {  	p0 =	seq.s32 s5, $0x0;
	s5 =	sld [smem:$0x3F87]  }
0x2b: {  	s6 =	sld [smem:$0x3F88]  }
0x2c: {  	s7 =	sld [smem:$0x3F89]  }
0x2d: {  	s3 =	simm.s32 $0x108;
	s8 =	sld [smem:$0x3F8A]  }
0x2e: {  	s3 =	simm.s32 @!p0 $0x1082;
	s9 =	sld [smem:$0x3F8B]  }
0x2f: {  	lr =	sadd.s32 s0, s3;
	s0 =	sld [smem:$0x3F82]  }
0x30: {  	s3 =	sld [smem:$0x3F85]  }
0x31: {  	[smem:$0x3F8E] =	sst s10  }
0x32: {  	s10 =	sld [smem:$0x3F8C];
	_ =	sdelay $0x3  }
0x33: {  	p0 =	seq.s32 s10, $0x1;
	s10 =	sld [smem:$0x3F8E];
	_ =	sdelay $0x3  }
0x34: {  	[smem:$0x3F8E] =	sst s10  }
0x35: {  	s10 =	sld [smem:$0x3F8D];
	_ =	sdelay $0x3  }
0x36: {  	p1 =	seq.s32 s10, $0x1;
	s10 =	sld [smem:$0x3F8E];
	_ =	sdelay $0x3  }
0x37: {  	[smem:$0x3F8E] =	sst s10  }
0x38: {  	s10 =	sld [smem:$0x3F8F]  }
0x39: {  	_ = 	snop;
	(pc) =	sbr.ind lr, $3  }
0x3a: {  	_ = 	snop  }
0x3b: {  	_ = 	snop  }
0x3c: {  	p2 =	seq.s32 s10, $0x1;
	s10 =	sld [smem:$0x3F8E]  }
0x3d: {  	_ =	shalt  }
0x3e: {  	_ =	shalt  }
0x3f: {  	_ =	shalt  }
0x40: {  	_ =	shalt  }
0x41: {  	_ =	shalt  }
0x42: {  	_ =	shalt  }
0x43: {  	_ =	shalt  }
0x44: {  	_ =	shalt  }
0x45: {  	_ =	shalt  }
0x46: {  	_ =	shalt  }
0x47: {  	_ =	shalt  }
0x48: {  	_ =	shalt  }
0x49: {  	_ =	shalt  }
0x4a: {  	_ =	shalt  }
0x4b: {  	_ =	shalt  }
0x4c: {  	_ =	shalt  }
0x4d: {  	_ =	shalt  }
0x4e: {  	_ =	shalt  }
0x4f: {  	_ =	shalt  }
0x50: {  	_ =	shalt  }
0x51: {  	_ =	shalt  }
0x52: {  	_ =	shalt  }
0x53: {  	_ =	shalt  }
0x54: {  	_ =	shalt  }
0x55: {  	_ =	shalt  }
0x56: {  	_ =	shalt  }
0x57: {  	_ =	shalt  }
0x58: {  	_ =	shalt  }
0x59: {  	_ =	shalt  }
0x5a: {  	_ =	shalt  }
0x5b: {  	_ =	shalt  }
0x5c: {  	_ =	shalt  }
0x5d: {  	_ =	shalt  }
0x5e: {  	_ =	shalt  }
0x5f: {  	_ =	shalt  }
0x60: {  	_ =	shalt  }
0x61: {  	_ =	shalt  }
0x62: {  	_ =	shalt  }
0x63: {  	_ =	shalt  }
0x64: {  	_ =	shalt  }
0x65: {  	_ =	shalt  }
0x66: {  	_ =	shalt  }
0x67: {  	_ =	shalt  }
0x68: {  	_ =	shalt  }
0x69: {  	_ =	shalt  }
0x6a: {  	_ =	shalt  }
0x6b: {  	_ =	shalt  }
0x6c: {  	_ =	shalt  }
0x6d: {  	_ =	shalt  }
0x6e: {  	_ =	shalt  }
0x6f: {  	_ =	shalt  }
0x70: {  	_ =	shalt  }
0x71: {  	_ =	shalt  }
0x72: {  	_ =	shalt  }
0x73: {  	_ =	shalt  }
0x74: {  	_ =	shalt  }
0x75: {  	_ =	shalt  }
0x76: {  	_ =	shalt  }
0x77: {  	_ =	shalt  }
0x78: {  	_ =	shalt  }
0x79: {  	_ =	shalt  }
0x7a: {  	_ =	shalt  }
0x7b: {  	_ =	shalt  }
0x7c: {  	_ =	shalt  }
0x7d: {  	_ =	shalt  }
0x7e: {  	_ =	shalt  }
0x7f: {  	_ =	shalt  }
0x80: {  	_ =	shalt  }
0x81: {  	_ =	shalt  }
0x82: {  	_ =	shalt  }
0x83: {  	_ =	shalt  }
0x84: {  	_ =	shalt  }
0x85: {  	_ =	shalt  }
0x86: {  	_ =	shalt  }
0x87: {  	_ =	shalt  }
.Lfunc_end0:
.L_simem_size_0:
called_computation_lowered:
.L_overlay_start_0:
0x88: {  	s2 =	sld [smem:$0x3FD9]  }
0x89: {  	s3 =	sld [smem:$0x3FFE];
	_ =	sdelay $0x1  }
0x8a: {  	s1 =	srdreg.scid  }
0x8b: {  	s0 =	sand.u32 $0x1, s1  }
0x8c: {  	s14 =	sshll.u32 s0, $0xA;
	s2 =	sadd.s32 s3, s2  }
0x8d: {  	s2 =	sadd.s32 s2, s14  }
0x8e: {  	[smem:$0x3F9A] =	sst s2  }
0x8f: {  	_ = 	snop  }
0x90: {  	s2 =	sld [smem:$0x3FD0];
	_ =	sdelay $0x2  }
0x91: {  	s15 =	simm.s32 $0xA;
	s4 =	simm.s32 $0x10  }
0x92: {  	[smem:s4], [sflag:s15] =	dma.local [hbm:s2], $0x1  }
0x93: {  	_ =	swait.eq [sflag:s15], $0x1  }
0x94: {  	[sflag:s15] =	ssyncset.done $0x0  }
0x95: {  	[sflag:s15] =	ssyncadd.s32 $0xFFFFFFFF  }
0x96: {  	s16 =	sld [smem:$0x10];
	(tm) =	ssettm $0x1  }
0x97: {  	s17 =	sld [smem:$0x3FFB];
	_ =	sdelay $0x3  }
0x98: {  	_ =	strace s17  }
0x99: {  	s3 =	sld [smem:$0x3FFC];
	_ =	sdelay $0x3  }
0x9a: {  	_ =	strace s3  }
0x9b: {  	s3 =	sld [smem:$0x3FFD];
	_ =	sdelay $0x3  }
0x9c: {  	_ =	strace s3  }
0x9d: {  	_ =	strace $0x8FFFFFFF  }
0x9e: {  	s18 =	sld [smem:$0x3FDB];
	_ =	sdelay $0x1  }
0x9f: {  	s19 =	simm.s32 $_scs_section_size  }
0xa0: {  	s5 =	simm.s32 $_size__tile_overlayer_lowered;
	s6 =	simm.s32 $_tile_overlayer_lowered  }
0xa1: {  	s22 =	simm.s32 $0x1BFF;
	s21 =	sshll.u32 s6, $0x1;
	s3 =	sadd.s32 s19, s18  }
0xa2: {  	s7 =	simm.s32 $0x0;
	s20 =	sshll.u32 s5, $0x1;
	s5 =	sadd.s32 s21, s3  }
0xa3: {  	[timem:s7], [sflag:s22] =	dma.local [hbm:s5], s20  }
0xa4: {  	_ =	swait.ge [sflag:s22], s20  }
0xa5: {  	s4 =	ssub.s32 $0x0, s20;
	[sflag:s22] =	ssyncset.done $0x0  }
0xa6: {  	[sflag:s22] =	ssyncadd.s32 s4;
	_ =	sdelay $0x1  }
0xa7: {  	s23 =	simm.s32 $0x1B8B  }
0xa8: {  	_ =	swait.ge [sflag:s23], $0x1  }
0xa9: {  	[sflag:s23] =	ssyncset.done $0x0  }
0xaa: {  	s25 =	simm.s32 $0x1B8E;
	s24 =	sld [smem:$0x3FFE];
	[sflag:s23] =	ssyncadd.s32 $0xFFFFFFFF  }
0xab: {  	s26 =	simm.s32 $execute0_lowered;
	[smem:$0x3FD2] =	sst s25  }
0xac: {  	s5 =	sshll.u32 s26, $0x1;
	_ =	strace $0x80000046;
	[dreg:$0x1] =	wrdreg $0xFFFFFFFF  }
0xad: {  	s28 =	simm.s32 $_size_execute0_lowered;
	s3 =	sadd.s32 s3, s5;
	[dreg:$0x0] =	wrdreg $0x0  }
0xae: {  	s5 =	sshll.u32 s28, $0x1;
	[dreg:$0x2] =	wrdreg s3  }
0xaf: {  	[dreg:$0x3] =	wrdreg s5  }
0xb0: {  	[dreg:$0x4] =	wrdreg $0xC0  }
0xb1: {  	_ =	task [dreg:s7], $0x5FFFF  }
0xb2: {  	[dreg:$0x1] =	wrdreg $0xFFFFFFFF  }
0xb3: {  	[dreg:$0x0] =	wrdreg $0x60  }
0xb4: {  	[dreg:$0x2] =	wrdreg s16  }
0xb5: {  	[dreg:$0x3] =	wrdreg s24  }
0xb6: {  	[dreg:$0x4] =	wrdreg $0x8A000  }
0xb7: {  	[dreg:$0x5] =	wrdreg $0x9  }
0xb8: {  	_ =	task.clear_ibuf [dreg:s7], $0x6FFFF;
	_ =	strace $0x90000046  }
0xb9: {  	s29 =	simm.s32 $0x9;
	_ =	strace $0x80000048  }
0xba: {  	_ =	swait.ge [sflag:s29], $0x1  }
0xbb: {  	[sflag:s29] =	ssyncadd.s32 $0xFFFFFFFF  }
0xbc: {  	_ =	strace $0x90000048  }
0xbd: {  	_ =	sfence  }
0xbe: {  	s30 =	sld [smem:$0x0];
	_ =	sdelay $0x2  }
0xbf: {  	s31 =	sshll.u32 s1, $0xD;
	s1 =	sshrl.u32 s1, $0x2  }
0xc0: {  	s3 =	sand.u32 $0x4000, s31;
	s1 =	sadd.s32 s1, s30  }
0xc1: {  	s0 =	sor.u32 s3, s0;
	s1 =	sshll.u32 s1, $0x11  }
0xc2: {  	s0 =	sor.u32 s1, s0  }
0xc3: {  	s0 =	sadd.s32 $0x8F2B, s0  }
0xc4: {  	[sflag:s0] =	ssyncadd.remote.s32 $0x1  }
0xc5: {  	_ =	sfence.sel $0xFFFF  }
0xc6: {  	[dreg:$0x0] =	wrdreg $0xFFFFFFFF;
	(pc) =	sbr.abs _section_cstart, $3  }
0xc7: {  	[dreg:$0x1] =	wrdreg $0xFFFFFFFF  }
0xc8: {  	_ =	task.clear_ibuf [dreg:s7], $0x2FFFF;
	_ =	strace $0x9FFFFFFF  }
0xc9: {  	(tm) =	ssettm $0x7FFFFFFF  }
tec
execute0_lowered:
.L_overlay_start_1:
0x0: {  	(tag) =	ssettag $0x1  }
0x1: {  	s1 =	rddreg [dreg:$0x0]  }
0x2: {  	s0 =	rddreg [dreg:$0x1]  }
0x3: {  	s2 =	rddreg [dreg:$0x2];
	s3 =	srdreg.scid;
	s4 =	simm.s32 $0x0  }
0x4: {  	s20 =	stileid.u32;
	s28 =	simm.s32 $0x200;
	s29 =	simm.s32 $0x2  }
0x5: {  	s30 =	simm.s32 $0x4200;
	s31 =	simm.s32 $0x3;
	s11 =	smul.u32 $0x50000, s20  }
0x6: {  	s9 =	sand.u32 $0x1, s3;
	[smem:$0x7FF] =	sst s4;
	s17 =	smul.u32 $0x2800, s20  }
0x7: {  	s5 =	sshll.u32 s9, $0x4;
	s7 =	smul.u32 $0x28000, s9;
	_ =	strace $0x80000047  }
0x8: {  	s10 =	ssub.s32 $0x2, s9;
	p0 =	seq.s32 s9, $0x1;
	s6 =	sor.u32 s20, s5  }
0x9: {  	s5 =	sadd.s32 $0x12800, s0;
	s13 =	sshrl.u32 s10, $0x1;
	s21 =	sshrl.u32 s11, $0x2  }
0xa: {  	s11 =	sshll.u32 s20, $0x8;
	s8 =	smul.u32 $0x500, s6;
	s6 =	sadd.s32 $0x8800, s0  }
0xb: {  	s12 =	sadd.s32 s7, s0;
	s7 =	smul.u32 $0x900, s20;
	s13 =	ssub.s32 s10, s13  }
0xc: {  	s24 =	sor.u32 $0x9000, s11;
	s26 =	sor.u32 $0x9010, s11;
	s20 =	simm.s32 $0x8200  }
0xd: {  	s25 =	sadd.s32 s5, s24;
	s16 =	sadd.s32 s5, s26;
	s12 =	sadd.s32 $0x26800, s12  }
0xe: {  	s19 =	smax.u32 s13, $0x1;
	s13 =	simm.s32 $0x0;
	[dreg:$0xc] =	wrdreg s25  }
0xf: {  	s0 =	sadd.s32 s8, s0;
	s22 =	sadd.s32 s5, s7;
	[dreg:$0xe] =	wrdreg s16  }
0x10: {  	s23 =	sadd.s32 s6, s7;
	s14 =	sor.u32 $0x10, s7;
	[dreg:$0x8] =	wrdreg s22  }
0x11: {  	s8 =	sadd.s32 s21, s2;
	s15 =	sadd.s32 s5, s14;
	[dreg:$0x9] =	wrdreg s23  }
0x12: {  	s25 =	sadd.s32 s11, s6;
	s14 =	sadd.s32 s6, s14;
	[dreg:$0xa] =	wrdreg s15  }
0x13: {  	s18 =	sadd.s32 $0x1C800, s0;
	s21 =	sadd.s32 $0x20, s22;
	[dreg:$0xb] =	wrdreg s14  }
0x14: {  	s22 =	sadd.s32 $0x20, s23;
	s23 =	sadd.s32 s11, s5;
	[dreg:$0x4] =	wrdreg s21  }
0x15: {  	s0 =	simm.s32 $0x1CA00;
	s14 =	sadd.s32 s6, s24;
	[dreg:$0x5] =	wrdreg s22  }
.Ltmp0:
0x16: {  	s24 =	sadd.s32 $0x9020, s23;
	s21 =	simm.s32 $0x5;
	(pc) =	sbr.rel .LBB2_1-.Ltmp0, $4  }
0x17: {  	s22 =	simm.s32 $0x100;
	s23 =	simm.s32 $0x80;
	[dreg:$0xd] =	wrdreg s14  }
0x18: {  	s14 =	sadd.s32 s6, s26;
	[dreg:$0x6] =	wrdreg s24;
	s26 =	sadd.s32 $0x9020, s25  }
0x19: {  	s24 =	sadd.s32 s17, s12;
	s25 =	simm.s32 $0x180;
	[dreg:$0xf] =	wrdreg s14  }
0x1a: {  	v0 =	vimm.f32 $0.0e+00;
	v1 =	vimm.f32 $1.000000000e+00;
	s12 =	simm.s32 $0x4;
	[dreg:$0x7] =	wrdreg s26;
	s26 =	simm.s32 $0x1  }
.LBB2_12:
0x1b: {  	_ =	swait.ge [sflag:s12], $0x4000  }
0x1c: {  	[sflag:s12] =	ssyncset.done $0x0  }
0x1d: {  	[sflag:s12] =	ssyncadd.s32 $0xFFFFC000  }
0x1e: {  	[spmem:s2] =	stream.indirect.scatter.add.f32 [tilespmem:s30], [sflag:$0x5], $0x80, s25, s23, $0xb8;
	[tilespmem:$0x1F200] =	vst v63  }
0x1f: {  	_ =	swait.ge [sflag:s21], $0x4000  }
0x20: {  	[sflag:s21] =	ssyncset.done $0x0  }
0x21: {  	[sflag:s21] =	ssyncadd.s32 $0xFFFFC000  }
0x22: {  	v2 =	vld [tilespmem:$0x180];
	_ =	sdelay $0x7  }
0x23: {  	[tilespmem:v2+s0+$0x0] =	vst.idx.add.f32.msk $0xffff, v1  }
0x24: {  	v2 =	vld [tilespmem:$0x190];
	_ =	sdelay $0x7  }
0x25: {  	[tilespmem:v2+s0+$0x0] =	vst.idx.add.f32.msk $0xffff, v1  }
0x26: {  	v2 =	vld [tilespmem:$0x1A0];
	_ =	sdelay $0x7  }
0x27: {  	[tilespmem:v2+s0+$0x0] =	vst.idx.add.f32.msk $0xffff, v1  }
0x28: {  	v2 =	vld [tilespmem:$0x1B0];
	_ =	sdelay $0x7  }
0x29: {  	[tilespmem:v2+s0+$0x0] =	vst.idx.add.f32.msk $0xffff, v1  }
0x2a: {  	v2 =	vld [tilespmem:$0x1C0];
	_ =	sdelay $0x7  }
0x2b: {  	[tilespmem:v2+s0+$0x0] =	vst.idx.add.f32.msk $0xffff, v1  }
0x2c: {  	v2 =	vld [tilespmem:$0x1D0];
	_ =	sdelay $0x7  }
0x2d: {  	[tilespmem:v2+s0+$0x0] =	vst.idx.add.f32.msk $0xffff, v1  }
0x2e: {  	v2 =	vld [tilespmem:$0x1E0];
	_ =	sdelay $0x7  }
0x2f: {  	[tilespmem:v2+s0+$0x0] =	vst.idx.add.f32.msk $0xffff, v1  }
0x30: {  	v2 =	vld [tilespmem:$0x1F0];
	_ =	sdelay $0x6  }
0x31: {  	s3 =	stileid.u32  }
0x32: {  	s3 =	sshll.u32 s3, $0x6;
	[tilespmem:v2+s0+$0x0] =	vst.idx.add.f32.msk $0xffff, v1  }
0x33: {  	s9 =	sshrl.u32 s8, $0x3;
	s3 =	sor.u32 $0x1C05, s3;
	[bflag:$0x0] =	sbarrier.arrive $0xFFFF  }
0x34: {  	[hbm:s24], [sflag:s3] =	dma.local [spmem:s9], $0x2800  }
0x35: {  	s13 =	sadd.s32 $0x1, s13;
	_ =	swait.ge [sflag:s21], $0x2800  }
0x36: {  	p1 =	sne.s32 s13, s19;
	[sflag:s21] =	ssyncset.done $0x0  }
.Ltmp1:
0x37: {  	[sflag:s21] =	ssyncadd.s32 $0xFFFFD800;
	(pc) =	sbr.rel @!p1 .LBB2_13-.Ltmp1, $4  }
0x38: {  	[hbm4b:s18+s4] =	stream.linear.scatter [tilespmem:s0], [sflag:$0x5], $0x2800, $0x38;
	[tilespmem:$0x1F200] =	vst v63  }
0x39: {  	_ =	swait.ge [sflag:s21], $0x2800  }
0x3a: {  	[sflag:s21] =	ssyncset.done $0x0  }
0x3b: {  	[sflag:s21] =	ssyncadd.s32 $0xFFFFD800  }
.LBB2_1:
0x3c: {  	s14 =	simm.s32 $0x0;
	s15 =	simm.s32 $0x200  }
.LBB2_2:
0x3d: {  	p1 =	sne.s32 s15, $0x1E00;
	[tilespmem:s14+$0x8270] =	vst v0  }
0x3e: {  	[tilespmem:s14+$0x8200] =	vst v0  }
0x3f: {  	[tilespmem:s14+$0x8210] =	vst v0  }
.Ltmp2:
0x40: {  	[tilespmem:s14+$0x8220] =	vst v0;
	(pc) =	sbr.rel @p1 .LBB2_2-.Ltmp2, $4  }
0x41: {  	[tilespmem:s14+$0x8230] =	vst v0  }
0x42: {  	[tilespmem:s14+$0x8240] =	vst v0  }
0x43: {  	[tilespmem:s14+$0x8250] =	vst v0  }
0x44: {  	[tilespmem:s14+$0x8260] =	vst v0;
	s14 =	sshra.s32 s15, $0x2;
	s15 =	sadd.s32 $0x200, s15  }
0x45: {  	[tilespmem:s14+$0x8270] =	vst v0  }
0x46: {  	[tilespmem:s14+$0x8200] =	vst v0  }
0x47: {  	[tilespmem:s14+$0x8210] =	vst v0  }
0x48: {  	[tilespmem:s14+$0x8220] =	vst v0  }
0x49: {  	[tilespmem:s14+$0x8230] =	vst v0  }
0x4a: {  	[tilespmem:s14+$0x8240] =	vst v0  }
0x4b: {  	[tilespmem:s14+$0x8250] =	vst v0  }
0x4c: {  	[tilespmem:s14+$0x8260] =	vst v0;
	s17 =	sadd.s32 $0x0, s8  }
0x4d: {  	[spmem:s17] =	stream.linear.scatter [tilespmem:s20], [sflag:$0x5], $0x800, $0x38;
	[tilespmem:$0x1F200] =	vst v63  }
0x4e: {  	s14 =	simm.s32 $0x0;
	s15 =	simm.s32 $0x2000;
	_ =	swait.ge [sflag:s21], $0x800  }
.LBB2_4:
0x4f: {  	s16 =	sshra.s32 s15, $0x2;
	[sflag:s21] =	ssyncset.done $0x0;
	p1 =	sne.s32 s15, $0x4E000  }
.Ltmp3:
0x50: {  	s16 =	sadd.s32 s16, s8;
	[sflag:s21] =	ssyncadd.s32 $0xFFFFF800;
	(pc) =	sbr.rel @p1 .LBB2_4-.Ltmp3, $3  }
0x51: {  	[spmem:s16] =	stream.linear.scatter [tilespmem:s20], [sflag:$0x5], $0x800, $0x38;
	[tilespmem:$0x1F200] =	vst v63  }
0x52: {  	s15 =	sadd.s32 $0x2000, s15;
	_ =	sdelay $0x1  }
0x53: {  	_ =	swait.ge [sflag:s21], $0x800  }
0x54: {  	[sflag:s21] =	ssyncset.done $0x0  }
0x55: {  	s15 =	simm.s32 $0x200;
	[sflag:s21] =	ssyncadd.s32 $0xFFFFF800  }
.LBB2_6:
0x56: {  	p1 =	sne.s32 s15, $0x9E00;
	[tilespmem:s14+$0x1CA70] =	vst v0  }
0x57: {  	[tilespmem:s14+$0x1CA00] =	vst v0  }
0x58: {  	[tilespmem:s14+$0x1CA10] =	vst v0  }
.Ltmp4:
0x59: {  	[tilespmem:s14+$0x1CA20] =	vst v0;
	(pc) =	sbr.rel @p1 .LBB2_6-.Ltmp4, $4  }
0x5a: {  	[tilespmem:s14+$0x1CA30] =	vst v0  }
0x5b: {  	[tilespmem:s14+$0x1CA40] =	vst v0  }
0x5c: {  	[tilespmem:s14+$0x1CA50] =	vst v0  }
0x5d: {  	[tilespmem:s14+$0x1CA60] =	vst v0;
	s14 =	sshra.s32 s15, $0x2;
	s15 =	sadd.s32 $0x200, s15  }
0x5e: {  	[tilespmem:s14+$0x1CA70] =	vst v0  }
0x5f: {  	[tilespmem:s14+$0x1CA00] =	vst v0  }
0x60: {  	[tilespmem:s14+$0x1CA10] =	vst v0  }
0x61: {  	[tilespmem:s14+$0x1CA20] =	vst v0  }
0x62: {  	[tilespmem:s14+$0x1CA30] =	vst v0  }
.Ltmp5:
0x63: {  	[tilespmem:s14+$0x1CA40] =	vst v0;
	(pc) =	sbr.rel @!p0 .LBB2_8-.Ltmp5, $4  }
0x64: {  	[tilespmem:s14+$0x1CA50] =	vst v0  }
0x65: {  	[tilespmem:s14+$0x1CA60] =	vst v0  }
0x66: {  	[bflag:$0x0] =	sbarrier.arrive $0xFFFF  }
0x67: {  	s14 =	simm.s32 $0x0  }
0x68: {  	s3 =	rddreg [dreg:$0xc]  }
0x69: {  	[tilespmem:s14], [sflag:$0x1] =	stream.linear.gather [hbm4b:s3+s14], $0x80, $0x38;
	[tilespmem:$0x1F200] =	vst v63  }
0x6a: {  	s15 =	rddreg [dreg:$0xd]  }
0x6b: {  	[tilespmem:s22], [sflag:$0x1] =	stream.linear.gather [hbm4b:s15+s14], $0x80, $0x38;
	[tilespmem:$0x1F200] =	vst v63  }
0x6c: {  	s16 =	rddreg [dreg:$0xe]  }
0x6d: {  	[tilespmem:s23], [sflag:$0x2] =	stream.linear.gather [hbm4b:s16+s14], $0x80, $0x38;
	[tilespmem:$0x1F200] =	vst v63  }
0x6e: {  	s17 =	rddreg [dreg:$0xf];
	s15 =	simm.s32 $0x1  }
0x6f: {  	[tilespmem:s25], [sflag:$0x2] =	stream.linear.gather [hbm4b:s17+s14], $0x80, $0x38;
	[tilespmem:$0x1F200] =	vst v63  }
.LBB2_11:
0x70: {  	_ =	swait.ge [sflag:s26], $0x80  }
0x71: {  	[sflag:s26] =	ssyncset.done $0x0  }
0x72: {  	[sflag:s26] =	ssyncadd.s32 $0xFFFFFF80  }
0x73: {  	_ =	swait.ge [sflag:s26], $0x80  }
0x74: {  	p1 =	seq.s32 s14, $0x0;
	[sflag:s26] =	ssyncset.done $0x0  }
0x75: {  	s3 =	simm.s32 @!p1 $0x4;
	[sflag:s26] =	ssyncadd.s32 $0xFFFFFF80  }
0x76: {  	[tilespmem:s28], [sflag:$0x3] =	stream.indirect.gather [hbm4b:s1+s23], $0x80, s4, s23, $0xb8;
	[tilespmem:$0x1F200] =	vst v63  }
0x77: {  	_ =	swait.ge @!p1 [sflag:s3], $0x4000  }
0x78: {  	s9 =	simm.s32 @!p1 $0x180;
	[sflag:s3] =	ssyncset.done @!p1 $0x0  }
0x79: {  	s10 =	simm.s32 @!p1 $0x4200;
	[sflag:s3] =	ssyncadd.s32 @!p1 $0xFFFFC000;
	s3 =	simm.s32 @!p1 $0x80  }
0x7a: {  	[spmem:s2] =	stream.indirect.scatter.add.f32 @!p1 [tilespmem:s10], [sflag:$0x5], $0x80, s9, s3, $0xb8;
	[tilespmem:$0x1F200] =	vst v63  }
0x7b: {  	s10 =	simm.s32 @!p1 $0x5  }
0x7c: {  	_ =	swait.ge @!p1 [sflag:s10], $0x4000  }
0x7d: {  	[sflag:s10] =	ssyncset.done @!p1 $0x0  }
0x7e: {  	[sflag:s10] =	ssyncadd.s32 @!p1 $0xFFFFC000  }
0x7f: {  	v2 =	vld @!p1 [tilespmem:$0x180];
	_ =	sdelay $0x6  }
0x80: {  	v3 =	vimm.f32 @!p1 $1.000000000e+00;
	s10 =	simm.s32 @!p1 $0x1CA00  }
0x81: {  	[tilespmem:v2+s10+$0x0] =	vst.idx.add.f32.msk @!p1 $0xffff, v3  }
0x82: {  	v2 =	vld @!p1 [tilespmem:$0x190];
	_ =	sdelay $0x7  }
0x83: {  	[tilespmem:v2+s10+$0x0] =	vst.idx.add.f32.msk @!p1 $0xffff, v3  }
0x84: {  	v2 =	vld @!p1 [tilespmem:$0x1A0];
	_ =	sdelay $0x7  }
0x85: {  	[tilespmem:v2+s10+$0x0] =	vst.idx.add.f32.msk @!p1 $0xffff, v3  }
0x86: {  	v2 =	vld @!p1 [tilespmem:$0x1B0];
	_ =	sdelay $0x7  }
0x87: {  	[tilespmem:v2+s10+$0x0] =	vst.idx.add.f32.msk @!p1 $0xffff, v3  }
0x88: {  	v2 =	vld @!p1 [tilespmem:$0x1C0];
	_ =	sdelay $0x7  }
0x89: {  	[tilespmem:v2+s10+$0x0] =	vst.idx.add.f32.msk @!p1 $0xffff, v3  }
0x8a: {  	v2 =	vld @!p1 [tilespmem:$0x1D0];
	_ =	sdelay $0x7  }
0x8b: {  	[tilespmem:v2+s10+$0x0] =	vst.idx.add.f32.msk @!p1 $0xffff, v3  }
0x8c: {  	v2 =	vld @!p1 [tilespmem:$0x1E0];
	_ =	sdelay $0x7  }
0x8d: {  	[tilespmem:v2+s10+$0x0] =	vst.idx.add.f32.msk @!p1 $0xffff, v3  }
0x8e: {  	v2 =	vld @!p1 [tilespmem:$0x1F0];
	_ =	sdelay $0x2  }
0x8f: {  	s16 =	sadd.s32 @!p1 s14, s11  }
0x90: {  	s16 =	sadd.s32 @!p1 $0x9000, s16  }
0x91: {  	s17 =	sand.u32 @!p1 $0x60, s14;
	s16 =	sand.u32 @!p1 $0x9F80, s16  }
0x92: {  	s16 =	sor.u32 @!p1 s16, s17  }
0x93: {  	s16 =	sor.u32 @!p1 $0x10, s16  }
0x94: {  	s17 =	simm.s32 @!p1 $0x0;
	[tilespmem:v2+s10+$0x0] =	vst.idx.add.f32.msk @!p1 $0xffff, v3;
	s10 =	sadd.s32 @!p1 s5, s16  }
0x95: {  	[tilespmem:s3], [sflag:$0x2] =	stream.linear.gather @!p1 [hbm4b:s10+s17], $0x80, $0x38;
	[tilespmem:$0x1F200] =	vst v63  }
0x96: {  	s3 =	sadd.s32 @!p1 s6, s16  }
0x97: {  	[tilespmem:s9], [sflag:$0x2] =	stream.linear.gather @!p1 [hbm4b:s3+s17], $0x80, $0x38;
	[tilespmem:$0x1F200] =	vst v63  }
0x98: {  	_ =	swait.ge [sflag:s29], $0x80  }
0x99: {  	[sflag:s29] =	ssyncset.done $0x0  }
0x9a: {  	[sflag:s29] =	ssyncadd.s32 $0xFFFFFF80  }
0x9b: {  	_ =	swait.ge [sflag:s29], $0x80  }
0x9c: {  	[sflag:s29] =	ssyncset.done $0x0  }
0x9d: {  	[sflag:s29] =	ssyncadd.s32 $0xFFFFFF80  }
0x9e: {  	[tilespmem:s30], [sflag:$0x4] =	stream.indirect.gather [hbm4b:s1+s23], $0x80, s23, s23, $0xb8;
	[tilespmem:$0x1F200] =	vst v63  }
0x9f: {  	_ =	swait.ge [sflag:s31], $0x4000  }
0xa0: {  	[sflag:s31] =	ssyncset.done $0x0  }
0xa1: {  	[sflag:s31] =	ssyncadd.s32 $0xFFFFC000  }
0xa2: {  	[spmem:s2] =	stream.indirect.scatter.add.f32 [tilespmem:s28], [sflag:$0x5], $0x80, s22, s23, $0xb8;
	[tilespmem:$0x1F200] =	vst v63  }
0xa3: {  	_ =	swait.ge [sflag:s21], $0x4000  }
0xa4: {  	[sflag:s21] =	ssyncset.done $0x0  }
0xa5: {  	[sflag:s21] =	ssyncadd.s32 $0xFFFFC000  }
0xa6: {  	v2 =	vld [tilespmem:$0x100];
	_ =	sdelay $0x7  }
0xa7: {  	[tilespmem:v2+s0+$0x0] =	vst.idx.add.f32.msk $0xffff, v1  }
0xa8: {  	v2 =	vld [tilespmem:$0x110];
	_ =	sdelay $0x7  }
0xa9: {  	[tilespmem:v2+s0+$0x0] =	vst.idx.add.f32.msk $0xffff, v1  }
0xaa: {  	v2 =	vld [tilespmem:$0x120];
	_ =	sdelay $0x7  }
0xab: {  	[tilespmem:v2+s0+$0x0] =	vst.idx.add.f32.msk $0xffff, v1  }
0xac: {  	v2 =	vld [tilespmem:$0x130];
	_ =	sdelay $0x7  }
0xad: {  	[tilespmem:v2+s0+$0x0] =	vst.idx.add.f32.msk $0xffff, v1  }
0xae: {  	v2 =	vld [tilespmem:$0x140];
	_ =	sdelay $0x7  }
0xaf: {  	[tilespmem:v2+s0+$0x0] =	vst.idx.add.f32.msk $0xffff, v1  }
0xb0: {  	v2 =	vld [tilespmem:$0x150];
	_ =	sdelay $0x7  }
0xb1: {  	[tilespmem:v2+s0+$0x0] =	vst.idx.add.f32.msk $0xffff, v1  }
0xb2: {  	v2 =	vld [tilespmem:$0x160];
	_ =	sdelay $0x7  }
0xb3: {  	[tilespmem:v2+s0+$0x0] =	vst.idx.add.f32.msk $0xffff, v1  }
0xb4: {  	v2 =	vld [tilespmem:$0x170];
	_ =	sdelay $0x6  }
0xb5: {  	p1 =	sgt.u32 s15, $0xE;
	s3 =	rddreg [dreg:$0x6]  }
0xb6: {  	s10 =	simm.s32 @!p1 $0x0;
	s9 =	rddreg [dreg:$0x7];
	s3 =	sadd.s32 @!p1 s14, s3;
	[tilespmem:v2+s0+$0x0] =	vst.idx.add.f32.msk $0xffff, v1  }
0xb7: {  	[tilespmem:s10], [sflag:$0x1] =	stream.linear.gather @!p1 [hbm4b:s3+s10], $0x80, $0x38;
	[tilespmem:$0x1F200] =	vst v63  }
0xb8: {  	s3 =	sadd.s32 @!p1 s14, s9;
	s9 =	simm.s32 @!p1 $0x100;
	s14 =	sadd.s32 $0x20, s14  }
0xb9: {  	[tilespmem:s9], [sflag:$0x1] =	stream.linear.gather @!p1 [hbm4b:s3+s10], $0x80, $0x38;
	[tilespmem:$0x1F200] =	vst v63  }
0xba: {  	p1 =	sne.s32 s14, $0x100  }
.Ltmp6:
0xbb: {  	_ = 	snop;
	(pc) =	sbr.rel @p1 .LBB2_11-.Ltmp6, $2  }
0xbc: {  	_ =	sdelay $0x2  }
0xbd: {  	s15 =	sadd.s32 $0x2, s15  }
.Ltmp7:
0xbe: {  	_ = 	snop;
	(pc) =	sbr.rel .LBB2_12-.Ltmp7, $1  }
0xbf: {  	_ =	sdelay $0x3  }
.LBB2_8:
0xc0: {  	s3 =	rddreg [dreg:$0x8]  }
0xc1: {  	[tilespmem:s14], [sflag:$0x1] =	stream.linear.gather [hbm4b:s3+s14], $0x80, $0x38;
	[tilespmem:$0x1F200] =	vst v63  }
0xc2: {  	s15 =	rddreg [dreg:$0x9]  }
0xc3: {  	[tilespmem:s22], [sflag:$0x1] =	stream.linear.gather [hbm4b:s15+s14], $0x80, $0x38;
	[tilespmem:$0x1F200] =	vst v63  }
0xc4: {  	s16 =	rddreg [dreg:$0xa]  }
0xc5: {  	[tilespmem:s23], [sflag:$0x2] =	stream.linear.gather [hbm4b:s16+s14], $0x80, $0x38;
	[tilespmem:$0x1F200] =	vst v63  }
0xc6: {  	s17 =	rddreg [dreg:$0xb];
	s15 =	simm.s32 $0x1  }
0xc7: {  	[tilespmem:s25], [sflag:$0x2] =	stream.linear.gather [hbm4b:s17+s14], $0x80, $0x38;
	[tilespmem:$0x1F200] =	vst v63  }
.LBB2_9:
0xc8: {  	_ =	swait.ge [sflag:s26], $0x80  }
0xc9: {  	[sflag:s26] =	ssyncset.done $0x0  }
0xca: {  	[sflag:s26] =	ssyncadd.s32 $0xFFFFFF80  }
0xcb: {  	_ =	swait.ge [sflag:s26], $0x80  }
0xcc: {  	p1 =	seq.s32 s14, $0x0;
	[sflag:s26] =	ssyncset.done $0x0  }
0xcd: {  	s16 =	simm.s32 @!p1 $0x4;
	[sflag:s26] =	ssyncadd.s32 $0xFFFFFF80  }
0xce: {  	[tilespmem:s28], [sflag:$0x3] =	stream.indirect.gather [hbm4b:s1+s23], $0x80, s4, s23, $0xb8;
	[tilespmem:$0x1F200] =	vst v63  }
0xcf: {  	_ =	swait.ge @!p1 [sflag:s16], $0x4000  }
0xd0: {  	s17 =	simm.s32 @!p1 $0x180;
	[sflag:s16] =	ssyncset.done @!p1 $0x0  }
0xd1: {  	s9 =	simm.s32 @!p1 $0x4200;
	[sflag:s16] =	ssyncadd.s32 @!p1 $0xFFFFC000;
	s16 =	simm.s32 @!p1 $0x80  }
0xd2: {  	[spmem:s2] =	stream.indirect.scatter.add.f32 @!p1 [tilespmem:s9], [sflag:$0x5], $0x80, s17, s16, $0xb8;
	[tilespmem:$0x1F200] =	vst v63  }
0xd3: {  	s9 =	simm.s32 @!p1 $0x5  }
0xd4: {  	_ =	swait.ge @!p1 [sflag:s9], $0x4000  }
0xd5: {  	[sflag:s9] =	ssyncset.done @!p1 $0x0  }
0xd6: {  	[sflag:s9] =	ssyncadd.s32 @!p1 $0xFFFFC000  }
0xd7: {  	v2 =	vld @!p1 [tilespmem:$0x180];
	_ =	sdelay $0x6  }
0xd8: {  	v3 =	vimm.f32 @!p1 $1.000000000e+00;
	s9 =	simm.s32 @!p1 $0x1CA00  }
0xd9: {  	[tilespmem:v2+s9+$0x0] =	vst.idx.add.f32.msk @!p1 $0xffff, v3  }
0xda: {  	v2 =	vld @!p1 [tilespmem:$0x190];
	_ =	sdelay $0x7  }
0xdb: {  	[tilespmem:v2+s9+$0x0] =	vst.idx.add.f32.msk @!p1 $0xffff, v3  }
0xdc: {  	v2 =	vld @!p1 [tilespmem:$0x1A0];
	_ =	sdelay $0x7  }
0xdd: {  	[tilespmem:v2+s9+$0x0] =	vst.idx.add.f32.msk @!p1 $0xffff, v3  }
0xde: {  	v2 =	vld @!p1 [tilespmem:$0x1B0];
	_ =	sdelay $0x7  }
0xdf: {  	[tilespmem:v2+s9+$0x0] =	vst.idx.add.f32.msk @!p1 $0xffff, v3  }
0xe0: {  	v2 =	vld @!p1 [tilespmem:$0x1C0];
	_ =	sdelay $0x7  }
0xe1: {  	[tilespmem:v2+s9+$0x0] =	vst.idx.add.f32.msk @!p1 $0xffff, v3  }
0xe2: {  	v2 =	vld @!p1 [tilespmem:$0x1D0];
	_ =	sdelay $0x7  }
0xe3: {  	[tilespmem:v2+s9+$0x0] =	vst.idx.add.f32.msk @!p1 $0xffff, v3  }
0xe4: {  	v2 =	vld @!p1 [tilespmem:$0x1E0];
	_ =	sdelay $0x7  }
0xe5: {  	[tilespmem:v2+s9+$0x0] =	vst.idx.add.f32.msk @!p1 $0xffff, v3  }
0xe6: {  	v2 =	vld @!p1 [tilespmem:$0x1F0];
	_ =	sdelay $0x3  }
0xe7: {  	s10 =	sadd.s32 @!p1 s14, s7  }
0xe8: {  	s3 =	sand.u32 @!p1 $0x60, s14;
	s10 =	sand.u32 @!p1 $0x1FF80, s10  }
0xe9: {  	s3 =	sor.u32 @!p1 s10, s3  }
0xea: {  	s3 =	sor.u32 @!p1 $0x10, s3  }
0xeb: {  	s10 =	simm.s32 @!p1 $0x0;
	[tilespmem:v2+s9+$0x0] =	vst.idx.add.f32.msk @!p1 $0xffff, v3;
	s9 =	sadd.s32 @!p1 s5, s3  }
0xec: {  	[tilespmem:s16], [sflag:$0x2] =	stream.linear.gather @!p1 [hbm4b:s9+s10], $0x80, $0x38;
	[tilespmem:$0x1F200] =	vst v63  }
0xed: {  	s3 =	sadd.s32 @!p1 s6, s3  }
0xee: {  	[tilespmem:s17], [sflag:$0x2] =	stream.linear.gather @!p1 [hbm4b:s3+s10], $0x80, $0x38;
	[tilespmem:$0x1F200] =	vst v63  }
0xef: {  	_ =	swait.ge [sflag:s29], $0x80  }
0xf0: {  	[sflag:s29] =	ssyncset.done $0x0  }
0xf1: {  	[sflag:s29] =	ssyncadd.s32 $0xFFFFFF80  }
0xf2: {  	_ =	swait.ge [sflag:s29], $0x80  }
0xf3: {  	[sflag:s29] =	ssyncset.done $0x0  }
0xf4: {  	[sflag:s29] =	ssyncadd.s32 $0xFFFFFF80  }
0xf5: {  	[tilespmem:s30], [sflag:$0x4] =	stream.indirect.gather [hbm4b:s1+s23], $0x80, s23, s23, $0xb8;
	[tilespmem:$0x1F200] =	vst v63  }
0xf6: {  	_ =	swait.ge [sflag:s31], $0x4000  }
0xf7: {  	[sflag:s31] =	ssyncset.done $0x0  }
0xf8: {  	[sflag:s31] =	ssyncadd.s32 $0xFFFFC000  }
0xf9: {  	[spmem:s2] =	stream.indirect.scatter.add.f32 [tilespmem:s28], [sflag:$0x5], $0x80, s22, s23, $0xb8;
	[tilespmem:$0x1F200] =	vst v63  }
0xfa: {  	_ =	swait.ge [sflag:s21], $0x4000  }
0xfb: {  	[sflag:s21] =	ssyncset.done $0x0  }
0xfc: {  	[sflag:s21] =	ssyncadd.s32 $0xFFFFC000  }
0xfd: {  	v2 =	vld [tilespmem:$0x100];
	_ =	sdelay $0x7  }
0xfe: {  	[tilespmem:v2+s0+$0x0] =	vst.idx.add.f32.msk $0xffff, v1  }
0xff: {  	v2 =	vld [tilespmem:$0x110];
	_ =	sdelay $0x7  }
0x100: {  	[tilespmem:v2+s0+$0x0] =	vst.idx.add.f32.msk $0xffff, v1  }
0x101: {  	v2 =	vld [tilespmem:$0x120];
	_ =	sdelay $0x7  }
0x102: {  	[tilespmem:v2+s0+$0x0] =	vst.idx.add.f32.msk $0xffff, v1  }
0x103: {  	v2 =	vld [tilespmem:$0x130];
	_ =	sdelay $0x7  }
0x104: {  	[tilespmem:v2+s0+$0x0] =	vst.idx.add.f32.msk $0xffff, v1  }
0x105: {  	v2 =	vld [tilespmem:$0x140];
	_ =	sdelay $0x7  }
0x106: {  	[tilespmem:v2+s0+$0x0] =	vst.idx.add.f32.msk $0xffff, v1  }
0x107: {  	v2 =	vld [tilespmem:$0x150];
	_ =	sdelay $0x7  }
0x108: {  	[tilespmem:v2+s0+$0x0] =	vst.idx.add.f32.msk $0xffff, v1  }
0x109: {  	v2 =	vld [tilespmem:$0x160];
	_ =	sdelay $0x7  }
0x10a: {  	[tilespmem:v2+s0+$0x0] =	vst.idx.add.f32.msk $0xffff, v1  }
0x10b: {  	v2 =	vld [tilespmem:$0x170];
	_ =	sdelay $0x6  }
0x10c: {  	p1 =	sgt.u32 s15, $0x8E;
	s3 =	rddreg [dreg:$0x4]  }
0x10d: {  	s10 =	simm.s32 @!p1 $0x0;
	s9 =	rddreg [dreg:$0x5];
	s3 =	sadd.s32 @!p1 s14, s3;
	[tilespmem:v2+s0+$0x0] =	vst.idx.add.f32.msk $0xffff, v1  }
0x10e: {  	[tilespmem:s10], [sflag:$0x1] =	stream.linear.gather @!p1 [hbm4b:s3+s10], $0x80, $0x38;
	[tilespmem:$0x1F200] =	vst v63  }
0x10f: {  	s3 =	sadd.s32 @!p1 s14, s9;
	s9 =	simm.s32 @!p1 $0x100;
	s14 =	sadd.s32 $0x20, s14  }
0x110: {  	[tilespmem:s9], [sflag:$0x1] =	stream.linear.gather @!p1 [hbm4b:s3+s10], $0x80, $0x38;
	[tilespmem:$0x1F200] =	vst v63  }
0x111: {  	p1 =	seq.s32 s14, $0x900  }
.Ltmp8:
0x112: {  	_ = 	snop;
	(pc) =	sbr.rel @!p1 .LBB2_9-.Ltmp8, $2  }
0x113: {  	_ =	sdelay $0x2  }
0x114: {  	s15 =	sadd.s32 $0x2, s15  }
.Ltmp9:
0x115: {  	_ = 	snop;
	(pc) =	sbr.rel .LBB2_12-.Ltmp9, $1  }
0x116: {  	_ =	sdelay $0x3  }
.LBB2_13:
0x117: {  	_ =	sfence.sel $0x180000  }
0x118: {  	[bflag:$0x0] =	sbarrier.arrive $0xFFFF  }
0x119: {  	_ =	strace $0x90000047  }
0x11a: {  	s0 =	stileid.u32;
	[bflag:$0x2] =	sbarrier.arrive $0xFFFF  }
0x11b: {  	p0 =	sne.s32 s0, $0x0;
	s0 =	rddreg [dreg:$0x3]  }
0x11c: {  	s0 =	sadd.s32 @!p0 $0x100000, s0  }
0x11d: {  	[sflag:s0] =	ssyncadd.tile.s32 @!p0 $0x1;
	_ =	shalt  }
.Lfunc_end2:
_tile_overlayer_lowered:
.L_overlay_start_2:
0x11e: {  	(tag) =	ssettag $0x2  }
0x11f: {  	s0 =	rddreg [dreg:$0x0];
	s2 =	stileid.u32  }
0x120: {  	s1 =	rddreg [dreg:$0x1];
	p0 =	sne.s32 s2, $0x0  }
0x121: {  	s3 =	rddreg [dreg:$0x2];
	[bflag:$0x3] =	sbarrier.arrive $0xFFFF;
	s2 =	simm.s32 @!p0 $0x1C05  }
0x122: {  	[timem:s3], [sflag:s2] =	dma.local @!p0 [hbm:s0], s1  }
0x123: {  	s0 =	simm.s32 @!p0 $0x5  }
0x124: {  	_ =	swait.ge @!p0 [sflag:s0], s1  }
0x125: {  	s1 =	ssub.s32 @!p0 $0x0, s1;
	[sflag:s0] =	ssyncset.done @!p0 $0x0  }
0x126: {  	[sflag:s0] =	ssyncadd.s32 @!p0 s1  }
0x127: {  	[bflag:$0x3] =	sbarrier.arrive $0xFFFF  }
0x128: {  	_ =	shalt  }

// kernel: kernel.16.cloned.1.call-start
scs
__scs_entry_jumppad:
0x0: {  	(pc) =	sbr.rel $0x88, $3  }
0x1: {  	(tag) =	ssettag $0x0;
	lr =	simm.s32 $0x1  }
0x2: {  	[smem:$0x3F73] =	sst lr;
	_ =	strace $0xD0000000  }
0x3: {  	_ = 	snop  }
0x4: {  	_ = 	snop  }
0x5: {  	_ = 	snop  }
0x6: {  	_ = 	snop  }
0x7: {  	_ = 	snop  }
__scs_overlays_trampoline_lowered:
0x8: {  	[smem:$0x3F82] =	sst s0  }
0x9: {  	[smem:$0x3F83] =	sst s1  }
0xa: {  	[smem:$0x3F84] =	sst s2  }
0xb: {  	[smem:$0x3F85] =	sst s3  }
0xc: {  	[smem:$0x3F86] =	sst s4  }
0xd: {  	[smem:$0x3F87] =	sst s5  }
0xe: {  	[smem:$0x3F88] =	sst s6  }
0xf: {  	[smem:$0x3F89] =	sst s7  }
0x10: {  	[smem:$0x3F8A] =	sst s8  }
0x11: {  	[smem:$0x3F8B] =	sst s9;
	s0 =	simm.s32 @!p0 $0x0  }
0x12: {  	s1 =	sld [smem:$0x3F71];
	s0 =	simm.s32 @p0 $0x1  }
0x13: {  	[smem:$0x3F8C] =	sst s0;
	s0 =	simm.s32 @!p1 $0x0  }
0x14: {  	s2 =	sld [smem:$0x3F70];
	s0 =	simm.s32 @p1 $0x1  }
0x15: {  	[smem:$0x3F8D] =	sst s0;
	s0 =	simm.s32 @!p2 $0x0  }
0x16: {  	s3 =	sld [smem:$0x3FDB];
	s0 =	simm.s32 @p2 $0x1  }
0x17: {  	s4 =	simm.s32 $0x1BF5;
	[smem:$0x3F8F] =	sst s0  }
0x18: {  	s0 =	sld [smem:$0x3F72];
	_ =	swait.ge [sflag:s4], $0x0  }
0x19: {  	s7 =	sld [smem:$0x3F73]  }
0x1a: {  	s8 =	sadd.s32 $0xFFFFE003, lr  }
0x1b: {  	s9 =	sadd.s32 $0xFFFFFEF7, lr;
	s5 =	simm.s32 $0xFFFFFFFF;
	p2 =	slt.u32 s8, $0xFFFFF086  }
0x1c: {  	p1 =	slt.u32 s9, $0xF7A;
	s5 =	simm.s32 @!p2 $0x0  }
0x1d: {  	s5 =	simm.s32 @p1 $0x1;
	p0 =	seq.s32 s7, s2  }
0x1e: {  	s7 =	smul.u32 @!p0 $0xF7A, s2;
	p2 =	seq.s32 @!p0 s5, $0x0  }
0x1f: {  	s9 =	smul.u32 $0xF7A, s1;
	s8 =	simm.s32 @!p0 $0x1BF5;
	p2 =	por !p2, p0  }
0x20: {  	[sflag:s8] =	ssyncset.s32 @!p0 $0xFFFFF086;
	s6 =	sadd.s32 @!p0 s3, s7;
	s7 =	simm.s32 @!p0 $0x108  }
0x21: {  	s3 =	sadd.s32 s3, s9;
	s6 =	sadd.s32 @!p0 $0x88, s6;
	s7 =	simm.s32 @p2 $0x1082  }
0x22: {  	[simem:s7], [sflag:s8] =	dma.local @!p0 [hbm:s6], $0xF7A  }
0x23: {  	s9 =	sor.u32 $0xD0000000, s2;
	s6 =	simm.s32 $0x108;
	_ =	swait.ge @!p0 [sflag:s8], $0x0  }
0x24: {  	s3 =	sadd.s32 $0x88, s3;
	s6 =	simm.s32 @!p1 $0x1082;
	[sflag:s4] =	ssyncset.s32 $0xFFFFF086  }
0x25: {  	[simem:s6], [sflag:s4] =	dma.local [hbm:s3], $0xF7A  }
0x26: {  	[smem:$0x3F73] =	sst s1;
	(tag) =	ssettag s2;
	_ =	strace s9  }
0x27: {  	s1 =	sld [smem:$0x3F83]  }
0x28: {  	s2 =	sld [smem:$0x3F84]  }
0x29: {  	s4 =	sld [smem:$0x3F86]  }
0x2a: {  	p0 =	seq.s32 s5, $0x0;
	s5 =	sld [smem:$0x3F87]  }
0x2b: {  	s6 =	sld [smem:$0x3F88]  }
0x2c: {  	s7 =	sld [smem:$0x3F89]  }
0x2d: {  	s3 =	simm.s32 $0x108;
	s8 =	sld [smem:$0x3F8A]  }
0x2e: {  	s3 =	simm.s32 @!p0 $0x1082;
	s9 =	sld [smem:$0x3F8B]  }
0x2f: {  	lr =	sadd.s32 s0, s3;
	s0 =	sld [smem:$0x3F82]  }
0x30: {  	s3 =	sld [smem:$0x3F85]  }
0x31: {  	[smem:$0x3F8E] =	sst s10  }
0x32: {  	s10 =	sld [smem:$0x3F8C];
	_ =	sdelay $0x3  }
0x33: {  	p0 =	seq.s32 s10, $0x1;
	s10 =	sld [smem:$0x3F8E];
	_ =	sdelay $0x3  }
0x34: {  	[smem:$0x3F8E] =	sst s10  }
0x35: {  	s10 =	sld [smem:$0x3F8D];
	_ =	sdelay $0x3  }
0x36: {  	p1 =	seq.s32 s10, $0x1;
	s10 =	sld [smem:$0x3F8E];
	_ =	sdelay $0x3  }
0x37: {  	[smem:$0x3F8E] =	sst s10  }
0x38: {  	s10 =	sld [smem:$0x3F8F]  }
0x39: {  	_ = 	snop;
	(pc) =	sbr.ind lr, $3  }
0x3a: {  	_ = 	snop  }
0x3b: {  	_ = 	snop  }
0x3c: {  	p2 =	seq.s32 s10, $0x1;
	s10 =	sld [smem:$0x3F8E]  }
0x3d: {  	_ =	shalt  }
0x3e: {  	_ =	shalt  }
0x3f: {  	_ =	shalt  }
0x40: {  	_ =	shalt  }
0x41: {  	_ =	shalt  }
0x42: {  	_ =	shalt  }
0x43: {  	_ =	shalt  }
0x44: {  	_ =	shalt  }
0x45: {  	_ =	shalt  }
0x46: {  	_ =	shalt  }
0x47: {  	_ =	shalt  }
0x48: {  	_ =	shalt  }
0x49: {  	_ =	shalt  }
0x4a: {  	_ =	shalt  }
0x4b: {  	_ =	shalt  }
0x4c: {  	_ =	shalt  }
0x4d: {  	_ =	shalt  }
0x4e: {  	_ =	shalt  }
0x4f: {  	_ =	shalt  }
0x50: {  	_ =	shalt  }
0x51: {  	_ =	shalt  }
0x52: {  	_ =	shalt  }
0x53: {  	_ =	shalt  }
0x54: {  	_ =	shalt  }
0x55: {  	_ =	shalt  }
0x56: {  	_ =	shalt  }
0x57: {  	_ =	shalt  }
0x58: {  	_ =	shalt  }
0x59: {  	_ =	shalt  }
0x5a: {  	_ =	shalt  }
0x5b: {  	_ =	shalt  }
0x5c: {  	_ =	shalt  }
0x5d: {  	_ =	shalt  }
0x5e: {  	_ =	shalt  }
0x5f: {  	_ =	shalt  }
0x60: {  	_ =	shalt  }
0x61: {  	_ =	shalt  }
0x62: {  	_ =	shalt  }
0x63: {  	_ =	shalt  }
0x64: {  	_ =	shalt  }
0x65: {  	_ =	shalt  }
0x66: {  	_ =	shalt  }
0x67: {  	_ =	shalt  }
0x68: {  	_ =	shalt  }
0x69: {  	_ =	shalt  }
0x6a: {  	_ =	shalt  }
0x6b: {  	_ =	shalt  }
0x6c: {  	_ =	shalt  }
0x6d: {  	_ =	shalt  }
0x6e: {  	_ =	shalt  }
0x6f: {  	_ =	shalt  }
0x70: {  	_ =	shalt  }
0x71: {  	_ =	shalt  }
0x72: {  	_ =	shalt  }
0x73: {  	_ =	shalt  }
0x74: {  	_ =	shalt  }
0x75: {  	_ =	shalt  }
0x76: {  	_ =	shalt  }
0x77: {  	_ =	shalt  }
0x78: {  	_ =	shalt  }
0x79: {  	_ =	shalt  }
0x7a: {  	_ =	shalt  }
0x7b: {  	_ =	shalt  }
0x7c: {  	_ =	shalt  }
0x7d: {  	_ =	shalt  }
0x7e: {  	_ =	shalt  }
0x7f: {  	_ =	shalt  }
0x80: {  	_ =	shalt  }
0x81: {  	_ =	shalt  }
0x82: {  	_ =	shalt  }
0x83: {  	_ =	shalt  }
0x84: {  	_ =	shalt  }
0x85: {  	_ =	shalt  }
0x86: {  	_ =	shalt  }
0x87: {  	_ =	shalt  }
.Lfunc_end0:
.L_simem_size_0:
called_computation.1_lowered:
.L_overlay_start_0:
0x88: {  	s2 =	sld [smem:$0x3FD9]  }
0x89: {  	s3 =	sld [smem:$0x3FFE];
	_ =	sdelay $0x1  }
0x8a: {  	s1 =	srdreg.scid  }
0x8b: {  	s0 =	sand.u32 $0x1, s1  }
0x8c: {  	s14 =	sshll.u32 s0, $0xA;
	s2 =	sadd.s32 s3, s2  }
0x8d: {  	s2 =	sadd.s32 s2, s14  }
0x8e: {  	[smem:$0x3F9A] =	sst s2  }
0x8f: {  	_ = 	snop  }
0x90: {  	s2 =	sld [smem:$0x3FD0];
	_ =	sdelay $0x2  }
0x91: {  	s15 =	simm.s32 $0xA;
	s4 =	simm.s32 $0x10  }
0x92: {  	[smem:s4], [sflag:s15] =	dma.local [hbm:s2], $0x1  }
0x93: {  	_ =	swait.eq [sflag:s15], $0x1  }
0x94: {  	[sflag:s15] =	ssyncset.done $0x0  }
0x95: {  	[sflag:s15] =	ssyncadd.s32 $0xFFFFFFFF  }
0x96: {  	s16 =	sld [smem:$0x10];
	(tm) =	ssettm $0x1  }
0x97: {  	s17 =	sld [smem:$0x3FFB];
	_ =	sdelay $0x3  }
0x98: {  	_ =	strace s17  }
0x99: {  	s3 =	sld [smem:$0x3FFC];
	_ =	sdelay $0x3  }
0x9a: {  	_ =	strace s3  }
0x9b: {  	s3 =	sld [smem:$0x3FFD];
	_ =	sdelay $0x3  }
0x9c: {  	_ =	strace s3  }
0x9d: {  	_ =	strace $0x8FFFFFFF  }
0x9e: {  	s18 =	sld [smem:$0x3FDB];
	_ =	sdelay $0x1  }
0x9f: {  	s19 =	simm.s32 $_scs_section_size  }
0xa0: {  	s5 =	simm.s32 $_size__tile_overlayer_lowered;
	s6 =	simm.s32 $_tile_overlayer_lowered  }
0xa1: {  	s22 =	simm.s32 $0x1BFF;
	s21 =	sshll.u32 s6, $0x1;
	s3 =	sadd.s32 s19, s18  }
0xa2: {  	s7 =	simm.s32 $0x0;
	s20 =	sshll.u32 s5, $0x1;
	s5 =	sadd.s32 s21, s3  }
0xa3: {  	[timem:s7], [sflag:s22] =	dma.local [hbm:s5], s20  }
0xa4: {  	_ =	swait.ge [sflag:s22], s20  }
0xa5: {  	s4 =	ssub.s32 $0x0, s20;
	[sflag:s22] =	ssyncset.done $0x0  }
0xa6: {  	[sflag:s22] =	ssyncadd.s32 s4;
	_ =	sdelay $0x1  }
0xa7: {  	s23 =	simm.s32 $0x1B8B  }
0xa8: {  	_ =	swait.ge [sflag:s23], $0x1  }
0xa9: {  	[sflag:s23] =	ssyncset.done $0x0  }
0xaa: {  	s25 =	simm.s32 $0x1B8E;
	s24 =	sld [smem:$0x3FFE];
	[sflag:s23] =	ssyncadd.s32 $0xFFFFFFFF  }
0xab: {  	s26 =	simm.s32 $execute0_lowered;
	[smem:$0x3FD2] =	sst s25  }
0xac: {  	s5 =	sshll.u32 s26, $0x1;
	_ =	strace $0x80000049;
	[dreg:$0x1] =	wrdreg $0xFFFFFFFF  }
0xad: {  	s28 =	simm.s32 $_size_execute0_lowered;
	s3 =	sadd.s32 s3, s5;
	[dreg:$0x0] =	wrdreg $0x0  }
0xae: {  	s5 =	sshll.u32 s28, $0x1;
	[dreg:$0x2] =	wrdreg s3  }
0xaf: {  	[dreg:$0x3] =	wrdreg s5  }
0xb0: {  	[dreg:$0x4] =	wrdreg $0xC0  }
0xb1: {  	_ =	task [dreg:s7], $0x5FFFF  }
0xb2: {  	[dreg:$0x1] =	wrdreg $0xFFFFFFFF  }
0xb3: {  	[dreg:$0x0] =	wrdreg $0x60  }
0xb4: {  	[dreg:$0x2] =	wrdreg s16  }
0xb5: {  	[dreg:$0x3] =	wrdreg s24  }
0xb6: {  	[dreg:$0x4] =	wrdreg $0x8A000  }
0xb7: {  	[dreg:$0x5] =	wrdreg $0x9  }
0xb8: {  	_ =	task.clear_ibuf [dreg:s7], $0x6FFFF;
	_ =	strace $0x90000049  }
0xb9: {  	s29 =	simm.s32 $0x9;
	_ =	strace $0x8000004B  }
0xba: {  	_ =	swait.ge [sflag:s29], $0x1  }
0xbb: {  	[sflag:s29] =	ssyncadd.s32 $0xFFFFFFFF  }
0xbc: {  	_ =	strace $0x9000004B  }
0xbd: {  	_ =	sfence  }
0xbe: {  	s30 =	sld [smem:$0x0];
	_ =	sdelay $0x2  }
0xbf: {  	s31 =	sshll.u32 s1, $0xD;
	s1 =	sshrl.u32 s1, $0x2  }
0xc0: {  	s3 =	sand.u32 $0x4000, s31;
	s1 =	sadd.s32 s1, s30  }
0xc1: {  	s0 =	sor.u32 s3, s0;
	s1 =	sshll.u32 s1, $0x11  }
0xc2: {  	s0 =	sor.u32 s1, s0  }
0xc3: {  	s0 =	sadd.s32 $0x8F2B, s0  }
0xc4: {  	[sflag:s0] =	ssyncadd.remote.s32 $0x1  }
0xc5: {  	_ =	sfence.sel $0xFFFF  }
0xc6: {  	[dreg:$0x0] =	wrdreg $0xFFFFFFFF;
	(pc) =	sbr.abs _section_cstart, $3  }
0xc7: {  	[dreg:$0x1] =	wrdreg $0xFFFFFFFF  }
0xc8: {  	_ =	task.clear_ibuf [dreg:s7], $0x2FFFF;
	_ =	strace $0x9FFFFFFF  }
0xc9: {  	(tm) =	ssettm $0x7FFFFFFF  }
tec
execute0_lowered:
.L_overlay_start_1:
0x0: {  	(tag) =	ssettag $0x1  }
0x1: {  	s1 =	rddreg [dreg:$0x0]  }
0x2: {  	s0 =	rddreg [dreg:$0x1]  }
0x3: {  	s2 =	rddreg [dreg:$0x2];
	s3 =	simm.s32 $0x0;
	s4 =	srdreg.scid  }
0x4: {  	[smem:$0x7FF] =	sst s3;
	s8 =	sand.u32 $0x1, s4  }
0x5: {  	s4 =	stileid.u32;
	s7 =	smul.u32 $0x28000, s8  }
0x6: {  	s5 =	sadd.s32 $0x12800, s0;
	s6 =	sadd.s32 $0x8800, s0;
	s10 =	smul.u32 $0x50000, s4  }
0x7: {  	_ =	strace $0x8000004A;
	s9 =	ssub.s32 $0x2, s8;
	s12 =	smul.u32 $0x900, s4  }
0x8: {  	p0 =	seq.s32 s8, $0x1;
	s29 =	smul.u32 $0x2800, s4;
	s11 =	sshrl.u32 s9, $0x1  }
0x9: {  	s0 =	sadd.s32 s7, s0;
	s9 =	ssub.s32 s9, s11;
	s20 =	sshrl.u32 s10, $0x2  }
0xa: {  	s13 =	sadd.s32 s5, s12;
	s14 =	sadd.s32 s6, s12;
	s21 =	sor.u32 $0x10, s12  }
0xb: {  	s10 =	sshll.u32 s4, $0x8;
	s18 =	sor.u32 $0x20, s12;
	s16 =	sadd.s32 $0x8F0, s12  }
0xc: {  	s12 =	simm.s32 $0x5;
	s7 =	sadd.s32 s20, s2;
	s22 =	sadd.s32 s5, s21  }
0xd: {  	s8 =	sadd.s32 s6, s21;
	s23 =	sor.u32 $0x9000, s10;
	s25 =	sor.u32 $0x9010, s10  }
0xe: {  	s0 =	sadd.s32 $0x1C800, s0;
	s17 =	smax.u32 s9, $0x1;
	[dreg:$0x4] =	wrdreg s13  }
0xf: {  	s30 =	sor.u32 $0x9020, s10;
	s19 =	sadd.s32 s5, s16;
	[dreg:$0x5] =	wrdreg s14  }
0x10: {  	s20 =	sor.u32 $0x90F0, s10;
	s11 =	sadd.s32 s6, s16;
	[dreg:$0x6] =	wrdreg s22  }
0x11: {  	s31 =	sadd.s32 $0x40, s13;
	s13 =	simm.s32 $0x100;
	[dreg:$0x7] =	wrdreg s8  }
0x12: {  	s16 =	simm.s32 $0x1;
	s24 =	sadd.s32 s5, s23;
	[dreg:$0xe] =	wrdreg s19  }
0x13: {  	s8 =	sadd.s32 s6, s23;
	s26 =	sadd.s32 s5, s25;
	[dreg:$0xf] =	wrdreg s11  }
0x14: {  	s15 =	sadd.s32 s5, s30;
	s9 =	sadd.s32 s6, s30;
	[dreg:$0x8] =	wrdreg s24  }
0x15: {  	s23 =	sadd.s32 s29, s0;
	s21 =	sadd.s32 s5, s20;
	[dreg:$0x9] =	wrdreg s8  }
0x16: {  	s22 =	sadd.s32 s6, s20;
	s29 =	sadd.s32 s5, s18;
	[dreg:$0xa] =	wrdreg s26  }
0x17: {  	s30 =	sadd.s32 s6, s18;
	s0 =	sadd.s32 $0x40, s14;
	[dreg:$0xc] =	wrdreg s15  }
0x18: {  	s11 =	simm.s32 $0x8200;
	s14 =	simm.s32 $0x80;
	[dreg:$0xd] =	wrdreg s9  }
0x19: {  	s19 =	simm.s32 $0x200;
	s20 =	simm.s32 $0x2;
	[dreg:$0x10] =	wrdreg s21  }
.Ltmp0:
0x1a: {  	s8 =	sadd.s32 s6, s25;
	[dreg:$0x11] =	wrdreg s22;
	(pc) =	sbr.rel .LBB2_1-.Ltmp0, $4  }
0x1b: {  	s24 =	sadd.s32 s10, s6;
	s25 =	sadd.s32 s10, s5;
	[dreg:$0x12] =	wrdreg s29  }
0x1c: {  	[dreg:$0x13] =	wrdreg s30;
	s15 =	simm.s32 $0x180;
	s21 =	simm.s32 $0x4200  }
0x1d: {  	s22 =	simm.s32 $0x3;
	[dreg:$0xb] =	wrdreg s8;
	s26 =	sadd.s32 $0x9040, s24  }
0x1e: {  	v0 =	vimm.f32 $0.0e+00;
	s28 =	sadd.s32 $0x9040, s25;
	s24 =	simm.s32 $0x4;
	s25 =	simm.s32 $0x0  }
.LBB2_8:
0x1f: {  	[tilespmem:s13], [sflag:$0x1] =	stream.linear.gather [hbm4b:s9+s3], $0x80, $0x38;
	[tilespmem:$0x1CA00] =	vst v63  }
0x20: {  	_ =	swait.ge [sflag:s16], $0x80  }
0x21: {  	[sflag:s16] =	ssyncset.done $0x0  }
0x22: {  	[sflag:s16] =	ssyncadd.s32 $0xFFFFFF80  }
0x23: {  	_ =	swait.ge [sflag:s16], $0x80  }
0x24: {  	[sflag:s16] =	ssyncset.done $0x0  }
0x25: {  	[sflag:s16] =	ssyncadd.s32 $0xFFFFFF80  }
0x26: {  	[tilespmem:s19], [sflag:$0x3] =	stream.indirect.gather [hbm4b:s1+s14], $0x80, s3, s14, $0xb8;
	[tilespmem:$0x1CA00] =	vst v63  }
0x27: {  	_ =	swait.ge [sflag:s24], $0x4000  }
0x28: {  	[sflag:s24] =	ssyncset.done $0x0  }
0x29: {  	[sflag:s24] =	ssyncadd.s32 $0xFFFFC000  }
0x2a: {  	[spmem:s2] =	stream.indirect.scatter.add.f32 [tilespmem:s21], [sflag:$0x5], $0x80, s15, s14, $0xb8;
	[tilespmem:$0x1CA00] =	vst v63  }
0x2b: {  	_ =	swait.ge [sflag:s12], $0x4000  }
0x2c: {  	[sflag:s12] =	ssyncset.done $0x0  }
0x2d: {  	s8 =	rddreg [dreg:$0xe];
	[sflag:s12] =	ssyncadd.s32 $0xFFFFC000  }
0x2e: {  	[tilespmem:s14], [sflag:$0x2] =	stream.linear.gather [hbm4b:s8+s3], $0x80, $0x38;
	[tilespmem:$0x1CA00] =	vst v63  }
0x2f: {  	s30 =	rddreg [dreg:$0xf]  }
0x30: {  	[tilespmem:s15], [sflag:$0x2] =	stream.linear.gather [hbm4b:s30+s3], $0x80, $0x38;
	[tilespmem:$0x1CA00] =	vst v63  }
0x31: {  	_ =	swait.ge [sflag:s20], $0x80  }
0x32: {  	[sflag:s20] =	ssyncset.done $0x0  }
0x33: {  	[sflag:s20] =	ssyncadd.s32 $0xFFFFFF80  }
0x34: {  	_ =	swait.ge [sflag:s20], $0x80  }
0x35: {  	[sflag:s20] =	ssyncset.done $0x0  }
0x36: {  	[sflag:s20] =	ssyncadd.s32 $0xFFFFFF80  }
0x37: {  	[tilespmem:s21], [sflag:$0x4] =	stream.indirect.gather [hbm4b:s1+s14], $0x80, s14, s14, $0xb8;
	[tilespmem:$0x1CA00] =	vst v63  }
0x38: {  	_ =	swait.ge [sflag:s22], $0x4000  }
0x39: {  	[sflag:s22] =	ssyncset.done $0x0  }
0x3a: {  	[sflag:s22] =	ssyncadd.s32 $0xFFFFC000  }
0x3b: {  	[spmem:s2] =	stream.indirect.scatter.add.f32 [tilespmem:s19], [sflag:$0x5], $0x80, s13, s14, $0xb8;
	[tilespmem:$0x1CA00] =	vst v63  }
0x3c: {  	_ =	swait.ge [sflag:s12], $0x4000  }
0x3d: {  	[sflag:s12] =	ssyncset.done $0x0  }
0x3e: {  	[sflag:s12] =	ssyncadd.s32 $0xFFFFC000  }
.LBB2_12:
0x3f: {  	_ =	swait.ge [sflag:s24], $0x4000  }
0x40: {  	[sflag:s24] =	ssyncset.done $0x0  }
0x41: {  	[sflag:s24] =	ssyncadd.s32 $0xFFFFC000  }
0x42: {  	[spmem:s2] =	stream.indirect.scatter.add.f32 [tilespmem:s21], [sflag:$0x5], $0x80, s15, s14, $0xb8;
	[tilespmem:$0x1CA00] =	vst v63  }
0x43: {  	_ =	swait.ge [sflag:s12], $0x4000  }
0x44: {  	s8 =	sshll.u32 s4, $0x6;
	s25 =	sadd.s32 $0x1, s25;
	[sflag:s12] =	ssyncset.done $0x0  }
0x45: {  	s9 =	sshrl.u32 s7, $0x3;
	p1 =	sne.s32 s25, s17;
	[sflag:s12] =	ssyncadd.s32 $0xFFFFC000  }
.Ltmp1:
0x46: {  	s8 =	sor.u32 $0x1C05, s8;
	[bflag:$0x0] =	sbarrier.arrive $0xFFFF;
	(pc) =	sbr.rel @!p1 .LBB2_13-.Ltmp1, $4  }
0x47: {  	[hbm:s23], [sflag:s8] =	dma.local [spmem:s9], $0x2800  }
0x48: {  	_ =	swait.ge [sflag:s12], $0x2800  }
0x49: {  	[sflag:s12] =	ssyncset.done $0x0  }
0x4a: {  	[sflag:s12] =	ssyncadd.s32 $0xFFFFD800  }
.LBB2_1:
0x4b: {  	s8 =	simm.s32 $0x0;
	s29 =	simm.s32 $0x200  }
.LBB2_2:
0x4c: {  	p1 =	sne.s32 s29, $0x1E00;
	[tilespmem:s8+$0x8270] =	vst v0  }
0x4d: {  	[tilespmem:s8+$0x8200] =	vst v0  }
0x4e: {  	[tilespmem:s8+$0x8210] =	vst v0  }
.Ltmp2:
0x4f: {  	[tilespmem:s8+$0x8220] =	vst v0;
	(pc) =	sbr.rel @p1 .LBB2_2-.Ltmp2, $4  }
0x50: {  	[tilespmem:s8+$0x8230] =	vst v0  }
0x51: {  	[tilespmem:s8+$0x8240] =	vst v0  }
0x52: {  	[tilespmem:s8+$0x8250] =	vst v0  }
0x53: {  	[tilespmem:s8+$0x8260] =	vst v0;
	s8 =	sshra.s32 s29, $0x2;
	s29 =	sadd.s32 $0x200, s29  }
0x54: {  	[tilespmem:s8+$0x8270] =	vst v0  }
0x55: {  	[tilespmem:s8+$0x8200] =	vst v0  }
0x56: {  	[tilespmem:s8+$0x8210] =	vst v0  }
0x57: {  	[tilespmem:s8+$0x8220] =	vst v0  }
0x58: {  	[tilespmem:s8+$0x8230] =	vst v0  }
0x59: {  	[tilespmem:s8+$0x8240] =	vst v0  }
0x5a: {  	[tilespmem:s8+$0x8250] =	vst v0  }
0x5b: {  	[tilespmem:s8+$0x8260] =	vst v0;
	s30 =	sadd.s32 $0x0, s7  }
0x5c: {  	[spmem:s30] =	stream.linear.scatter [tilespmem:s11], [sflag:$0x5], $0x800, $0x38;
	[tilespmem:$0x1CA00] =	vst v63  }
0x5d: {  	s8 =	simm.s32 $0x2000;
	_ =	swait.ge [sflag:s12], $0x800  }
.LBB2_4:
0x5e: {  	s9 =	sshra.s32 s8, $0x2;
	[sflag:s12] =	ssyncset.done $0x0;
	p1 =	sne.s32 s8, $0x4E000  }
.Ltmp3:
0x5f: {  	s9 =	sadd.s32 s9, s7;
	[sflag:s12] =	ssyncadd.s32 $0xFFFFF800;
	(pc) =	sbr.rel @p1 .LBB2_4-.Ltmp3, $3  }
0x60: {  	[spmem:s9] =	stream.linear.scatter [tilespmem:s11], [sflag:$0x5], $0x800, $0x38;
	[tilespmem:$0x1CA00] =	vst v63  }
0x61: {  	s8 =	sadd.s32 $0x2000, s8;
	_ =	sdelay $0x1  }
0x62: {  	_ =	swait.ge [sflag:s12], $0x800  }
.Ltmp4:
0x63: {  	(pc) =	sbr.rel @!p0 .LBB2_6-.Ltmp4, $4  }
0x64: {  	[sflag:s12] =	ssyncset.done $0x0  }
0x65: {  	[sflag:s12] =	ssyncadd.s32 $0xFFFFF800  }
0x66: {  	[bflag:$0x0] =	sbarrier.arrive $0xFFFF  }
0x67: {  	s8 =	simm.s32 $0x0  }
0x68: {  	s9 =	rddreg [dreg:$0x8]  }
0x69: {  	[tilespmem:s8], [sflag:$0x1] =	stream.linear.gather [hbm4b:s9+s8], $0x80, $0x38;
	[tilespmem:$0x1CA00] =	vst v63  }
0x6a: {  	s30 =	rddreg [dreg:$0x9]  }
0x6b: {  	[tilespmem:s13], [sflag:$0x1] =	stream.linear.gather [hbm4b:s30+s8], $0x80, $0x38;
	[tilespmem:$0x1CA00] =	vst v63  }
0x6c: {  	s29 =	rddreg [dreg:$0xa]  }
0x6d: {  	[tilespmem:s14], [sflag:$0x2] =	stream.linear.gather [hbm4b:s29+s8], $0x80, $0x38;
	[tilespmem:$0x1CA00] =	vst v63  }
0x6e: {  	s30 =	rddreg [dreg:$0xb]  }
0x6f: {  	[tilespmem:s15], [sflag:$0x2] =	stream.linear.gather [hbm4b:s30+s8], $0x80, $0x38;
	[tilespmem:$0x1CA00] =	vst v63  }
0x70: {  	_ =	swait.ge [sflag:s16], $0x80  }
0x71: {  	[sflag:s16] =	ssyncset.done $0x0  }
0x72: {  	[sflag:s16] =	ssyncadd.s32 $0xFFFFFF80  }
0x73: {  	_ =	swait.ge [sflag:s16], $0x80  }
0x74: {  	[sflag:s16] =	ssyncset.done $0x0  }
0x75: {  	[sflag:s16] =	ssyncadd.s32 $0xFFFFFF80  }
0x76: {  	[tilespmem:s19], [sflag:$0x3] =	stream.indirect.gather [hbm4b:s1+s14], $0x80, s8, s14, $0xb8;
	[tilespmem:$0x1CA00] =	vst v63  }
0x77: {  	_ =	swait.ge [sflag:s20], $0x80  }
0x78: {  	[sflag:s20] =	ssyncset.done $0x0  }
0x79: {  	[sflag:s20] =	ssyncadd.s32 $0xFFFFFF80  }
0x7a: {  	_ =	swait.ge [sflag:s20], $0x80  }
0x7b: {  	[sflag:s20] =	ssyncset.done $0x0  }
0x7c: {  	[sflag:s20] =	ssyncadd.s32 $0xFFFFFF80  }
0x7d: {  	[tilespmem:s21], [sflag:$0x4] =	stream.indirect.gather [hbm4b:s1+s14], $0x80, s14, s14, $0xb8;
	[tilespmem:$0x1CA00] =	vst v63  }
0x7e: {  	_ =	swait.ge [sflag:s22], $0x4000  }
0x7f: {  	[sflag:s22] =	ssyncset.done $0x0  }
0x80: {  	[sflag:s22] =	ssyncadd.s32 $0xFFFFC000  }
0x81: {  	[spmem:s2] =	stream.indirect.scatter.add.f32 [tilespmem:s19], [sflag:$0x5], $0x80, s13, s14, $0xb8;
	[tilespmem:$0x1CA00] =	vst v63  }
0x82: {  	_ =	swait.ge [sflag:s12], $0x4000  }
0x83: {  	[sflag:s12] =	ssyncset.done $0x0  }
0x84: {  	s29 =	rddreg [dreg:$0xc];
	[sflag:s12] =	ssyncadd.s32 $0xFFFFC000  }
0x85: {  	[tilespmem:s8], [sflag:$0x1] =	stream.linear.gather [hbm4b:s29+s8], $0x80, $0x38;
	[tilespmem:$0x1CA00] =	vst v63  }
0x86: {  	s30 =	rddreg [dreg:$0xd]  }
0x87: {  	[tilespmem:s13], [sflag:$0x1] =	stream.linear.gather [hbm4b:s30+s8], $0x80, $0x38;
	[tilespmem:$0x1CA00] =	vst v63  }
0x88: {  	_ =	swait.ge [sflag:s16], $0x80  }
0x89: {  	[sflag:s16] =	ssyncset.done $0x0  }
0x8a: {  	[sflag:s16] =	ssyncadd.s32 $0xFFFFFF80  }
0x8b: {  	_ =	swait.ge [sflag:s16], $0x80  }
0x8c: {  	[sflag:s16] =	ssyncset.done $0x0  }
0x8d: {  	[sflag:s16] =	ssyncadd.s32 $0xFFFFFF80  }
0x8e: {  	[tilespmem:s19], [sflag:$0x3] =	stream.indirect.gather [hbm4b:s1+s14], $0x80, s3, s14, $0xb8;
	[tilespmem:$0x1CA00] =	vst v63  }
0x8f: {  	s29 =	sadd.s32 $0x0, s10;
	_ =	swait.ge [sflag:s24], $0x4000  }
0x90: {  	s9 =	sadd.s32 $0x9020, s29;
	s8 =	simm.s32 $0x20;
	[sflag:s24] =	ssyncset.done $0x0  }
0x91: {  	s9 =	sand.u32 $0x9F80, s9;
	s29 =	sand.u32 $0x60, s8;
	[sflag:s24] =	ssyncadd.s32 $0xFFFFC000  }
0x92: {  	[spmem:s2] =	stream.indirect.scatter.add.f32 [tilespmem:s21], [sflag:$0x5], $0x80, s15, s14, $0xb8;
	[tilespmem:$0x1CA00] =	vst v63  }
0x93: {  	s9 =	sor.u32 s9, s29;
	_ =	swait.ge [sflag:s12], $0x4000  }
0x94: {  	s9 =	sor.u32 $0x10, s9;
	[sflag:s12] =	ssyncset.done $0x0  }
0x95: {  	s30 =	sadd.s32 s5, s9;
	[sflag:s12] =	ssyncadd.s32 $0xFFFFC000  }
0x96: {  	[tilespmem:s14], [sflag:$0x2] =	stream.linear.gather [hbm4b:s30+s3], $0x80, $0x38;
	[tilespmem:$0x1CA00] =	vst v63  }
0x97: {  	s9 =	sadd.s32 s6, s9  }
0x98: {  	[tilespmem:s15], [sflag:$0x2] =	stream.linear.gather [hbm4b:s9+s3], $0x80, $0x38;
	[tilespmem:$0x1CA00] =	vst v63  }
0x99: {  	_ =	swait.ge [sflag:s20], $0x80  }
0x9a: {  	[sflag:s20] =	ssyncset.done $0x0  }
0x9b: {  	[sflag:s20] =	ssyncadd.s32 $0xFFFFFF80  }
0x9c: {  	_ =	swait.ge [sflag:s20], $0x80  }
0x9d: {  	[sflag:s20] =	ssyncset.done $0x0  }
0x9e: {  	[sflag:s20] =	ssyncadd.s32 $0xFFFFFF80  }
0x9f: {  	[tilespmem:s21], [sflag:$0x4] =	stream.indirect.gather [hbm4b:s1+s14], $0x80, s14, s14, $0xb8;
	[tilespmem:$0x1CA00] =	vst v63  }
0xa0: {  	_ =	swait.ge [sflag:s22], $0x4000  }
0xa1: {  	[sflag:s22] =	ssyncset.done $0x0  }
0xa2: {  	[sflag:s22] =	ssyncadd.s32 $0xFFFFC000  }
0xa3: {  	[spmem:s2] =	stream.indirect.scatter.add.f32 [tilespmem:s19], [sflag:$0x5], $0x80, s13, s14, $0xb8;
	[tilespmem:$0x1CA00] =	vst v63  }
0xa4: {  	_ =	swait.ge [sflag:s12], $0x4000  }
0xa5: {  	[sflag:s12] =	ssyncset.done $0x0  }
0xa6: {  	s30 =	sadd.s32 $0x0, s28;
	s9 =	sadd.s32 $0x0, s26;
	[sflag:s12] =	ssyncadd.s32 $0xFFFFC000  }
0xa7: {  	[tilespmem:s3], [sflag:$0x1] =	stream.linear.gather [hbm4b:s30+s3], $0x80, $0x38;
	[tilespmem:$0x1CA00] =	vst v63  }
.LBB2_10:
0xa8: {  	p1 =	sne.s32 s8, $0xA0;
	s29 =	smov.u32 s8;
	s8 =	sadd.s32 $0x20, s8  }
0xa9: {  	[tilespmem:s13], [sflag:$0x1] =	stream.linear.gather [hbm4b:s9+s3], $0x80, $0x38;
	[tilespmem:$0x1CA00] =	vst v63  }
0xaa: {  	_ =	swait.ge [sflag:s16], $0x80  }
0xab: {  	[sflag:s16] =	ssyncset.done $0x0  }
0xac: {  	[sflag:s16] =	ssyncadd.s32 $0xFFFFFF80  }
0xad: {  	_ =	swait.ge [sflag:s16], $0x80  }
0xae: {  	[sflag:s16] =	ssyncset.done $0x0  }
0xaf: {  	[sflag:s16] =	ssyncadd.s32 $0xFFFFFF80  }
0xb0: {  	[tilespmem:s19], [sflag:$0x3] =	stream.indirect.gather [hbm4b:s1+s14], $0x80, s3, s14, $0xb8;
	[tilespmem:$0x1CA00] =	vst v63  }
0xb1: {  	_ =	swait.ge [sflag:s24], $0x4000  }
0xb2: {  	s9 =	sadd.s32 s29, s10;
	[sflag:s24] =	ssyncset.done $0x0  }
0xb3: {  	s30 =	sand.u32 $0x60, s8;
	s9 =	sadd.s32 $0x9020, s9;
	[sflag:s24] =	ssyncadd.s32 $0xFFFFC000  }
0xb4: {  	[spmem:s2] =	stream.indirect.scatter.add.f32 [tilespmem:s21], [sflag:$0x5], $0x80, s15, s14, $0xb8;
	[tilespmem:$0x1CA00] =	vst v63  }
0xb5: {  	s9 =	sand.u32 $0x9F80, s9;
	_ =	swait.ge [sflag:s12], $0x4000  }
0xb6: {  	s9 =	sor.u32 s9, s30;
	[sflag:s12] =	ssyncset.done $0x0  }
0xb7: {  	s9 =	sor.u32 $0x10, s9;
	[sflag:s12] =	ssyncadd.s32 $0xFFFFC000  }
0xb8: {  	s30 =	sadd.s32 s5, s9;
	s9 =	sadd.s32 s6, s9  }
0xb9: {  	[tilespmem:s14], [sflag:$0x2] =	stream.linear.gather [hbm4b:s30+s3], $0x80, $0x38;
	[tilespmem:$0x1CA00] =	vst v63  }
0xba: {  	_ = 	snop  }
0xbb: {  	[tilespmem:s15], [sflag:$0x2] =	stream.linear.gather [hbm4b:s9+s3], $0x80, $0x38;
	[tilespmem:$0x1CA00] =	vst v63  }
0xbc: {  	_ =	swait.ge [sflag:s20], $0x80  }
0xbd: {  	[sflag:s20] =	ssyncset.done $0x0  }
0xbe: {  	[sflag:s20] =	ssyncadd.s32 $0xFFFFFF80  }
0xbf: {  	_ =	swait.ge [sflag:s20], $0x80  }
0xc0: {  	[sflag:s20] =	ssyncset.done $0x0  }
0xc1: {  	[sflag:s20] =	ssyncadd.s32 $0xFFFFFF80  }
0xc2: {  	[tilespmem:s21], [sflag:$0x4] =	stream.indirect.gather [hbm4b:s1+s14], $0x80, s14, s14, $0xb8;
	[tilespmem:$0x1CA00] =	vst v63  }
0xc3: {  	_ =	swait.ge [sflag:s22], $0x4000  }
0xc4: {  	[sflag:s22] =	ssyncset.done $0x0  }
0xc5: {  	[sflag:s22] =	ssyncadd.s32 $0xFFFFC000  }
0xc6: {  	[spmem:s2] =	stream.indirect.scatter.add.f32 [tilespmem:s19], [sflag:$0x5], $0x80, s13, s14, $0xb8;
	[tilespmem:$0x1CA00] =	vst v63  }
.Ltmp5:
0xc7: {  	_ = 	snop;
	(pc) =	sbr.rel @p1 .LBB2_10-.Ltmp5, $4  }
0xc8: {  	_ =	swait.ge [sflag:s12], $0x4000  }
0xc9: {  	s30 =	sadd.s32 s29, s28;
	[sflag:s12] =	ssyncset.done $0x0  }
0xca: {  	s9 =	sadd.s32 s29, s26;
	[sflag:s12] =	ssyncadd.s32 $0xFFFFC000  }
0xcb: {  	[tilespmem:s3], [sflag:$0x1] =	stream.linear.gather [hbm4b:s30+s3], $0x80, $0x38;
	[tilespmem:$0x1CA00] =	vst v63  }
0xcc: {  	[tilespmem:s13], [sflag:$0x1] =	stream.linear.gather [hbm4b:s9+s3], $0x80, $0x38;
	[tilespmem:$0x1CA00] =	vst v63  }
0xcd: {  	_ =	swait.ge [sflag:s16], $0x80  }
0xce: {  	[sflag:s16] =	ssyncset.done $0x0  }
0xcf: {  	[sflag:s16] =	ssyncadd.s32 $0xFFFFFF80  }
0xd0: {  	_ =	swait.ge [sflag:s16], $0x80  }
0xd1: {  	[sflag:s16] =	ssyncset.done $0x0  }
0xd2: {  	[sflag:s16] =	ssyncadd.s32 $0xFFFFFF80  }
0xd3: {  	[tilespmem:s19], [sflag:$0x3] =	stream.indirect.gather [hbm4b:s1+s14], $0x80, s3, s14, $0xb8;
	[tilespmem:$0x1CA00] =	vst v63  }
0xd4: {  	_ =	swait.ge [sflag:s24], $0x4000  }
0xd5: {  	[sflag:s24] =	ssyncset.done $0x0  }
0xd6: {  	[sflag:s24] =	ssyncadd.s32 $0xFFFFC000  }
0xd7: {  	[spmem:s2] =	stream.indirect.scatter.add.f32 [tilespmem:s21], [sflag:$0x5], $0x80, s15, s14, $0xb8;
	[tilespmem:$0x1CA00] =	vst v63  }
0xd8: {  	_ =	swait.ge [sflag:s12], $0x4000  }
0xd9: {  	[sflag:s12] =	ssyncset.done $0x0  }
0xda: {  	s8 =	rddreg [dreg:$0x10];
	[sflag:s12] =	ssyncadd.s32 $0xFFFFC000  }
0xdb: {  	[tilespmem:s14], [sflag:$0x2] =	stream.linear.gather [hbm4b:s8+s3], $0x80, $0x38;
	[tilespmem:$0x1CA00] =	vst v63  }
0xdc: {  	s30 =	rddreg [dreg:$0x11]  }
0xdd: {  	[tilespmem:s15], [sflag:$0x2] =	stream.linear.gather [hbm4b:s30+s3], $0x80, $0x38;
	[tilespmem:$0x1CA00] =	vst v63  }
0xde: {  	_ =	swait.ge [sflag:s20], $0x80  }
0xdf: {  	[sflag:s20] =	ssyncset.done $0x0  }
0xe0: {  	[sflag:s20] =	ssyncadd.s32 $0xFFFFFF80  }
0xe1: {  	_ =	swait.ge [sflag:s20], $0x80  }
0xe2: {  	[sflag:s20] =	ssyncset.done $0x0  }
0xe3: {  	[sflag:s20] =	ssyncadd.s32 $0xFFFFFF80  }
0xe4: {  	[tilespmem:s21], [sflag:$0x4] =	stream.indirect.gather [hbm4b:s1+s14], $0x80, s14, s14, $0xb8;
	[tilespmem:$0x1CA00] =	vst v63  }
0xe5: {  	_ =	swait.ge [sflag:s22], $0x4000  }
0xe6: {  	[sflag:s22] =	ssyncset.done $0x0  }
.Ltmp6:
0xe7: {  	[sflag:s22] =	ssyncadd.s32 $0xFFFFC000;
	(pc) =	sbr.rel .LBB2_12-.Ltmp6, $4  }
0xe8: {  	[spmem:s2] =	stream.indirect.scatter.add.f32 [tilespmem:s19], [sflag:$0x5], $0x80, s13, s14, $0xb8;
	[tilespmem:$0x1CA00] =	vst v63  }
0xe9: {  	_ =	swait.ge [sflag:s12], $0x4000  }
0xea: {  	[sflag:s12] =	ssyncset.done $0x0  }
0xeb: {  	[sflag:s12] =	ssyncadd.s32 $0xFFFFC000  }
.LBB2_6:
0xec: {  	s9 =	rddreg [dreg:$0x4]  }
0xed: {  	[tilespmem:s8], [sflag:$0x1] =	stream.linear.gather [hbm4b:s9+s8], $0x80, $0x38;
	[tilespmem:$0x1CA00] =	vst v63  }
0xee: {  	s29 =	rddreg [dreg:$0x5]  }
0xef: {  	[tilespmem:s13], [sflag:$0x1] =	stream.linear.gather [hbm4b:s29+s8], $0x80, $0x38;
	[tilespmem:$0x1CA00] =	vst v63  }
0xf0: {  	s30 =	rddreg [dreg:$0x6]  }
0xf1: {  	[tilespmem:s14], [sflag:$0x2] =	stream.linear.gather [hbm4b:s30+s8], $0x80, $0x38;
	[tilespmem:$0x1CA00] =	vst v63  }
0xf2: {  	s29 =	rddreg [dreg:$0x7]  }
0xf3: {  	[tilespmem:s15], [sflag:$0x2] =	stream.linear.gather [hbm4b:s29+s8], $0x80, $0x38;
	[tilespmem:$0x1CA00] =	vst v63  }
0xf4: {  	_ =	swait.ge [sflag:s16], $0x80  }
0xf5: {  	[sflag:s16] =	ssyncset.done $0x0  }
0xf6: {  	[sflag:s16] =	ssyncadd.s32 $0xFFFFFF80  }
0xf7: {  	_ =	swait.ge [sflag:s16], $0x80  }
0xf8: {  	[sflag:s16] =	ssyncset.done $0x0  }
0xf9: {  	[sflag:s16] =	ssyncadd.s32 $0xFFFFFF80  }
0xfa: {  	[tilespmem:s19], [sflag:$0x3] =	stream.indirect.gather [hbm4b:s1+s14], $0x80, s8, s14, $0xb8;
	[tilespmem:$0x1CA00] =	vst v63  }
0xfb: {  	_ =	swait.ge [sflag:s20], $0x80  }
0xfc: {  	[sflag:s20] =	ssyncset.done $0x0  }
0xfd: {  	[sflag:s20] =	ssyncadd.s32 $0xFFFFFF80  }
0xfe: {  	_ =	swait.ge [sflag:s20], $0x80  }
0xff: {  	[sflag:s20] =	ssyncset.done $0x0  }
0x100: {  	[sflag:s20] =	ssyncadd.s32 $0xFFFFFF80  }
0x101: {  	[tilespmem:s21], [sflag:$0x4] =	stream.indirect.gather [hbm4b:s1+s14], $0x80, s14, s14, $0xb8;
	[tilespmem:$0x1CA00] =	vst v63  }
0x102: {  	_ =	swait.ge [sflag:s22], $0x4000  }
0x103: {  	[sflag:s22] =	ssyncset.done $0x0  }
0x104: {  	[sflag:s22] =	ssyncadd.s32 $0xFFFFC000  }
0x105: {  	[spmem:s2] =	stream.indirect.scatter.add.f32 [tilespmem:s19], [sflag:$0x5], $0x80, s13, s14, $0xb8;
	[tilespmem:$0x1CA00] =	vst v63  }
0x106: {  	_ =	swait.ge [sflag:s12], $0x4000  }
0x107: {  	[sflag:s12] =	ssyncset.done $0x0  }
0x108: {  	s30 =	rddreg [dreg:$0x12];
	[sflag:s12] =	ssyncadd.s32 $0xFFFFC000  }
0x109: {  	[tilespmem:s8], [sflag:$0x1] =	stream.linear.gather [hbm4b:s30+s8], $0x80, $0x38;
	[tilespmem:$0x1CA00] =	vst v63  }
0x10a: {  	s29 =	rddreg [dreg:$0x13]  }
0x10b: {  	[tilespmem:s13], [sflag:$0x1] =	stream.linear.gather [hbm4b:s29+s8], $0x80, $0x38;
	[tilespmem:$0x1CA00] =	vst v63  }
0x10c: {  	_ =	swait.ge [sflag:s16], $0x80  }
0x10d: {  	[sflag:s16] =	ssyncset.done $0x0  }
0x10e: {  	[sflag:s16] =	ssyncadd.s32 $0xFFFFFF80  }
0x10f: {  	_ =	swait.ge [sflag:s16], $0x80  }
0x110: {  	[sflag:s16] =	ssyncset.done $0x0  }
0x111: {  	[sflag:s16] =	ssyncadd.s32 $0xFFFFFF80  }
0x112: {  	[tilespmem:s19], [sflag:$0x3] =	stream.indirect.gather [hbm4b:s1+s14], $0x80, s3, s14, $0xb8;
	[tilespmem:$0x1CA00] =	vst v63  }
0x113: {  	_ =	swait.ge [sflag:s24], $0x4000  }
0x114: {  	s30 =	sadd.s32 $0x0, s18;
	s8 =	simm.s32 $0x20;
	[sflag:s24] =	ssyncset.done $0x0  }
0x115: {  	s9 =	sand.u32 $0x1FF80, s30;
	s29 =	sand.u32 $0x60, s8;
	[sflag:s24] =	ssyncadd.s32 $0xFFFFC000  }
0x116: {  	[spmem:s2] =	stream.indirect.scatter.add.f32 [tilespmem:s21], [sflag:$0x5], $0x80, s15, s14, $0xb8;
	[tilespmem:$0x1CA00] =	vst v63  }
0x117: {  	s9 =	sor.u32 s9, s29;
	_ =	swait.ge [sflag:s12], $0x4000  }
0x118: {  	s9 =	sor.u32 $0x10, s9;
	[sflag:s12] =	ssyncset.done $0x0  }
0x119: {  	s30 =	sadd.s32 s5, s9;
	[sflag:s12] =	ssyncadd.s32 $0xFFFFC000  }
0x11a: {  	[tilespmem:s14], [sflag:$0x2] =	stream.linear.gather [hbm4b:s30+s3], $0x80, $0x38;
	[tilespmem:$0x1CA00] =	vst v63  }
0x11b: {  	s9 =	sadd.s32 s6, s9  }
0x11c: {  	[tilespmem:s15], [sflag:$0x2] =	stream.linear.gather [hbm4b:s9+s3], $0x80, $0x38;
	[tilespmem:$0x1CA00] =	vst v63  }
0x11d: {  	_ =	swait.ge [sflag:s20], $0x80  }
0x11e: {  	[sflag:s20] =	ssyncset.done $0x0  }
0x11f: {  	[sflag:s20] =	ssyncadd.s32 $0xFFFFFF80  }
0x120: {  	_ =	swait.ge [sflag:s20], $0x80  }
0x121: {  	[sflag:s20] =	ssyncset.done $0x0  }
0x122: {  	[sflag:s20] =	ssyncadd.s32 $0xFFFFFF80  }
0x123: {  	[tilespmem:s21], [sflag:$0x4] =	stream.indirect.gather [hbm4b:s1+s14], $0x80, s14, s14, $0xb8;
	[tilespmem:$0x1CA00] =	vst v63  }
0x124: {  	_ =	swait.ge [sflag:s22], $0x4000  }
0x125: {  	[sflag:s22] =	ssyncset.done $0x0  }
0x126: {  	[sflag:s22] =	ssyncadd.s32 $0xFFFFC000  }
0x127: {  	[spmem:s2] =	stream.indirect.scatter.add.f32 [tilespmem:s19], [sflag:$0x5], $0x80, s13, s14, $0xb8;
	[tilespmem:$0x1CA00] =	vst v63  }
0x128: {  	_ =	swait.ge [sflag:s12], $0x4000  }
0x129: {  	[sflag:s12] =	ssyncset.done $0x0  }
0x12a: {  	s30 =	sadd.s32 $0x0, s31;
	s9 =	sadd.s32 $0x0, s0;
	[sflag:s12] =	ssyncadd.s32 $0xFFFFC000  }
0x12b: {  	[tilespmem:s3], [sflag:$0x1] =	stream.linear.gather [hbm4b:s30+s3], $0x80, $0x38;
	[tilespmem:$0x1CA00] =	vst v63  }
.LBB2_7:
0x12c: {  	p1 =	seq.s32 s8, $0x8A0;
	s29 =	smov.u32 s8;
	s8 =	sadd.s32 $0x20, s8  }
0x12d: {  	[tilespmem:s13], [sflag:$0x1] =	stream.linear.gather [hbm4b:s9+s3], $0x80, $0x38;
	[tilespmem:$0x1CA00] =	vst v63  }
0x12e: {  	_ =	swait.ge [sflag:s16], $0x80  }
0x12f: {  	[sflag:s16] =	ssyncset.done $0x0  }
0x130: {  	[sflag:s16] =	ssyncadd.s32 $0xFFFFFF80  }
0x131: {  	_ =	swait.ge [sflag:s16], $0x80  }
0x132: {  	[sflag:s16] =	ssyncset.done $0x0  }
0x133: {  	[sflag:s16] =	ssyncadd.s32 $0xFFFFFF80  }
0x134: {  	[tilespmem:s19], [sflag:$0x3] =	stream.indirect.gather [hbm4b:s1+s14], $0x80, s3, s14, $0xb8;
	[tilespmem:$0x1CA00] =	vst v63  }
0x135: {  	_ =	swait.ge [sflag:s24], $0x4000  }
0x136: {  	[sflag:s24] =	ssyncset.done $0x0  }
0x137: {  	s9 =	sadd.s32 s29, s18;
	s30 =	sand.u32 $0x60, s8;
	[sflag:s24] =	ssyncadd.s32 $0xFFFFC000  }
0x138: {  	[spmem:s2] =	stream.indirect.scatter.add.f32 [tilespmem:s21], [sflag:$0x5], $0x80, s15, s14, $0xb8;
	[tilespmem:$0x1CA00] =	vst v63  }
0x139: {  	s9 =	sand.u32 $0x1FF80, s9;
	_ =	swait.ge [sflag:s12], $0x4000  }
0x13a: {  	s9 =	sor.u32 s9, s30;
	[sflag:s12] =	ssyncset.done $0x0  }
0x13b: {  	s9 =	sor.u32 $0x10, s9;
	[sflag:s12] =	ssyncadd.s32 $0xFFFFC000  }
0x13c: {  	s30 =	sadd.s32 s5, s9;
	s9 =	sadd.s32 s6, s9  }
0x13d: {  	[tilespmem:s14], [sflag:$0x2] =	stream.linear.gather [hbm4b:s30+s3], $0x80, $0x38;
	[tilespmem:$0x1CA00] =	vst v63  }
0x13e: {  	_ = 	snop  }
0x13f: {  	[tilespmem:s15], [sflag:$0x2] =	stream.linear.gather [hbm4b:s9+s3], $0x80, $0x38;
	[tilespmem:$0x1CA00] =	vst v63  }
0x140: {  	_ =	swait.ge [sflag:s20], $0x80  }
0x141: {  	[sflag:s20] =	ssyncset.done $0x0  }
0x142: {  	[sflag:s20] =	ssyncadd.s32 $0xFFFFFF80  }
0x143: {  	_ =	swait.ge [sflag:s20], $0x80  }
0x144: {  	[sflag:s20] =	ssyncset.done $0x0  }
0x145: {  	[sflag:s20] =	ssyncadd.s32 $0xFFFFFF80  }
0x146: {  	[tilespmem:s21], [sflag:$0x4] =	stream.indirect.gather [hbm4b:s1+s14], $0x80, s14, s14, $0xb8;
	[tilespmem:$0x1CA00] =	vst v63  }
0x147: {  	_ =	swait.ge [sflag:s22], $0x4000  }
0x148: {  	[sflag:s22] =	ssyncset.done $0x0  }
0x149: {  	[sflag:s22] =	ssyncadd.s32 $0xFFFFC000  }
0x14a: {  	[spmem:s2] =	stream.indirect.scatter.add.f32 [tilespmem:s19], [sflag:$0x5], $0x80, s13, s14, $0xb8;
	[tilespmem:$0x1CA00] =	vst v63  }
.Ltmp7:
0x14b: {  	_ = 	snop;
	(pc) =	sbr.rel @!p1 .LBB2_7-.Ltmp7, $4  }
0x14c: {  	_ =	swait.ge [sflag:s12], $0x4000  }
0x14d: {  	s30 =	sadd.s32 s29, s31;
	[sflag:s12] =	ssyncset.done $0x0  }
0x14e: {  	s9 =	sadd.s32 s29, s0;
	[sflag:s12] =	ssyncadd.s32 $0xFFFFC000  }
0x14f: {  	[tilespmem:s3], [sflag:$0x1] =	stream.linear.gather [hbm4b:s30+s3], $0x80, $0x38;
	[tilespmem:$0x1CA00] =	vst v63  }
.Ltmp8:
0x150: {  	_ = 	snop;
	(pc) =	sbr.rel .LBB2_8-.Ltmp8, $1  }
0x151: {  	_ =	sdelay $0x3  }
.LBB2_13:
0x152: {  	_ =	sfence.sel $0x180000  }
0x153: {  	[bflag:$0x0] =	sbarrier.arrive $0xFFFF  }
0x154: {  	_ =	strace $0x9000004A  }
0x155: {  	[bflag:$0x2] =	sbarrier.arrive $0xFFFF  }
0x156: {  	p0 =	sne.s32 s4, $0x0;
	s0 =	rddreg [dreg:$0x3]  }
0x157: {  	s0 =	sadd.s32 @!p0 $0x100000, s0  }
0x158: {  	[sflag:s0] =	ssyncadd.tile.s32 @!p0 $0x1;
	_ =	shalt  }
.Lfunc_end2:
_tile_overlayer_lowered:
.L_overlay_start_2:
0x159: {  	(tag) =	ssettag $0x2  }
0x15a: {  	s0 =	rddreg [dreg:$0x0];
	s2 =	stileid.u32  }
0x15b: {  	s1 =	rddreg [dreg:$0x1];
	p0 =	sne.s32 s2, $0x0  }
0x15c: {  	s3 =	rddreg [dreg:$0x2];
	[bflag:$0x3] =	sbarrier.arrive $0xFFFF;
	s2 =	simm.s32 @!p0 $0x1C05  }
0x15d: {  	[timem:s3], [sflag:s2] =	dma.local @!p0 [hbm:s0], s1  }
0x15e: {  	s0 =	simm.s32 @!p0 $0x5  }
0x15f: {  	_ =	swait.ge @!p0 [sflag:s0], s1  }
0x160: {  	s1 =	ssub.s32 @!p0 $0x0, s1;
	[sflag:s0] =	ssyncset.done @!p0 $0x0  }
0x161: {  	[sflag:s0] =	ssyncadd.s32 @!p0 s1  }
0x162: {  	[bflag:$0x3] =	sbarrier.arrive $0xFFFF  }
0x163: {  	_ =	shalt  }

// kernel: kernel.19.cloned.1.call-start
scs
__scs_entry_jumppad:
0x0: {  	(pc) =	sbr.rel $0x88, $3  }
0x1: {  	(tag) =	ssettag $0x0;
	lr =	simm.s32 $0x1  }
0x2: {  	[smem:$0x3F73] =	sst lr;
	_ =	strace $0xD0000000  }
0x3: {  	_ = 	snop  }
0x4: {  	_ = 	snop  }
0x5: {  	_ = 	snop  }
0x6: {  	_ = 	snop  }
0x7: {  	_ = 	snop  }
__scs_overlays_trampoline_lowered:
0x8: {  	[smem:$0x3F82] =	sst s0  }
0x9: {  	[smem:$0x3F83] =	sst s1  }
0xa: {  	[smem:$0x3F84] =	sst s2  }
0xb: {  	[smem:$0x3F85] =	sst s3  }
0xc: {  	[smem:$0x3F86] =	sst s4  }
0xd: {  	[smem:$0x3F87] =	sst s5  }
0xe: {  	[smem:$0x3F88] =	sst s6  }
0xf: {  	[smem:$0x3F89] =	sst s7  }
0x10: {  	[smem:$0x3F8A] =	sst s8  }
0x11: {  	[smem:$0x3F8B] =	sst s9;
	s0 =	simm.s32 @!p0 $0x0  }
0x12: {  	s1 =	sld [smem:$0x3F71];
	s0 =	simm.s32 @p0 $0x1  }
0x13: {  	[smem:$0x3F8C] =	sst s0;
	s0 =	simm.s32 @!p1 $0x0  }
0x14: {  	s2 =	sld [smem:$0x3F70];
	s0 =	simm.s32 @p1 $0x1  }
0x15: {  	[smem:$0x3F8D] =	sst s0;
	s0 =	simm.s32 @!p2 $0x0  }
0x16: {  	s3 =	sld [smem:$0x3FDB];
	s0 =	simm.s32 @p2 $0x1  }
0x17: {  	s4 =	simm.s32 $0x1BF5;
	[smem:$0x3F8F] =	sst s0  }
0x18: {  	s0 =	sld [smem:$0x3F72];
	_ =	swait.ge [sflag:s4], $0x0  }
0x19: {  	s7 =	sld [smem:$0x3F73]  }
0x1a: {  	s8 =	sadd.s32 $0xFFFFE003, lr  }
0x1b: {  	s9 =	sadd.s32 $0xFFFFFEF7, lr;
	s5 =	simm.s32 $0xFFFFFFFF;
	p2 =	slt.u32 s8, $0xFFFFF086  }
0x1c: {  	p1 =	slt.u32 s9, $0xF7A;
	s5 =	simm.s32 @!p2 $0x0  }
0x1d: {  	s5 =	simm.s32 @p1 $0x1;
	p0 =	seq.s32 s7, s2  }
0x1e: {  	s7 =	smul.u32 @!p0 $0xF7A, s2;
	p2 =	seq.s32 @!p0 s5, $0x0  }
0x1f: {  	s9 =	smul.u32 $0xF7A, s1;
	s8 =	simm.s32 @!p0 $0x1BF5;
	p2 =	por !p2, p0  }
0x20: {  	[sflag:s8] =	ssyncset.s32 @!p0 $0xFFFFF086;
	s6 =	sadd.s32 @!p0 s3, s7;
	s7 =	simm.s32 @!p0 $0x108  }
0x21: {  	s3 =	sadd.s32 s3, s9;
	s6 =	sadd.s32 @!p0 $0x88, s6;
	s7 =	simm.s32 @p2 $0x1082  }
0x22: {  	[simem:s7], [sflag:s8] =	dma.local @!p0 [hbm:s6], $0xF7A  }
0x23: {  	s9 =	sor.u32 $0xD0000000, s2;
	s6 =	simm.s32 $0x108;
	_ =	swait.ge @!p0 [sflag:s8], $0x0  }
0x24: {  	s3 =	sadd.s32 $0x88, s3;
	s6 =	simm.s32 @!p1 $0x1082;
	[sflag:s4] =	ssyncset.s32 $0xFFFFF086  }
0x25: {  	[simem:s6], [sflag:s4] =	dma.local [hbm:s3], $0xF7A  }
0x26: {  	[smem:$0x3F73] =	sst s1;
	(tag) =	ssettag s2;
	_ =	strace s9  }
0x27: {  	s1 =	sld [smem:$0x3F83]  }
0x28: {  	s2 =	sld [smem:$0x3F84]  }
0x29: {  	s4 =	sld [smem:$0x3F86]  }
0x2a: {  	p0 =	seq.s32 s5, $0x0;
	s5 =	sld [smem:$0x3F87]  }
0x2b: {  	s6 =	sld [smem:$0x3F88]  }
0x2c: {  	s7 =	sld [smem:$0x3F89]  }
0x2d: {  	s3 =	simm.s32 $0x108;
	s8 =	sld [smem:$0x3F8A]  }
0x2e: {  	s3 =	simm.s32 @!p0 $0x1082;
	s9 =	sld [smem:$0x3F8B]  }
0x2f: {  	lr =	sadd.s32 s0, s3;
	s0 =	sld [smem:$0x3F82]  }
0x30: {  	s3 =	sld [smem:$0x3F85]  }
0x31: {  	[smem:$0x3F8E] =	sst s10  }
0x32: {  	s10 =	sld [smem:$0x3F8C];
	_ =	sdelay $0x3  }
0x33: {  	p0 =	seq.s32 s10, $0x1;
	s10 =	sld [smem:$0x3F8E];
	_ =	sdelay $0x3  }
0x34: {  	[smem:$0x3F8E] =	sst s10  }
0x35: {  	s10 =	sld [smem:$0x3F8D];
	_ =	sdelay $0x3  }
0x36: {  	p1 =	seq.s32 s10, $0x1;
	s10 =	sld [smem:$0x3F8E];
	_ =	sdelay $0x3  }
0x37: {  	[smem:$0x3F8E] =	sst s10  }
0x38: {  	s10 =	sld [smem:$0x3F8F]  }
0x39: {  	_ = 	snop;
	(pc) =	sbr.ind lr, $3  }
0x3a: {  	_ = 	snop  }
0x3b: {  	_ = 	snop  }
0x3c: {  	p2 =	seq.s32 s10, $0x1;
	s10 =	sld [smem:$0x3F8E]  }
0x3d: {  	_ =	shalt  }
0x3e: {  	_ =	shalt  }
0x3f: {  	_ =	shalt  }
0x40: {  	_ =	shalt  }
0x41: {  	_ =	shalt  }
0x42: {  	_ =	shalt  }
0x43: {  	_ =	shalt  }
0x44: {  	_ =	shalt  }
0x45: {  	_ =	shalt  }
0x46: {  	_ =	shalt  }
0x47: {  	_ =	shalt  }
0x48: {  	_ =	shalt  }
0x49: {  	_ =	shalt  }
0x4a: {  	_ =	shalt  }
0x4b: {  	_ =	shalt  }
0x4c: {  	_ =	shalt  }
0x4d: {  	_ =	shalt  }
0x4e: {  	_ =	shalt  }
0x4f: {  	_ =	shalt  }
0x50: {  	_ =	shalt  }
0x51: {  	_ =	shalt  }
0x52: {  	_ =	shalt  }
0x53: {  	_ =	shalt  }
0x54: {  	_ =	shalt  }
0x55: {  	_ =	shalt  }
0x56: {  	_ =	shalt  }
0x57: {  	_ =	shalt  }
0x58: {  	_ =	shalt  }
0x59: {  	_ =	shalt  }
0x5a: {  	_ =	shalt  }
0x5b: {  	_ =	shalt  }
0x5c: {  	_ =	shalt  }
0x5d: {  	_ =	shalt  }
0x5e: {  	_ =	shalt  }
0x5f: {  	_ =	shalt  }
0x60: {  	_ =	shalt  }
0x61: {  	_ =	shalt  }
0x62: {  	_ =	shalt  }
0x63: {  	_ =	shalt  }
0x64: {  	_ =	shalt  }
0x65: {  	_ =	shalt  }
0x66: {  	_ =	shalt  }
0x67: {  	_ =	shalt  }
0x68: {  	_ =	shalt  }
0x69: {  	_ =	shalt  }
0x6a: {  	_ =	shalt  }
0x6b: {  	_ =	shalt  }
0x6c: {  	_ =	shalt  }
0x6d: {  	_ =	shalt  }
0x6e: {  	_ =	shalt  }
0x6f: {  	_ =	shalt  }
0x70: {  	_ =	shalt  }
0x71: {  	_ =	shalt  }
0x72: {  	_ =	shalt  }
0x73: {  	_ =	shalt  }
0x74: {  	_ =	shalt  }
0x75: {  	_ =	shalt  }
0x76: {  	_ =	shalt  }
0x77: {  	_ =	shalt  }
0x78: {  	_ =	shalt  }
0x79: {  	_ =	shalt  }
0x7a: {  	_ =	shalt  }
0x7b: {  	_ =	shalt  }
0x7c: {  	_ =	shalt  }
0x7d: {  	_ =	shalt  }
0x7e: {  	_ =	shalt  }
0x7f: {  	_ =	shalt  }
0x80: {  	_ =	shalt  }
0x81: {  	_ =	shalt  }
0x82: {  	_ =	shalt  }
0x83: {  	_ =	shalt  }
0x84: {  	_ =	shalt  }
0x85: {  	_ =	shalt  }
0x86: {  	_ =	shalt  }
0x87: {  	_ =	shalt  }
.Lfunc_end0:
.L_simem_size_0:
called_computation.2_lowered:
.L_overlay_start_0:
0x88: {  	s2 =	sld [smem:$0x3FD9]  }
0x89: {  	s3 =	sld [smem:$0x3FFE];
	_ =	sdelay $0x1  }
0x8a: {  	s1 =	srdreg.scid  }
0x8b: {  	s0 =	sand.u32 $0x1, s1  }
0x8c: {  	s14 =	sshll.u32 s0, $0xA;
	s2 =	sadd.s32 s3, s2  }
0x8d: {  	s2 =	sadd.s32 s2, s14  }
0x8e: {  	[smem:$0x3F9A] =	sst s2  }
0x8f: {  	_ = 	snop  }
0x90: {  	s2 =	sld [smem:$0x3FD0];
	_ =	sdelay $0x2  }
0x91: {  	s15 =	simm.s32 $0xA;
	s4 =	simm.s32 $0x10  }
0x92: {  	[smem:s4], [sflag:s15] =	dma.local [hbm:s2], $0x1  }
0x93: {  	_ =	swait.eq [sflag:s15], $0x1  }
0x94: {  	[sflag:s15] =	ssyncset.done $0x0  }
0x95: {  	[sflag:s15] =	ssyncadd.s32 $0xFFFFFFFF  }
0x96: {  	s16 =	sld [smem:$0x10];
	(tm) =	ssettm $0x1  }
0x97: {  	s17 =	sld [smem:$0x3FFB];
	_ =	sdelay $0x3  }
0x98: {  	_ =	strace s17  }
0x99: {  	s3 =	sld [smem:$0x3FFC];
	_ =	sdelay $0x3  }
0x9a: {  	_ =	strace s3  }
0x9b: {  	s3 =	sld [smem:$0x3FFD];
	_ =	sdelay $0x3  }
0x9c: {  	_ =	strace s3  }
0x9d: {  	_ =	strace $0x8FFFFFFF  }
0x9e: {  	s18 =	sld [smem:$0x3FDB];
	_ =	sdelay $0x1  }
0x9f: {  	s19 =	simm.s32 $_scs_section_size  }
0xa0: {  	s5 =	simm.s32 $_size__tile_overlayer_lowered;
	s6 =	simm.s32 $_tile_overlayer_lowered  }
0xa1: {  	s22 =	simm.s32 $0x1BFF;
	s21 =	sshll.u32 s6, $0x1;
	s3 =	sadd.s32 s19, s18  }
0xa2: {  	s7 =	simm.s32 $0x0;
	s20 =	sshll.u32 s5, $0x1;
	s5 =	sadd.s32 s21, s3  }
0xa3: {  	[timem:s7], [sflag:s22] =	dma.local [hbm:s5], s20  }
0xa4: {  	_ =	swait.ge [sflag:s22], s20  }
0xa5: {  	s4 =	ssub.s32 $0x0, s20;
	[sflag:s22] =	ssyncset.done $0x0  }
0xa6: {  	[sflag:s22] =	ssyncadd.s32 s4;
	_ =	sdelay $0x1  }
0xa7: {  	s23 =	simm.s32 $0x1B8B  }
0xa8: {  	_ =	swait.ge [sflag:s23], $0x1  }
0xa9: {  	[sflag:s23] =	ssyncset.done $0x0  }
0xaa: {  	s25 =	simm.s32 $0x1B8E;
	s24 =	sld [smem:$0x3FFE];
	[sflag:s23] =	ssyncadd.s32 $0xFFFFFFFF  }
0xab: {  	s26 =	simm.s32 $execute0_lowered;
	[smem:$0x3FD2] =	sst s25  }
0xac: {  	s5 =	sshll.u32 s26, $0x1;
	_ =	strace $0x8000004C;
	[dreg:$0x1] =	wrdreg $0xFFFFFFFF  }
0xad: {  	s28 =	simm.s32 $_size_execute0_lowered;
	s3 =	sadd.s32 s3, s5;
	[dreg:$0x0] =	wrdreg $0x0  }
0xae: {  	s5 =	sshll.u32 s28, $0x1;
	[dreg:$0x2] =	wrdreg s3  }
0xaf: {  	[dreg:$0x3] =	wrdreg s5  }
0xb0: {  	[dreg:$0x4] =	wrdreg $0xC0  }
0xb1: {  	_ =	task [dreg:s7], $0x5FFFF  }
0xb2: {  	[dreg:$0x1] =	wrdreg $0xFFFFFFFF  }
0xb3: {  	[dreg:$0x0] =	wrdreg $0x60  }
0xb4: {  	[dreg:$0x2] =	wrdreg s16  }
0xb5: {  	[dreg:$0x3] =	wrdreg s24  }
0xb6: {  	[dreg:$0x4] =	wrdreg $0x8A000  }
0xb7: {  	[dreg:$0x5] =	wrdreg $0x9  }
0xb8: {  	_ =	task.clear_ibuf [dreg:s7], $0x6FFFF;
	_ =	strace $0x9000004C  }
0xb9: {  	s29 =	simm.s32 $0x9;
	_ =	strace $0x8000004E  }
0xba: {  	_ =	swait.ge [sflag:s29], $0x1  }
0xbb: {  	[sflag:s29] =	ssyncadd.s32 $0xFFFFFFFF  }
0xbc: {  	_ =	strace $0x9000004E  }
0xbd: {  	_ =	sfence  }
0xbe: {  	s30 =	sld [smem:$0x0];
	_ =	sdelay $0x2  }
0xbf: {  	s31 =	sshll.u32 s1, $0xD;
	s1 =	sshrl.u32 s1, $0x2  }
0xc0: {  	s3 =	sand.u32 $0x4000, s31;
	s1 =	sadd.s32 s1, s30  }
0xc1: {  	s0 =	sor.u32 s3, s0;
	s1 =	sshll.u32 s1, $0x11  }
0xc2: {  	s0 =	sor.u32 s1, s0  }
0xc3: {  	s0 =	sadd.s32 $0x8F2B, s0  }
0xc4: {  	[sflag:s0] =	ssyncadd.remote.s32 $0x1  }
0xc5: {  	_ =	sfence.sel $0xFFFF  }
0xc6: {  	[dreg:$0x0] =	wrdreg $0xFFFFFFFF;
	(pc) =	sbr.abs _section_cstart, $3  }
0xc7: {  	[dreg:$0x1] =	wrdreg $0xFFFFFFFF  }
0xc8: {  	_ =	task.clear_ibuf [dreg:s7], $0x2FFFF;
	_ =	strace $0x9FFFFFFF  }
0xc9: {  	(tm) =	ssettm $0x7FFFFFFF  }
tec
execute0_lowered:
.L_overlay_start_1:
0x0: {  	(tag) =	ssettag $0x1  }
0x1: {  	s1 =	rddreg [dreg:$0x0]  }
0x2: {  	s0 =	rddreg [dreg:$0x1]  }
0x3: {  	s2 =	rddreg [dreg:$0x2];
	s3 =	simm.s32 $0x0;
	s4 =	srdreg.scid  }
0x4: {  	[smem:$0x7FF] =	sst s3;
	s8 =	sand.u32 $0x1, s4  }
0x5: {  	s4 =	stileid.u32;
	s7 =	smul.u32 $0x28000, s8  }
0x6: {  	s5 =	sadd.s32 $0x12800, s0;
	s6 =	sadd.s32 $0x8800, s0;
	s10 =	smul.u32 $0x50000, s4  }
0x7: {  	_ =	strace $0x8000004D;
	s9 =	ssub.s32 $0x2, s8;
	s12 =	smul.u32 $0x900, s4  }
0x8: {  	p0 =	seq.s32 s8, $0x1;
	s29 =	smul.u32 $0x2800, s4;
	s11 =	sshrl.u32 s9, $0x1  }
0x9: {  	s0 =	sadd.s32 s7, s0;
	s9 =	ssub.s32 s9, s11;
	s20 =	sshrl.u32 s10, $0x2  }
0xa: {  	s13 =	sadd.s32 s5, s12;
	s14 =	sadd.s32 s6, s12;
	s21 =	sor.u32 $0x10, s12  }
0xb: {  	s10 =	sshll.u32 s4, $0x8;
	s18 =	sor.u32 $0x20, s12;
	s16 =	sadd.s32 $0x8F0, s12  }
0xc: {  	s12 =	simm.s32 $0x5;
	s7 =	sadd.s32 s20, s2;
	s22 =	sadd.s32 s5, s21  }
0xd: {  	s8 =	sadd.s32 s6, s21;
	s23 =	sor.u32 $0x9000, s10;
	s25 =	sor.u32 $0x9010, s10  }
0xe: {  	s0 =	sadd.s32 $0x1C800, s0;
	s17 =	smax.u32 s9, $0x1;
	[dreg:$0x4] =	wrdreg s13  }
0xf: {  	s30 =	sor.u32 $0x9020, s10;
	s19 =	sadd.s32 s5, s16;
	[dreg:$0x5] =	wrdreg s14  }
0x10: {  	s20 =	sor.u32 $0x90F0, s10;
	s11 =	sadd.s32 s6, s16;
	[dreg:$0x6] =	wrdreg s22  }
0x11: {  	s31 =	sadd.s32 $0x40, s13;
	s13 =	simm.s32 $0x100;
	[dreg:$0x7] =	wrdreg s8  }
0x12: {  	s16 =	simm.s32 $0x1;
	s24 =	sadd.s32 s5, s23;
	[dreg:$0xe] =	wrdreg s19  }
0x13: {  	s8 =	sadd.s32 s6, s23;
	s26 =	sadd.s32 s5, s25;
	[dreg:$0xf] =	wrdreg s11  }
0x14: {  	s15 =	sadd.s32 s5, s30;
	s9 =	sadd.s32 s6, s30;
	[dreg:$0x8] =	wrdreg s24  }
0x15: {  	s23 =	sadd.s32 s29, s0;
	s21 =	sadd.s32 s5, s20;
	[dreg:$0x9] =	wrdreg s8  }
0x16: {  	s22 =	sadd.s32 s6, s20;
	s29 =	sadd.s32 s5, s18;
	[dreg:$0xa] =	wrdreg s26  }
0x17: {  	s30 =	sadd.s32 s6, s18;
	s0 =	sadd.s32 $0x40, s14;
	[dreg:$0xc] =	wrdreg s15  }
0x18: {  	s11 =	simm.s32 $0x8200;
	s14 =	simm.s32 $0x80;
	[dreg:$0xd] =	wrdreg s9  }
0x19: {  	s19 =	simm.s32 $0x200;
	s20 =	simm.s32 $0x2;
	[dreg:$0x10] =	wrdreg s21  }
.Ltmp0:
0x1a: {  	s8 =	sadd.s32 s6, s25;
	[dreg:$0x11] =	wrdreg s22;
	(pc) =	sbr.rel .LBB2_1-.Ltmp0, $4  }
0x1b: {  	s24 =	sadd.s32 s10, s6;
	s25 =	sadd.s32 s10, s5;
	[dreg:$0x12] =	wrdreg s29  }
0x1c: {  	[dreg:$0x13] =	wrdreg s30;
	s15 =	simm.s32 $0x180;
	s21 =	simm.s32 $0x4200  }
0x1d: {  	s22 =	simm.s32 $0x3;
	[dreg:$0xb] =	wrdreg s8;
	s26 =	sadd.s32 $0x9040, s24  }
0x1e: {  	v0 =	vimm.f32 $0.0e+00;
	s28 =	sadd.s32 $0x9040, s25;
	s24 =	simm.s32 $0x4;
	s25 =	simm.s32 $0x0  }
.LBB2_8:
0x1f: {  	[tilespmem:s13], [sflag:$0x1] =	stream.linear.gather [hbm4b:s9+s3], $0x80, $0x38;
	[tilespmem:$0x1CA00] =	vst v63  }
0x20: {  	_ =	swait.ge [sflag:s16], $0x80  }
0x21: {  	[sflag:s16] =	ssyncset.done $0x0  }
0x22: {  	[sflag:s16] =	ssyncadd.s32 $0xFFFFFF80  }
0x23: {  	_ =	swait.ge [sflag:s16], $0x80  }
0x24: {  	[sflag:s16] =	ssyncset.done $0x0  }
0x25: {  	[sflag:s16] =	ssyncadd.s32 $0xFFFFFF80  }
0x26: {  	[tilespmem:s19], [sflag:$0x3] =	stream.indirect.gather [hbm4b:s1+s14], $0x80, s3, s14, $0xb8;
	[tilespmem:$0x1CA00] =	vst v63  }
0x27: {  	_ =	swait.ge [sflag:s24], $0x4000  }
0x28: {  	[sflag:s24] =	ssyncset.done $0x0  }
0x29: {  	[sflag:s24] =	ssyncadd.s32 $0xFFFFC000  }
0x2a: {  	[spmem:s2] =	stream.indirect.scatter.add.f32 [tilespmem:s21], [sflag:$0x5], $0x80, s15, s14, $0xb8;
	[tilespmem:$0x1CA00] =	vst v63  }
0x2b: {  	_ =	swait.ge [sflag:s12], $0x4000  }
0x2c: {  	[sflag:s12] =	ssyncset.done $0x0  }
0x2d: {  	s8 =	rddreg [dreg:$0xe];
	[sflag:s12] =	ssyncadd.s32 $0xFFFFC000  }
0x2e: {  	[tilespmem:s14], [sflag:$0x2] =	stream.linear.gather [hbm4b:s8+s3], $0x80, $0x38;
	[tilespmem:$0x1CA00] =	vst v63  }
0x2f: {  	s30 =	rddreg [dreg:$0xf]  }
0x30: {  	[tilespmem:s15], [sflag:$0x2] =	stream.linear.gather [hbm4b:s30+s3], $0x80, $0x38;
	[tilespmem:$0x1CA00] =	vst v63  }
0x31: {  	_ =	swait.ge [sflag:s20], $0x80  }
0x32: {  	[sflag:s20] =	ssyncset.done $0x0  }
0x33: {  	[sflag:s20] =	ssyncadd.s32 $0xFFFFFF80  }
0x34: {  	_ =	swait.ge [sflag:s20], $0x80  }
0x35: {  	[sflag:s20] =	ssyncset.done $0x0  }
0x36: {  	[sflag:s20] =	ssyncadd.s32 $0xFFFFFF80  }
0x37: {  	[tilespmem:s21], [sflag:$0x4] =	stream.indirect.gather [hbm4b:s1+s14], $0x80, s14, s14, $0xb8;
	[tilespmem:$0x1CA00] =	vst v63  }
0x38: {  	_ =	swait.ge [sflag:s22], $0x4000  }
0x39: {  	[sflag:s22] =	ssyncset.done $0x0  }
0x3a: {  	[sflag:s22] =	ssyncadd.s32 $0xFFFFC000  }
0x3b: {  	[spmem:s2] =	stream.indirect.scatter.add.f32 [tilespmem:s19], [sflag:$0x5], $0x80, s13, s14, $0xb8;
	[tilespmem:$0x1CA00] =	vst v63  }
0x3c: {  	_ =	swait.ge [sflag:s12], $0x4000  }
0x3d: {  	[sflag:s12] =	ssyncset.done $0x0  }
0x3e: {  	[sflag:s12] =	ssyncadd.s32 $0xFFFFC000  }
.LBB2_12:
0x3f: {  	_ =	swait.ge [sflag:s24], $0x4000  }
0x40: {  	[sflag:s24] =	ssyncset.done $0x0  }
0x41: {  	[sflag:s24] =	ssyncadd.s32 $0xFFFFC000  }
0x42: {  	[spmem:s2] =	stream.indirect.scatter.add.f32 [tilespmem:s21], [sflag:$0x5], $0x80, s15, s14, $0xb8;
	[tilespmem:$0x1CA00] =	vst v63  }
0x43: {  	_ =	swait.ge [sflag:s12], $0x4000  }
0x44: {  	s8 =	sshll.u32 s4, $0x6;
	s25 =	sadd.s32 $0x1, s25;
	[sflag:s12] =	ssyncset.done $0x0  }
0x45: {  	s9 =	sshrl.u32 s7, $0x3;
	p1 =	sne.s32 s25, s17;
	[sflag:s12] =	ssyncadd.s32 $0xFFFFC000  }
.Ltmp1:
0x46: {  	s8 =	sor.u32 $0x1C05, s8;
	[bflag:$0x0] =	sbarrier.arrive $0xFFFF;
	(pc) =	sbr.rel @!p1 .LBB2_13-.Ltmp1, $4  }
0x47: {  	[hbm:s23], [sflag:s8] =	dma.local [spmem:s9], $0x2800  }
0x48: {  	_ =	swait.ge [sflag:s12], $0x2800  }
0x49: {  	[sflag:s12] =	ssyncset.done $0x0  }
0x4a: {  	[sflag:s12] =	ssyncadd.s32 $0xFFFFD800  }
.LBB2_1:
0x4b: {  	s8 =	simm.s32 $0x0;
	s29 =	simm.s32 $0x200  }
.LBB2_2:
0x4c: {  	p1 =	sne.s32 s29, $0x1E00;
	[tilespmem:s8+$0x8270] =	vst v0  }
0x4d: {  	[tilespmem:s8+$0x8200] =	vst v0  }
0x4e: {  	[tilespmem:s8+$0x8210] =	vst v0  }
.Ltmp2:
0x4f: {  	[tilespmem:s8+$0x8220] =	vst v0;
	(pc) =	sbr.rel @p1 .LBB2_2-.Ltmp2, $4  }
0x50: {  	[tilespmem:s8+$0x8230] =	vst v0  }
0x51: {  	[tilespmem:s8+$0x8240] =	vst v0  }
0x52: {  	[tilespmem:s8+$0x8250] =	vst v0  }
0x53: {  	[tilespmem:s8+$0x8260] =	vst v0;
	s8 =	sshra.s32 s29, $0x2;
	s29 =	sadd.s32 $0x200, s29  }
0x54: {  	[tilespmem:s8+$0x8270] =	vst v0  }
0x55: {  	[tilespmem:s8+$0x8200] =	vst v0  }
0x56: {  	[tilespmem:s8+$0x8210] =	vst v0  }
0x57: {  	[tilespmem:s8+$0x8220] =	vst v0  }
0x58: {  	[tilespmem:s8+$0x8230] =	vst v0  }
0x59: {  	[tilespmem:s8+$0x8240] =	vst v0  }
0x5a: {  	[tilespmem:s8+$0x8250] =	vst v0  }
0x5b: {  	[tilespmem:s8+$0x8260] =	vst v0;
	s30 =	sadd.s32 $0x0, s7  }
0x5c: {  	[spmem:s30] =	stream.linear.scatter [tilespmem:s11], [sflag:$0x5], $0x800, $0x38;
	[tilespmem:$0x1CA00] =	vst v63  }
0x5d: {  	s8 =	simm.s32 $0x2000;
	_ =	swait.ge [sflag:s12], $0x800  }
.LBB2_4:
0x5e: {  	s9 =	sshra.s32 s8, $0x2;
	[sflag:s12] =	ssyncset.done $0x0;
	p1 =	sne.s32 s8, $0x4E000  }
.Ltmp3:
0x5f: {  	s9 =	sadd.s32 s9, s7;
	[sflag:s12] =	ssyncadd.s32 $0xFFFFF800;
	(pc) =	sbr.rel @p1 .LBB2_4-.Ltmp3, $3  }
0x60: {  	[spmem:s9] =	stream.linear.scatter [tilespmem:s11], [sflag:$0x5], $0x800, $0x38;
	[tilespmem:$0x1CA00] =	vst v63  }
0x61: {  	s8 =	sadd.s32 $0x2000, s8;
	_ =	sdelay $0x1  }
0x62: {  	_ =	swait.ge [sflag:s12], $0x800  }
.Ltmp4:
0x63: {  	(pc) =	sbr.rel @!p0 .LBB2_6-.Ltmp4, $4  }
0x64: {  	[sflag:s12] =	ssyncset.done $0x0  }
0x65: {  	[sflag:s12] =	ssyncadd.s32 $0xFFFFF800  }
0x66: {  	[bflag:$0x0] =	sbarrier.arrive $0xFFFF  }
0x67: {  	s8 =	simm.s32 $0x0  }
0x68: {  	s9 =	rddreg [dreg:$0x8]  }
0x69: {  	[tilespmem:s8], [sflag:$0x1] =	stream.linear.gather [hbm4b:s9+s8], $0x80, $0x38;
	[tilespmem:$0x1CA00] =	vst v63  }
0x6a: {  	s30 =	rddreg [dreg:$0x9]  }
0x6b: {  	[tilespmem:s13], [sflag:$0x1] =	stream.linear.gather [hbm4b:s30+s8], $0x80, $0x38;
	[tilespmem:$0x1CA00] =	vst v63  }
0x6c: {  	s29 =	rddreg [dreg:$0xa]  }
0x6d: {  	[tilespmem:s14], [sflag:$0x2] =	stream.linear.gather [hbm4b:s29+s8], $0x80, $0x38;
	[tilespmem:$0x1CA00] =	vst v63  }
0x6e: {  	s30 =	rddreg [dreg:$0xb]  }
0x6f: {  	[tilespmem:s15], [sflag:$0x2] =	stream.linear.gather [hbm4b:s30+s8], $0x80, $0x38;
	[tilespmem:$0x1CA00] =	vst v63  }
0x70: {  	_ =	swait.ge [sflag:s16], $0x80  }
0x71: {  	[sflag:s16] =	ssyncset.done $0x0  }
0x72: {  	[sflag:s16] =	ssyncadd.s32 $0xFFFFFF80  }
0x73: {  	_ =	swait.ge [sflag:s16], $0x80  }
0x74: {  	[sflag:s16] =	ssyncset.done $0x0  }
0x75: {  	[sflag:s16] =	ssyncadd.s32 $0xFFFFFF80  }
0x76: {  	[tilespmem:s19], [sflag:$0x3] =	stream.indirect.gather [hbm4b:s1+s14], $0x80, s8, s14, $0xb8;
	[tilespmem:$0x1CA00] =	vst v63  }
0x77: {  	_ =	swait.ge [sflag:s20], $0x80  }
0x78: {  	[sflag:s20] =	ssyncset.done $0x0  }
0x79: {  	[sflag:s20] =	ssyncadd.s32 $0xFFFFFF80  }
0x7a: {  	_ =	swait.ge [sflag:s20], $0x80  }
0x7b: {  	[sflag:s20] =	ssyncset.done $0x0  }
0x7c: {  	[sflag:s20] =	ssyncadd.s32 $0xFFFFFF80  }
0x7d: {  	[tilespmem:s21], [sflag:$0x4] =	stream.indirect.gather [hbm4b:s1+s14], $0x80, s14, s14, $0xb8;
	[tilespmem:$0x1CA00] =	vst v63  }
0x7e: {  	_ =	swait.ge [sflag:s22], $0x4000  }
0x7f: {  	[sflag:s22] =	ssyncset.done $0x0  }
0x80: {  	[sflag:s22] =	ssyncadd.s32 $0xFFFFC000  }
0x81: {  	[spmem:s2] =	stream.indirect.scatter.add.f32 [tilespmem:s19], [sflag:$0x5], $0x80, s13, s14, $0xb8;
	[tilespmem:$0x1CA00] =	vst v63  }
0x82: {  	_ =	swait.ge [sflag:s12], $0x4000  }
0x83: {  	[sflag:s12] =	ssyncset.done $0x0  }
0x84: {  	s29 =	rddreg [dreg:$0xc];
	[sflag:s12] =	ssyncadd.s32 $0xFFFFC000  }
0x85: {  	[tilespmem:s8], [sflag:$0x1] =	stream.linear.gather [hbm4b:s29+s8], $0x80, $0x38;
	[tilespmem:$0x1CA00] =	vst v63  }
0x86: {  	s30 =	rddreg [dreg:$0xd]  }
0x87: {  	[tilespmem:s13], [sflag:$0x1] =	stream.linear.gather [hbm4b:s30+s8], $0x80, $0x38;
	[tilespmem:$0x1CA00] =	vst v63  }
0x88: {  	_ =	swait.ge [sflag:s16], $0x80  }
0x89: {  	[sflag:s16] =	ssyncset.done $0x0  }
0x8a: {  	[sflag:s16] =	ssyncadd.s32 $0xFFFFFF80  }
0x8b: {  	_ =	swait.ge [sflag:s16], $0x80  }
0x8c: {  	[sflag:s16] =	ssyncset.done $0x0  }
0x8d: {  	[sflag:s16] =	ssyncadd.s32 $0xFFFFFF80  }
0x8e: {  	[tilespmem:s19], [sflag:$0x3] =	stream.indirect.gather [hbm4b:s1+s14], $0x80, s3, s14, $0xb8;
	[tilespmem:$0x1CA00] =	vst v63  }
0x8f: {  	s29 =	sadd.s32 $0x0, s10;
	_ =	swait.ge [sflag:s24], $0x4000  }
0x90: {  	s9 =	sadd.s32 $0x9020, s29;
	s8 =	simm.s32 $0x20;
	[sflag:s24] =	ssyncset.done $0x0  }
0x91: {  	s9 =	sand.u32 $0x9F80, s9;
	s29 =	sand.u32 $0x60, s8;
	[sflag:s24] =	ssyncadd.s32 $0xFFFFC000  }
0x92: {  	[spmem:s2] =	stream.indirect.scatter.add.f32 [tilespmem:s21], [sflag:$0x5], $0x80, s15, s14, $0xb8;
	[tilespmem:$0x1CA00] =	vst v63  }
0x93: {  	s9 =	sor.u32 s9, s29;
	_ =	swait.ge [sflag:s12], $0x4000  }
0x94: {  	s9 =	sor.u32 $0x10, s9;
	[sflag:s12] =	ssyncset.done $0x0  }
0x95: {  	s30 =	sadd.s32 s5, s9;
	[sflag:s12] =	ssyncadd.s32 $0xFFFFC000  }
0x96: {  	[tilespmem:s14], [sflag:$0x2] =	stream.linear.gather [hbm4b:s30+s3], $0x80, $0x38;
	[tilespmem:$0x1CA00] =	vst v63  }
0x97: {  	s9 =	sadd.s32 s6, s9  }
0x98: {  	[tilespmem:s15], [sflag:$0x2] =	stream.linear.gather [hbm4b:s9+s3], $0x80, $0x38;
	[tilespmem:$0x1CA00] =	vst v63  }
0x99: {  	_ =	swait.ge [sflag:s20], $0x80  }
0x9a: {  	[sflag:s20] =	ssyncset.done $0x0  }
0x9b: {  	[sflag:s20] =	ssyncadd.s32 $0xFFFFFF80  }
0x9c: {  	_ =	swait.ge [sflag:s20], $0x80  }
0x9d: {  	[sflag:s20] =	ssyncset.done $0x0  }
0x9e: {  	[sflag:s20] =	ssyncadd.s32 $0xFFFFFF80  }
0x9f: {  	[tilespmem:s21], [sflag:$0x4] =	stream.indirect.gather [hbm4b:s1+s14], $0x80, s14, s14, $0xb8;
	[tilespmem:$0x1CA00] =	vst v63  }
0xa0: {  	_ =	swait.ge [sflag:s22], $0x4000  }
0xa1: {  	[sflag:s22] =	ssyncset.done $0x0  }
0xa2: {  	[sflag:s22] =	ssyncadd.s32 $0xFFFFC000  }
0xa3: {  	[spmem:s2] =	stream.indirect.scatter.add.f32 [tilespmem:s19], [sflag:$0x5], $0x80, s13, s14, $0xb8;
	[tilespmem:$0x1CA00] =	vst v63  }
0xa4: {  	_ =	swait.ge [sflag:s12], $0x4000  }
0xa5: {  	[sflag:s12] =	ssyncset.done $0x0  }
0xa6: {  	s30 =	sadd.s32 $0x0, s28;
	s9 =	sadd.s32 $0x0, s26;
	[sflag:s12] =	ssyncadd.s32 $0xFFFFC000  }
0xa7: {  	[tilespmem:s3], [sflag:$0x1] =	stream.linear.gather [hbm4b:s30+s3], $0x80, $0x38;
	[tilespmem:$0x1CA00] =	vst v63  }
.LBB2_10:
0xa8: {  	p1 =	sne.s32 s8, $0xA0;
	s29 =	smov.u32 s8;
	s8 =	sadd.s32 $0x20, s8  }
0xa9: {  	[tilespmem:s13], [sflag:$0x1] =	stream.linear.gather [hbm4b:s9+s3], $0x80, $0x38;
	[tilespmem:$0x1CA00] =	vst v63  }
0xaa: {  	_ =	swait.ge [sflag:s16], $0x80  }
0xab: {  	[sflag:s16] =	ssyncset.done $0x0  }
0xac: {  	[sflag:s16] =	ssyncadd.s32 $0xFFFFFF80  }
0xad: {  	_ =	swait.ge [sflag:s16], $0x80  }
0xae: {  	[sflag:s16] =	ssyncset.done $0x0  }
0xaf: {  	[sflag:s16] =	ssyncadd.s32 $0xFFFFFF80  }
0xb0: {  	[tilespmem:s19], [sflag:$0x3] =	stream.indirect.gather [hbm4b:s1+s14], $0x80, s3, s14, $0xb8;
	[tilespmem:$0x1CA00] =	vst v63  }
0xb1: {  	_ =	swait.ge [sflag:s24], $0x4000  }
0xb2: {  	s9 =	sadd.s32 s29, s10;
	[sflag:s24] =	ssyncset.done $0x0  }
0xb3: {  	s30 =	sand.u32 $0x60, s8;
	s9 =	sadd.s32 $0x9020, s9;
	[sflag:s24] =	ssyncadd.s32 $0xFFFFC000  }
0xb4: {  	[spmem:s2] =	stream.indirect.scatter.add.f32 [tilespmem:s21], [sflag:$0x5], $0x80, s15, s14, $0xb8;
	[tilespmem:$0x1CA00] =	vst v63  }
0xb5: {  	s9 =	sand.u32 $0x9F80, s9;
	_ =	swait.ge [sflag:s12], $0x4000  }
0xb6: {  	s9 =	sor.u32 s9, s30;
	[sflag:s12] =	ssyncset.done $0x0  }
0xb7: {  	s9 =	sor.u32 $0x10, s9;
	[sflag:s12] =	ssyncadd.s32 $0xFFFFC000  }
0xb8: {  	s30 =	sadd.s32 s5, s9;
	s9 =	sadd.s32 s6, s9  }
0xb9: {  	[tilespmem:s14], [sflag:$0x2] =	stream.linear.gather [hbm4b:s30+s3], $0x80, $0x38;
	[tilespmem:$0x1CA00] =	vst v63  }
0xba: {  	_ = 	snop  }
0xbb: {  	[tilespmem:s15], [sflag:$0x2] =	stream.linear.gather [hbm4b:s9+s3], $0x80, $0x38;
	[tilespmem:$0x1CA00] =	vst v63  }
0xbc: {  	_ =	swait.ge [sflag:s20], $0x80  }
0xbd: {  	[sflag:s20] =	ssyncset.done $0x0  }
0xbe: {  	[sflag:s20] =	ssyncadd.s32 $0xFFFFFF80  }
0xbf: {  	_ =	swait.ge [sflag:s20], $0x80  }
0xc0: {  	[sflag:s20] =	ssyncset.done $0x0  }
0xc1: {  	[sflag:s20] =	ssyncadd.s32 $0xFFFFFF80  }
0xc2: {  	[tilespmem:s21], [sflag:$0x4] =	stream.indirect.gather [hbm4b:s1+s14], $0x80, s14, s14, $0xb8;
	[tilespmem:$0x1CA00] =	vst v63  }
0xc3: {  	_ =	swait.ge [sflag:s22], $0x4000  }
0xc4: {  	[sflag:s22] =	ssyncset.done $0x0  }
0xc5: {  	[sflag:s22] =	ssyncadd.s32 $0xFFFFC000  }
0xc6: {  	[spmem:s2] =	stream.indirect.scatter.add.f32 [tilespmem:s19], [sflag:$0x5], $0x80, s13, s14, $0xb8;
	[tilespmem:$0x1CA00] =	vst v63  }
.Ltmp5:
0xc7: {  	_ = 	snop;
	(pc) =	sbr.rel @p1 .LBB2_10-.Ltmp5, $4  }
0xc8: {  	_ =	swait.ge [sflag:s12], $0x4000  }
0xc9: {  	s30 =	sadd.s32 s29, s28;
	[sflag:s12] =	ssyncset.done $0x0  }
0xca: {  	s9 =	sadd.s32 s29, s26;
	[sflag:s12] =	ssyncadd.s32 $0xFFFFC000  }
0xcb: {  	[tilespmem:s3], [sflag:$0x1] =	stream.linear.gather [hbm4b:s30+s3], $0x80, $0x38;
	[tilespmem:$0x1CA00] =	vst v63  }
0xcc: {  	[tilespmem:s13], [sflag:$0x1] =	stream.linear.gather [hbm4b:s9+s3], $0x80, $0x38;
	[tilespmem:$0x1CA00] =	vst v63  }
0xcd: {  	_ =	swait.ge [sflag:s16], $0x80  }
0xce: {  	[sflag:s16] =	ssyncset.done $0x0  }
0xcf: {  	[sflag:s16] =	ssyncadd.s32 $0xFFFFFF80  }
0xd0: {  	_ =	swait.ge [sflag:s16], $0x80  }
0xd1: {  	[sflag:s16] =	ssyncset.done $0x0  }
0xd2: {  	[sflag:s16] =	ssyncadd.s32 $0xFFFFFF80  }
0xd3: {  	[tilespmem:s19], [sflag:$0x3] =	stream.indirect.gather [hbm4b:s1+s14], $0x80, s3, s14, $0xb8;
	[tilespmem:$0x1CA00] =	vst v63  }
0xd4: {  	_ =	swait.ge [sflag:s24], $0x4000  }
0xd5: {  	[sflag:s24] =	ssyncset.done $0x0  }
0xd6: {  	[sflag:s24] =	ssyncadd.s32 $0xFFFFC000  }
0xd7: {  	[spmem:s2] =	stream.indirect.scatter.add.f32 [tilespmem:s21], [sflag:$0x5], $0x80, s15, s14, $0xb8;
	[tilespmem:$0x1CA00] =	vst v63  }
0xd8: {  	_ =	swait.ge [sflag:s12], $0x4000  }
0xd9: {  	[sflag:s12] =	ssyncset.done $0x0  }
0xda: {  	s8 =	rddreg [dreg:$0x10];
	[sflag:s12] =	ssyncadd.s32 $0xFFFFC000  }
0xdb: {  	[tilespmem:s14], [sflag:$0x2] =	stream.linear.gather [hbm4b:s8+s3], $0x80, $0x38;
	[tilespmem:$0x1CA00] =	vst v63  }
0xdc: {  	s30 =	rddreg [dreg:$0x11]  }
0xdd: {  	[tilespmem:s15], [sflag:$0x2] =	stream.linear.gather [hbm4b:s30+s3], $0x80, $0x38;
	[tilespmem:$0x1CA00] =	vst v63  }
0xde: {  	_ =	swait.ge [sflag:s20], $0x80  }
0xdf: {  	[sflag:s20] =	ssyncset.done $0x0  }
0xe0: {  	[sflag:s20] =	ssyncadd.s32 $0xFFFFFF80  }
0xe1: {  	_ =	swait.ge [sflag:s20], $0x80  }
0xe2: {  	[sflag:s20] =	ssyncset.done $0x0  }
0xe3: {  	[sflag:s20] =	ssyncadd.s32 $0xFFFFFF80  }
0xe4: {  	[tilespmem:s21], [sflag:$0x4] =	stream.indirect.gather [hbm4b:s1+s14], $0x80, s14, s14, $0xb8;
	[tilespmem:$0x1CA00] =	vst v63  }
0xe5: {  	_ =	swait.ge [sflag:s22], $0x4000  }
0xe6: {  	[sflag:s22] =	ssyncset.done $0x0  }
.Ltmp6:
0xe7: {  	[sflag:s22] =	ssyncadd.s32 $0xFFFFC000;
	(pc) =	sbr.rel .LBB2_12-.Ltmp6, $4  }
0xe8: {  	[spmem:s2] =	stream.indirect.scatter.add.f32 [tilespmem:s19], [sflag:$0x5], $0x80, s13, s14, $0xb8;
	[tilespmem:$0x1CA00] =	vst v63  }
0xe9: {  	_ =	swait.ge [sflag:s12], $0x4000  }
0xea: {  	[sflag:s12] =	ssyncset.done $0x0  }
0xeb: {  	[sflag:s12] =	ssyncadd.s32 $0xFFFFC000  }
.LBB2_6:
0xec: {  	s9 =	rddreg [dreg:$0x4]  }
0xed: {  	[tilespmem:s8], [sflag:$0x1] =	stream.linear.gather [hbm4b:s9+s8], $0x80, $0x38;
	[tilespmem:$0x1CA00] =	vst v63  }
0xee: {  	s29 =	rddreg [dreg:$0x5]  }
0xef: {  	[tilespmem:s13], [sflag:$0x1] =	stream.linear.gather [hbm4b:s29+s8], $0x80, $0x38;
	[tilespmem:$0x1CA00] =	vst v63  }
0xf0: {  	s30 =	rddreg [dreg:$0x6]  }
0xf1: {  	[tilespmem:s14], [sflag:$0x2] =	stream.linear.gather [hbm4b:s30+s8], $0x80, $0x38;
	[tilespmem:$0x1CA00] =	vst v63  }
0xf2: {  	s29 =	rddreg [dreg:$0x7]  }
0xf3: {  	[tilespmem:s15], [sflag:$0x2] =	stream.linear.gather [hbm4b:s29+s8], $0x80, $0x38;
	[tilespmem:$0x1CA00] =	vst v63  }
0xf4: {  	_ =	swait.ge [sflag:s16], $0x80  }
0xf5: {  	[sflag:s16] =	ssyncset.done $0x0  }
0xf6: {  	[sflag:s16] =	ssyncadd.s32 $0xFFFFFF80  }
0xf7: {  	_ =	swait.ge [sflag:s16], $0x80  }
0xf8: {  	[sflag:s16] =	ssyncset.done $0x0  }
0xf9: {  	[sflag:s16] =	ssyncadd.s32 $0xFFFFFF80  }
0xfa: {  	[tilespmem:s19], [sflag:$0x3] =	stream.indirect.gather [hbm4b:s1+s14], $0x80, s8, s14, $0xb8;
	[tilespmem:$0x1CA00] =	vst v63  }
0xfb: {  	_ =	swait.ge [sflag:s20], $0x80  }
0xfc: {  	[sflag:s20] =	ssyncset.done $0x0  }
0xfd: {  	[sflag:s20] =	ssyncadd.s32 $0xFFFFFF80  }
0xfe: {  	_ =	swait.ge [sflag:s20], $0x80  }
0xff: {  	[sflag:s20] =	ssyncset.done $0x0  }
0x100: {  	[sflag:s20] =	ssyncadd.s32 $0xFFFFFF80  }
0x101: {  	[tilespmem:s21], [sflag:$0x4] =	stream.indirect.gather [hbm4b:s1+s14], $0x80, s14, s14, $0xb8;
	[tilespmem:$0x1CA00] =	vst v63  }
0x102: {  	_ =	swait.ge [sflag:s22], $0x4000  }
0x103: {  	[sflag:s22] =	ssyncset.done $0x0  }
0x104: {  	[sflag:s22] =	ssyncadd.s32 $0xFFFFC000  }
0x105: {  	[spmem:s2] =	stream.indirect.scatter.add.f32 [tilespmem:s19], [sflag:$0x5], $0x80, s13, s14, $0xb8;
	[tilespmem:$0x1CA00] =	vst v63  }
0x106: {  	_ =	swait.ge [sflag:s12], $0x4000  }
0x107: {  	[sflag:s12] =	ssyncset.done $0x0  }
0x108: {  	s30 =	rddreg [dreg:$0x12];
	[sflag:s12] =	ssyncadd.s32 $0xFFFFC000  }
0x109: {  	[tilespmem:s8], [sflag:$0x1] =	stream.linear.gather [hbm4b:s30+s8], $0x80, $0x38;
	[tilespmem:$0x1CA00] =	vst v63  }
0x10a: {  	s29 =	rddreg [dreg:$0x13]  }
0x10b: {  	[tilespmem:s13], [sflag:$0x1] =	stream.linear.gather [hbm4b:s29+s8], $0x80, $0x38;
	[tilespmem:$0x1CA00] =	vst v63  }
0x10c: {  	_ =	swait.ge [sflag:s16], $0x80  }
0x10d: {  	[sflag:s16] =	ssyncset.done $0x0  }
0x10e: {  	[sflag:s16] =	ssyncadd.s32 $0xFFFFFF80  }
0x10f: {  	_ =	swait.ge [sflag:s16], $0x80  }
0x110: {  	[sflag:s16] =	ssyncset.done $0x0  }
0x111: {  	[sflag:s16] =	ssyncadd.s32 $0xFFFFFF80  }
0x112: {  	[tilespmem:s19], [sflag:$0x3] =	stream.indirect.gather [hbm4b:s1+s14], $0x80, s3, s14, $0xb8;
	[tilespmem:$0x1CA00] =	vst v63  }
0x113: {  	_ =	swait.ge [sflag:s24], $0x4000  }
0x114: {  	s30 =	sadd.s32 $0x0, s18;
	s8 =	simm.s32 $0x20;
	[sflag:s24] =	ssyncset.done $0x0  }
0x115: {  	s9 =	sand.u32 $0x1FF80, s30;
	s29 =	sand.u32 $0x60, s8;
	[sflag:s24] =	ssyncadd.s32 $0xFFFFC000  }
0x116: {  	[spmem:s2] =	stream.indirect.scatter.add.f32 [tilespmem:s21], [sflag:$0x5], $0x80, s15, s14, $0xb8;
	[tilespmem:$0x1CA00] =	vst v63  }
0x117: {  	s9 =	sor.u32 s9, s29;
	_ =	swait.ge [sflag:s12], $0x4000  }
0x118: {  	s9 =	sor.u32 $0x10, s9;
	[sflag:s12] =	ssyncset.done $0x0  }
0x119: {  	s30 =	sadd.s32 s5, s9;
	[sflag:s12] =	ssyncadd.s32 $0xFFFFC000  }
0x11a: {  	[tilespmem:s14], [sflag:$0x2] =	stream.linear.gather [hbm4b:s30+s3], $0x80, $0x38;
	[tilespmem:$0x1CA00] =	vst v63  }
0x11b: {  	s9 =	sadd.s32 s6, s9  }
0x11c: {  	[tilespmem:s15], [sflag:$0x2] =	stream.linear.gather [hbm4b:s9+s3], $0x80, $0x38;
	[tilespmem:$0x1CA00] =	vst v63  }
0x11d: {  	_ =	swait.ge [sflag:s20], $0x80  }
0x11e: {  	[sflag:s20] =	ssyncset.done $0x0  }
0x11f: {  	[sflag:s20] =	ssyncadd.s32 $0xFFFFFF80  }
0x120: {  	_ =	swait.ge [sflag:s20], $0x80  }
0x121: {  	[sflag:s20] =	ssyncset.done $0x0  }
0x122: {  	[sflag:s20] =	ssyncadd.s32 $0xFFFFFF80  }
0x123: {  	[tilespmem:s21], [sflag:$0x4] =	stream.indirect.gather [hbm4b:s1+s14], $0x80, s14, s14, $0xb8;
	[tilespmem:$0x1CA00] =	vst v63  }
0x124: {  	_ =	swait.ge [sflag:s22], $0x4000  }
0x125: {  	[sflag:s22] =	ssyncset.done $0x0  }
0x126: {  	[sflag:s22] =	ssyncadd.s32 $0xFFFFC000  }
0x127: {  	[spmem:s2] =	stream.indirect.scatter.add.f32 [tilespmem:s19], [sflag:$0x5], $0x80, s13, s14, $0xb8;
	[tilespmem:$0x1CA00] =	vst v63  }
0x128: {  	_ =	swait.ge [sflag:s12], $0x4000  }
0x129: {  	[sflag:s12] =	ssyncset.done $0x0  }
0x12a: {  	s30 =	sadd.s32 $0x0, s31;
	s9 =	sadd.s32 $0x0, s0;
	[sflag:s12] =	ssyncadd.s32 $0xFFFFC000  }
0x12b: {  	[tilespmem:s3], [sflag:$0x1] =	stream.linear.gather [hbm4b:s30+s3], $0x80, $0x38;
	[tilespmem:$0x1CA00] =	vst v63  }
.LBB2_7:
0x12c: {  	p1 =	seq.s32 s8, $0x8A0;
	s29 =	smov.u32 s8;
	s8 =	sadd.s32 $0x20, s8  }
0x12d: {  	[tilespmem:s13], [sflag:$0x1] =	stream.linear.gather [hbm4b:s9+s3], $0x80, $0x38;
	[tilespmem:$0x1CA00] =	vst v63  }
0x12e: {  	_ =	swait.ge [sflag:s16], $0x80  }
0x12f: {  	[sflag:s16] =	ssyncset.done $0x0  }
0x130: {  	[sflag:s16] =	ssyncadd.s32 $0xFFFFFF80  }
0x131: {  	_ =	swait.ge [sflag:s16], $0x80  }
0x132: {  	[sflag:s16] =	ssyncset.done $0x0  }
0x133: {  	[sflag:s16] =	ssyncadd.s32 $0xFFFFFF80  }
0x134: {  	[tilespmem:s19], [sflag:$0x3] =	stream.indirect.gather [hbm4b:s1+s14], $0x80, s3, s14, $0xb8;
	[tilespmem:$0x1CA00] =	vst v63  }
0x135: {  	_ =	swait.ge [sflag:s24], $0x4000  }
0x136: {  	[sflag:s24] =	ssyncset.done $0x0  }
0x137: {  	s9 =	sadd.s32 s29, s18;
	s30 =	sand.u32 $0x60, s8;
	[sflag:s24] =	ssyncadd.s32 $0xFFFFC000  }
0x138: {  	[spmem:s2] =	stream.indirect.scatter.add.f32 [tilespmem:s21], [sflag:$0x5], $0x80, s15, s14, $0xb8;
	[tilespmem:$0x1CA00] =	vst v63  }
0x139: {  	s9 =	sand.u32 $0x1FF80, s9;
	_ =	swait.ge [sflag:s12], $0x4000  }
0x13a: {  	s9 =	sor.u32 s9, s30;
	[sflag:s12] =	ssyncset.done $0x0  }
0x13b: {  	s9 =	sor.u32 $0x10, s9;
	[sflag:s12] =	ssyncadd.s32 $0xFFFFC000  }
0x13c: {  	s30 =	sadd.s32 s5, s9;
	s9 =	sadd.s32 s6, s9  }
0x13d: {  	[tilespmem:s14], [sflag:$0x2] =	stream.linear.gather [hbm4b:s30+s3], $0x80, $0x38;
	[tilespmem:$0x1CA00] =	vst v63  }
0x13e: {  	_ = 	snop  }
0x13f: {  	[tilespmem:s15], [sflag:$0x2] =	stream.linear.gather [hbm4b:s9+s3], $0x80, $0x38;
	[tilespmem:$0x1CA00] =	vst v63  }
0x140: {  	_ =	swait.ge [sflag:s20], $0x80  }
0x141: {  	[sflag:s20] =	ssyncset.done $0x0  }
0x142: {  	[sflag:s20] =	ssyncadd.s32 $0xFFFFFF80  }
0x143: {  	_ =	swait.ge [sflag:s20], $0x80  }
0x144: {  	[sflag:s20] =	ssyncset.done $0x0  }
0x145: {  	[sflag:s20] =	ssyncadd.s32 $0xFFFFFF80  }
0x146: {  	[tilespmem:s21], [sflag:$0x4] =	stream.indirect.gather [hbm4b:s1+s14], $0x80, s14, s14, $0xb8;
	[tilespmem:$0x1CA00] =	vst v63  }
0x147: {  	_ =	swait.ge [sflag:s22], $0x4000  }
0x148: {  	[sflag:s22] =	ssyncset.done $0x0  }
0x149: {  	[sflag:s22] =	ssyncadd.s32 $0xFFFFC000  }
0x14a: {  	[spmem:s2] =	stream.indirect.scatter.add.f32 [tilespmem:s19], [sflag:$0x5], $0x80, s13, s14, $0xb8;
	[tilespmem:$0x1CA00] =	vst v63  }
.Ltmp7:
0x14b: {  	_ = 	snop;
	(pc) =	sbr.rel @!p1 .LBB2_7-.Ltmp7, $4  }
0x14c: {  	_ =	swait.ge [sflag:s12], $0x4000  }
0x14d: {  	s30 =	sadd.s32 s29, s31;
	[sflag:s12] =	ssyncset.done $0x0  }
0x14e: {  	s9 =	sadd.s32 s29, s0;
	[sflag:s12] =	ssyncadd.s32 $0xFFFFC000  }
0x14f: {  	[tilespmem:s3], [sflag:$0x1] =	stream.linear.gather [hbm4b:s30+s3], $0x80, $0x38;
	[tilespmem:$0x1CA00] =	vst v63  }
.Ltmp8:
0x150: {  	_ = 	snop;
	(pc) =	sbr.rel .LBB2_8-.Ltmp8, $1  }
0x151: {  	_ =	sdelay $0x3  }
.LBB2_13:
0x152: {  	_ =	sfence.sel $0x180000  }
0x153: {  	[bflag:$0x0] =	sbarrier.arrive $0xFFFF  }
0x154: {  	_ =	strace $0x9000004D  }
0x155: {  	[bflag:$0x2] =	sbarrier.arrive $0xFFFF  }
0x156: {  	p0 =	sne.s32 s4, $0x0;
	s0 =	rddreg [dreg:$0x3]  }
0x157: {  	s0 =	sadd.s32 @!p0 $0x100000, s0  }
0x158: {  	[sflag:s0] =	ssyncadd.tile.s32 @!p0 $0x1;
	_ =	shalt  }
.Lfunc_end2:
_tile_overlayer_lowered:
.L_overlay_start_2:
0x159: {  	(tag) =	ssettag $0x2  }
0x15a: {  	s0 =	rddreg [dreg:$0x0];
	s2 =	stileid.u32  }
0x15b: {  	s1 =	rddreg [dreg:$0x1];
	p0 =	sne.s32 s2, $0x0  }
0x15c: {  	s3 =	rddreg [dreg:$0x2];
	[bflag:$0x3] =	sbarrier.arrive $0xFFFF;
	s2 =	simm.s32 @!p0 $0x1C05  }
0x15d: {  	[timem:s3], [sflag:s2] =	dma.local @!p0 [hbm:s0], s1  }
0x15e: {  	s0 =	simm.s32 @!p0 $0x5  }
0x15f: {  	_ =	swait.ge @!p0 [sflag:s0], s1  }
0x160: {  	s1 =	ssub.s32 @!p0 $0x0, s1;
	[sflag:s0] =	ssyncset.done @!p0 $0x0  }
0x161: {  	[sflag:s0] =	ssyncadd.s32 @!p0 s1  }
0x162: {  	[bflag:$0x3] =	sbarrier.arrive $0xFFFF  }
0x163: {  	_ =	shalt  }

// kernel: kernel.22.cloned.1.call-start
scs
__scs_entry_jumppad:
0x0: {  	(pc) =	sbr.rel $0x88, $3  }
0x1: {  	(tag) =	ssettag $0x0;
	lr =	simm.s32 $0x1  }
0x2: {  	[smem:$0x3F73] =	sst lr;
	_ =	strace $0xD0000000  }
0x3: {  	_ = 	snop  }
0x4: {  	_ = 	snop  }
0x5: {  	_ = 	snop  }
0x6: {  	_ = 	snop  }
0x7: {  	_ = 	snop  }
__scs_overlays_trampoline_lowered:
0x8: {  	[smem:$0x3F82] =	sst s0  }
0x9: {  	[smem:$0x3F83] =	sst s1  }
0xa: {  	[smem:$0x3F84] =	sst s2  }
0xb: {  	[smem:$0x3F85] =	sst s3  }
0xc: {  	[smem:$0x3F86] =	sst s4  }
0xd: {  	[smem:$0x3F87] =	sst s5  }
0xe: {  	[smem:$0x3F88] =	sst s6  }
0xf: {  	[smem:$0x3F89] =	sst s7  }
0x10: {  	[smem:$0x3F8A] =	sst s8  }
0x11: {  	[smem:$0x3F8B] =	sst s9;
	s0 =	simm.s32 @!p0 $0x0  }
0x12: {  	s1 =	sld [smem:$0x3F71];
	s0 =	simm.s32 @p0 $0x1  }
0x13: {  	[smem:$0x3F8C] =	sst s0;
	s0 =	simm.s32 @!p1 $0x0  }
0x14: {  	s2 =	sld [smem:$0x3F70];
	s0 =	simm.s32 @p1 $0x1  }
0x15: {  	[smem:$0x3F8D] =	sst s0;
	s0 =	simm.s32 @!p2 $0x0  }
0x16: {  	s3 =	sld [smem:$0x3FDB];
	s0 =	simm.s32 @p2 $0x1  }
0x17: {  	s4 =	simm.s32 $0x1BF5;
	[smem:$0x3F8F] =	sst s0  }
0x18: {  	s0 =	sld [smem:$0x3F72];
	_ =	swait.ge [sflag:s4], $0x0  }
0x19: {  	s7 =	sld [smem:$0x3F73]  }
0x1a: {  	s8 =	sadd.s32 $0xFFFFE003, lr  }
0x1b: {  	s9 =	sadd.s32 $0xFFFFFEF7, lr;
	s5 =	simm.s32 $0xFFFFFFFF;
	p2 =	slt.u32 s8, $0xFFFFF086  }
0x1c: {  	p1 =	slt.u32 s9, $0xF7A;
	s5 =	simm.s32 @!p2 $0x0  }
0x1d: {  	s5 =	simm.s32 @p1 $0x1;
	p0 =	seq.s32 s7, s2  }
0x1e: {  	s7 =	smul.u32 @!p0 $0xF7A, s2;
	p2 =	seq.s32 @!p0 s5, $0x0  }
0x1f: {  	s9 =	smul.u32 $0xF7A, s1;
	s8 =	simm.s32 @!p0 $0x1BF5;
	p2 =	por !p2, p0  }
0x20: {  	[sflag:s8] =	ssyncset.s32 @!p0 $0xFFFFF086;
	s6 =	sadd.s32 @!p0 s3, s7;
	s7 =	simm.s32 @!p0 $0x108  }
0x21: {  	s3 =	sadd.s32 s3, s9;
	s6 =	sadd.s32 @!p0 $0x88, s6;
	s7 =	simm.s32 @p2 $0x1082  }
0x22: {  	[simem:s7], [sflag:s8] =	dma.local @!p0 [hbm:s6], $0xF7A  }
0x23: {  	s9 =	sor.u32 $0xD0000000, s2;
	s6 =	simm.s32 $0x108;
	_ =	swait.ge @!p0 [sflag:s8], $0x0  }
0x24: {  	s3 =	sadd.s32 $0x88, s3;
	s6 =	simm.s32 @!p1 $0x1082;
	[sflag:s4] =	ssyncset.s32 $0xFFFFF086  }
0x25: {  	[simem:s6], [sflag:s4] =	dma.local [hbm:s3], $0xF7A  }
0x26: {  	[smem:$0x3F73] =	sst s1;
	(tag) =	ssettag s2;
	_ =	strace s9  }
0x27: {  	s1 =	sld [smem:$0x3F83]  }
0x28: {  	s2 =	sld [smem:$0x3F84]  }
0x29: {  	s4 =	sld [smem:$0x3F86]  }
0x2a: {  	p0 =	seq.s32 s5, $0x0;
	s5 =	sld [smem:$0x3F87]  }
0x2b: {  	s6 =	sld [smem:$0x3F88]  }
0x2c: {  	s7 =	sld [smem:$0x3F89]  }
0x2d: {  	s3 =	simm.s32 $0x108;
	s8 =	sld [smem:$0x3F8A]  }
0x2e: {  	s3 =	simm.s32 @!p0 $0x1082;
	s9 =	sld [smem:$0x3F8B]  }
0x2f: {  	lr =	sadd.s32 s0, s3;
	s0 =	sld [smem:$0x3F82]  }
0x30: {  	s3 =	sld [smem:$0x3F85]  }
0x31: {  	[smem:$0x3F8E] =	sst s10  }
0x32: {  	s10 =	sld [smem:$0x3F8C];
	_ =	sdelay $0x3  }
0x33: {  	p0 =	seq.s32 s10, $0x1;
	s10 =	sld [smem:$0x3F8E];
	_ =	sdelay $0x3  }
0x34: {  	[smem:$0x3F8E] =	sst s10  }
0x35: {  	s10 =	sld [smem:$0x3F8D];
	_ =	sdelay $0x3  }
0x36: {  	p1 =	seq.s32 s10, $0x1;
	s10 =	sld [smem:$0x3F8E];
	_ =	sdelay $0x3  }
0x37: {  	[smem:$0x3F8E] =	sst s10  }
0x38: {  	s10 =	sld [smem:$0x3F8F]  }
0x39: {  	_ = 	snop;
	(pc) =	sbr.ind lr, $3  }
0x3a: {  	_ = 	snop  }
0x3b: {  	_ = 	snop  }
0x3c: {  	p2 =	seq.s32 s10, $0x1;
	s10 =	sld [smem:$0x3F8E]  }
0x3d: {  	_ =	shalt  }
0x3e: {  	_ =	shalt  }
0x3f: {  	_ =	shalt  }
0x40: {  	_ =	shalt  }
0x41: {  	_ =	shalt  }
0x42: {  	_ =	shalt  }
0x43: {  	_ =	shalt  }
0x44: {  	_ =	shalt  }
0x45: {  	_ =	shalt  }
0x46: {  	_ =	shalt  }
0x47: {  	_ =	shalt  }
0x48: {  	_ =	shalt  }
0x49: {  	_ =	shalt  }
0x4a: {  	_ =	shalt  }
0x4b: {  	_ =	shalt  }
0x4c: {  	_ =	shalt  }
0x4d: {  	_ =	shalt  }
0x4e: {  	_ =	shalt  }
0x4f: {  	_ =	shalt  }
0x50: {  	_ =	shalt  }
0x51: {  	_ =	shalt  }
0x52: {  	_ =	shalt  }
0x53: {  	_ =	shalt  }
0x54: {  	_ =	shalt  }
0x55: {  	_ =	shalt  }
0x56: {  	_ =	shalt  }
0x57: {  	_ =	shalt  }
0x58: {  	_ =	shalt  }
0x59: {  	_ =	shalt  }
0x5a: {  	_ =	shalt  }
0x5b: {  	_ =	shalt  }
0x5c: {  	_ =	shalt  }
0x5d: {  	_ =	shalt  }
0x5e: {  	_ =	shalt  }
0x5f: {  	_ =	shalt  }
0x60: {  	_ =	shalt  }
0x61: {  	_ =	shalt  }
0x62: {  	_ =	shalt  }
0x63: {  	_ =	shalt  }
0x64: {  	_ =	shalt  }
0x65: {  	_ =	shalt  }
0x66: {  	_ =	shalt  }
0x67: {  	_ =	shalt  }
0x68: {  	_ =	shalt  }
0x69: {  	_ =	shalt  }
0x6a: {  	_ =	shalt  }
0x6b: {  	_ =	shalt  }
0x6c: {  	_ =	shalt  }
0x6d: {  	_ =	shalt  }
0x6e: {  	_ =	shalt  }
0x6f: {  	_ =	shalt  }
0x70: {  	_ =	shalt  }
0x71: {  	_ =	shalt  }
0x72: {  	_ =	shalt  }
0x73: {  	_ =	shalt  }
0x74: {  	_ =	shalt  }
0x75: {  	_ =	shalt  }
0x76: {  	_ =	shalt  }
0x77: {  	_ =	shalt  }
0x78: {  	_ =	shalt  }
0x79: {  	_ =	shalt  }
0x7a: {  	_ =	shalt  }
0x7b: {  	_ =	shalt  }
0x7c: {  	_ =	shalt  }
0x7d: {  	_ =	shalt  }
0x7e: {  	_ =	shalt  }
0x7f: {  	_ =	shalt  }
0x80: {  	_ =	shalt  }
0x81: {  	_ =	shalt  }
0x82: {  	_ =	shalt  }
0x83: {  	_ =	shalt  }
0x84: {  	_ =	shalt  }
0x85: {  	_ =	shalt  }
0x86: {  	_ =	shalt  }
0x87: {  	_ =	shalt  }
.Lfunc_end0:
.L_simem_size_0:
called_computation.3_lowered:
.L_overlay_start_0:
0x88: {  	s2 =	sld [smem:$0x3FD9]  }
0x89: {  	s3 =	sld [smem:$0x3FFE];
	_ =	sdelay $0x1  }
0x8a: {  	s1 =	srdreg.scid  }
0x8b: {  	s0 =	sand.u32 $0x1, s1  }
0x8c: {  	s16 =	sshll.u32 s0, $0xA;
	s2 =	sadd.s32 s3, s2  }
0x8d: {  	s2 =	sadd.s32 s2, s16  }
0x8e: {  	[smem:$0x3F9A] =	sst s2  }
0x8f: {  	_ = 	snop  }
0x90: {  	(tm) =	ssettm $0x1  }
0x91: {  	s17 =	sld [smem:$0x3FFB];
	_ =	sdelay $0x3  }
0x92: {  	_ =	strace s17  }
0x93: {  	s2 =	sld [smem:$0x3FFC];
	_ =	sdelay $0x3  }
0x94: {  	_ =	strace s2  }
0x95: {  	s2 =	sld [smem:$0x3FFD];
	_ =	sdelay $0x3  }
0x96: {  	_ =	strace s2  }
0x97: {  	_ =	strace $0x8FFFFFFF  }
0x98: {  	s18 =	sld [smem:$0x3FDB];
	_ =	sdelay $0x1  }
0x99: {  	s19 =	simm.s32 $_scs_section_size  }
0x9a: {  	s4 =	simm.s32 $_size__tile_overlayer_lowered;
	s5 =	simm.s32 $_tile_overlayer_lowered  }
0x9b: {  	s22 =	simm.s32 $0x1BFF;
	s21 =	sshll.u32 s5, $0x1;
	s2 =	sadd.s32 s19, s18  }
0x9c: {  	s6 =	simm.s32 $0x0;
	s20 =	sshll.u32 s4, $0x1;
	s4 =	sadd.s32 s21, s2  }
0x9d: {  	[timem:s6], [sflag:s22] =	dma.local [hbm:s4], s20  }
0x9e: {  	_ =	swait.ge [sflag:s22], s20  }
0x9f: {  	s3 =	ssub.s32 $0x0, s20;
	[sflag:s22] =	ssyncset.done $0x0  }
0xa0: {  	[sflag:s22] =	ssyncadd.s32 s3;
	_ =	sdelay $0x1  }
0xa1: {  	s23 =	simm.s32 $0x1B8B  }
0xa2: {  	_ =	swait.ge [sflag:s23], $0x1  }
0xa3: {  	[sflag:s23] =	ssyncset.done $0x0  }
0xa4: {  	s25 =	simm.s32 $0x1B8E;
	s24 =	sld [smem:$0x3FFE];
	[sflag:s23] =	ssyncadd.s32 $0xFFFFFFFF  }
0xa5: {  	s26 =	simm.s32 $execute0_lowered;
	[smem:$0x3FD2] =	sst s25  }
0xa6: {  	s4 =	sshll.u32 s26, $0x1;
	_ =	strace $0x8000004F;
	[dreg:$0x1] =	wrdreg $0xFFFFFFFF  }
0xa7: {  	s28 =	simm.s32 $_size_execute0_lowered;
	s2 =	sadd.s32 s2, s4;
	[dreg:$0x0] =	wrdreg $0x0  }
0xa8: {  	s4 =	sshll.u32 s28, $0x1;
	[dreg:$0x2] =	wrdreg s2  }
0xa9: {  	[dreg:$0x3] =	wrdreg s4  }
0xaa: {  	[dreg:$0x4] =	wrdreg $0xC0  }
0xab: {  	_ =	task [dreg:s6], $0x5FFFF  }
0xac: {  	[dreg:$0x1] =	wrdreg $0xFFFFFFFF  }
0xad: {  	[dreg:$0x0] =	wrdreg $0x60  }
0xae: {  	[dreg:$0x2] =	wrdreg s24  }
0xaf: {  	[dreg:$0x3] =	wrdreg $0x9  }
0xb0: {  	_ =	task.clear_ibuf [dreg:s6], $0x4FFFF;
	_ =	strace $0x9000004F  }
0xb1: {  	s29 =	simm.s32 $0x9;
	_ =	strace $0x80000051  }
0xb2: {  	_ =	swait.ge [sflag:s29], $0x1  }
0xb3: {  	[sflag:s29] =	ssyncadd.s32 $0xFFFFFFFF  }
0xb4: {  	_ =	strace $0x90000051  }
0xb5: {  	_ =	sfence  }
0xb6: {  	s30 =	sld [smem:$0x0];
	_ =	sdelay $0x2  }
0xb7: {  	s31 =	sshll.u32 s1, $0xD;
	s1 =	sshrl.u32 s1, $0x2  }
0xb8: {  	s3 =	sand.u32 $0x4000, s31;
	s1 =	sadd.s32 s1, s30  }
0xb9: {  	s0 =	sor.u32 s3, s0;
	s1 =	sshll.u32 s1, $0x11  }
0xba: {  	s0 =	sor.u32 s1, s0  }
0xbb: {  	s0 =	sadd.s32 $0x8F2B, s0  }
0xbc: {  	[sflag:s0] =	ssyncadd.remote.s32 $0x1  }
0xbd: {  	_ =	sfence.sel $0xFFFF  }
0xbe: {  	[dreg:$0x0] =	wrdreg $0xFFFFFFFF;
	(pc) =	sbr.abs _section_cstart, $3  }
0xbf: {  	[dreg:$0x1] =	wrdreg $0xFFFFFFFF  }
0xc0: {  	_ =	task.clear_ibuf [dreg:s6], $0x2FFFF;
	_ =	strace $0x9FFFFFFF  }
0xc1: {  	(tm) =	ssettm $0x7FFFFFFF  }
tec
execute0_lowered:
.L_overlay_start_1:
0x0: {  	(tag) =	ssettag $0x1  }
0x1: {  	s0 =	rddreg [dreg:$0x0];
	s1 =	simm.s32 $0x0;
	s3 =	srdreg.scid  }
0x2: {  	s7 =	stileid.u32;
	s29 =	simm.s32 $0x80;
	s31 =	simm.s32 $0x1  }
0x3: {  	[smem:$0x7FF] =	sst s1;
	s2 =	sadd.s32 $0x8800, s0;
	s4 =	sadd.s32 $0x2FA00, s0  }
0x4: {  	s5 =	sadd.s32 $0x76800, s0;
	s3 =	sand.u32 $0x1, s3;
	s6 =	sadd.s32 $0x6C800, s0  }
0x5: {  	s21 =	sadd.s32 $0x80800, s0;
	s30 =	sadd.s32 $0x580800, s0;
	s28 =	sshll.u32 s7, $0x8  }
0x6: {  	s13 =	smul.u32 $0x900, s7;
	_ =	strace $0x80000050;
	s22 =	sor.u32 $0x9000, s28  }
0x7: {  	s24 =	sor.u32 $0x9010, s28;
	[dreg:$0x9] =	wrdreg s28;
	s23 =	sadd.s32 s5, s22  }
0x8: {  	s26 =	sshll.u32 s7, $0xF;
	s25 =	sadd.s32 s5, s24;
	[dreg:$0xc] =	wrdreg s23  }
0x9: {  	s10 =	ssub.s32 $0x2, s3;
	s8 =	sadd.s32 s5, s13;
	[dreg:$0xe] =	wrdreg s25  }
0xa: {  	s14 =	sadd.s32 s28, s5;
	s9 =	sadd.s32 s6, s13;
	[dreg:$0x6] =	wrdreg s8  }
0xb: {  	s18 =	sor.u32 $0x10, s13;
	s17 =	sadd.s32 $0x9020, s14;
	[dreg:$0x7] =	wrdreg s9  }
0xc: {  	p0 =	seq.s32 s3, $0x1;
	s19 =	sadd.s32 s5, s18;
	[dreg:$0x4] =	wrdreg s17  }
0xd: {  	s11 =	sshrl.u32 s10, $0x1;
	s3 =	sadd.s32 s6, s18;
	[dreg:$0x8] =	wrdreg s19  }
0xe: {  	s0 =	ssub.s32 s10, s11;
	s11 =	sadd.s32 s6, s22;
	[dreg:$0xa] =	wrdreg s3  }
0xf: {  	s15 =	smul.u32 $0x48000, s7;
	s12 =	sadd.s32 $0x20, s8;
	[dreg:$0xd] =	wrdreg s11  }
0x10: {  	s14 =	simm.s32 $0x3;
	s16 =	sadd.s32 $0x20, s9;
	[dreg:$0x2] =	wrdreg s12  }
0x11: {  	s10 =	smul.u32 $0x240000, s7;
	s22 =	sadd.s32 s15, s30;
	[dreg:$0x3] =	wrdreg s16  }
0x12: {  	s18 =	sadd.s32 s28, s6;
	s23 =	sadd.s32 s15, s21;
	[dreg:$0x12] =	wrdreg s22  }
0x13: {  	s17 =	simm.s32 $0xC200;
	s19 =	sor.u32 $0x487800, s26;
	[dreg:$0x13] =	wrdreg s23  }
0x14: {  	s8 =	simm.s32 $0x0;
	s0 =	smax.u32 s0, $0x1;
	[dreg:$0x10] =	wrdreg s19  }
0x15: {  	s20 =	sshrl.u32 s10, $0x3;
	[dreg:$0x11] =	wrdreg s0;
	s25 =	sadd.s32 $0xFFFFC000, s10  }
0x16: {  	s16 =	simm.s32 $0x5;
	s3 =	sadd.s32 $0x47800, s20;
	[dreg:$0x14] =	wrdreg s25  }
.Ltmp0:
0x17: {  	s20 =	sadd.s32 $0x9020, s18;
	[dreg:$0xb] =	wrdreg s3;
	(pc) =	sbr.rel .LBB2_1-.Ltmp0, $4  }
0x18: {  	s3 =	sadd.s32 s6, s24;
	[dreg:$0x5] =	wrdreg s20;
	s24 =	sadd.s32 s26, s30  }
0x19: {  	[dreg:$0xf] =	wrdreg s3;
	s3 =	sadd.s32 s26, s21;
	s0 =	sadd.s32 $0x47F800, s24  }
0x1a: {  	s18 =	simm.s32 $0x200;
	[dreg:$0x15] =	wrdreg s0;
	s26 =	sadd.s32 $0x47F800, s3  }
0x1b: {  	s20 =	simm.s32 $0x8200;
	s0 =	simm.s32 $0x2;
	[dreg:$0x16] =	wrdreg s26  }
.LBB2_7:
0x1c: {  	[tilespmem:s26], [sflag:$0x1] =	stream.linear.gather @!p2 [hbm4b:s19+s15], $0x80, $0x38;
	[tilespmem:$0x10200] =	vst v63  }
0x1d: {  	s15 =	rddreg [dreg:$0x10]  }
0x1e: {  	s8 =	rddreg [dreg:$0x17]  }
.LBB2_8:
0x1f: {  	s3 =	simm.s32 $0x4  }
0x20: {  	_ =	swait.ge [sflag:s3], $0x4000  }
0x21: {  	[sflag:s3] =	ssyncset.done $0x0  }
0x22: {  	s11 =	simm.s32 $0x6;
	[sflag:s3] =	ssyncadd.s32 $0xFFFFC000  }
0x23: {  	_ =	swait.ge [sflag:s11], $0x4000  }
0x24: {  	[sflag:s11] =	ssyncset.done $0x0  }
0x25: {  	s7 =	sadd.s32 s21, s15;
	[sflag:s11] =	ssyncadd.s32 $0xFFFFC000  }
0x26: {  	[hbm4b:s7+s1] =	stream.linear.scatter [tilespmem:s12], [sflag:$0x8], $0x4000, $0x38;
	[tilespmem:$0x10200] =	vst v63  }
0x27: {  	s19 =	sadd.s32 s30, s15;
	s22 =	simm.s32 $0x7  }
0x28: {  	[hbm4b:s19+s1] =	stream.linear.scatter [tilespmem:s17], [sflag:$0xA], $0x4000, $0x38;
	[tilespmem:$0x10200] =	vst v63  }
0x29: {  	_ =	swait.ge [sflag:s22], $0x4000  }
0x2a: {  	[sflag:s22] =	ssyncset.done $0x0  }
0x2b: {  	s23 =	simm.s32 $0x9;
	[sflag:s22] =	ssyncadd.s32 $0xFFFFC000  }
0x2c: {  	_ =	swait.ge [sflag:s23], $0x4000  }
0x2d: {  	[sflag:s23] =	ssyncset.done $0x0  }
0x2e: {  	s24 =	simm.s32 $0x8;
	[sflag:s23] =	ssyncadd.s32 $0xFFFFC000  }
0x2f: {  	_ =	swait.ge [sflag:s24], $0x4000  }
0x30: {  	[sflag:s24] =	ssyncset.done $0x0  }
0x31: {  	s25 =	simm.s32 $0xA;
	[sflag:s24] =	ssyncadd.s32 $0xFFFFC000  }
0x32: {  	_ =	swait.ge [sflag:s25], $0x4000  }
0x33: {  	s8 =	sadd.s32 $0x1, s8;
	s26 =	rddreg [dreg:$0x11]  }
0x34: {  	p1 =	sne.s32 s8, s26  }
.Ltmp1:
0x35: {  	_ = 	snop;
	(pc) =	sbr.rel @!p1 .LBB2_9-.Ltmp1, $3  }
0x36: {  	_ =	sdelay $0x1  }
0x37: {  	[sflag:s25] =	ssyncset.done $0x0  }
0x38: {  	[sflag:s25] =	ssyncadd.s32 $0xFFFFC000  }
.LBB2_1:
.Ltmp2:
0x39: {  	(pc) =	sbr.rel @!p0 .LBB2_2-.Ltmp2, $2  }
0x3a: {  	_ =	sdelay $0x2  }
0x3b: {  	[dreg:$0x17] =	wrdreg s8  }
0x3c: {  	s7 =	simm.s32 $0x0;
	s3 =	rddreg [dreg:$0xc]  }
0x3d: {  	[tilespmem:s7], [sflag:$0x1] =	stream.linear.gather [hbm4b:s3+s7], $0x80, $0x38;
	[tilespmem:$0x10200] =	vst v63  }
0x3e: {  	s19 =	rddreg [dreg:$0xd];
	s8 =	simm.s32 $0x100  }
0x3f: {  	[tilespmem:s8], [sflag:$0x1] =	stream.linear.gather [hbm4b:s19+s7], $0x80, $0x38;
	[tilespmem:$0x10200] =	vst v63  }
0x40: {  	s22 =	rddreg [dreg:$0xe]  }
0x41: {  	[tilespmem:s29], [sflag:$0x2] =	stream.linear.gather [hbm4b:s22+s7], $0x80, $0x38;
	[tilespmem:$0x10200] =	vst v63  }
0x42: {  	s23 =	rddreg [dreg:$0xf];
	s12 =	simm.s32 $0x180  }
0x43: {  	[tilespmem:s12], [sflag:$0x2] =	stream.linear.gather [hbm4b:s23+s7], $0x80, $0x38;
	[tilespmem:$0x10200] =	vst v63  }
0x44: {  	_ =	swait.ge [sflag:s31], $0x80  }
0x45: {  	[sflag:s31] =	ssyncset.done $0x0  }
0x46: {  	[sflag:s31] =	ssyncadd.s32 $0xFFFFFF80  }
0x47: {  	_ =	swait.ge [sflag:s31], $0x80  }
0x48: {  	p1 =	por $0x0, $0x0;
	[sflag:s31] =	ssyncset.done $0x0  }
0x49: {  	s8 =	simm.s32 @p1 $0x7;
	[sflag:s31] =	ssyncadd.s32 $0xFFFFFF80  }
0x4a: {  	_ =	swait.ge @p1 [sflag:s8], $0x4000  }
0x4b: {  	[sflag:s8] =	ssyncset.done @p1 $0x0  }
0x4c: {  	[sflag:s8] =	ssyncadd.s32 @p1 $0xFFFFC000;
	s8 =	simm.s32 @p1 $0x9  }
0x4d: {  	_ =	swait.ge @p1 [sflag:s8], $0x4000  }
0x4e: {  	s9 =	simm.s32 @p1 $0x200;
	[sflag:s8] =	ssyncset.done @p1 $0x0  }
0x4f: {  	s10 =	simm.s32 @p1 $0x0;
	[sflag:s8] =	ssyncadd.s32 @p1 $0xFFFFC000;
	s8 =	simm.s32 @p1 $0x80  }
0x50: {  	[tilespmem:s9], [sflag:$0x3] =	stream.indirect.gather @p1 [hbm4b:s2+s8], $0x80, s10, s8, $0xb8;
	[tilespmem:$0x10200] =	vst v63  }
0x51: {  	s11 =	simm.s32 @p1 $0x8200;
	s15 =	simm.s32 @p1 $0x4;
	s9 =	simm.s32 @p1 $0x100  }
0x52: {  	[tilespmem:s11], [sflag:$0x5] =	stream.indirect.gather @p1 [hbm4b:s4+s8], $0x80, s9, s8, $0xb8;
	[tilespmem:$0x10200] =	vst v63  }
0x53: {  	_ =	swait.ge @p1 [sflag:s15], $0x4000  }
0x54: {  	s9 =	sadd.s32 @p1 $0x0, s28;
	[sflag:s15] =	ssyncset.done @p1 $0x0  }
0x55: {  	s11 =	simm.s32 @p1 $0x6;
	s9 =	sadd.s32 @p1 $0x9000, s9;
	[sflag:s15] =	ssyncadd.s32 @p1 $0xFFFFC000  }
0x56: {  	s7 =	sand.u32 @p1 $0x60, s7;
	s9 =	sand.u32 @p1 $0x9F80, s9;
	_ =	swait.ge @p1 [sflag:s11], $0x4000  }
0x57: {  	s7 =	sor.u32 @p1 s9, s7;
	[sflag:s11] =	ssyncset.done @p1 $0x0  }
0x58: {  	s9 =	simm.s32 @p1 $0x4200;
	[sflag:s11] =	ssyncadd.s32 @p1 $0xFFFFC000;
	s11 =	rddreg [dreg:$0x16]  }
0x59: {  	[hbm4b:s11+s10] =	stream.linear.scatter @p1 [tilespmem:s9], [sflag:$0x8], $0x4000, $0x38;
	[tilespmem:$0x10200] =	vst v63  }
0x5a: {  	s7 =	sor.u32 @p1 $0x10, s7;
	s3 =	rddreg [dreg:$0x15];
	s9 =	simm.s32 @p1 $0xC200  }
0x5b: {  	[hbm4b:s3+s10] =	stream.linear.scatter @p1 [tilespmem:s9], [sflag:$0xA], $0x4000, $0x38;
	[tilespmem:$0x10200] =	vst v63  }
0x5c: {  	s9 =	sadd.s32 @p1 s5, s7  }
0x5d: {  	[tilespmem:s8], [sflag:$0x2] =	stream.linear.gather @p1 [hbm4b:s9+s10], $0x80, $0x38;
	[tilespmem:$0x10200] =	vst v63  }
0x5e: {  	s7 =	sadd.s32 @p1 s6, s7;
	s8 =	simm.s32 @p1 $0x180  }
0x5f: {  	[tilespmem:s8], [sflag:$0x2] =	stream.linear.gather @p1 [hbm4b:s7+s10], $0x80, $0x38;
	[tilespmem:$0x10200] =	vst v63  }
0x60: {  	s9 =	simm.s32 @!p1 $0x200;
	s7 =	simm.s32 @!p1 $0x80;
	s8 =	simm.s32 @!p1 $0x0  }
0x61: {  	[tilespmem:s9], [sflag:$0x3] =	stream.indirect.gather @!p1 [hbm4b:s2+s7], $0x80, s8, s7, $0xb8;
	[tilespmem:$0x10200] =	vst v63  }
0x62: {  	s8 =	simm.s32 @!p1 $0x100;
	s9 =	simm.s32 @!p1 $0x8200  }
0x63: {  	[tilespmem:s9], [sflag:$0x5] =	stream.indirect.gather @!p1 [hbm4b:s4+s7], $0x80, s8, s7, $0xb8;
	[tilespmem:$0x10200] =	vst v63  }
0x64: {  	_ =	swait.ge [sflag:s0], $0x80  }
0x65: {  	[sflag:s0] =	ssyncset.done $0x0  }
0x66: {  	[sflag:s0] =	ssyncadd.s32 $0xFFFFFF80  }
0x67: {  	_ =	swait.ge [sflag:s0], $0x80  }
0x68: {  	p1 =	por $0x1, $0x1;
	[sflag:s0] =	ssyncset.done $0x0  }
0x69: {  	s7 =	simm.s32 @!p1 $0x8;
	[sflag:s0] =	ssyncadd.s32 $0xFFFFFF80  }
0x6a: {  	_ =	swait.ge @!p1 [sflag:s7], $0x4000  }
0x6b: {  	[sflag:s7] =	ssyncset.done @!p1 $0x0  }
0x6c: {  	[sflag:s7] =	ssyncadd.s32 @!p1 $0xFFFFC000;
	s7 =	simm.s32 @!p1 $0xA  }
0x6d: {  	_ =	swait.ge @!p1 [sflag:s7], $0x4000  }
0x6e: {  	[sflag:s7] =	ssyncset.done @!p1 $0x0  }
0x6f: {  	s24 =	simm.s32 $0x4200;
	[sflag:s7] =	ssyncadd.s32 @!p1 $0xFFFFC000  }
0x70: {  	[tilespmem:s24], [sflag:$0x4] =	stream.indirect.gather [hbm4b:s2+s29], $0x80, s29, s29, $0xb8;
	[tilespmem:$0x10200] =	vst v63  }
0x71: {  	_ = 	snop  }
0x72: {  	[tilespmem:s17], [sflag:$0x6] =	stream.indirect.gather [hbm4b:s4+s29], $0x80, s12, s29, $0xb8;
	[tilespmem:$0x10200] =	vst v63  }
0x73: {  	_ =	swait.ge [sflag:s14], $0x4000  }
0x74: {  	p2 =	por $0x0, $0x0;
	[sflag:s14] =	ssyncset.done $0x0  }
0x75: {  	s22 =	simm.s32 $0x20;
	s23 =	simm.s32 $0x3;
	[sflag:s14] =	ssyncadd.s32 $0xFFFFC000  }
0x76: {  	s15 =	simm.s32 @!p2 $0x0;
	s26 =	sadd.s32 $0x800, s3;
	_ =	swait.ge [sflag:s16], $0x4000  }
0x77: {  	s25 =	sadd.s32 $0x800, s11;
	[sflag:s16] =	ssyncset.done $0x0;
	s7 =	rddreg [dreg:$0x4]  }
0x78: {  	s24 =	sadd.s32 $0x1000, s11;
	s8 =	rddreg [dreg:$0x5];
	[sflag:s16] =	ssyncadd.s32 $0xFFFFC000  }
0x79: {  	[hbm4b:s25+s1] =	stream.linear.scatter [tilespmem:s18], [sflag:$0x7], $0x4000, $0x38;
	[tilespmem:$0x10200] =	vst v63  }
0x7a: {  	s12 =	simm.s32 $0x4200;
	s7 =	sadd.s32 @!p2 $0x0, s7;
	s19 =	sadd.s32 @!p2 $0x0, s8  }
0x7b: {  	[hbm4b:s26+s1] =	stream.linear.scatter [tilespmem:s20], [sflag:$0x9], $0x4000, $0x38;
	[tilespmem:$0x10200] =	vst v63  }
0x7c: {  	s25 =	sadd.s32 $0x1000, s3;
	s3 =	simm.s32 $0x180;
	s26 =	simm.s32 @!p2 $0x100  }
0x7d: {  	[tilespmem:s15], [sflag:$0x1] =	stream.linear.gather @!p2 [hbm4b:s7+s15], $0x80, $0x38;
	[tilespmem:$0x10200] =	vst v63  }
.LBB2_6:
0x7e: {  	[tilespmem:s26], [sflag:$0x1] =	stream.linear.gather @!p2 [hbm4b:s19+s15], $0x80, $0x38;
	[tilespmem:$0x10200] =	vst v63  }
0x7f: {  	_ =	swait.ge [sflag:s31], $0x80  }
0x80: {  	[sflag:s31] =	ssyncset.done $0x0  }
0x81: {  	[sflag:s31] =	ssyncadd.s32 $0xFFFFFF80  }
0x82: {  	s19 =	smov.u32 s22;
	_ =	swait.ge [sflag:s31], $0x80  }
0x83: {  	p2 =	sne.s32 s19, $0x0;
	[sflag:s31] =	ssyncset.done $0x0  }
0x84: {  	s7 =	simm.s32 @p2 $0x7;
	[sflag:s31] =	ssyncadd.s32 $0xFFFFFF80  }
0x85: {  	_ =	swait.ge @p2 [sflag:s7], $0x4000  }
0x86: {  	s8 =	sadd.s32 @p2 s19, s28;
	[sflag:s7] =	ssyncset.done @p2 $0x0  }
0x87: {  	s8 =	sadd.s32 @p2 $0x9000, s8;
	[sflag:s7] =	ssyncadd.s32 @p2 $0xFFFFC000;
	s7 =	simm.s32 @p2 $0x9  }
0x88: {  	s9 =	sand.u32 @p2 $0x60, s19;
	s8 =	sand.u32 @p2 $0x9F80, s8;
	_ =	swait.ge @p2 [sflag:s7], $0x4000  }
0x89: {  	s11 =	simm.s32 @p2 $0x0;
	s8 =	sor.u32 @p2 s8, s9;
	[sflag:s7] =	ssyncset.done @p2 $0x0  }
0x8a: {  	s9 =	simm.s32 @p2 $0x200;
	[sflag:s7] =	ssyncadd.s32 @p2 $0xFFFFC000;
	s7 =	simm.s32 @p2 $0x80  }
0x8b: {  	[tilespmem:s9], [sflag:$0x3] =	stream.indirect.gather @p2 [hbm4b:s2+s7], $0x80, s11, s7, $0xb8;
	[tilespmem:$0x10200] =	vst v63  }
0x8c: {  	s15 =	simm.s32 @p2 $0x8200;
	s20 =	simm.s32 @p2 $0x4;
	s9 =	simm.s32 @p2 $0x100  }
0x8d: {  	[tilespmem:s15], [sflag:$0x5] =	stream.indirect.gather @p2 [hbm4b:s4+s7], $0x80, s9, s7, $0xb8;
	[tilespmem:$0x10200] =	vst v63  }
0x8e: {  	_ =	swait.ge @p2 [sflag:s20], $0x4000  }
0x8f: {  	[sflag:s20] =	ssyncset.done @p2 $0x0  }
0x90: {  	s9 =	simm.s32 @p2 $0x6;
	[sflag:s20] =	ssyncadd.s32 @p2 $0xFFFFC000  }
0x91: {  	_ =	swait.ge @p2 [sflag:s9], $0x4000  }
0x92: {  	[sflag:s9] =	ssyncset.done @p2 $0x0  }
0x93: {  	[sflag:s9] =	ssyncadd.s32 @p2 $0xFFFFC000;
	s9 =	simm.s32 @p2 $0x4200  }
0x94: {  	[hbm4b:s24+s11] =	stream.linear.scatter @p2 [tilespmem:s9], [sflag:$0x8], $0x4000, $0x38;
	[tilespmem:$0x10200] =	vst v63  }
0x95: {  	s8 =	sor.u32 @p2 $0x10, s8;
	s9 =	simm.s32 @p2 $0xC200  }
0x96: {  	[hbm4b:s25+s11] =	stream.linear.scatter @p2 [tilespmem:s9], [sflag:$0xA], $0x4000, $0x38;
	[tilespmem:$0x10200] =	vst v63  }
0x97: {  	s10 =	sadd.s32 @p2 s5, s8  }
0x98: {  	[tilespmem:s7], [sflag:$0x2] =	stream.linear.gather @p2 [hbm4b:s10+s11], $0x80, $0x38;
	[tilespmem:$0x10200] =	vst v63  }
0x99: {  	s8 =	sadd.s32 @p2 s6, s8;
	s7 =	simm.s32 @p2 $0x180  }
0x9a: {  	[tilespmem:s7], [sflag:$0x2] =	stream.linear.gather @p2 [hbm4b:s8+s11], $0x80, $0x38;
	[tilespmem:$0x10200] =	vst v63  }
0x9b: {  	s9 =	simm.s32 @!p2 $0x200;
	s7 =	simm.s32 @!p2 $0x80;
	s8 =	simm.s32 @!p2 $0x0  }
0x9c: {  	[tilespmem:s9], [sflag:$0x3] =	stream.indirect.gather @!p2 [hbm4b:s2+s7], $0x80, s8, s7, $0xb8;
	[tilespmem:$0x10200] =	vst v63  }
0x9d: {  	s8 =	simm.s32 @!p2 $0x100;
	s9 =	simm.s32 @!p2 $0x8200  }
0x9e: {  	[tilespmem:s9], [sflag:$0x5] =	stream.indirect.gather @!p2 [hbm4b:s4+s7], $0x80, s8, s7, $0xb8;
	[tilespmem:$0x10200] =	vst v63  }
0x9f: {  	_ =	swait.ge [sflag:s0], $0x80  }
0xa0: {  	[sflag:s0] =	ssyncset.done $0x0  }
0xa1: {  	[sflag:s0] =	ssyncadd.s32 $0xFFFFFF80  }
0xa2: {  	_ =	swait.ge [sflag:s0], $0x80  }
0xa3: {  	p2 =	seq.s32 s19, $0x0;
	[sflag:s0] =	ssyncset.done $0x0  }
0xa4: {  	s7 =	simm.s32 @!p2 $0x8;
	[sflag:s0] =	ssyncadd.s32 $0xFFFFFF80  }
0xa5: {  	_ =	swait.ge @!p2 [sflag:s7], $0x4000  }
0xa6: {  	[sflag:s7] =	ssyncset.done @!p2 $0x0  }
0xa7: {  	[sflag:s7] =	ssyncadd.s32 @!p2 $0xFFFFC000;
	s7 =	simm.s32 @!p2 $0xA  }
0xa8: {  	_ =	swait.ge @!p2 [sflag:s7], $0x4000  }
0xa9: {  	[sflag:s7] =	ssyncset.done @!p2 $0x0  }
0xaa: {  	[sflag:s7] =	ssyncadd.s32 @!p2 $0xFFFFC000  }
0xab: {  	[tilespmem:s12], [sflag:$0x4] =	stream.indirect.gather [hbm4b:s2+s29], $0x80, s29, s29, $0xb8;
	[tilespmem:$0x10200] =	vst v63  }
0xac: {  	_ = 	snop  }
0xad: {  	[tilespmem:s17], [sflag:$0x6] =	stream.indirect.gather [hbm4b:s4+s29], $0x80, s3, s29, $0xb8;
	[tilespmem:$0x10200] =	vst v63  }
0xae: {  	_ =	swait.ge [sflag:s14], $0x4000  }
0xaf: {  	[sflag:s14] =	ssyncset.done $0x0  }
0xb0: {  	s22 =	sadd.s32 $0x20, s22;
	s26 =	smov.u32 s23;
	[sflag:s14] =	ssyncadd.s32 $0xFFFFC000  }
0xb1: {  	s23 =	sadd.s32 $0x2, s23;
	p1 =	sne.s32 s22, $0x100;
	_ =	swait.ge [sflag:s16], $0x4000  }
0xb2: {  	s15 =	sadd.s32 $0x800, s25;
	s20 =	simm.s32 $0x8200;
	[sflag:s16] =	ssyncset.done $0x0  }
0xb3: {  	s25 =	sadd.s32 $0x1000, s25;
	s11 =	sadd.s32 $0x800, s24;
	[sflag:s16] =	ssyncadd.s32 $0xFFFFC000  }
0xb4: {  	[hbm4b:s11+s1] =	stream.linear.scatter [tilespmem:s18], [sflag:$0x7], $0x4000, $0x38;
	[tilespmem:$0x10200] =	vst v63  }
.Ltmp3:
0xb5: {  	p2 =	sgt.u32 s26, $0xE;
	s7 =	rddreg [dreg:$0x4];
	(pc) =	sbr.rel @p1 .LBB2_6-.Ltmp3, $4  }
0xb6: {  	s24 =	sadd.s32 $0x1000, s24;
	s26 =	simm.s32 @!p2 $0x100;
	s9 =	rddreg [dreg:$0x5]  }
0xb7: {  	[hbm4b:s15+s1] =	stream.linear.scatter [tilespmem:s20], [sflag:$0x9], $0x4000, $0x38;
	[tilespmem:$0x10200] =	vst v63  }
0xb8: {  	s7 =	sadd.s32 @!p2 s19, s7;
	s19 =	sadd.s32 @!p2 s19, s9;
	s15 =	simm.s32 @!p2 $0x0  }
0xb9: {  	[tilespmem:s15], [sflag:$0x1] =	stream.linear.gather @!p2 [hbm4b:s7+s15], $0x80, $0x38;
	[tilespmem:$0x10200] =	vst v63  }
.Ltmp4:
0xba: {  	_ = 	snop;
	(pc) =	sbr.rel .LBB2_7-.Ltmp4, $1  }
0xbb: {  	_ =	sdelay $0x3  }
.LBB2_2:
0xbc: {  	s15 =	simm.s32 $0x0;
	s3 =	rddreg [dreg:$0x6]  }
0xbd: {  	[tilespmem:s15], [sflag:$0x1] =	stream.linear.gather [hbm4b:s3+s15], $0x80, $0x38;
	[tilespmem:$0x10200] =	vst v63  }
0xbe: {  	s10 =	rddreg [dreg:$0x7];
	s7 =	simm.s32 $0x100  }
0xbf: {  	[tilespmem:s7], [sflag:$0x1] =	stream.linear.gather [hbm4b:s10+s15], $0x80, $0x38;
	[tilespmem:$0x10200] =	vst v63  }
0xc0: {  	s11 =	rddreg [dreg:$0x8]  }
0xc1: {  	[tilespmem:s29], [sflag:$0x2] =	stream.linear.gather [hbm4b:s11+s15], $0x80, $0x38;
	[tilespmem:$0x10200] =	vst v63  }
0xc2: {  	s12 =	rddreg [dreg:$0xa];
	s17 =	simm.s32 $0x180  }
0xc3: {  	[tilespmem:s17], [sflag:$0x2] =	stream.linear.gather [hbm4b:s12+s15], $0x80, $0x38;
	[tilespmem:$0x10200] =	vst v63  }
0xc4: {  	_ =	swait.ge [sflag:s31], $0x80  }
0xc5: {  	[sflag:s31] =	ssyncset.done $0x0  }
0xc6: {  	[sflag:s31] =	ssyncadd.s32 $0xFFFFFF80  }
0xc7: {  	_ =	swait.ge [sflag:s31], $0x80  }
0xc8: {  	p1 =	por $0x0, $0x0;
	[sflag:s31] =	ssyncset.done $0x0  }
0xc9: {  	s19 =	simm.s32 @p1 $0x7;
	[sflag:s31] =	ssyncadd.s32 $0xFFFFFF80  }
0xca: {  	_ =	swait.ge @p1 [sflag:s19], $0x4000  }
0xcb: {  	[sflag:s19] =	ssyncset.done @p1 $0x0  }
0xcc: {  	[sflag:s19] =	ssyncadd.s32 @p1 $0xFFFFC000;
	s19 =	simm.s32 @p1 $0x9  }
0xcd: {  	_ =	swait.ge @p1 [sflag:s19], $0x4000  }
0xce: {  	s22 =	simm.s32 @p1 $0x200;
	[sflag:s19] =	ssyncset.done @p1 $0x0  }
0xcf: {  	s23 =	simm.s32 @p1 $0x0;
	[sflag:s19] =	ssyncadd.s32 @p1 $0xFFFFC000;
	s19 =	simm.s32 @p1 $0x80  }
0xd0: {  	[tilespmem:s22], [sflag:$0x3] =	stream.indirect.gather @p1 [hbm4b:s2+s19], $0x80, s23, s19, $0xb8;
	[tilespmem:$0x10200] =	vst v63  }
0xd1: {  	s24 =	simm.s32 @p1 $0x8200;
	s25 =	simm.s32 @p1 $0x4;
	s22 =	simm.s32 @p1 $0x100  }
0xd2: {  	[tilespmem:s24], [sflag:$0x5] =	stream.indirect.gather @p1 [hbm4b:s4+s19], $0x80, s22, s19, $0xb8;
	[tilespmem:$0x10200] =	vst v63  }
0xd3: {  	_ =	swait.ge @p1 [sflag:s25], $0x4000  }
0xd4: {  	s26 =	sadd.s32 @p1 $0x0, s13;
	[sflag:s25] =	ssyncset.done @p1 $0x0  }
0xd5: {  	s26 =	sand.u32 @p1 $0x1FF80, s26;
	s24 =	simm.s32 @p1 $0x6;
	[sflag:s25] =	ssyncadd.s32 @p1 $0xFFFFC000  }
0xd6: {  	s15 =	sand.u32 @p1 $0x60, s15;
	s8 =	rddreg [dreg:$0x14];
	_ =	swait.ge @p1 [sflag:s24], $0x4000  }
0xd7: {  	s15 =	sor.u32 @p1 s26, s15;
	s22 =	sshrl.u32 @p1 s8, $0x3;
	[sflag:s24] =	ssyncset.done @p1 $0x0  }
0xd8: {  	s25 =	sadd.s32 @p1 s21, s22;
	[sflag:s24] =	ssyncadd.s32 @p1 $0xFFFFC000;
	s24 =	simm.s32 @p1 $0x4200  }
0xd9: {  	[hbm4b:s25+s23] =	stream.linear.scatter @p1 [tilespmem:s24], [sflag:$0x8], $0x4000, $0x38;
	[tilespmem:$0x10200] =	vst v63  }
0xda: {  	s15 =	sor.u32 @p1 $0x10, s15;
	s22 =	sadd.s32 @p1 s30, s22;
	s24 =	simm.s32 @p1 $0xC200  }
0xdb: {  	[hbm4b:s22+s23] =	stream.linear.scatter @p1 [tilespmem:s24], [sflag:$0xA], $0x4000, $0x38;
	[tilespmem:$0x10200] =	vst v63  }
0xdc: {  	s22 =	sadd.s32 @p1 s5, s15  }
0xdd: {  	[tilespmem:s19], [sflag:$0x2] =	stream.linear.gather @p1 [hbm4b:s22+s23], $0x80, $0x38;
	[tilespmem:$0x10200] =	vst v63  }
0xde: {  	s15 =	sadd.s32 @p1 s6, s15;
	s19 =	simm.s32 @p1 $0x180  }
0xdf: {  	[tilespmem:s19], [sflag:$0x2] =	stream.linear.gather @p1 [hbm4b:s15+s23], $0x80, $0x38;
	[tilespmem:$0x10200] =	vst v63  }
0xe0: {  	s22 =	simm.s32 @!p1 $0x200;
	s15 =	simm.s32 @!p1 $0x80;
	s19 =	simm.s32 @!p1 $0x0  }
0xe1: {  	[tilespmem:s22], [sflag:$0x3] =	stream.indirect.gather @!p1 [hbm4b:s2+s15], $0x80, s19, s15, $0xb8;
	[tilespmem:$0x10200] =	vst v63  }
0xe2: {  	s19 =	simm.s32 @!p1 $0x100;
	s22 =	simm.s32 @!p1 $0x8200  }
0xe3: {  	[tilespmem:s22], [sflag:$0x5] =	stream.indirect.gather @!p1 [hbm4b:s4+s15], $0x80, s19, s15, $0xb8;
	[tilespmem:$0x10200] =	vst v63  }
0xe4: {  	_ =	swait.ge [sflag:s0], $0x80  }
0xe5: {  	[sflag:s0] =	ssyncset.done $0x0  }
0xe6: {  	[sflag:s0] =	ssyncadd.s32 $0xFFFFFF80  }
0xe7: {  	_ =	swait.ge [sflag:s0], $0x80  }
0xe8: {  	p1 =	por $0x1, $0x1;
	[sflag:s0] =	ssyncset.done $0x0  }
0xe9: {  	s15 =	simm.s32 @!p1 $0x8;
	[sflag:s0] =	ssyncadd.s32 $0xFFFFFF80  }
0xea: {  	_ =	swait.ge @!p1 [sflag:s15], $0x4000  }
0xeb: {  	[sflag:s15] =	ssyncset.done @!p1 $0x0  }
0xec: {  	[sflag:s15] =	ssyncadd.s32 @!p1 $0xFFFFC000;
	s15 =	simm.s32 @!p1 $0xA  }
0xed: {  	_ =	swait.ge @!p1 [sflag:s15], $0x4000  }
0xee: {  	[sflag:s15] =	ssyncset.done @!p1 $0x0  }
0xef: {  	s10 =	simm.s32 $0x4200;
	[sflag:s15] =	ssyncadd.s32 @!p1 $0xFFFFC000  }
0xf0: {  	[tilespmem:s10], [sflag:$0x4] =	stream.indirect.gather [hbm4b:s2+s29], $0x80, s29, s29, $0xb8;
	[tilespmem:$0x10200] =	vst v63  }
0xf1: {  	s24 =	simm.s32 $0xC200  }
0xf2: {  	[tilespmem:s24], [sflag:$0x6] =	stream.indirect.gather [hbm4b:s4+s29], $0x80, s17, s29, $0xb8;
	[tilespmem:$0x10200] =	vst v63  }
0xf3: {  	_ =	swait.ge [sflag:s14], $0x4000  }
0xf4: {  	[sflag:s14] =	ssyncset.done $0x0  }
0xf5: {  	[sflag:s14] =	ssyncadd.s32 $0xFFFFC000  }
0xf6: {  	s9 =	simm.s32 $0x200;
	p2 =	por $0x0, $0x0;
	_ =	swait.ge [sflag:s16], $0x4000  }
0xf7: {  	s18 =	simm.s32 $0x180;
	s28 =	simm.s32 @!p2 $0x100;
	s15 =	rddreg [dreg:$0x2]  }
0xf8: {  	s12 =	simm.s32 $0xC200;
	[sflag:s16] =	ssyncset.done $0x0;
	s25 =	rddreg [dreg:$0x13]  }
0xf9: {  	s22 =	simm.s32 $0x20;
	s26 =	rddreg [dreg:$0x12];
	[sflag:s16] =	ssyncadd.s32 $0xFFFFC000  }
0xfa: {  	[hbm4b:s25+s1] =	stream.linear.scatter [tilespmem:s9], [sflag:$0x7], $0x4000, $0x38;
	[tilespmem:$0x10200] =	vst v63  }
0xfb: {  	s17 =	simm.s32 $0x200;
	s24 =	simm.s32 $0x3;
	s19 =	rddreg [dreg:$0x3]  }
0xfc: {  	[hbm4b:s26+s1] =	stream.linear.scatter [tilespmem:s20], [sflag:$0x9], $0x4000, $0x38;
	[tilespmem:$0x10200] =	vst v63  }
0xfd: {  	s23 =	sadd.s32 @!p2 $0x0, s15;
	s15 =	simm.s32 @!p2 $0x0;
	s19 =	sadd.s32 @!p2 $0x0, s19  }
0xfe: {  	[tilespmem:s15], [sflag:$0x1] =	stream.linear.gather @!p2 [hbm4b:s23+s15], $0x80, $0x38;
	[tilespmem:$0x10200] =	vst v63  }
0xff: {  	s25 =	sadd.s32 $0x1000, s25;
	s26 =	sadd.s32 $0x1000, s26;
	s23 =	sadd.s32 $0x8000, s8  }
.LBB2_3:
0x100: {  	[tilespmem:s28], [sflag:$0x1] =	stream.linear.gather @!p2 [hbm4b:s19+s15], $0x80, $0x38;
	[tilespmem:$0x10200] =	vst v63  }
0x101: {  	_ =	swait.ge [sflag:s31], $0x80  }
0x102: {  	[sflag:s31] =	ssyncset.done $0x0  }
0x103: {  	[sflag:s31] =	ssyncadd.s32 $0xFFFFFF80  }
0x104: {  	s19 =	smov.u32 s22;
	_ =	swait.ge [sflag:s31], $0x80  }
0x105: {  	p2 =	sne.s32 s19, $0x0;
	[sflag:s31] =	ssyncset.done $0x0  }
0x106: {  	s15 =	simm.s32 @p2 $0x7;
	[sflag:s31] =	ssyncadd.s32 $0xFFFFFF80  }
0x107: {  	s28 =	sshrl.u32 @p2 s23, $0x3;
	_ =	swait.ge @p2 [sflag:s15], $0x4000  }
0x108: {  	s10 =	sadd.s32 @p2 s19, s13;
	s11 =	sand.u32 @p2 $0x60, s19;
	[sflag:s15] =	ssyncset.done @p2 $0x0  }
0x109: {  	s7 =	simm.s32 @p2 $0x0;
	[sflag:s15] =	ssyncadd.s32 @p2 $0xFFFFC000;
	s15 =	simm.s32 @p2 $0x9  }
0x10a: {  	s20 =	sadd.s32 @p2 s21, s28;
	s10 =	sand.u32 @p2 $0x1FF80, s10;
	_ =	swait.ge @p2 [sflag:s15], $0x4000  }
0x10b: {  	s10 =	sor.u32 @p2 s10, s11;
	s11 =	sadd.s32 @p2 s30, s28;
	[sflag:s15] =	ssyncset.done @p2 $0x0  }
0x10c: {  	s28 =	simm.s32 @p2 $0x200;
	[sflag:s15] =	ssyncadd.s32 @p2 $0xFFFFC000;
	s15 =	simm.s32 @p2 $0x80  }
0x10d: {  	[tilespmem:s28], [sflag:$0x3] =	stream.indirect.gather @p2 [hbm4b:s2+s15], $0x80, s7, s15, $0xb8;
	[tilespmem:$0x10200] =	vst v63  }
0x10e: {  	s8 =	simm.s32 @p2 $0x8200;
	s9 =	simm.s32 @p2 $0x4;
	s28 =	simm.s32 @p2 $0x100  }
0x10f: {  	[tilespmem:s8], [sflag:$0x5] =	stream.indirect.gather @p2 [hbm4b:s4+s15], $0x80, s28, s15, $0xb8;
	[tilespmem:$0x10200] =	vst v63  }
0x110: {  	_ =	swait.ge @p2 [sflag:s9], $0x4000  }
0x111: {  	[sflag:s9] =	ssyncset.done @p2 $0x0  }
0x112: {  	[sflag:s9] =	ssyncadd.s32 @p2 $0xFFFFC000;
	s9 =	simm.s32 @p2 $0x6  }
0x113: {  	_ =	swait.ge @p2 [sflag:s9], $0x4000  }
0x114: {  	[sflag:s9] =	ssyncset.done @p2 $0x0  }
0x115: {  	[sflag:s9] =	ssyncadd.s32 @p2 $0xFFFFC000;
	s9 =	simm.s32 @p2 $0x4200  }
0x116: {  	[hbm4b:s20+s7] =	stream.linear.scatter @p2 [tilespmem:s9], [sflag:$0x8], $0x4000, $0x38;
	[tilespmem:$0x10200] =	vst v63  }
0x117: {  	s3 =	smov.u32 s30;
	s10 =	sor.u32 @p2 $0x10, s10;
	s9 =	simm.s32 @p2 $0xC200  }
0x118: {  	[hbm4b:s11+s7] =	stream.linear.scatter @p2 [tilespmem:s9], [sflag:$0xA], $0x4000, $0x38;
	[tilespmem:$0x10200] =	vst v63  }
0x119: {  	s30 =	smov.u32 s13;
	s13 =	smov.u32 s21;
	s21 =	sadd.s32 @p2 s5, s10  }
0x11a: {  	[tilespmem:s15], [sflag:$0x2] =	stream.linear.gather @p2 [hbm4b:s21+s7], $0x80, $0x38;
	[tilespmem:$0x10200] =	vst v63  }
0x11b: {  	s8 =	sadd.s32 @p2 s6, s10;
	s9 =	simm.s32 @p2 $0x180  }
0x11c: {  	[tilespmem:s9], [sflag:$0x2] =	stream.linear.gather @p2 [hbm4b:s8+s7], $0x80, $0x38;
	[tilespmem:$0x10200] =	vst v63  }
0x11d: {  	s7 =	simm.s32 @!p2 $0x80;
	s8 =	simm.s32 @!p2 $0x0;
	s9 =	simm.s32 @!p2 $0x200  }
0x11e: {  	[tilespmem:s9], [sflag:$0x3] =	stream.indirect.gather @!p2 [hbm4b:s2+s7], $0x80, s8, s7, $0xb8;
	[tilespmem:$0x10200] =	vst v63  }
0x11f: {  	s8 =	simm.s32 @!p2 $0x100;
	s9 =	simm.s32 @!p2 $0x8200  }
0x120: {  	[tilespmem:s9], [sflag:$0x5] =	stream.indirect.gather @!p2 [hbm4b:s4+s7], $0x80, s8, s7, $0xb8;
	[tilespmem:$0x10200] =	vst v63  }
0x121: {  	_ =	swait.ge [sflag:s0], $0x80  }
0x122: {  	[sflag:s0] =	ssyncset.done $0x0  }
0x123: {  	[sflag:s0] =	ssyncadd.s32 $0xFFFFFF80  }
0x124: {  	_ =	swait.ge [sflag:s0], $0x80  }
0x125: {  	p2 =	seq.s32 s19, $0x0;
	[sflag:s0] =	ssyncset.done $0x0  }
0x126: {  	s7 =	simm.s32 @!p2 $0x8;
	[sflag:s0] =	ssyncadd.s32 $0xFFFFFF80  }
0x127: {  	_ =	swait.ge @!p2 [sflag:s7], $0x4000  }
0x128: {  	[sflag:s7] =	ssyncset.done @!p2 $0x0  }
0x129: {  	[sflag:s7] =	ssyncadd.s32 @!p2 $0xFFFFC000;
	s7 =	simm.s32 @!p2 $0xA  }
0x12a: {  	_ =	swait.ge @!p2 [sflag:s7], $0x4000  }
0x12b: {  	[sflag:s7] =	ssyncset.done @!p2 $0x0  }
0x12c: {  	s15 =	simm.s32 $0x4200;
	[sflag:s7] =	ssyncadd.s32 @!p2 $0xFFFFC000  }
0x12d: {  	[tilespmem:s15], [sflag:$0x4] =	stream.indirect.gather [hbm4b:s2+s29], $0x80, s29, s29, $0xb8;
	[tilespmem:$0x10200] =	vst v63  }
0x12e: {  	_ = 	snop  }
0x12f: {  	[tilespmem:s12], [sflag:$0x6] =	stream.indirect.gather [hbm4b:s4+s29], $0x80, s18, s29, $0xb8;
	[tilespmem:$0x10200] =	vst v63  }
0x130: {  	_ =	swait.ge [sflag:s14], $0x4000  }
0x131: {  	s22 =	sadd.s32 $0x20, s22;
	[sflag:s14] =	ssyncset.done $0x0  }
0x132: {  	p1 =	seq.s32 s22, $0x900;
	s23 =	sadd.s32 $0x8000, s23;
	[sflag:s14] =	ssyncadd.s32 $0xFFFFC000  }
0x133: {  	s20 =	simm.s32 $0x8200;
	s21 =	smov.u32 s13;
	_ =	swait.ge [sflag:s16], $0x4000  }
0x134: {  	s13 =	smov.u32 s30;
	s30 =	smov.u32 s3;
	[sflag:s16] =	ssyncset.done $0x0  }
0x135: {  	p2 =	sgt.u32 s24, $0x8E;
	s24 =	sadd.s32 $0x2, s24;
	[sflag:s16] =	ssyncadd.s32 $0xFFFFC000  }
0x136: {  	[hbm4b:s25+s1] =	stream.linear.scatter [tilespmem:s17], [sflag:$0x7], $0x4000, $0x38;
	[tilespmem:$0x10200] =	vst v63  }
.Ltmp5:
0x137: {  	s15 =	simm.s32 @!p2 $0x0;
	s7 =	rddreg [dreg:$0x2];
	(pc) =	sbr.rel @!p1 .LBB2_3-.Ltmp5, $4  }
0x138: {  	s28 =	simm.s32 @!p2 $0x100;
	s8 =	rddreg [dreg:$0x3];
	s7 =	sadd.s32 @!p2 s19, s7  }
0x139: {  	[hbm4b:s26+s1] =	stream.linear.scatter [tilespmem:s20], [sflag:$0x9], $0x4000, $0x38;
	[tilespmem:$0x10200] =	vst v63  }
0x13a: {  	s19 =	sadd.s32 @!p2 s19, s8;
	s25 =	sadd.s32 $0x1000, s25;
	s26 =	sadd.s32 $0x1000, s26  }
0x13b: {  	[tilespmem:s15], [sflag:$0x1] =	stream.linear.gather @!p2 [hbm4b:s7+s15], $0x80, $0x38;
	[tilespmem:$0x10200] =	vst v63  }
.Ltmp6:
0x13c: {  	(pc) =	sbr.rel .LBB2_8-.Ltmp6, $4  }
0x13d: {  	[tilespmem:s28], [sflag:$0x1] =	stream.linear.gather @!p2 [hbm4b:s19+s15], $0x80, $0x38;
	[tilespmem:$0x10200] =	vst v63  }
0x13e: {  	s15 =	rddreg [dreg:$0xb]  }
0x13f: {  	s28 =	rddreg [dreg:$0x9];
	s12 =	simm.s32 $0x4200  }
0x140: {  	s17 =	simm.s32 $0xC200;
	s18 =	simm.s32 $0x200;
	s8 =	rddreg [dreg:$0x17]  }
.LBB2_9:
0x141: {  	_ =	sfence.sel $0x180000  }
0x142: {  	[bflag:$0x0] =	sbarrier.arrive $0xFFFF  }
0x143: {  	_ =	strace $0x90000050  }
0x144: {  	s0 =	stileid.u32;
	[bflag:$0x2] =	sbarrier.arrive $0xFFFF  }
0x145: {  	p0 =	sne.s32 s0, $0x0;
	s0 =	rddreg [dreg:$0x1]  }
0x146: {  	s0 =	sadd.s32 @!p0 $0x100000, s0  }
0x147: {  	[sflag:s0] =	ssyncadd.tile.s32 @!p0 $0x1;
	_ =	shalt  }
.Lfunc_end2:
_tile_overlayer_lowered:
.L_overlay_start_2:
0x148: {  	(tag) =	ssettag $0x2  }
0x149: {  	s0 =	rddreg [dreg:$0x0];
	s2 =	stileid.u32  }
0x14a: {  	s1 =	rddreg [dreg:$0x1];
	p0 =	sne.s32 s2, $0x0  }
0x14b: {  	s3 =	rddreg [dreg:$0x2];
	[bflag:$0x3] =	sbarrier.arrive $0xFFFF;
	s2 =	simm.s32 @!p0 $0x1C0B  }
0x14c: {  	[timem:s3], [sflag:s2] =	dma.local @!p0 [hbm:s0], s1  }
0x14d: {  	s0 =	simm.s32 @!p0 $0xB  }
0x14e: {  	_ =	swait.ge @!p0 [sflag:s0], s1  }
0x14f: {  	s1 =	ssub.s32 @!p0 $0x0, s1;
	[sflag:s0] =	ssyncset.done @!p0 $0x0  }
0x150: {  	[sflag:s0] =	ssyncadd.s32 @!p0 s1  }
0x151: {  	[bflag:$0x3] =	sbarrier.arrive $0xFFFF  }
0x152: {  	_ =	shalt  }

</sc_bundles>
